<compile_context>
chip_gen: v7x
topology: tpu7x:2x2x1
jax: 0.10.2.dev20260603
libtpu: 0.0.44.dev20260713+nightly
codegen_flags: <defaults>
</compile_context>

<pallas_src>
import functools

import jax
import jax.numpy as jnp
from jax import lax
from jax.experimental import pallas as pl
from jax.experimental.pallas import tpu as pltpu
from jax.experimental.pallas import tpu_sc as plsc

_B = 32
_C = 192
_H = 56
_W = 56
_P = _B * _H * _W

_info = plsc.get_sparse_core_info()
_NC = _info.num_cores
_NS = _info.num_subcores
_NW = _NC * _NS
_L = _info.num_lanes
_NBLK = _C // _L
_CHUNK = 112
_PPW = _P // _NW
_NCHUNK = _PPW // _CHUNK

_mesh = plsc.VectorSubcoreMesh(core_axis_name="c", subcore_axis_name="s")


@functools.partial(
    pl.kernel,
    mesh=_mesh,
    compiler_params=pltpu.CompilerParams(needs_layout_passes=False),
    out_type=jax.ShapeDtypeStruct((_P, _C), jnp.float32),
    scratch_types=[
        pltpu.VMEM((_C,), jnp.int32),
        pltpu.VMEM((_CHUNK, _C), jnp.float32),
        pltpu.VMEM((_CHUNK, _C), jnp.float32),
        pltpu.VMEM((_CHUNK, _C), jnp.float32),
        pltpu.VMEM((_CHUNK, _C), jnp.float32),
        pltpu.SemaphoreType.DMA,
        pltpu.SemaphoreType.DMA,
        pltpu.SemaphoreType.DMA,
        pltpu.SemaphoreType.DMA,
    ],
)
def _permute_lanes(y_hbm, perm_hbm, out_hbm, perm_v, in0, in1, o0, o1,
                   g0, g1, s0, s1):
    wid = lax.axis_index("s") * _NC + lax.axis_index("c")
    base = wid * _PPW
    pltpu.sync_copy(perm_hbm, perm_v)
    pcs = [perm_v[pl.ds(j * _L, _L)] for j in range(_NBLK)]

    ins = [in0, in1]
    outs = [o0, o1]
    gsems = [g0, g1]
    ssems = [s0, s1]

    def gather_start(i, slot):
        return pltpu.async_copy(
            y_hbm.at[pl.ds(base + i * _CHUNK, _CHUNK)], ins[slot],
            gsems[slot],
        )

    def gather_wait(slot):
        pltpu.make_async_copy(
            y_hbm.at[pl.ds(base, _CHUNK)], ins[slot], gsems[slot]
        ).wait()

    def store_start(i, slot):
        return pltpu.async_copy(
            outs[slot], out_hbm.at[pl.ds(base + i * _CHUNK, _CHUNK)],
            ssems[slot],
        )

    def store_wait(slot):
        pltpu.make_async_copy(
            outs[slot], out_hbm.at[pl.ds(base, _CHUNK)], ssems[slot]
        ).wait()

    def permute_chunk(slot):
        src = ins[slot]
        dst = outs[slot]

        @plsc.parallel_loop(0, _CHUNK, unroll=4)
        def body(p):
            pv = jnp.full((_L,), p, dtype=jnp.int32)
            for j in range(_NBLK):
                dst[p, pl.ds(j * _L, _L)] = plsc.load_gather(
                    src, [pv, pcs[j]]
                )

    gather_start(0, 0)
    gather_start(1, 1)
    for s in (0, 1):
        gather_wait(s)
        permute_chunk(s)
        store_start(s, s)
        gather_start(2 + s, s)

    def pair(t, _):
        k = 2 * t
        for s in (0, 1):
            i = k + s
            gather_wait(s)
            store_wait(s)
            permute_chunk(s)
            store_start(i, s)
            gather_start(i + 2, s)
        return _

    lax.fori_loop(1, _NCHUNK // 2 - 1, pair, None)

    for s in (0, 1):
        gather_wait(s)
        store_wait(s)
        permute_chunk(s)
        store_start(_NCHUNK - 2 + s, s)
    store_wait(0)
    store_wait(1)


def kernel(x, perm):
    y = jnp.transpose(x, (0, 2, 3, 1)).reshape(_P, _C)
    out_t = _permute_lanes(y, perm.astype(jnp.int32))
    return jnp.transpose(out_t.reshape(_B, _H, _W, _C), (0, 3, 1, 2))

# --- scband reference (transcript-rebuilt; emitter-appended) ---
"""Pipeline reference for scband-permutation-57501022159546 (READ-ONLY COPY).

The authoritative reference and input builder live on the scoring server;
editing this copy changes nothing except your own understanding.
"""

import jax, jax.numpy as jnp
import numpy as np

NUM_CHANNELS = 192

def setup_inputs(seed: int = 0) -> dict:
    key = jax.random.key(seed)
    kx, kp = jax.random.split(key)
    x = jax.random.normal(kx, (32, NUM_CHANNELS, 56, 56), dtype=jnp.float32)
    # fixed random permutation buffer (mirrors torch.randperm registered buffer)
    perm = jax.random.permutation(kp, NUM_CHANNELS).astype(jnp.int64)
    return {"x": x, "perm": perm}

def reference(x, perm):
    # forward (reverse=False): gather channels according to perm
    return jnp.take(x, perm, axis=1)

if __name__ == "__main__":
    import jax
    _d = setup_inputs()
    print(jax.jit(kernel)(*tuple(_d.values())))

</pallas_src>

<mosaic_0001>
#map = affine_map<(d0, d1) -> (0, 0)>
#map1 = affine_map<(d0, d1) -> (0)>
module attributes {stable_mosaic.version = 14 : i64} {
  func.func @_permute_lanes(%arg0: i32, %arg1: i32, %arg2: memref<100352x192xf32, #tpu.memory_space<hbm>>, %arg3: memref<192xi32, #tpu.memory_space<hbm>>, %arg4: memref<100352x192xf32, #tpu.memory_space<hbm>>, %arg5: memref<192xi32, #tpu.memory_space<vmem>>, %arg6: memref<112x192xf32, #tpu.memory_space<vmem>>, %arg7: memref<112x192xf32, #tpu.memory_space<vmem>>, %arg8: memref<112x192xf32, #tpu.memory_space<vmem>>, %arg9: memref<112x192xf32, #tpu.memory_space<vmem>>, %arg10: memref<!tpu.dma_semaphore, #tpu.memory_space<semaphore_mem>>, %arg11: memref<!tpu.dma_semaphore, #tpu.memory_space<semaphore_mem>>, %arg12: memref<!tpu.dma_semaphore, #tpu.memory_space<semaphore_mem>>, %arg13: memref<!tpu.dma_semaphore, #tpu.memory_space<semaphore_mem>>) attributes {dimension_semantics = [#tpu.dimension_semantics<core_parallel>, #tpu.dimension_semantics<subcore_parallel>], iteration_bounds = array<i64: 2, 16>, scalar_prefetch = 0 : i64, scratch_operands = 9 : i64, tpu.core_type = #tpu.core_type<sc_vector_subcore>, window_params = [{transform_indices = #map}, {transform_indices = #map1}, {transform_indices = #map}]} {
    %mul3A = arith.constant 2 : i32
    %mul3A_0 = arith.muli %arg1, %mul3A : i32
    %add3A = arith.addi %mul3A_0, %arg0 : i32
    %mul3A_1 = arith.constant 3136 : i32
    %mul3A_2 = arith.muli %add3A, %mul3A_1 : i32
    "tpu.region"() ({
      %run_scoped3A = tpu.sem_alloc : memref<!tpu.dma_semaphore, #tpu.memory_space<semaphore_mem>>
      tpu.enqueue_dma source(%arg3 : memref<192xi32, #tpu.memory_space<hbm>>) target(%arg5 : memref<192xi32, #tpu.memory_space<vmem>>) target_semaphore(%run_scoped3A : memref<!tpu.dma_semaphore, #tpu.memory_space<semaphore_mem>>)
      tpu.wait_dma2 semaphore(%run_scoped3A : memref<!tpu.dma_semaphore, #tpu.memory_space<semaphore_mem>>) src(%arg3 : memref<192xi32, #tpu.memory_space<hbm>>) dst(%arg5 : memref<192xi32, #tpu.memory_space<vmem>>)
      tpu.yield
    }) : () -> ()
    %get3A = arith.constant 0 : index
    %get3A_3 = tpu.vector_load %arg5[%get3A] {strides = array<i32>} : memref<192xi32, #tpu.memory_space<vmem>>, vector<16xi32>,
    %get3A_4 = arith.constant 16 : index
    %get3A_5 = tpu.vector_load %arg5[%get3A_4] {strides = array<i32>} : memref<192xi32, #tpu.memory_space<vmem>>, vector<16xi32>,
    %get3A_6 = arith.constant 32 : index
    %get3A_7 = tpu.vector_load %arg5[%get3A_6] {strides = array<i32>} : memref<192xi32, #tpu.memory_space<vmem>>, vector<16xi32>,
    %get3A_8 = arith.constant 48 : index
    %get3A_9 = tpu.vector_load %arg5[%get3A_8] {strides = array<i32>} : memref<192xi32, #tpu.memory_space<vmem>>, vector<16xi32>,
    %get3A_10 = arith.constant 64 : index
    %get3A_11 = tpu.vector_load %arg5[%get3A_10] {strides = array<i32>} : memref<192xi32, #tpu.memory_space<vmem>>, vector<16xi32>,
    %get3A_12 = arith.constant 80 : index
    %get3A_13 = tpu.vector_load %arg5[%get3A_12] {strides = array<i32>} : memref<192xi32, #tpu.memory_space<vmem>>, vector<16xi32>,
    %get3A_14 = arith.constant 96 : index
    %get3A_15 = tpu.vector_load %arg5[%get3A_14] {strides = array<i32>} : memref<192xi32, #tpu.memory_space<vmem>>, vector<16xi32>,
    %get3A_16 = arith.constant 112 : index
    %get3A_17 = tpu.vector_load %arg5[%get3A_16] {strides = array<i32>} : memref<192xi32, #tpu.memory_space<vmem>>, vector<16xi32>,
    %get3A_18 = arith.constant 128 : index
    %get3A_19 = tpu.vector_load %arg5[%get3A_18] {strides = array<i32>} : memref<192xi32, #tpu.memory_space<vmem>>, vector<16xi32>,
    %get3A_20 = arith.constant 144 : index
    %get3A_21 = tpu.vector_load %arg5[%get3A_20] {strides = array<i32>} : memref<192xi32, #tpu.memory_space<vmem>>, vector<16xi32>,
    %get3A_22 = arith.constant 160 : index
    %get3A_23 = tpu.vector_load %arg5[%get3A_22] {strides = array<i32>} : memref<192xi32, #tpu.memory_space<vmem>>, vector<16xi32>,
    %get3A_24 = arith.constant 176 : index
    %get3A_25 = tpu.vector_load %arg5[%get3A_24] {strides = array<i32>} : memref<192xi32, #tpu.memory_space<vmem>>, vector<16xi32>,
    %add3A_26 = arith.constant 0 : i32
    %add3A_27 = arith.addi %mul3A_2, %add3A_26 : i32
    %dma_start3A = arith.constant 0 : i32
    %dma_start3A_28 = tpu.memref_slice %arg2[%add3A_27, %dma_start3A] : memref<100352x192xf32, #tpu.memory_space<hbm>> -> memref<112x192xf32, #tpu.memory_space<hbm>>
    %dma_start3A_29 = arith.constant 0 : i32
    %dma_start3A_30 = tpu.memref_slice %arg2[%add3A_27, %dma_start3A_29] : memref<100352x192xf32, #tpu.memory_space<hbm>> -> memref<112x192xf32, #tpu.memory_space<hbm>>
    tpu.enqueue_dma source(%dma_start3A_30 : memref<112x192xf32, #tpu.memory_space<hbm>>) target(%arg6 : memref<112x192xf32, #tpu.memory_space<vmem>>) target_semaphore(%arg10 : memref<!tpu.dma_semaphore, #tpu.memory_space<semaphore_mem>>)
    %add3A_31 = arith.constant 112 : i32
    %add3A_32 = arith.addi %mul3A_2, %add3A_31 : i32
    %dma_start3A_33 = arith.constant 0 : i32
    %dma_start3A_34 = tpu.memref_slice %arg2[%add3A_32, %dma_start3A_33] : memref<100352x192xf32, #tpu.memory_space<hbm>> -> memref<112x192xf32, #tpu.memory_space<hbm>>
    %dma_start3A_35 = arith.constant 0 : i32
    %dma_start3A_36 = tpu.memref_slice %arg2[%add3A_32, %dma_start3A_35] : memref<100352x192xf32, #tpu.memory_space<hbm>> -> memref<112x192xf32, #tpu.memory_space<hbm>>
    tpu.enqueue_dma source(%dma_start3A_36 : memref<112x192xf32, #tpu.memory_space<hbm>>) target(%arg7 : memref<112x192xf32, #tpu.memory_space<vmem>>) target_semaphore(%arg11 : memref<!tpu.dma_semaphore, #tpu.memory_space<semaphore_mem>>)
    %dma_wait3A = arith.constant 0 : i32
    %dma_wait3A_37 = tpu.memref_slice %arg2[%mul3A_2, %dma_wait3A] : memref<100352x192xf32, #tpu.memory_space<hbm>> -> memref<112x192xf32, #tpu.memory_space<hbm>>
    %dma_wait3A_38 = arith.constant 0 : i32
    %dma_wait3A_39 = tpu.memref_slice %arg2[%mul3A_2, %dma_wait3A_38] : memref<100352x192xf32, #tpu.memory_space<hbm>> -> memref<112x192xf32, #tpu.memory_space<hbm>>
    tpu.wait_dma2 semaphore(%arg10 : memref<!tpu.dma_semaphore, #tpu.memory_space<semaphore_mem>>) src(%dma_wait3A_39 : memref<112x192xf32, #tpu.memory_space<hbm>>) dst(%arg6 : memref<112x192xf32, #tpu.memory_space<vmem>>)
    %parallel_loop3A = arith.constant 0 : i32
    %parallel_loop3A_40 = arith.constant 112 : i32
    %parallel_loop3A_41 = arith.constant 1 : i32
    scf.for %parallel_loop3A_119 = %parallel_loop3A to %parallel_loop3A_40 step %parallel_loop3A_41  : i32 {
      %parallel_loop3A_120 = vector.broadcast %parallel_loop3A_119 : i32 to vector<16xi32>
      %parallel_loop3A_121 = tpu.vector_load_idx %arg6[%parallel_loop3A_120, %get3A_3] : memref<112x192xf32, #tpu.memory_space<vmem>>[vector<16xi32>, vector<16xi32>], vector<16xf32>,
      %parallel_loop3A_122 = arith.index_cast %parallel_loop3A_119 : i32 to index
      %parallel_loop3A_123 = arith.constant 0 : index
      %parallel_loop3A_124 = tpu.vector_load %arg8[%parallel_loop3A_122, %parallel_loop3A_123] {strides = array<i32>} : memref<112x192xf32, #tpu.memory_space<vmem>>, vector<16xf32>,
      tpu.vector_store %arg8[%parallel_loop3A_122, %parallel_loop3A_123], %parallel_loop3A_121 {strides = array<i32>} : memref<112x192xf32, #tpu.memory_space<vmem>>, vector<16xf32>,
      %parallel_loop3A_125 = tpu.vector_load_idx %arg6[%parallel_loop3A_120, %get3A_5] : memref<112x192xf32, #tpu.memory_space<vmem>>[vector<16xi32>, vector<16xi32>], vector<16xf32>,
      %parallel_loop3A_126 = arith.index_cast %parallel_loop3A_119 : i32 to index
      %parallel_loop3A_127 = arith.constant 16 : index
      %parallel_loop3A_128 = tpu.vector_load %arg8[%parallel_loop3A_126, %parallel_loop3A_127] {strides = array<i32>} : memref<112x192xf32, #tpu.memory_space<vmem>>, vector<16xf32>,
      tpu.vector_store %arg8[%parallel_loop3A_126, %parallel_loop3A_127], %parallel_loop3A_125 {strides = array<i32>} : memref<112x192xf32, #tpu.memory_space<vmem>>, vector<16xf32>,
      %parallel_loop3A_129 = tpu.vector_load_idx %arg6[%parallel_loop3A_120, %get3A_7] : memref<112x192xf32, #tpu.memory_space<vmem>>[vector<16xi32>, vector<16xi32>], vector<16xf32>,
      %parallel_loop3A_130 = arith.index_cast %parallel_loop3A_119 : i32 to index
      %parallel_loop3A_131 = arith.constant 32 : index
      %parallel_loop3A_132 = tpu.vector_load %arg8[%parallel_loop3A_130, %parallel_loop3A_131] {strides = array<i32>} : memref<112x192xf32, #tpu.memory_space<vmem>>, vector<16xf32>,
      tpu.vector_store %arg8[%parallel_loop3A_130, %parallel_loop3A_131], %parallel_loop3A_129 {strides = array<i32>} : memref<112x192xf32, #tpu.memory_space<vmem>>, vector<16xf32>,
      %parallel_loop3A_133 = tpu.vector_load_idx %arg6[%parallel_loop3A_120, %get3A_9] : memref<112x192xf32, #tpu.memory_space<vmem>>[vector<16xi32>, vector<16xi32>], vector<16xf32>,
      %parallel_loop3A_134 = arith.index_cast %parallel_loop3A_119 : i32 to index
      %parallel_loop3A_135 = arith.constant 48 : index
      %parallel_loop3A_136 = tpu.vector_load %arg8[%parallel_loop3A_134, %parallel_loop3A_135] {strides = array<i32>} : memref<112x192xf32, #tpu.memory_space<vmem>>, vector<16xf32>,
      tpu.vector_store %arg8[%parallel_loop3A_134, %parallel_loop3A_135], %parallel_loop3A_133 {strides = array<i32>} : memref<112x192xf32, #tpu.memory_space<vmem>>, vector<16xf32>,
      %parallel_loop3A_137 = tpu.vector_load_idx %arg6[%parallel_loop3A_120, %get3A_11] : memref<112x192xf32, #tpu.memory_space<vmem>>[vector<16xi32>, vector<16xi32>], vector<16xf32>,
      %parallel_loop3A_138 = arith.index_cast %parallel_loop3A_119 : i32 to index
      %parallel_loop3A_139 = arith.constant 64 : index
      %parallel_loop3A_140 = tpu.vector_load %arg8[%parallel_loop3A_138, %parallel_loop3A_139] {strides = array<i32>} : memref<112x192xf32, #tpu.memory_space<vmem>>, vector<16xf32>,
      tpu.vector_store %arg8[%parallel_loop3A_138, %parallel_loop3A_139], %parallel_loop3A_137 {strides = array<i32>} : memref<112x192xf32, #tpu.memory_space<vmem>>, vector<16xf32>,
      %parallel_loop3A_141 = tpu.vector_load_idx %arg6[%parallel_loop3A_120, %get3A_13] : memref<112x192xf32, #tpu.memory_space<vmem>>[vector<16xi32>, vector<16xi32>], vector<16xf32>,
      %parallel_loop3A_142 = arith.index_cast %parallel_loop3A_119 : i32 to index
      %parallel_loop3A_143 = arith.constant 80 : index
      %parallel_loop3A_144 = tpu.vector_load %arg8[%parallel_loop3A_142, %parallel_loop3A_143] {strides = array<i32>} : memref<112x192xf32, #tpu.memory_space<vmem>>, vector<16xf32>,
      tpu.vector_store %arg8[%parallel_loop3A_142, %parallel_loop3A_143], %parallel_loop3A_141 {strides = array<i32>} : memref<112x192xf32, #tpu.memory_space<vmem>>, vector<16xf32>,
      %parallel_loop3A_145 = tpu.vector_load_idx %arg6[%parallel_loop3A_120, %get3A_15] : memref<112x192xf32, #tpu.memory_space<vmem>>[vector<16xi32>, vector<16xi32>], vector<16xf32>,
      %parallel_loop3A_146 = arith.index_cast %parallel_loop3A_119 : i32 to index
      %parallel_loop3A_147 = arith.constant 96 : index
      %parallel_loop3A_148 = tpu.vector_load %arg8[%parallel_loop3A_146, %parallel_loop3A_147] {strides = array<i32>} : memref<112x192xf32, #tpu.memory_space<vmem>>, vector<16xf32>,
      tpu.vector_store %arg8[%parallel_loop3A_146, %parallel_loop3A_147], %parallel_loop3A_145 {strides = array<i32>} : memref<112x192xf32, #tpu.memory_space<vmem>>, vector<16xf32>,
      %parallel_loop3A_149 = tpu.vector_load_idx %arg6[%parallel_loop3A_120, %get3A_17] : memref<112x192xf32, #tpu.memory_space<vmem>>[vector<16xi32>, vector<16xi32>], vector<16xf32>,
      %parallel_loop3A_150 = arith.index_cast %parallel_loop3A_119 : i32 to index
      %parallel_loop3A_151 = arith.constant 112 : index
      %parallel_loop3A_152 = tpu.vector_load %arg8[%parallel_loop3A_150, %parallel_loop3A_151] {strides = array<i32>} : memref<112x192xf32, #tpu.memory_space<vmem>>, vector<16xf32>,
      tpu.vector_store %arg8[%parallel_loop3A_150, %parallel_loop3A_151], %parallel_loop3A_149 {strides = array<i32>} : memref<112x192xf32, #tpu.memory_space<vmem>>, vector<16xf32>,
      %parallel_loop3A_153 = tpu.vector_load_idx %arg6[%parallel_loop3A_120, %get3A_19] : memref<112x192xf32, #tpu.memory_space<vmem>>[vector<16xi32>, vector<16xi32>], vector<16xf32>,
      %parallel_loop3A_154 = arith.index_cast %parallel_loop3A_119 : i32 to index
      %parallel_loop3A_155 = arith.constant 128 : index
      %parallel_loop3A_156 = tpu.vector_load %arg8[%parallel_loop3A_154, %parallel_loop3A_155] {strides = array<i32>} : memref<112x192xf32, #tpu.memory_space<vmem>>, vector<16xf32>,
      tpu.vector_store %arg8[%parallel_loop3A_154, %parallel_loop3A_155], %parallel_loop3A_153 {strides = array<i32>} : memref<112x192xf32, #tpu.memory_space<vmem>>, vector<16xf32>,
      %parallel_loop3A_157 = tpu.vector_load_idx %arg6[%parallel_loop3A_120, %get3A_21] : memref<112x192xf32, #tpu.memory_space<vmem>>[vector<16xi32>, vector<16xi32>], vector<16xf32>,
      %parallel_loop3A_158 = arith.index_cast %parallel_loop3A_119 : i32 to index
      %parallel_loop3A_159 = arith.constant 144 : index
      %parallel_loop3A_160 = tpu.vector_load %arg8[%parallel_loop3A_158, %parallel_loop3A_159] {strides = array<i32>} : memref<112x192xf32, #tpu.memory_space<vmem>>, vector<16xf32>,
      tpu.vector_store %arg8[%parallel_loop3A_158, %parallel_loop3A_159], %parallel_loop3A_157 {strides = array<i32>} : memref<112x192xf32, #tpu.memory_space<vmem>>, vector<16xf32>,
      %parallel_loop3A_161 = tpu.vector_load_idx %arg6[%parallel_loop3A_120, %get3A_23] : memref<112x192xf32, #tpu.memory_space<vmem>>[vector<16xi32>, vector<16xi32>], vector<16xf32>,
      %parallel_loop3A_162 = arith.index_cast %parallel_loop3A_119 : i32 to index
      %parallel_loop3A_163 = arith.constant 160 : index
      %parallel_loop3A_164 = tpu.vector_load %arg8[%parallel_loop3A_162, %parallel_loop3A_163] {strides = array<i32>} : memref<112x192xf32, #tpu.memory_space<vmem>>, vector<16xf32>,
      tpu.vector_store %arg8[%parallel_loop3A_162, %parallel_loop3A_163], %parallel_loop3A_161 {strides = array<i32>} : memref<112x192xf32, #tpu.memory_space<vmem>>, vector<16xf32>,
      %parallel_loop3A_165 = tpu.vector_load_idx %arg6[%parallel_loop3A_120, %get3A_25] : memref<112x192xf32, #tpu.memory_space<vmem>>[vector<16xi32>, vector<16xi32>], vector<16xf32>,
      %parallel_loop3A_166 = arith.index_cast %parallel_loop3A_119 : i32 to index
      %parallel_loop3A_167 = arith.constant 176 : index
      %parallel_loop3A_168 = tpu.vector_load %arg8[%parallel_loop3A_166, %parallel_loop3A_167] {strides = array<i32>} : memref<112x192xf32, #tpu.memory_space<vmem>>, vector<16xf32>,
      tpu.vector_store %arg8[%parallel_loop3A_166, %parallel_loop3A_167], %parallel_loop3A_165 {strides = array<i32>} : memref<112x192xf32, #tpu.memory_space<vmem>>, vector<16xf32>,
    } {sc.loop_unroll_factor = 4 : i64, sc.parallel_access}
    %add3A_42 = arith.constant 0 : i32
    %add3A_43 = arith.addi %mul3A_2, %add3A_42 : i32
    %dma_start3A_44 = arith.constant 0 : i32
    %dma_start3A_45 = tpu.memref_slice %arg4[%add3A_43, %dma_start3A_44] : memref<100352x192xf32, #tpu.memory_space<hbm>> -> memref<112x192xf32, #tpu.memory_space<hbm>>
    %dma_start3A_46 = arith.constant 0 : i32
    %dma_start3A_47 = tpu.memref_slice %arg4[%add3A_43, %dma_start3A_46] : memref<100352x192xf32, #tpu.memory_space<hbm>> -> memref<112x192xf32, #tpu.memory_space<hbm>>
    tpu.enqueue_dma source(%arg8 : memref<112x192xf32, #tpu.memory_space<vmem>>) target(%dma_start3A_47 : memref<112x192xf32, #tpu.memory_space<hbm>>) target_semaphore(%arg12 : memref<!tpu.dma_semaphore, #tpu.memory_space<semaphore_mem>>)
    %add3A_48 = arith.constant 224 : i32
    %add3A_49 = arith.addi %mul3A_2, %add3A_48 : i32
    %dma_start3A_50 = arith.constant 0 : i32
    %dma_start3A_51 = tpu.memref_slice %arg2[%add3A_49, %dma_start3A_50] : memref<100352x192xf32, #tpu.memory_space<hbm>> -> memref<112x192xf32, #tpu.memory_space<hbm>>
    %dma_start3A_52 = arith.constant 0 : i32
    %dma_start3A_53 = tpu.memref_slice %arg2[%add3A_49, %dma_start3A_52] : memref<100352x192xf32, #tpu.memory_space<hbm>> -> memref<112x192xf32, #tpu.memory_space<hbm>>
    tpu.enqueue_dma source(%dma_start3A_53 : memref<112x192xf32, #tpu.memory_space<hbm>>) target(%arg6 : memref<112x192xf32, #tpu.memory_space<vmem>>) target_semaphore(%arg10 : memref<!tpu.dma_semaphore, #tpu.memory_space<semaphore_mem>>)
    %dma_wait3A_54 = arith.constant 0 : i32
    %dma_wait3A_55 = tpu.memref_slice %arg2[%mul3A_2, %dma_wait3A_54] : memref<100352x192xf32, #tpu.memory_space<hbm>> -> memref<112x192xf32, #tpu.memory_space<hbm>>
    %dma_wait3A_56 = arith.constant 0 : i32
    %dma_wait3A_57 = tpu.memref_slice %arg2[%mul3A_2, %dma_wait3A_56] : memref<100352x192xf32, #tpu.memory_space<hbm>> -> memref<112x192xf32, #tpu.memory_space<hbm>>
    tpu.wait_dma2 semaphore(%arg11 : memref<!tpu.dma_semaphore, #tpu.memory_space<semaphore_mem>>) src(%dma_wait3A_57 : memref<112x192xf32, #tpu.memory_space<hbm>>) dst(%arg7 : memref<112x192xf32, #tpu.memory_space<vmem>>)
    %parallel_loop3A_58 = arith.constant 0 : i32
    %parallel_loop3A_59 = arith.constant 112 : i32
    %parallel_loop3A_60 = arith.constant 1 : i32
    scf.for %parallel_loop3A_119 = %parallel_loop3A_58 to %parallel_loop3A_59 step %parallel_loop3A_60  : i32 {
      %parallel_loop3A_120 = vector.broadcast %parallel_loop3A_119 : i32 to vector<16xi32>
      %parallel_loop3A_121 = tpu.vector_load_idx %arg7[%parallel_loop3A_120, %get3A_3] : memref<112x192xf32, #tpu.memory_space<vmem>>[vector<16xi32>, vector<16xi32>], vector<16xf32>,
      %parallel_loop3A_122 = arith.index_cast %parallel_loop3A_119 : i32 to index
      %parallel_loop3A_123 = arith.constant 0 : index
      %parallel_loop3A_124 = tpu.vector_load %arg9[%parallel_loop3A_122, %parallel_loop3A_123] {strides = array<i32>} : memref<112x192xf32, #tpu.memory_space<vmem>>, vector<16xf32>,
      tpu.vector_store %arg9[%parallel_loop3A_122, %parallel_loop3A_123], %parallel_loop3A_121 {strides = array<i32>} : memref<112x192xf32, #tpu.memory_space<vmem>>, vector<16xf32>,
      %parallel_loop3A_125 = tpu.vector_load_idx %arg7[%parallel_loop3A_120, %get3A_5] : memref<112x192xf32, #tpu.memory_space<vmem>>[vector<16xi32>, vector<16xi32>], vector<16xf32>,
      %parallel_loop3A_126 = arith.index_cast %parallel_loop3A_119 : i32 to index
      %parallel_loop3A_127 = arith.constant 16 : index
      %parallel_loop3A_128 = tpu.vector_load %arg9[%parallel_loop3A_126, %parallel_loop3A_127] {strides = array<i32>} : memref<112x192xf32, #tpu.memory_space<vmem>>, vector<16xf32>,
      tpu.vector_store %arg9[%parallel_loop3A_126, %parallel_loop3A_127], %parallel_loop3A_125 {strides = array<i32>} : memref<112x192xf32, #tpu.memory_space<vmem>>, vector<16xf32>,
      %parallel_loop3A_129 = tpu.vector_load_idx %arg7[%parallel_loop3A_120, %get3A_7] : memref<112x192xf32, #tpu.memory_space<vmem>>[vector<16xi32>, vector<16xi32>], vector<16xf32>,
      %parallel_loop3A_130 = arith.index_cast %parallel_loop3A_119 : i32 to index
      %parallel_loop3A_131 = arith.constant 32 : index
      %parallel_loop3A_132 = tpu.vector_load %arg9[%parallel_loop3A_130, %parallel_loop3A_131] {strides = array<i32>} : memref<112x192xf32, #tpu.memory_space<vmem>>, vector<16xf32>,
      tpu.vector_store %arg9[%parallel_loop3A_130, %parallel_loop3A_131], %parallel_loop3A_129 {strides = array<i32>} : memref<112x192xf32, #tpu.memory_space<vmem>>, vector<16xf32>,
      %parallel_loop3A_133 = tpu.vector_load_idx %arg7[%parallel_loop3A_120, %get3A_9] : memref<112x192xf32, #tpu.memory_space<vmem>>[vector<16xi32>, vector<16xi32>], vector<16xf32>,
      %parallel_loop3A_134 = arith.index_cast %parallel_loop3A_119 : i32 to index
      %parallel_loop3A_135 = arith.constant 48 : index
      %parallel_loop3A_136 = tpu.vector_load %arg9[%parallel_loop3A_134, %parallel_loop3A_135] {strides = array<i32>} : memref<112x192xf32, #tpu.memory_space<vmem>>, vector<16xf32>,
      tpu.vector_store %arg9[%parallel_loop3A_134, %parallel_loop3A_135], %parallel_loop3A_133 {strides = array<i32>} : memref<112x192xf32, #tpu.memory_space<vmem>>, vector<16xf32>,
      %parallel_loop3A_137 = tpu.vector_load_idx %arg7[%parallel_loop3A_120, %get3A_11] : memref<112x192xf32, #tpu.memory_space<vmem>>[vector<16xi32>, vector<16xi32>], vector<16xf32>,
      %parallel_loop3A_138 = arith.index_cast %parallel_loop3A_119 : i32 to index
      %parallel_loop3A_139 = arith.constant 64 : index
      %parallel_loop3A_140 = tpu.vector_load %arg9[%parallel_loop3A_138, %parallel_loop3A_139] {strides = array<i32>} : memref<112x192xf32, #tpu.memory_space<vmem>>, vector<16xf32>,
      tpu.vector_store %arg9[%parallel_loop3A_138, %parallel_loop3A_139], %parallel_loop3A_137 {strides = array<i32>} : memref<112x192xf32, #tpu.memory_space<vmem>>, vector<16xf32>,
      %parallel_loop3A_141 = tpu.vector_load_idx %arg7[%parallel_loop3A_120, %get3A_13] : memref<112x192xf32, #tpu.memory_space<vmem>>[vector<16xi32>, vector<16xi32>], vector<16xf32>,
      %parallel_loop3A_142 = arith.index_cast %parallel_loop3A_119 : i32 to index
      %parallel_loop3A_143 = arith.constant 80 : index
      %parallel_loop3A_144 = tpu.vector_load %arg9[%parallel_loop3A_142, %parallel_loop3A_143] {strides = array<i32>} : memref<112x192xf32, #tpu.memory_space<vmem>>, vector<16xf32>,
      tpu.vector_store %arg9[%parallel_loop3A_142, %parallel_loop3A_143], %parallel_loop3A_141 {strides = array<i32>} : memref<112x192xf32, #tpu.memory_space<vmem>>, vector<16xf32>,
      %parallel_loop3A_145 = tpu.vector_load_idx %arg7[%parallel_loop3A_120, %get3A_15] : memref<112x192xf32, #tpu.memory_space<vmem>>[vector<16xi32>, vector<16xi32>], vector<16xf32>,
      %parallel_loop3A_146 = arith.index_cast %parallel_loop3A_119 : i32 to index
      %parallel_loop3A_147 = arith.constant 96 : index
      %parallel_loop3A_148 = tpu.vector_load %arg9[%parallel_loop3A_146, %parallel_loop3A_147] {strides = array<i32>} : memref<112x192xf32, #tpu.memory_space<vmem>>, vector<16xf32>,
      tpu.vector_store %arg9[%parallel_loop3A_146, %parallel_loop3A_147], %parallel_loop3A_145 {strides = array<i32>} : memref<112x192xf32, #tpu.memory_space<vmem>>, vector<16xf32>,
      %parallel_loop3A_149 = tpu.vector_load_idx %arg7[%parallel_loop3A_120, %get3A_17] : memref<112x192xf32, #tpu.memory_space<vmem>>[vector<16xi32>, vector<16xi32>], vector<16xf32>,
      %parallel_loop3A_150 = arith.index_cast %parallel_loop3A_119 : i32 to index
      %parallel_loop3A_151 = arith.constant 112 : index
      %parallel_loop3A_152 = tpu.vector_load %arg9[%parallel_loop3A_150, %parallel_loop3A_151] {strides = array<i32>} : memref<112x192xf32, #tpu.memory_space<vmem>>, vector<16xf32>,
      tpu.vector_store %arg9[%parallel_loop3A_150, %parallel_loop3A_151], %parallel_loop3A_149 {strides = array<i32>} : memref<112x192xf32, #tpu.memory_space<vmem>>, vector<16xf32>,
      %parallel_loop3A_153 = tpu.vector_load_idx %arg7[%parallel_loop3A_120, %get3A_19] : memref<112x192xf32, #tpu.memory_space<vmem>>[vector<16xi32>, vector<16xi32>], vector<16xf32>,
      %parallel_loop3A_154 = arith.index_cast %parallel_loop3A_119 : i32 to index
      %parallel_loop3A_155 = arith.constant 128 : index
      %parallel_loop3A_156 = tpu.vector_load %arg9[%parallel_loop3A_154, %parallel_loop3A_155] {strides = array<i32>} : memref<112x192xf32, #tpu.memory_space<vmem>>, vector<16xf32>,
      tpu.vector_store %arg9[%parallel_loop3A_154, %parallel_loop3A_155], %parallel_loop3A_153 {strides = array<i32>} : memref<112x192xf32, #tpu.memory_space<vmem>>, vector<16xf32>,
      %parallel_loop3A_157 = tpu.vector_load_idx %arg7[%parallel_loop3A_120, %get3A_21] : memref<112x192xf32, #tpu.memory_space<vmem>>[vector<16xi32>, vector<16xi32>], vector<16xf32>,
      %parallel_loop3A_158 = arith.index_cast %parallel_loop3A_119 : i32 to index
      %parallel_loop3A_159 = arith.constant 144 : index
      %parallel_loop3A_160 = tpu.vector_load %arg9[%parallel_loop3A_158, %parallel_loop3A_159] {strides = array<i32>} : memref<112x192xf32, #tpu.memory_space<vmem>>, vector<16xf32>,
      tpu.vector_store %arg9[%parallel_loop3A_158, %parallel_loop3A_159], %parallel_loop3A_157 {strides = array<i32>} : memref<112x192xf32, #tpu.memory_space<vmem>>, vector<16xf32>,
      %parallel_loop3A_161 = tpu.vector_load_idx %arg7[%parallel_loop3A_120, %get3A_23] : memref<112x192xf32, #tpu.memory_space<vmem>>[vector<16xi32>, vector<16xi32>], vector<16xf32>,
      %parallel_loop3A_162 = arith.index_cast %parallel_loop3A_119 : i32 to index
      %parallel_loop3A_163 = arith.constant 160 : index
      %parallel_loop3A_164 = tpu.vector_load %arg9[%parallel_loop3A_162, %parallel_loop3A_163] {strides = array<i32>} : memref<112x192xf32, #tpu.memory_space<vmem>>, vector<16xf32>,
      tpu.vector_store %arg9[%parallel_loop3A_162, %parallel_loop3A_163], %parallel_loop3A_161 {strides = array<i32>} : memref<112x192xf32, #tpu.memory_space<vmem>>, vector<16xf32>,
      %parallel_loop3A_165 = tpu.vector_load_idx %arg7[%parallel_loop3A_120, %get3A_25] : memref<112x192xf32, #tpu.memory_space<vmem>>[vector<16xi32>, vector<16xi32>], vector<16xf32>,
      %parallel_loop3A_166 = arith.index_cast %parallel_loop3A_119 : i32 to index
      %parallel_loop3A_167 = arith.constant 176 : index
      %parallel_loop3A_168 = tpu.vector_load %arg9[%parallel_loop3A_166, %parallel_loop3A_167] {strides = array<i32>} : memref<112x192xf32, #tpu.memory_space<vmem>>, vector<16xf32>,
      tpu.vector_store %arg9[%parallel_loop3A_166, %parallel_loop3A_167], %parallel_loop3A_165 {strides = array<i32>} : memref<112x192xf32, #tpu.memory_space<vmem>>, vector<16xf32>,
    } {sc.loop_unroll_factor = 4 : i64, sc.parallel_access}
    %add3A_61 = arith.constant 112 : i32
    %add3A_62 = arith.addi %mul3A_2, %add3A_61 : i32
    %dma_start3A_63 = arith.constant 0 : i32
    %dma_start3A_64 = tpu.memref_slice %arg4[%add3A_62, %dma_start3A_63] : memref<100352x192xf32, #tpu.memory_space<hbm>> -> memref<112x192xf32, #tpu.memory_space<hbm>>
    %dma_start3A_65 = arith.constant 0 : i32
    %dma_start3A_66 = tpu.memref_slice %arg4[%add3A_62, %dma_start3A_65] : memref<100352x192xf32, #tpu.memory_space<hbm>> -> memref<112x192xf32, #tpu.memory_space<hbm>>
    tpu.enqueue_dma source(%arg9 : memref<112x192xf32, #tpu.memory_space<vmem>>) target(%dma_start3A_66 : memref<112x192xf32, #tpu.memory_space<hbm>>) target_semaphore(%arg13 : memref<!tpu.dma_semaphore, #tpu.memory_space<semaphore_mem>>)
    %add3A_67 = arith.constant 336 : i32
    %add3A_68 = arith.addi %mul3A_2, %add3A_67 : i32
    %dma_start3A_69 = arith.constant 0 : i32
    %dma_start3A_70 = tpu.memref_slice %arg2[%add3A_68, %dma_start3A_69] : memref<100352x192xf32, #tpu.memory_space<hbm>> -> memref<112x192xf32, #tpu.memory_space<hbm>>
    %dma_start3A_71 = arith.constant 0 : i32
    %dma_start3A_72 = tpu.memref_slice %arg2[%add3A_68, %dma_start3A_71] : memref<100352x192xf32, #tpu.memory_space<hbm>> -> memref<112x192xf32, #tpu.memory_space<hbm>>
    tpu.enqueue_dma source(%dma_start3A_72 : memref<112x192xf32, #tpu.memory_space<hbm>>) target(%arg7 : memref<112x192xf32, #tpu.memory_space<vmem>>) target_semaphore(%arg11 : memref<!tpu.dma_semaphore, #tpu.memory_space<semaphore_mem>>)
    %scan3A = arith.constant 1 : i32
    %scan3A_73 = arith.constant 12 : i32
    %scan3A_74 = arith.addi %scan3A, %scan3A_73 : i32
    %scan3A_75 = arith.constant 1 : i32
    scf.for %scan3A_119 = %scan3A to %scan3A_74 step %scan3A_75  : i32 {
      %mul3A_120 = arith.constant 2 : i32
      %mul3A_121 = arith.muli %mul3A_120, %scan3A_119 : i32
      %add3A_122 = arith.constant 0 : i32
      %add3A_123 = arith.addi %mul3A_121, %add3A_122 : i32
      %dma_wait3A_124 = arith.constant 0 : i32
      %dma_wait3A_125 = tpu.memref_slice %arg2[%mul3A_2, %dma_wait3A_124] : memref<100352x192xf32, #tpu.memory_space<hbm>> -> memref<112x192xf32, #tpu.memory_space<hbm>>
      %dma_wait3A_126 = arith.constant 0 : i32
      %dma_wait3A_127 = tpu.memref_slice %arg2[%mul3A_2, %dma_wait3A_126] : memref<100352x192xf32, #tpu.memory_space<hbm>> -> memref<112x192xf32, #tpu.memory_space<hbm>>
      tpu.wait_dma2 semaphore(%arg10 : memref<!tpu.dma_semaphore, #tpu.memory_space<semaphore_mem>>) src(%dma_wait3A_127 : memref<112x192xf32, #tpu.memory_space<hbm>>) dst(%arg6 : memref<112x192xf32, #tpu.memory_space<vmem>>)
      %dma_wait3A_128 = arith.constant 0 : i32
      %dma_wait3A_129 = tpu.memref_slice %arg4[%mul3A_2, %dma_wait3A_128] : memref<100352x192xf32, #tpu.memory_space<hbm>> -> memref<112x192xf32, #tpu.memory_space<hbm>>
      %dma_wait3A_130 = arith.constant 0 : i32
      %dma_wait3A_131 = tpu.memref_slice %arg4[%mul3A_2, %dma_wait3A_130] : memref<100352x192xf32, #tpu.memory_space<hbm>> -> memref<112x192xf32, #tpu.memory_space<hbm>>
      tpu.wait_dma2 semaphore(%arg12 : memref<!tpu.dma_semaphore, #tpu.memory_space<semaphore_mem>>) src(%arg8 : memref<112x192xf32, #tpu.memory_space<vmem>>) dst(%dma_wait3A_131 : memref<112x192xf32, #tpu.memory_space<hbm>>)
      %parallel_loop3A_132 = arith.constant 0 : i32
      %parallel_loop3A_133 = arith.constant 112 : i32
      %parallel_loop3A_134 = arith.constant 1 : i32
      scf.for %parallel_loop3A_180 = %parallel_loop3A_132 to %parallel_loop3A_133 step %parallel_loop3A_134  : i32 {
        %parallel_loop3A_181 = vector.broadcast %parallel_loop3A_180 : i32 to vector<16xi32>
        %parallel_loop3A_182 = tpu.vector_load_idx %arg6[%parallel_loop3A_181, %get3A_3] : memref<112x192xf32, #tpu.memory_space<vmem>>[vector<16xi32>, vector<16xi32>], vector<16xf32>,
        %parallel_loop3A_183 = arith.index_cast %parallel_loop3A_180 : i32 to index
        %parallel_loop3A_184 = arith.constant 0 : index
        %parallel_loop3A_185 = tpu.vector_load %arg8[%parallel_loop3A_183, %parallel_loop3A_184] {strides = array<i32>} : memref<112x192xf32, #tpu.memory_space<vmem>>, vector<16xf32>,
        tpu.vector_store %arg8[%parallel_loop3A_183, %parallel_loop3A_184], %parallel_loop3A_182 {strides = array<i32>} : memref<112x192xf32, #tpu.memory_space<vmem>>, vector<16xf32>,
        %parallel_loop3A_186 = tpu.vector_load_idx %arg6[%parallel_loop3A_181, %get3A_5] : memref<112x192xf32, #tpu.memory_space<vmem>>[vector<16xi32>, vector<16xi32>], vector<16xf32>,
        %parallel_loop3A_187 = arith.index_cast %parallel_loop3A_180 : i32 to index
        %parallel_loop3A_188 = arith.constant 16 : index
        %parallel_loop3A_189 = tpu.vector_load %arg8[%parallel_loop3A_187, %parallel_loop3A_188] {strides = array<i32>} : memref<112x192xf32, #tpu.memory_space<vmem>>, vector<16xf32>,
        tpu.vector_store %arg8[%parallel_loop3A_187, %parallel_loop3A_188], %parallel_loop3A_186 {strides = array<i32>} : memref<112x192xf32, #tpu.memory_space<vmem>>, vector<16xf32>,
        %parallel_loop3A_190 = tpu.vector_load_idx %arg6[%parallel_loop3A_181, %get3A_7] : memref<112x192xf32, #tpu.memory_space<vmem>>[vector<16xi32>, vector<16xi32>], vector<16xf32>,
        %parallel_loop3A_191 = arith.index_cast %parallel_loop3A_180 : i32 to index
        %parallel_loop3A_192 = arith.constant 32 : index
        %parallel_loop3A_193 = tpu.vector_load %arg8[%parallel_loop3A_191, %parallel_loop3A_192] {strides = array<i32>} : memref<112x192xf32, #tpu.memory_space<vmem>>, vector<16xf32>,
        tpu.vector_store %arg8[%parallel_loop3A_191, %parallel_loop3A_192], %parallel_loop3A_190 {strides = array<i32>} : memref<112x192xf32, #tpu.memory_space<vmem>>, vector<16xf32>,
        %parallel_loop3A_194 = tpu.vector_load_idx %arg6[%parallel_loop3A_181, %get3A_9] : memref<112x192xf32, #tpu.memory_space<vmem>>[vector<16xi32>, vector<16xi32>], vector<16xf32>,
        %parallel_loop3A_195 = arith.index_cast %parallel_loop3A_180 : i32 to index
        %parallel_loop3A_196 = arith.constant 48 : index
        %parallel_loop3A_197 = tpu.vector_load %arg8[%parallel_loop3A_195, %parallel_loop3A_196] {strides = array<i32>} : memref<112x192xf32, #tpu.memory_space<vmem>>, vector<16xf32>,
        tpu.vector_store %arg8[%parallel_loop3A_195, %parallel_loop3A_196], %parallel_loop3A_194 {strides = array<i32>} : memref<112x192xf32, #tpu.memory_space<vmem>>, vector<16xf32>,
        %parallel_loop3A_198 = tpu.vector_load_idx %arg6[%parallel_loop3A_181, %get3A_11] : memref<112x192xf32, #tpu.memory_space<vmem>>[vector<16xi32>, vector<16xi32>], vector<16xf32>,
        %parallel_loop3A_199 = arith.index_cast %parallel_loop3A_180 : i32 to index
        %parallel_loop3A_200 = arith.constant 64 : index
        %parallel_loop3A_201 = tpu.vector_load %arg8[%parallel_loop3A_199, %parallel_loop3A_200] {strides = array<i32>} : memref<112x192xf32, #tpu.memory_space<vmem>>, vector<16xf32>,
        tpu.vector_store %arg8[%parallel_loop3A_199, %parallel_loop3A_200], %parallel_loop3A_198 {strides = array<i32>} : memref<112x192xf32, #tpu.memory_space<vmem>>, vector<16xf32>,
        %parallel_loop3A_202 = tpu.vector_load_idx %arg6[%parallel_loop3A_181, %get3A_13] : memref<112x192xf32, #tpu.memory_space<vmem>>[vector<16xi32>, vector<16xi32>], vector<16xf32>,
        %parallel_loop3A_203 = arith.index_cast %parallel_loop3A_180 : i32 to index
        %parallel_loop3A_204 = arith.constant 80 : index
        %parallel_loop3A_205 = tpu.vector_load %arg8[%parallel_loop3A_203, %parallel_loop3A_204] {strides = array<i32>} : memref<112x192xf32, #tpu.memory_space<vmem>>, vector<16xf32>,
        tpu.vector_store %arg8[%parallel_loop3A_203, %parallel_loop3A_204], %parallel_loop3A_202 {strides = array<i32>} : memref<112x192xf32, #tpu.memory_space<vmem>>, vector<16xf32>,
        %parallel_loop3A_206 = tpu.vector_load_idx %arg6[%parallel_loop3A_181, %get3A_15] : memref<112x192xf32, #tpu.memory_space<vmem>>[vector<16xi32>, vector<16xi32>], vector<16xf32>,
        %parallel_loop3A_207 = arith.index_cast %parallel_loop3A_180 : i32 to index
        %parallel_loop3A_208 = arith.constant 96 : index
        %parallel_loop3A_209 = tpu.vector_load %arg8[%parallel_loop3A_207, %parallel_loop3A_208] {strides = array<i32>} : memref<112x192xf32, #tpu.memory_space<vmem>>, vector<16xf32>,
        tpu.vector_store %arg8[%parallel_loop3A_207, %parallel_loop3A_208], %parallel_loop3A_206 {strides = array<i32>} : memref<112x192xf32, #tpu.memory_space<vmem>>, vector<16xf32>,
        %parallel_loop3A_210 = tpu.vector_load_idx %arg6[%parallel_loop3A_181, %get3A_17] : memref<112x192xf32, #tpu.memory_space<vmem>>[vector<16xi32>, vector<16xi32>], vector<16xf32>,
        %parallel_loop3A_211 = arith.index_cast %parallel_loop3A_180 : i32 to index
        %parallel_loop3A_212 = arith.constant 112 : index
        %parallel_loop3A_213 = tpu.vector_load %arg8[%parallel_loop3A_211, %parallel_loop3A_212] {strides = array<i32>} : memref<112x192xf32, #tpu.memory_space<vmem>>, vector<16xf32>,
        tpu.vector_store %arg8[%parallel_loop3A_211, %parallel_loop3A_212], %parallel_loop3A_210 {strides = array<i32>} : memref<112x192xf32, #tpu.memory_space<vmem>>, vector<16xf32>,
        %parallel_loop3A_214 = tpu.vector_load_idx %arg6[%parallel_loop3A_181, %get3A_19] : memref<112x192xf32, #tpu.memory_space<vmem>>[vector<16xi32>, vector<16xi32>], vector<16xf32>,
        %parallel_loop3A_215 = arith.index_cast %parallel_loop3A_180 : i32 to index
        %parallel_loop3A_216 = arith.constant 128 : index
        %parallel_loop3A_217 = tpu.vector_load %arg8[%parallel_loop3A_215, %parallel_loop3A_216] {strides = array<i32>} : memref<112x192xf32, #tpu.memory_space<vmem>>, vector<16xf32>,
        tpu.vector_store %arg8[%parallel_loop3A_215, %parallel_loop3A_216], %parallel_loop3A_214 {strides = array<i32>} : memref<112x192xf32, #tpu.memory_space<vmem>>, vector<16xf32>,
        %parallel_loop3A_218 = tpu.vector_load_idx %arg6[%parallel_loop3A_181, %get3A_21] : memref<112x192xf32, #tpu.memory_space<vmem>>[vector<16xi32>, vector<16xi32>], vector<16xf32>,
        %parallel_loop3A_219 = arith.index_cast %parallel_loop3A_180 : i32 to index
        %parallel_loop3A_220 = arith.constant 144 : index
        %parallel_loop3A_221 = tpu.vector_load %arg8[%parallel_loop3A_219, %parallel_loop3A_220] {strides = array<i32>} : memref<112x192xf32, #tpu.memory_space<vmem>>, vector<16xf32>,
        tpu.vector_store %arg8[%parallel_loop3A_219, %parallel_loop3A_220], %parallel_loop3A_218 {strides = array<i32>} : memref<112x192xf32, #tpu.memory_space<vmem>>, vector<16xf32>,
        %parallel_loop3A_222 = tpu.vector_load_idx %arg6[%parallel_loop3A_181, %get3A_23] : memref<112x192xf32, #tpu.memory_space<vmem>>[vector<16xi32>, vector<16xi32>], vector<16xf32>,
        %parallel_loop3A_223 = arith.index_cast %parallel_loop3A_180 : i32 to index
        %parallel_loop3A_224 = arith.constant 160 : index
        %parallel_loop3A_225 = tpu.vector_load %arg8[%parallel_loop3A_223, %parallel_loop3A_224] {strides = array<i32>} : memref<112x192xf32, #tpu.memory_space<vmem>>, vector<16xf32>,
        tpu.vector_store %arg8[%parallel_loop3A_223, %parallel_loop3A_224], %parallel_loop3A_222 {strides = array<i32>} : memref<112x192xf32, #tpu.memory_space<vmem>>, vector<16xf32>,
        %parallel_loop3A_226 = tpu.vector_load_idx %arg6[%parallel_loop3A_181, %get3A_25] : memref<112x192xf32, #tpu.memory_space<vmem>>[vector<16xi32>, vector<16xi32>], vector<16xf32>,
        %parallel_loop3A_227 = arith.index_cast %parallel_loop3A_180 : i32 to index
        %parallel_loop3A_228 = arith.constant 176 : index
        %parallel_loop3A_229 = tpu.vector_load %arg8[%parallel_loop3A_227, %parallel_loop3A_228] {strides = array<i32>} : memref<112x192xf32, #tpu.memory_space<vmem>>, vector<16xf32>,
        tpu.vector_store %arg8[%parallel_loop3A_227, %parallel_loop3A_228], %parallel_loop3A_226 {strides = array<i32>} : memref<112x192xf32, #tpu.memory_space<vmem>>, vector<16xf32>,
      } {sc.loop_unroll_factor = 4 : i64, sc.parallel_access}
      %mul3A_135 = arith.constant 112 : i32
      %mul3A_136 = arith.muli %add3A_123, %mul3A_135 : i32
      %add3A_137 = arith.addi %mul3A_2, %mul3A_136 : i32
      %dma_start3A_138 = arith.constant 0 : i32
      %dma_start3A_139 = tpu.memref_slice %arg4[%add3A_137, %dma_start3A_138] : memref<100352x192xf32, #tpu.memory_space<hbm>> -> memref<112x192xf32, #tpu.memory_space<hbm>>
      %dma_start3A_140 = arith.constant 0 : i32
      %dma_start3A_141 = tpu.memref_slice %arg4[%add3A_137, %dma_start3A_140] : memref<100352x192xf32, #tpu.memory_space<hbm>> -> memref<112x192xf32, #tpu.memory_space<hbm>>
      tpu.enqueue_dma source(%arg8 : memref<112x192xf32, #tpu.memory_space<vmem>>) target(%dma_start3A_141 : memref<112x192xf32, #tpu.memory_space<hbm>>) target_semaphore(%arg12 : memref<!tpu.dma_semaphore, #tpu.memory_space<semaphore_mem>>)
      %add3A_142 = arith.constant 2 : i32
      %add3A_143 = arith.addi %add3A_123, %add3A_142 : i32
      %mul3A_144 = arith.constant 112 : i32
      %mul3A_145 = arith.muli %add3A_143, %mul3A_144 : i32
      %add3A_146 = arith.addi %mul3A_2, %mul3A_145 : i32
      %dma_start3A_147 = arith.constant 0 : i32
      %dma_start3A_148 = tpu.memref_slice %arg2[%add3A_146, %dma_start3A_147] : memref<100352x192xf32, #tpu.memory_space<hbm>> -> memref<112x192xf32, #tpu.memory_space<hbm>>
      %dma_start3A_149 = arith.constant 0 : i32
      %dma_start3A_150 = tpu.memref_slice %arg2[%add3A_146, %dma_start3A_149] : memref<100352x192xf32, #tpu.memory_space<hbm>> -> memref<112x192xf32, #tpu.memory_space<hbm>>
      tpu.enqueue_dma source(%dma_start3A_150 : memref<112x192xf32, #tpu.memory_space<hbm>>) target(%arg6 : memref<112x192xf32, #tpu.memory_space<vmem>>) target_semaphore(%arg10 : memref<!tpu.dma_semaphore, #tpu.memory_space<semaphore_mem>>)
      %add3A_151 = arith.constant 1 : i32
      %add3A_152 = arith.addi %mul3A_121, %add3A_151 : i32
      %dma_wait3A_153 = arith.constant 0 : i32
      %dma_wait3A_154 = tpu.memref_slice %arg2[%mul3A_2, %dma_wait3A_153] : memref<100352x192xf32, #tpu.memory_space<hbm>> -> memref<112x192xf32, #tpu.memory_space<hbm>>
      %dma_wait3A_155 = arith.constant 0 : i32
      %dma_wait3A_156 = tpu.memref_slice %arg2[%mul3A_2, %dma_wait3A_155] : memref<100352x192xf32, #tpu.memory_space<hbm>> -> memref<112x192xf32, #tpu.memory_space<hbm>>
      tpu.wait_dma2 semaphore(%arg11 : memref<!tpu.dma_semaphore, #tpu.memory_space<semaphore_mem>>) src(%dma_wait3A_156 : memref<112x192xf32, #tpu.memory_space<hbm>>) dst(%arg7 : memref<112x192xf32, #tpu.memory_space<vmem>>)
      %dma_wait3A_157 = arith.constant 0 : i32
      %dma_wait3A_158 = tpu.memref_slice %arg4[%mul3A_2, %dma_wait3A_157] : memref<100352x192xf32, #tpu.memory_space<hbm>> -> memref<112x192xf32, #tpu.memory_space<hbm>>
      %dma_wait3A_159 = arith.constant 0 : i32
      %dma_wait3A_160 = tpu.memref_slice %arg4[%mul3A_2, %dma_wait3A_159] : memref<100352x192xf32, #tpu.memory_space<hbm>> -> memref<112x192xf32, #tpu.memory_space<hbm>>
      tpu.wait_dma2 semaphore(%arg13 : memref<!tpu.dma_semaphore, #tpu.memory_space<semaphore_mem>>) src(%arg9 : memref<112x192xf32, #tpu.memory_space<vmem>>) dst(%dma_wait3A_160 : memref<112x192xf32, #tpu.memory_space<hbm>>)
      %parallel_loop3A_161 = arith.constant 0 : i32
      %parallel_loop3A_162 = arith.constant 112 : i32
      %parallel_loop3A_163 = arith.constant 1 : i32
      scf.for %parallel_loop3A_180 = %parallel_loop3A_161 to %parallel_loop3A_162 step %parallel_loop3A_163  : i32 {
        %parallel_loop3A_181 = vector.broadcast %parallel_loop3A_180 : i32 to vector<16xi32>
        %parallel_loop3A_182 = tpu.vector_load_idx %arg7[%parallel_loop3A_181, %get3A_3] : memref<112x192xf32, #tpu.memory_space<vmem>>[vector<16xi32>, vector<16xi32>], vector<16xf32>,
        %parallel_loop3A_183 = arith.index_cast %parallel_loop3A_180 : i32 to index
        %parallel_loop3A_184 = arith.constant 0 : index
        %parallel_loop3A_185 = tpu.vector_load %arg9[%parallel_loop3A_183, %parallel_loop3A_184] {strides = array<i32>} : memref<112x192xf32, #tpu.memory_space<vmem>>, vector<16xf32>,
        tpu.vector_store %arg9[%parallel_loop3A_183, %parallel_loop3A_184], %parallel_loop3A_182 {strides = array<i32>} : memref<112x192xf32, #tpu.memory_space<vmem>>, vector<16xf32>,
        %parallel_loop3A_186 = tpu.vector_load_idx %arg7[%parallel_loop3A_181, %get3A_5] : memref<112x192xf32, #tpu.memory_space<vmem>>[vector<16xi32>, vector<16xi32>], vector<16xf32>,
        %parallel_loop3A_187 = arith.index_cast %parallel_loop3A_180 : i32 to index
        %parallel_loop3A_188 = arith.constant 16 : index
        %parallel_loop3A_189 = tpu.vector_load %arg9[%parallel_loop3A_187, %parallel_loop3A_188] {strides = array<i32>} : memref<112x192xf32, #tpu.memory_space<vmem>>, vector<16xf32>,
        tpu.vector_store %arg9[%parallel_loop3A_187, %parallel_loop3A_188], %parallel_loop3A_186 {strides = array<i32>} : memref<112x192xf32, #tpu.memory_space<vmem>>, vector<16xf32>,
        %parallel_loop3A_190 = tpu.vector_load_idx %arg7[%parallel_loop3A_181, %get3A_7] : memref<112x192xf32, #tpu.memory_space<vmem>>[vector<16xi32>, vector<16xi32>], vector<16xf32>,
        %parallel_loop3A_191 = arith.index_cast %parallel_loop3A_180 : i32 to index
        %parallel_loop3A_192 = arith.constant 32 : index
        %parallel_loop3A_193 = tpu.vector_load %arg9[%parallel_loop3A_191, %parallel_loop3A_192] {strides = array<i32>} : memref<112x192xf32, #tpu.memory_space<vmem>>, vector<16xf32>,
        tpu.vector_store %arg9[%parallel_loop3A_191, %parallel_loop3A_192], %parallel_loop3A_190 {strides = array<i32>} : memref<112x192xf32, #tpu.memory_space<vmem>>, vector<16xf32>,
        %parallel_loop3A_194 = tpu.vector_load_idx %arg7[%parallel_loop3A_181, %get3A_9] : memref<112x192xf32, #tpu.memory_space<vmem>>[vector<16xi32>, vector<16xi32>], vector<16xf32>,
        %parallel_loop3A_195 = arith.index_cast %parallel_loop3A_180 : i32 to index
        %parallel_loop3A_196 = arith.constant 48 : index
        %parallel_loop3A_197 = tpu.vector_load %arg9[%parallel_loop3A_195, %parallel_loop3A_196] {strides = array<i32>} : memref<112x192xf32, #tpu.memory_space<vmem>>, vector<16xf32>,
        tpu.vector_store %arg9[%parallel_loop3A_195, %parallel_loop3A_196], %parallel_loop3A_194 {strides = array<i32>} : memref<112x192xf32, #tpu.memory_space<vmem>>, vector<16xf32>,
        %parallel_loop3A_198 = tpu.vector_load_idx %arg7[%parallel_loop3A_181, %get3A_11] : memref<112x192xf32, #tpu.memory_space<vmem>>[vector<16xi32>, vector<16xi32>], vector<16xf32>,
        %parallel_loop3A_199 = arith.index_cast %parallel_loop3A_180 : i32 to index
        %parallel_loop3A_200 = arith.constant 64 : index
        %parallel_loop3A_201 = tpu.vector_load %arg9[%parallel_loop3A_199, %parallel_loop3A_200] {strides = array<i32>} : memref<112x192xf32, #tpu.memory_space<vmem>>, vector<16xf32>,
        tpu.vector_store %arg9[%parallel_loop3A_199, %parallel_loop3A_200], %parallel_loop3A_198 {strides = array<i32>} : memref<112x192xf32, #tpu.memory_space<vmem>>, vector<16xf32>,
        %parallel_loop3A_202 = tpu.vector_load_idx %arg7[%parallel_loop3A_181, %get3A_13] : memref<112x192xf32, #tpu.memory_space<vmem>>[vector<16xi32>, vector<16xi32>], vector<16xf32>,
        %parallel_loop3A_203 = arith.index_cast %parallel_loop3A_180 : i32 to index
        %parallel_loop3A_204 = arith.constant 80 : index
        %parallel_loop3A_205 = tpu.vector_load %arg9[%parallel_loop3A_203, %parallel_loop3A_204] {strides = array<i32>} : memref<112x192xf32, #tpu.memory_space<vmem>>, vector<16xf32>,
        tpu.vector_store %arg9[%parallel_loop3A_203, %parallel_loop3A_204], %parallel_loop3A_202 {strides = array<i32>} : memref<112x192xf32, #tpu.memory_space<vmem>>, vector<16xf32>,
        %parallel_loop3A_206 = tpu.vector_load_idx %arg7[%parallel_loop3A_181, %get3A_15] : memref<112x192xf32, #tpu.memory_space<vmem>>[vector<16xi32>, vector<16xi32>], vector<16xf32>,
        %parallel_loop3A_207 = arith.index_cast %parallel_loop3A_180 : i32 to index
        %parallel_loop3A_208 = arith.constant 96 : index
        %parallel_loop3A_209 = tpu.vector_load %arg9[%parallel_loop3A_207, %parallel_loop3A_208] {strides = array<i32>} : memref<112x192xf32, #tpu.memory_space<vmem>>, vector<16xf32>,
        tpu.vector_store %arg9[%parallel_loop3A_207, %parallel_loop3A_208], %parallel_loop3A_206 {strides = array<i32>} : memref<112x192xf32, #tpu.memory_space<vmem>>, vector<16xf32>,
        %parallel_loop3A_210 = tpu.vector_load_idx %arg7[%parallel_loop3A_181, %get3A_17] : memref<112x192xf32, #tpu.memory_space<vmem>>[vector<16xi32>, vector<16xi32>], vector<16xf32>,
        %parallel_loop3A_211 = arith.index_cast %parallel_loop3A_180 : i32 to index
        %parallel_loop3A_212 = arith.constant 112 : index
        %parallel_loop3A_213 = tpu.vector_load %arg9[%parallel_loop3A_211, %parallel_loop3A_212] {strides = array<i32>} : memref<112x192xf32, #tpu.memory_space<vmem>>, vector<16xf32>,
        tpu.vector_store %arg9[%parallel_loop3A_211, %parallel_loop3A_212], %parallel_loop3A_210 {strides = array<i32>} : memref<112x192xf32, #tpu.memory_space<vmem>>, vector<16xf32>,
        %parallel_loop3A_214 = tpu.vector_load_idx %arg7[%parallel_loop3A_181, %get3A_19] : memref<112x192xf32, #tpu.memory_space<vmem>>[vector<16xi32>, vector<16xi32>], vector<16xf32>,
        %parallel_loop3A_215 = arith.index_cast %parallel_loop3A_180 : i32 to index
        %parallel_loop3A_216 = arith.constant 128 : index
        %parallel_loop3A_217 = tpu.vector_load %arg9[%parallel_loop3A_215, %parallel_loop3A_216] {strides = array<i32>} : memref<112x192xf32, #tpu.memory_space<vmem>>, vector<16xf32>,
        tpu.vector_store %arg9[%parallel_loop3A_215, %parallel_loop3A_216], %parallel_loop3A_214 {strides = array<i32>} : memref<112x192xf32, #tpu.memory_space<vmem>>, vector<16xf32>,
        %parallel_loop3A_218 = tpu.vector_load_idx %arg7[%parallel_loop3A_181, %get3A_21] : memref<112x192xf32, #tpu.memory_space<vmem>>[vector<16xi32>, vector<16xi32>], vector<16xf32>,
        %parallel_loop3A_219 = arith.index_cast %parallel_loop3A_180 : i32 to index
        %parallel_loop3A_220 = arith.constant 144 : index
        %parallel_loop3A_221 = tpu.vector_load %arg9[%parallel_loop3A_219, %parallel_loop3A_220] {strides = array<i32>} : memref<112x192xf32, #tpu.memory_space<vmem>>, vector<16xf32>,
        tpu.vector_store %arg9[%parallel_loop3A_219, %parallel_loop3A_220], %parallel_loop3A_218 {strides = array<i32>} : memref<112x192xf32, #tpu.memory_space<vmem>>, vector<16xf32>,
        %parallel_loop3A_222 = tpu.vector_load_idx %arg7[%parallel_loop3A_181, %get3A_23] : memref<112x192xf32, #tpu.memory_space<vmem>>[vector<16xi32>, vector<16xi32>], vector<16xf32>,
        %parallel_loop3A_223 = arith.index_cast %parallel_loop3A_180 : i32 to index
        %parallel_loop3A_224 = arith.constant 160 : index
        %parallel_loop3A_225 = tpu.vector_load %arg9[%parallel_loop3A_223, %parallel_loop3A_224] {strides = array<i32>} : memref<112x192xf32, #tpu.memory_space<vmem>>, vector<16xf32>,
        tpu.vector_store %arg9[%parallel_loop3A_223, %parallel_loop3A_224], %parallel_loop3A_222 {strides = array<i32>} : memref<112x192xf32, #tpu.memory_space<vmem>>, vector<16xf32>,
        %parallel_loop3A_226 = tpu.vector_load_idx %arg7[%parallel_loop3A_181, %get3A_25] : memref<112x192xf32, #tpu.memory_space<vmem>>[vector<16xi32>, vector<16xi32>], vector<16xf32>,
        %parallel_loop3A_227 = arith.index_cast %parallel_loop3A_180 : i32 to index
        %parallel_loop3A_228 = arith.constant 176 : index
        %parallel_loop3A_229 = tpu.vector_load %arg9[%parallel_loop3A_227, %parallel_loop3A_228] {strides = array<i32>} : memref<112x192xf32, #tpu.memory_space<vmem>>, vector<16xf32>,
        tpu.vector_store %arg9[%parallel_loop3A_227, %parallel_loop3A_228], %parallel_loop3A_226 {strides = array<i32>} : memref<112x192xf32, #tpu.memory_space<vmem>>, vector<16xf32>,
      } {sc.loop_unroll_factor = 4 : i64, sc.parallel_access}
      %mul3A_164 = arith.constant 112 : i32
      %mul3A_165 = arith.muli %add3A_152, %mul3A_164 : i32
      %add3A_166 = arith.addi %mul3A_2, %mul3A_165 : i32
      %dma_start3A_167 = arith.constant 0 : i32
      %dma_start3A_168 = tpu.memref_slice %arg4[%add3A_166, %dma_start3A_167] : memref<100352x192xf32, #tpu.memory_space<hbm>> -> memref<112x192xf32, #tpu.memory_space<hbm>>
      %dma_start3A_169 = arith.constant 0 : i32
      %dma_start3A_170 = tpu.memref_slice %arg4[%add3A_166, %dma_start3A_169] : memref<100352x192xf32, #tpu.memory_space<hbm>> -> memref<112x192xf32, #tpu.memory_space<hbm>>
      tpu.enqueue_dma source(%arg9 : memref<112x192xf32, #tpu.memory_space<vmem>>) target(%dma_start3A_170 : memref<112x192xf32, #tpu.memory_space<hbm>>) target_semaphore(%arg13 : memref<!tpu.dma_semaphore, #tpu.memory_space<semaphore_mem>>)
      %add3A_171 = arith.constant 2 : i32
      %add3A_172 = arith.addi %add3A_152, %add3A_171 : i32
      %mul3A_173 = arith.constant 112 : i32
      %mul3A_174 = arith.muli %add3A_172, %mul3A_173 : i32
      %add3A_175 = arith.addi %mul3A_2, %mul3A_174 : i32
      %dma_start3A_176 = arith.constant 0 : i32
      %dma_start3A_177 = tpu.memref_slice %arg2[%add3A_175, %dma_start3A_176] : memref<100352x192xf32, #tpu.memory_space<hbm>> -> memref<112x192xf32, #tpu.memory_space<hbm>>
      %dma_start3A_178 = arith.constant 0 : i32
      %dma_start3A_179 = tpu.memref_slice %arg2[%add3A_175, %dma_start3A_178] : memref<100352x192xf32, #tpu.memory_space<hbm>> -> memref<112x192xf32, #tpu.memory_space<hbm>>
      tpu.enqueue_dma source(%dma_start3A_179 : memref<112x192xf32, #tpu.memory_space<hbm>>) target(%arg7 : memref<112x192xf32, #tpu.memory_space<vmem>>) target_semaphore(%arg11 : memref<!tpu.dma_semaphore, #tpu.memory_space<semaphore_mem>>)
    }
    %scan3A_76 = arith.constant 12 : i32
    %dma_wait3A_77 = arith.constant 0 : i32
    %dma_wait3A_78 = tpu.memref_slice %arg2[%mul3A_2, %dma_wait3A_77] : memref<100352x192xf32, #tpu.memory_space<hbm>> -> memref<112x192xf32, #tpu.memory_space<hbm>>
    %dma_wait3A_79 = arith.constant 0 : i32
    %dma_wait3A_80 = tpu.memref_slice %arg2[%mul3A_2, %dma_wait3A_79] : memref<100352x192xf32, #tpu.memory_space<hbm>> -> memref<112x192xf32, #tpu.memory_space<hbm>>
    tpu.wait_dma2 semaphore(%arg10 : memref<!tpu.dma_semaphore, #tpu.memory_space<semaphore_mem>>) src(%dma_wait3A_80 : memref<112x192xf32, #tpu.memory_space<hbm>>) dst(%arg6 : memref<112x192xf32, #tpu.memory_space<vmem>>)
    %dma_wait3A_81 = arith.constant 0 : i32
    %dma_wait3A_82 = tpu.memref_slice %arg4[%mul3A_2, %dma_wait3A_81] : memref<100352x192xf32, #tpu.memory_space<hbm>> -> memref<112x192xf32, #tpu.memory_space<hbm>>
    %dma_wait3A_83 = arith.constant 0 : i32
    %dma_wait3A_84 = tpu.memref_slice %arg4[%mul3A_2, %dma_wait3A_83] : memref<100352x192xf32, #tpu.memory_space<hbm>> -> memref<112x192xf32, #tpu.memory_space<hbm>>
    tpu.wait_dma2 semaphore(%arg12 : memref<!tpu.dma_semaphore, #tpu.memory_space<semaphore_mem>>) src(%arg8 : memref<112x192xf32, #tpu.memory_space<vmem>>) dst(%dma_wait3A_84 : memref<112x192xf32, #tpu.memory_space<hbm>>)
    %parallel_loop3A_85 = arith.constant 0 : i32
    %parallel_loop3A_86 = arith.constant 112 : i32
    %parallel_loop3A_87 = arith.constant 1 : i32
    scf.for %parallel_loop3A_119 = %parallel_loop3A_85 to %parallel_loop3A_86 step %parallel_loop3A_87  : i32 {
      %parallel_loop3A_120 = vector.broadcast %parallel_loop3A_119 : i32 to vector<16xi32>
      %parallel_loop3A_121 = tpu.vector_load_idx %arg6[%parallel_loop3A_120, %get3A_3] : memref<112x192xf32, #tpu.memory_space<vmem>>[vector<16xi32>, vector<16xi32>], vector<16xf32>,
      %parallel_loop3A_122 = arith.index_cast %parallel_loop3A_119 : i32 to index
      %parallel_loop3A_123 = arith.constant 0 : index
      %parallel_loop3A_124 = tpu.vector_load %arg8[%parallel_loop3A_122, %parallel_loop3A_123] {strides = array<i32>} : memref<112x192xf32, #tpu.memory_space<vmem>>, vector<16xf32>,
      tpu.vector_store %arg8[%parallel_loop3A_122, %parallel_loop3A_123], %parallel_loop3A_121 {strides = array<i32>} : memref<112x192xf32, #tpu.memory_space<vmem>>, vector<16xf32>,
      %parallel_loop3A_125 = tpu.vector_load_idx %arg6[%parallel_loop3A_120, %get3A_5] : memref<112x192xf32, #tpu.memory_space<vmem>>[vector<16xi32>, vector<16xi32>], vector<16xf32>,
      %parallel_loop3A_126 = arith.index_cast %parallel_loop3A_119 : i32 to index
      %parallel_loop3A_127 = arith.constant 16 : index
      %parallel_loop3A_128 = tpu.vector_load %arg8[%parallel_loop3A_126, %parallel_loop3A_127] {strides = array<i32>} : memref<112x192xf32, #tpu.memory_space<vmem>>, vector<16xf32>,
      tpu.vector_store %arg8[%parallel_loop3A_126, %parallel_loop3A_127], %parallel_loop3A_125 {strides = array<i32>} : memref<112x192xf32, #tpu.memory_space<vmem>>, vector<16xf32>,
      %parallel_loop3A_129 = tpu.vector_load_idx %arg6[%parallel_loop3A_120, %get3A_7] : memref<112x192xf32, #tpu.memory_space<vmem>>[vector<16xi32>, vector<16xi32>], vector<16xf32>,
      %parallel_loop3A_130 = arith.index_cast %parallel_loop3A_119 : i32 to index
      %parallel_loop3A_131 = arith.constant 32 : index
      %parallel_loop3A_132 = tpu.vector_load %arg8[%parallel_loop3A_130, %parallel_loop3A_131] {strides = array<i32>} : memref<112x192xf32, #tpu.memory_space<vmem>>, vector<16xf32>,
      tpu.vector_store %arg8[%parallel_loop3A_130, %parallel_loop3A_131], %parallel_loop3A_129 {strides = array<i32>} : memref<112x192xf32, #tpu.memory_space<vmem>>, vector<16xf32>,
      %parallel_loop3A_133 = tpu.vector_load_idx %arg6[%parallel_loop3A_120, %get3A_9] : memref<112x192xf32, #tpu.memory_space<vmem>>[vector<16xi32>, vector<16xi32>], vector<16xf32>,
      %parallel_loop3A_134 = arith.index_cast %parallel_loop3A_119 : i32 to index
      %parallel_loop3A_135 = arith.constant 48 : index
      %parallel_loop3A_136 = tpu.vector_load %arg8[%parallel_loop3A_134, %parallel_loop3A_135] {strides = array<i32>} : memref<112x192xf32, #tpu.memory_space<vmem>>, vector<16xf32>,
      tpu.vector_store %arg8[%parallel_loop3A_134, %parallel_loop3A_135], %parallel_loop3A_133 {strides = array<i32>} : memref<112x192xf32, #tpu.memory_space<vmem>>, vector<16xf32>,
      %parallel_loop3A_137 = tpu.vector_load_idx %arg6[%parallel_loop3A_120, %get3A_11] : memref<112x192xf32, #tpu.memory_space<vmem>>[vector<16xi32>, vector<16xi32>], vector<16xf32>,
      %parallel_loop3A_138 = arith.index_cast %parallel_loop3A_119 : i32 to index
      %parallel_loop3A_139 = arith.constant 64 : index
      %parallel_loop3A_140 = tpu.vector_load %arg8[%parallel_loop3A_138, %parallel_loop3A_139] {strides = array<i32>} : memref<112x192xf32, #tpu.memory_space<vmem>>, vector<16xf32>,
      tpu.vector_store %arg8[%parallel_loop3A_138, %parallel_loop3A_139], %parallel_loop3A_137 {strides = array<i32>} : memref<112x192xf32, #tpu.memory_space<vmem>>, vector<16xf32>,
      %parallel_loop3A_141 = tpu.vector_load_idx %arg6[%parallel_loop3A_120, %get3A_13] : memref<112x192xf32, #tpu.memory_space<vmem>>[vector<16xi32>, vector<16xi32>], vector<16xf32>,
      %parallel_loop3A_142 = arith.index_cast %parallel_loop3A_119 : i32 to index
      %parallel_loop3A_143 = arith.constant 80 : index
      %parallel_loop3A_144 = tpu.vector_load %arg8[%parallel_loop3A_142, %parallel_loop3A_143] {strides = array<i32>} : memref<112x192xf32, #tpu.memory_space<vmem>>, vector<16xf32>,
      tpu.vector_store %arg8[%parallel_loop3A_142, %parallel_loop3A_143], %parallel_loop3A_141 {strides = array<i32>} : memref<112x192xf32, #tpu.memory_space<vmem>>, vector<16xf32>,
      %parallel_loop3A_145 = tpu.vector_load_idx %arg6[%parallel_loop3A_120, %get3A_15] : memref<112x192xf32, #tpu.memory_space<vmem>>[vector<16xi32>, vector<16xi32>], vector<16xf32>,
      %parallel_loop3A_146 = arith.index_cast %parallel_loop3A_119 : i32 to index
      %parallel_loop3A_147 = arith.constant 96 : index
      %parallel_loop3A_148 = tpu.vector_load %arg8[%parallel_loop3A_146, %parallel_loop3A_147] {strides = array<i32>} : memref<112x192xf32, #tpu.memory_space<vmem>>, vector<16xf32>,
      tpu.vector_store %arg8[%parallel_loop3A_146, %parallel_loop3A_147], %parallel_loop3A_145 {strides = array<i32>} : memref<112x192xf32, #tpu.memory_space<vmem>>, vector<16xf32>,
      %parallel_loop3A_149 = tpu.vector_load_idx %arg6[%parallel_loop3A_120, %get3A_17] : memref<112x192xf32, #tpu.memory_space<vmem>>[vector<16xi32>, vector<16xi32>], vector<16xf32>,
      %parallel_loop3A_150 = arith.index_cast %parallel_loop3A_119 : i32 to index
      %parallel_loop3A_151 = arith.constant 112 : index
      %parallel_loop3A_152 = tpu.vector_load %arg8[%parallel_loop3A_150, %parallel_loop3A_151] {strides = array<i32>} : memref<112x192xf32, #tpu.memory_space<vmem>>, vector<16xf32>,
      tpu.vector_store %arg8[%parallel_loop3A_150, %parallel_loop3A_151], %parallel_loop3A_149 {strides = array<i32>} : memref<112x192xf32, #tpu.memory_space<vmem>>, vector<16xf32>,
      %parallel_loop3A_153 = tpu.vector_load_idx %arg6[%parallel_loop3A_120, %get3A_19] : memref<112x192xf32, #tpu.memory_space<vmem>>[vector<16xi32>, vector<16xi32>], vector<16xf32>,
      %parallel_loop3A_154 = arith.index_cast %parallel_loop3A_119 : i32 to index
      %parallel_loop3A_155 = arith.constant 128 : index
      %parallel_loop3A_156 = tpu.vector_load %arg8[%parallel_loop3A_154, %parallel_loop3A_155] {strides = array<i32>} : memref<112x192xf32, #tpu.memory_space<vmem>>, vector<16xf32>,
      tpu.vector_store %arg8[%parallel_loop3A_154, %parallel_loop3A_155], %parallel_loop3A_153 {strides = array<i32>} : memref<112x192xf32, #tpu.memory_space<vmem>>, vector<16xf32>,
      %parallel_loop3A_157 = tpu.vector_load_idx %arg6[%parallel_loop3A_120, %get3A_21] : memref<112x192xf32, #tpu.memory_space<vmem>>[vector<16xi32>, vector<16xi32>], vector<16xf32>,
      %parallel_loop3A_158 = arith.index_cast %parallel_loop3A_119 : i32 to index
      %parallel_loop3A_159 = arith.constant 144 : index
      %parallel_loop3A_160 = tpu.vector_load %arg8[%parallel_loop3A_158, %parallel_loop3A_159] {strides = array<i32>} : memref<112x192xf32, #tpu.memory_space<vmem>>, vector<16xf32>,
      tpu.vector_store %arg8[%parallel_loop3A_158, %parallel_loop3A_159], %parallel_loop3A_157 {strides = array<i32>} : memref<112x192xf32, #tpu.memory_space<vmem>>, vector<16xf32>,
      %parallel_loop3A_161 = tpu.vector_load_idx %arg6[%parallel_loop3A_120, %get3A_23] : memref<112x192xf32, #tpu.memory_space<vmem>>[vector<16xi32>, vector<16xi32>], vector<16xf32>,
      %parallel_loop3A_162 = arith.index_cast %parallel_loop3A_119 : i32 to index
      %parallel_loop3A_163 = arith.constant 160 : index
      %parallel_loop3A_164 = tpu.vector_load %arg8[%parallel_loop3A_162, %parallel_loop3A_163] {strides = array<i32>} : memref<112x192xf32, #tpu.memory_space<vmem>>, vector<16xf32>,
      tpu.vector_store %arg8[%parallel_loop3A_162, %parallel_loop3A_163], %parallel_loop3A_161 {strides = array<i32>} : memref<112x192xf32, #tpu.memory_space<vmem>>, vector<16xf32>,
      %parallel_loop3A_165 = tpu.vector_load_idx %arg6[%parallel_loop3A_120, %get3A_25] : memref<112x192xf32, #tpu.memory_space<vmem>>[vector<16xi32>, vector<16xi32>], vector<16xf32>,
      %parallel_loop3A_166 = arith.index_cast %parallel_loop3A_119 : i32 to index
      %parallel_loop3A_167 = arith.constant 176 : index
      %parallel_loop3A_168 = tpu.vector_load %arg8[%parallel_loop3A_166, %parallel_loop3A_167] {strides = array<i32>} : memref<112x192xf32, #tpu.memory_space<vmem>>, vector<16xf32>,
      tpu.vector_store %arg8[%parallel_loop3A_166, %parallel_loop3A_167], %parallel_loop3A_165 {strides = array<i32>} : memref<112x192xf32, #tpu.memory_space<vmem>>, vector<16xf32>,
    } {sc.loop_unroll_factor = 4 : i64, sc.parallel_access}
    %add3A_88 = arith.constant 2912 : i32
    %add3A_89 = arith.addi %mul3A_2, %add3A_88 : i32
    %dma_start3A_90 = arith.constant 0 : i32
    %dma_start3A_91 = tpu.memref_slice %arg4[%add3A_89, %dma_start3A_90] : memref<100352x192xf32, #tpu.memory_space<hbm>> -> memref<112x192xf32, #tpu.memory_space<hbm>>
    %dma_start3A_92 = arith.constant 0 : i32
    %dma_start3A_93 = tpu.memref_slice %arg4[%add3A_89, %dma_start3A_92] : memref<100352x192xf32, #tpu.memory_space<hbm>> -> memref<112x192xf32, #tpu.memory_space<hbm>>
    tpu.enqueue_dma source(%arg8 : memref<112x192xf32, #tpu.memory_space<vmem>>) target(%dma_start3A_93 : memref<112x192xf32, #tpu.memory_space<hbm>>) target_semaphore(%arg12 : memref<!tpu.dma_semaphore, #tpu.memory_space<semaphore_mem>>)
    %dma_wait3A_94 = arith.constant 0 : i32
    %dma_wait3A_95 = tpu.memref_slice %arg2[%mul3A_2, %dma_wait3A_94] : memref<100352x192xf32, #tpu.memory_space<hbm>> -> memref<112x192xf32, #tpu.memory_space<hbm>>
    %dma_wait3A_96 = arith.constant 0 : i32
    %dma_wait3A_97 = tpu.memref_slice %arg2[%mul3A_2, %dma_wait3A_96] : memref<100352x192xf32, #tpu.memory_space<hbm>> -> memref<112x192xf32, #tpu.memory_space<hbm>>
    tpu.wait_dma2 semaphore(%arg11 : memref<!tpu.dma_semaphore, #tpu.memory_space<semaphore_mem>>) src(%dma_wait3A_97 : memref<112x192xf32, #tpu.memory_space<hbm>>) dst(%arg7 : memref<112x192xf32, #tpu.memory_space<vmem>>)
    %dma_wait3A_98 = arith.constant 0 : i32
    %dma_wait3A_99 = tpu.memref_slice %arg4[%mul3A_2, %dma_wait3A_98] : memref<100352x192xf32, #tpu.memory_space<hbm>> -> memref<112x192xf32, #tpu.memory_space<hbm>>
    %dma_wait3A_100 = arith.constant 0 : i32
    %dma_wait3A_101 = tpu.memref_slice %arg4[%mul3A_2, %dma_wait3A_100] : memref<100352x192xf32, #tpu.memory_space<hbm>> -> memref<112x192xf32, #tpu.memory_space<hbm>>
    tpu.wait_dma2 semaphore(%arg13 : memref<!tpu.dma_semaphore, #tpu.memory_space<semaphore_mem>>) src(%arg9 : memref<112x192xf32, #tpu.memory_space<vmem>>) dst(%dma_wait3A_101 : memref<112x192xf32, #tpu.memory_space<hbm>>)
    %parallel_loop3A_102 = arith.constant 0 : i32
    %parallel_loop3A_103 = arith.constant 112 : i32
    %parallel_loop3A_104 = arith.constant 1 : i32
    scf.for %parallel_loop3A_119 = %parallel_loop3A_102 to %parallel_loop3A_103 step %parallel_loop3A_104  : i32 {
      %parallel_loop3A_120 = vector.broadcast %parallel_loop3A_119 : i32 to vector<16xi32>
      %parallel_loop3A_121 = tpu.vector_load_idx %arg7[%parallel_loop3A_120, %get3A_3] : memref<112x192xf32, #tpu.memory_space<vmem>>[vector<16xi32>, vector<16xi32>], vector<16xf32>,
      %parallel_loop3A_122 = arith.index_cast %parallel_loop3A_119 : i32 to index
      %parallel_loop3A_123 = arith.constant 0 : index
      %parallel_loop3A_124 = tpu.vector_load %arg9[%parallel_loop3A_122, %parallel_loop3A_123] {strides = array<i32>} : memref<112x192xf32, #tpu.memory_space<vmem>>, vector<16xf32>,
      tpu.vector_store %arg9[%parallel_loop3A_122, %parallel_loop3A_123], %parallel_loop3A_121 {strides = array<i32>} : memref<112x192xf32, #tpu.memory_space<vmem>>, vector<16xf32>,
      %parallel_loop3A_125 = tpu.vector_load_idx %arg7[%parallel_loop3A_120, %get3A_5] : memref<112x192xf32, #tpu.memory_space<vmem>>[vector<16xi32>, vector<16xi32>], vector<16xf32>,
      %parallel_loop3A_126 = arith.index_cast %parallel_loop3A_119 : i32 to index
      %parallel_loop3A_127 = arith.constant 16 : index
      %parallel_loop3A_128 = tpu.vector_load %arg9[%parallel_loop3A_126, %parallel_loop3A_127] {strides = array<i32>} : memref<112x192xf32, #tpu.memory_space<vmem>>, vector<16xf32>,
      tpu.vector_store %arg9[%parallel_loop3A_126, %parallel_loop3A_127], %parallel_loop3A_125 {strides = array<i32>} : memref<112x192xf32, #tpu.memory_space<vmem>>, vector<16xf32>,
      %parallel_loop3A_129 = tpu.vector_load_idx %arg7[%parallel_loop3A_120, %get3A_7] : memref<112x192xf32, #tpu.memory_space<vmem>>[vector<16xi32>, vector<16xi32>], vector<16xf32>,
      %parallel_loop3A_130 = arith.index_cast %parallel_loop3A_119 : i32 to index
      %parallel_loop3A_131 = arith.constant 32 : index
      %parallel_loop3A_132 = tpu.vector_load %arg9[%parallel_loop3A_130, %parallel_loop3A_131] {strides = array<i32>} : memref<112x192xf32, #tpu.memory_space<vmem>>, vector<16xf32>,
      tpu.vector_store %arg9[%parallel_loop3A_130, %parallel_loop3A_131], %parallel_loop3A_129 {strides = array<i32>} : memref<112x192xf32, #tpu.memory_space<vmem>>, vector<16xf32>,
      %parallel_loop3A_133 = tpu.vector_load_idx %arg7[%parallel_loop3A_120, %get3A_9] : memref<112x192xf32, #tpu.memory_space<vmem>>[vector<16xi32>, vector<16xi32>], vector<16xf32>,
      %parallel_loop3A_134 = arith.index_cast %parallel_loop3A_119 : i32 to index
      %parallel_loop3A_135 = arith.constant 48 : index
      %parallel_loop3A_136 = tpu.vector_load %arg9[%parallel_loop3A_134, %parallel_loop3A_135] {strides = array<i32>} : memref<112x192xf32, #tpu.memory_space<vmem>>, vector<16xf32>,
      tpu.vector_store %arg9[%parallel_loop3A_134, %parallel_loop3A_135], %parallel_loop3A_133 {strides = array<i32>} : memref<112x192xf32, #tpu.memory_space<vmem>>, vector<16xf32>,
      %parallel_loop3A_137 = tpu.vector_load_idx %arg7[%parallel_loop3A_120, %get3A_11] : memref<112x192xf32, #tpu.memory_space<vmem>>[vector<16xi32>, vector<16xi32>], vector<16xf32>,
      %parallel_loop3A_138 = arith.index_cast %parallel_loop3A_119 : i32 to index
      %parallel_loop3A_139 = arith.constant 64 : index
      %parallel_loop3A_140 = tpu.vector_load %arg9[%parallel_loop3A_138, %parallel_loop3A_139] {strides = array<i32>} : memref<112x192xf32, #tpu.memory_space<vmem>>, vector<16xf32>,
      tpu.vector_store %arg9[%parallel_loop3A_138, %parallel_loop3A_139], %parallel_loop3A_137 {strides = array<i32>} : memref<112x192xf32, #tpu.memory_space<vmem>>, vector<16xf32>,
      %parallel_loop3A_141 = tpu.vector_load_idx %arg7[%parallel_loop3A_120, %get3A_13] : memref<112x192xf32, #tpu.memory_space<vmem>>[vector<16xi32>, vector<16xi32>], vector<16xf32>,
      %parallel_loop3A_142 = arith.index_cast %parallel_loop3A_119 : i32 to index
      %parallel_loop3A_143 = arith.constant 80 : index
      %parallel_loop3A_144 = tpu.vector_load %arg9[%parallel_loop3A_142, %parallel_loop3A_143] {strides = array<i32>} : memref<112x192xf32, #tpu.memory_space<vmem>>, vector<16xf32>,
      tpu.vector_store %arg9[%parallel_loop3A_142, %parallel_loop3A_143], %parallel_loop3A_141 {strides = array<i32>} : memref<112x192xf32, #tpu.memory_space<vmem>>, vector<16xf32>,
      %parallel_loop3A_145 = tpu.vector_load_idx %arg7[%parallel_loop3A_120, %get3A_15] : memref<112x192xf32, #tpu.memory_space<vmem>>[vector<16xi32>, vector<16xi32>], vector<16xf32>,
      %parallel_loop3A_146 = arith.index_cast %parallel_loop3A_119 : i32 to index
      %parallel_loop3A_147 = arith.constant 96 : index
      %parallel_loop3A_148 = tpu.vector_load %arg9[%parallel_loop3A_146, %parallel_loop3A_147] {strides = array<i32>} : memref<112x192xf32, #tpu.memory_space<vmem>>, vector<16xf32>,
      tpu.vector_store %arg9[%parallel_loop3A_146, %parallel_loop3A_147], %parallel_loop3A_145 {strides = array<i32>} : memref<112x192xf32, #tpu.memory_space<vmem>>, vector<16xf32>,
      %parallel_loop3A_149 = tpu.vector_load_idx %arg7[%parallel_loop3A_120, %get3A_17] : memref<112x192xf32, #tpu.memory_space<vmem>>[vector<16xi32>, vector<16xi32>], vector<16xf32>,
      %parallel_loop3A_150 = arith.index_cast %parallel_loop3A_119 : i32 to index
      %parallel_loop3A_151 = arith.constant 112 : index
      %parallel_loop3A_152 = tpu.vector_load %arg9[%parallel_loop3A_150, %parallel_loop3A_151] {strides = array<i32>} : memref<112x192xf32, #tpu.memory_space<vmem>>, vector<16xf32>,
      tpu.vector_store %arg9[%parallel_loop3A_150, %parallel_loop3A_151], %parallel_loop3A_149 {strides = array<i32>} : memref<112x192xf32, #tpu.memory_space<vmem>>, vector<16xf32>,
      %parallel_loop3A_153 = tpu.vector_load_idx %arg7[%parallel_loop3A_120, %get3A_19] : memref<112x192xf32, #tpu.memory_space<vmem>>[vector<16xi32>, vector<16xi32>], vector<16xf32>,
      %parallel_loop3A_154 = arith.index_cast %parallel_loop3A_119 : i32 to index
      %parallel_loop3A_155 = arith.constant 128 : index
      %parallel_loop3A_156 = tpu.vector_load %arg9[%parallel_loop3A_154, %parallel_loop3A_155] {strides = array<i32>} : memref<112x192xf32, #tpu.memory_space<vmem>>, vector<16xf32>,
      tpu.vector_store %arg9[%parallel_loop3A_154, %parallel_loop3A_155], %parallel_loop3A_153 {strides = array<i32>} : memref<112x192xf32, #tpu.memory_space<vmem>>, vector<16xf32>,
      %parallel_loop3A_157 = tpu.vector_load_idx %arg7[%parallel_loop3A_120, %get3A_21] : memref<112x192xf32, #tpu.memory_space<vmem>>[vector<16xi32>, vector<16xi32>], vector<16xf32>,
      %parallel_loop3A_158 = arith.index_cast %parallel_loop3A_119 : i32 to index
      %parallel_loop3A_159 = arith.constant 144 : index
      %parallel_loop3A_160 = tpu.vector_load %arg9[%parallel_loop3A_158, %parallel_loop3A_159] {strides = array<i32>} : memref<112x192xf32, #tpu.memory_space<vmem>>, vector<16xf32>,
      tpu.vector_store %arg9[%parallel_loop3A_158, %parallel_loop3A_159], %parallel_loop3A_157 {strides = array<i32>} : memref<112x192xf32, #tpu.memory_space<vmem>>, vector<16xf32>,
      %parallel_loop3A_161 = tpu.vector_load_idx %arg7[%parallel_loop3A_120, %get3A_23] : memref<112x192xf32, #tpu.memory_space<vmem>>[vector<16xi32>, vector<16xi32>], vector<16xf32>,
      %parallel_loop3A_162 = arith.index_cast %parallel_loop3A_119 : i32 to index
      %parallel_loop3A_163 = arith.constant 160 : index
      %parallel_loop3A_164 = tpu.vector_load %arg9[%parallel_loop3A_162, %parallel_loop3A_163] {strides = array<i32>} : memref<112x192xf32, #tpu.memory_space<vmem>>, vector<16xf32>,
      tpu.vector_store %arg9[%parallel_loop3A_162, %parallel_loop3A_163], %parallel_loop3A_161 {strides = array<i32>} : memref<112x192xf32, #tpu.memory_space<vmem>>, vector<16xf32>,
      %parallel_loop3A_165 = tpu.vector_load_idx %arg7[%parallel_loop3A_120, %get3A_25] : memref<112x192xf32, #tpu.memory_space<vmem>>[vector<16xi32>, vector<16xi32>], vector<16xf32>,
      %parallel_loop3A_166 = arith.index_cast %parallel_loop3A_119 : i32 to index
      %parallel_loop3A_167 = arith.constant 176 : index
      %parallel_loop3A_168 = tpu.vector_load %arg9[%parallel_loop3A_166, %parallel_loop3A_167] {strides = array<i32>} : memref<112x192xf32, #tpu.memory_space<vmem>>, vector<16xf32>,
      tpu.vector_store %arg9[%parallel_loop3A_166, %parallel_loop3A_167], %parallel_loop3A_165 {strides = array<i32>} : memref<112x192xf32, #tpu.memory_space<vmem>>, vector<16xf32>,
    } {sc.loop_unroll_factor = 4 : i64, sc.parallel_access}
    %add3A_105 = arith.constant 3024 : i32
    %add3A_106 = arith.addi %mul3A_2, %add3A_105 : i32
    %dma_start3A_107 = arith.constant 0 : i32
    %dma_start3A_108 = tpu.memref_slice %arg4[%add3A_106, %dma_start3A_107] : memref<100352x192xf32, #tpu.memory_space<hbm>> -> memref<112x192xf32, #tpu.memory_space<hbm>>
    %dma_start3A_109 = arith.constant 0 : i32
    %dma_start3A_110 = tpu.memref_slice %arg4[%add3A_106, %dma_start3A_109] : memref<100352x192xf32, #tpu.memory_space<hbm>> -> memref<112x192xf32, #tpu.memory_space<hbm>>
    tpu.enqueue_dma source(%arg9 : memref<112x192xf32, #tpu.memory_space<vmem>>) target(%dma_start3A_110 : memref<112x192xf32, #tpu.memory_space<hbm>>) target_semaphore(%arg13 : memref<!tpu.dma_semaphore, #tpu.memory_space<semaphore_mem>>)
    %dma_wait3A_111 = arith.constant 0 : i32
    %dma_wait3A_112 = tpu.memref_slice %arg4[%mul3A_2, %dma_wait3A_111] : memref<100352x192xf32, #tpu.memory_space<hbm>> -> memref<112x192xf32, #tpu.memory_space<hbm>>
    %dma_wait3A_113 = arith.constant 0 : i32
    %dma_wait3A_114 = tpu.memref_slice %arg4[%mul3A_2, %dma_wait3A_113] : memref<100352x192xf32, #tpu.memory_space<hbm>> -> memref<112x192xf32, #tpu.memory_space<hbm>>
    tpu.wait_dma2 semaphore(%arg12 : memref<!tpu.dma_semaphore, #tpu.memory_space<semaphore_mem>>) src(%arg8 : memref<112x192xf32, #tpu.memory_space<vmem>>) dst(%dma_wait3A_114 : memref<112x192xf32, #tpu.memory_space<hbm>>)
    %dma_wait3A_115 = arith.constant 0 : i32
    %dma_wait3A_116 = tpu.memref_slice %arg4[%mul3A_2, %dma_wait3A_115] : memref<100352x192xf32, #tpu.memory_space<hbm>> -> memref<112x192xf32, #tpu.memory_space<hbm>>
    %dma_wait3A_117 = arith.constant 0 : i32
    %dma_wait3A_118 = tpu.memref_slice %arg4[%mul3A_2, %dma_wait3A_117] : memref<100352x192xf32, #tpu.memory_space<hbm>> -> memref<112x192xf32, #tpu.memory_space<hbm>>
    tpu.wait_dma2 semaphore(%arg13 : memref<!tpu.dma_semaphore, #tpu.memory_space<semaphore_mem>>) src(%arg9 : memref<112x192xf32, #tpu.memory_space<vmem>>) dst(%dma_wait3A_118 : memref<112x192xf32, #tpu.memory_space<hbm>>)
    return
  }
}

</mosaic_0001>

<sc_bundles>
// kernel: kernel.3.cloned.1.call-start
scs
__scs_entry_jumppad:
0x0: {  	(pc) =	sbr.rel $0x88, $3  }
0x1: {  	(tag) =	ssettag $0x0;
	lr =	simm.s32 $0x1  }
0x2: {  	[smem:$0x3F9F] =	sst lr;
	_ =	strace $0xD0000000  }
0x3: {  	_ = 	snop  }
0x4: {  	_ = 	snop  }
0x5: {  	_ = 	snop  }
0x6: {  	_ = 	snop  }
0x7: {  	_ = 	snop  }
__scs_overlays_trampoline_lowered:
0x8: {  	[smem:$0x3FAE] =	sst s0  }
0x9: {  	[smem:$0x3FAF] =	sst s1  }
0xa: {  	[smem:$0x3FB0] =	sst s2  }
0xb: {  	[smem:$0x3FB1] =	sst s3  }
0xc: {  	[smem:$0x3FB2] =	sst s4  }
0xd: {  	[smem:$0x3FB3] =	sst s5  }
0xe: {  	[smem:$0x3FB4] =	sst s6  }
0xf: {  	[smem:$0x3FB5] =	sst s7  }
0x10: {  	[smem:$0x3FB6] =	sst s8  }
0x11: {  	[smem:$0x3FB7] =	sst s9;
	s0 =	simm.s32 @!p0 $0x0  }
0x12: {  	s1 =	sld [smem:$0x3F9D];
	s0 =	simm.s32 @p0 $0x1  }
0x13: {  	[smem:$0x3FB8] =	sst s0;
	s0 =	simm.s32 @!p1 $0x0  }
0x14: {  	s2 =	sld [smem:$0x3F9C];
	s0 =	simm.s32 @p1 $0x1  }
0x15: {  	[smem:$0x3FB9] =	sst s0;
	s0 =	simm.s32 @!p2 $0x0  }
0x16: {  	s3 =	sld [smem:$0x3FDB];
	s0 =	simm.s32 @p2 $0x1  }
0x17: {  	s4 =	simm.s32 $0x1BF5;
	[smem:$0x3FBB] =	sst s0  }
0x18: {  	s0 =	sld [smem:$0x3F9E];
	_ =	swait.ge [sflag:s4], $0x0  }
0x19: {  	s7 =	sld [smem:$0x3F9F]  }
0x1a: {  	s8 =	sadd.s32 $0xFFFFE003, lr  }
0x1b: {  	s9 =	sadd.s32 $0xFFFFFEF7, lr;
	s5 =	simm.s32 $0xFFFFFFFF;
	p2 =	slt.u32 s8, $0xFFFFF086  }
0x1c: {  	p1 =	slt.u32 s9, $0xF7A;
	s5 =	simm.s32 @!p2 $0x0  }
0x1d: {  	s5 =	simm.s32 @p1 $0x1;
	p0 =	seq.s32 s7, s2  }
0x1e: {  	s7 =	smul.u32 @!p0 $0xF7A, s2;
	p2 =	seq.s32 @!p0 s5, $0x0  }
0x1f: {  	s9 =	smul.u32 $0xF7A, s1;
	s8 =	simm.s32 @!p0 $0x1BF5;
	p2 =	por !p2, p0  }
0x20: {  	[sflag:s8] =	ssyncset.s32 @!p0 $0xFFFFF086;
	s6 =	sadd.s32 @!p0 s3, s7;
	s7 =	simm.s32 @!p0 $0x108  }
0x21: {  	s3 =	sadd.s32 s3, s9;
	s6 =	sadd.s32 @!p0 $0x88, s6;
	s7 =	simm.s32 @p2 $0x1082  }
0x22: {  	[simem:s7], [sflag:s8] =	dma.local @!p0 [hbm:s6], $0xF7A  }
0x23: {  	s9 =	sor.u32 $0xD0000000, s2;
	s6 =	simm.s32 $0x108;
	_ =	swait.ge @!p0 [sflag:s8], $0x0  }
0x24: {  	s3 =	sadd.s32 $0x88, s3;
	s6 =	simm.s32 @!p1 $0x1082;
	[sflag:s4] =	ssyncset.s32 $0xFFFFF086  }
0x25: {  	[simem:s6], [sflag:s4] =	dma.local [hbm:s3], $0xF7A  }
0x26: {  	[smem:$0x3F9F] =	sst s1;
	(tag) =	ssettag s2;
	_ =	strace s9  }
0x27: {  	s1 =	sld [smem:$0x3FAF]  }
0x28: {  	s2 =	sld [smem:$0x3FB0]  }
0x29: {  	s4 =	sld [smem:$0x3FB2]  }
0x2a: {  	p0 =	seq.s32 s5, $0x0;
	s5 =	sld [smem:$0x3FB3]  }
0x2b: {  	s6 =	sld [smem:$0x3FB4]  }
0x2c: {  	s7 =	sld [smem:$0x3FB5]  }
0x2d: {  	s3 =	simm.s32 $0x108;
	s8 =	sld [smem:$0x3FB6]  }
0x2e: {  	s3 =	simm.s32 @!p0 $0x1082;
	s9 =	sld [smem:$0x3FB7]  }
0x2f: {  	lr =	sadd.s32 s0, s3;
	s0 =	sld [smem:$0x3FAE]  }
0x30: {  	s3 =	sld [smem:$0x3FB1]  }
0x31: {  	[smem:$0x3FBA] =	sst s10  }
0x32: {  	s10 =	sld [smem:$0x3FB8];
	_ =	sdelay $0x3  }
0x33: {  	p0 =	seq.s32 s10, $0x1;
	s10 =	sld [smem:$0x3FBA];
	_ =	sdelay $0x3  }
0x34: {  	[smem:$0x3FBA] =	sst s10  }
0x35: {  	s10 =	sld [smem:$0x3FB9];
	_ =	sdelay $0x3  }
0x36: {  	p1 =	seq.s32 s10, $0x1;
	s10 =	sld [smem:$0x3FBA];
	_ =	sdelay $0x3  }
0x37: {  	[smem:$0x3FBA] =	sst s10  }
0x38: {  	s10 =	sld [smem:$0x3FBB]  }
0x39: {  	_ = 	snop;
	(pc) =	sbr.ind lr, $3  }
0x3a: {  	_ = 	snop  }
0x3b: {  	_ = 	snop  }
0x3c: {  	p2 =	seq.s32 s10, $0x1;
	s10 =	sld [smem:$0x3FBA]  }
0x3d: {  	_ =	shalt  }
0x3e: {  	_ =	shalt  }
0x3f: {  	_ =	shalt  }
0x40: {  	_ =	shalt  }
0x41: {  	_ =	shalt  }
0x42: {  	_ =	shalt  }
0x43: {  	_ =	shalt  }
0x44: {  	_ =	shalt  }
0x45: {  	_ =	shalt  }
0x46: {  	_ =	shalt  }
0x47: {  	_ =	shalt  }
0x48: {  	_ =	shalt  }
0x49: {  	_ =	shalt  }
0x4a: {  	_ =	shalt  }
0x4b: {  	_ =	shalt  }
0x4c: {  	_ =	shalt  }
0x4d: {  	_ =	shalt  }
0x4e: {  	_ =	shalt  }
0x4f: {  	_ =	shalt  }
0x50: {  	_ =	shalt  }
0x51: {  	_ =	shalt  }
0x52: {  	_ =	shalt  }
0x53: {  	_ =	shalt  }
0x54: {  	_ =	shalt  }
0x55: {  	_ =	shalt  }
0x56: {  	_ =	shalt  }
0x57: {  	_ =	shalt  }
0x58: {  	_ =	shalt  }
0x59: {  	_ =	shalt  }
0x5a: {  	_ =	shalt  }
0x5b: {  	_ =	shalt  }
0x5c: {  	_ =	shalt  }
0x5d: {  	_ =	shalt  }
0x5e: {  	_ =	shalt  }
0x5f: {  	_ =	shalt  }
0x60: {  	_ =	shalt  }
0x61: {  	_ =	shalt  }
0x62: {  	_ =	shalt  }
0x63: {  	_ =	shalt  }
0x64: {  	_ =	shalt  }
0x65: {  	_ =	shalt  }
0x66: {  	_ =	shalt  }
0x67: {  	_ =	shalt  }
0x68: {  	_ =	shalt  }
0x69: {  	_ =	shalt  }
0x6a: {  	_ =	shalt  }
0x6b: {  	_ =	shalt  }
0x6c: {  	_ =	shalt  }
0x6d: {  	_ =	shalt  }
0x6e: {  	_ =	shalt  }
0x6f: {  	_ =	shalt  }
0x70: {  	_ =	shalt  }
0x71: {  	_ =	shalt  }
0x72: {  	_ =	shalt  }
0x73: {  	_ =	shalt  }
0x74: {  	_ =	shalt  }
0x75: {  	_ =	shalt  }
0x76: {  	_ =	shalt  }
0x77: {  	_ =	shalt  }
0x78: {  	_ =	shalt  }
0x79: {  	_ =	shalt  }
0x7a: {  	_ =	shalt  }
0x7b: {  	_ =	shalt  }
0x7c: {  	_ =	shalt  }
0x7d: {  	_ =	shalt  }
0x7e: {  	_ =	shalt  }
0x7f: {  	_ =	shalt  }
0x80: {  	_ =	shalt  }
0x81: {  	_ =	shalt  }
0x82: {  	_ =	shalt  }
0x83: {  	_ =	shalt  }
0x84: {  	_ =	shalt  }
0x85: {  	_ =	shalt  }
0x86: {  	_ =	shalt  }
0x87: {  	_ =	shalt  }
.Lfunc_end0:
.L_simem_size_0:
called_computation_lowered:
.L_overlay_start_0:
0x88: {  	s2 =	sld [smem:$0x3FD9]  }
0x89: {  	s3 =	sld [smem:$0x3FFE];
	_ =	sdelay $0x1  }
0x8a: {  	s1 =	srdreg.scid  }
0x8b: {  	s0 =	sand.u32 $0x1, s1  }
0x8c: {  	s18 =	sshll.u32 s0, $0xA;
	s2 =	sadd.s32 s3, s2  }
0x8d: {  	s2 =	sadd.s32 s2, s18  }
0x8e: {  	[smem:$0x3FC6] =	sst s2  }
0x8f: {  	_ = 	snop  }
0x90: {  	s2 =	sld [smem:$0x3FC9]  }
0x91: {  	s19 =	sld [smem:$0x3FC8]  }
0x92: {  	s4 =	sld [smem:$0x3FD0];
	(tm) =	ssettm $0x1  }
0x93: {  	s5 =	sld [smem:$0x3FFB];
	_ =	sdelay $0x3  }
0x94: {  	_ =	strace s5  }
0x95: {  	s5 =	sld [smem:$0x3FFC];
	_ =	sdelay $0x3  }
0x96: {  	_ =	strace s5  }
0x97: {  	s5 =	sld [smem:$0x3FFD];
	_ =	sdelay $0x3  }
0x98: {  	_ =	strace s5  }
0x99: {  	_ =	strace $0x8FFFFFFF  }
0x9a: {  	s20 =	sld [smem:$0x3FDB];
	_ =	sdelay $0x1  }
0x9b: {  	s6 =	simm.s32 $_scs_section_size  }
0x9c: {  	s7 =	simm.s32 $_size__tile_overlayer_lowered;
	s8 =	simm.s32 $_tile_overlayer_lowered  }
0x9d: {  	s23 =	simm.s32 $0x1BFF;
	s22 =	sshll.u32 s8, $0x1;
	s5 =	sadd.s32 s6, s20  }
0x9e: {  	s9 =	simm.s32 $0x0;
	s21 =	sshll.u32 s7, $0x1;
	s7 =	sadd.s32 s22, s5  }
0x9f: {  	[timem:s9], [sflag:s23] =	dma.local [hbm:s7], s21  }
0xa0: {  	_ =	swait.ge [sflag:s23], s21  }
0xa1: {  	s6 =	ssub.s32 $0x0, s21;
	[sflag:s23] =	ssyncset.done $0x0  }
0xa2: {  	[sflag:s23] =	ssyncadd.s32 s6;
	_ =	sdelay $0x1  }
0xa3: {  	s24 =	simm.s32 $0x1B8B  }
0xa4: {  	_ =	swait.ge [sflag:s24], $0x1  }
0xa5: {  	[sflag:s24] =	ssyncset.done $0x0  }
0xa6: {  	s25 =	simm.s32 $0x1B8E;
	[sflag:s24] =	ssyncadd.s32 $0xFFFFFFFF  }
0xa7: {  	s26 =	simm.s32 $execute0_lowered;
	[smem:$0x3FD2] =	sst s25  }
0xa8: {  	s6 =	sshll.u32 s26, $0x1;
	_ =	strace $0x80000046;
	[dreg:$0x1] =	wrdreg $0xFFFFFFFF  }
0xa9: {  	s28 =	simm.s32 $_size_execute0_lowered;
	s5 =	sadd.s32 s5, s6;
	[dreg:$0x0] =	wrdreg $0x0  }
0xaa: {  	s6 =	sshll.u32 s28, $0x1;
	[dreg:$0x2] =	wrdreg s5  }
0xab: {  	[dreg:$0x3] =	wrdreg s6  }
0xac: {  	[dreg:$0x4] =	wrdreg $0xC0  }
0xad: {  	_ =	task [dreg:s9], $0x5FFFF  }
0xae: {  	[dreg:$0x1] =	wrdreg $0xFFFFFFFF  }
0xaf: {  	[dreg:$0x0] =	wrdreg $0x60  }
0xb0: {  	[dreg:$0x2] =	wrdreg s2  }
0xb1: {  	[dreg:$0x3] =	wrdreg s19  }
0xb2: {  	[dreg:$0x4] =	wrdreg s4  }
0xb3: {  	[dreg:$0x5] =	wrdreg $0x9  }
0xb4: {  	_ =	task.clear_ibuf [dreg:s9], $0x6FFFF;
	_ =	strace $0x90000046  }
0xb5: {  	s29 =	simm.s32 $0x9;
	_ =	strace $0x80000048  }
0xb6: {  	_ =	swait.ge [sflag:s29], $0x1  }
0xb7: {  	[sflag:s29] =	ssyncadd.s32 $0xFFFFFFFF  }
0xb8: {  	_ =	strace $0x90000048  }
0xb9: {  	_ =	sfence  }
0xba: {  	s30 =	sld [smem:$0x0];
	_ =	sdelay $0x2  }
0xbb: {  	s31 =	sshll.u32 s1, $0xD;
	s1 =	sshrl.u32 s1, $0x2  }
0xbc: {  	s3 =	sand.u32 $0x4000, s31;
	s1 =	sadd.s32 s1, s30  }
0xbd: {  	s0 =	sor.u32 s3, s0;
	s1 =	sshll.u32 s1, $0x11  }
0xbe: {  	s0 =	sor.u32 s1, s0  }
0xbf: {  	s0 =	sadd.s32 $0x8F2B, s0  }
0xc0: {  	[sflag:s0] =	ssyncadd.remote.s32 $0x1  }
0xc1: {  	_ =	sfence.sel $0xFFFF  }
0xc2: {  	[dreg:$0x0] =	wrdreg $0xFFFFFFFF;
	(pc) =	sbr.abs _section_cstart, $3  }
0xc3: {  	[dreg:$0x1] =	wrdreg $0xFFFFFFFF  }
0xc4: {  	_ =	task.clear_ibuf [dreg:s9], $0x2FFFF;
	_ =	strace $0x9FFFFFFF  }
0xc5: {  	(tm) =	ssettm $0x7FFFFFFF  }
tec
execute0_lowered:
.L_overlay_start_1:
0x0: {  	(tag) =	ssettag $0x1  }
0x1: {  	s0 =	srdreg.scid;
	s1 =	stileid.u32  }
0x2: {  	s0 =	sand.u32 $0x1, s0;
	s1 =	sshll.u32 s1, $0x1  }
0x3: {  	s1 =	sor.u32 s0, s1  }
0x4: {  	s5 =	rddreg [dreg:$0x0];
	s26 =	simm.s32 $0x0;
	s4 =	smul.u32 $0x18800, s1  }
0x5: {  	[smem:$0x7FF] =	sst s26;
	s7 =	smul.u32 $0xC40, s1  }
0x6: {  	s6 =	rddreg [dreg:$0x2];
	_ =	strace $0x80000047  }
0x7: {  	s0 =	ssub.s32 $0x2, s0;
	s20 =	sadd.s32 s5, s4;
	[dreg:$0x4] =	wrdreg s7  }
0x8: {  	s2 =	smul.u32 $0xC4000, s1;
	s4 =	sadd.s32 s6, s4;
	[dreg:$0x5] =	wrdreg s20  }
0x9: {  	s3 =	sshrl.u32 s0, $0x1;
	s25 =	sadd.s32 $0xE0, s7;
	[dreg:$0x7] =	wrdreg s4  }
0xa: {  	s0 =	ssub.s32 s0, s3;
	s29 =	sadd.s32 $0x70, s7;
	[dreg:$0xb] =	wrdreg s25  }
0xb: {  	s2 =	sshrl.u32 s2, $0x3;
	s30 =	sadd.s32 $0x150, s7;
	[dreg:$0xc] =	wrdreg s29  }
0xc: {  	s0 =	smax.u32 s0, $0x1;
	s19 =	sadd.s32 $0xE00, s2;
	[dreg:$0xd] =	wrdreg s30  }
0xd: {  	s22 =	sadd.s32 s5, s2;
	[dreg:$0x10] =	wrdreg s0;
	s21 =	sadd.s32 s5, s19  }
0xe: {  	s23 =	sadd.s32 $0x1C00, s22;
	[dreg:$0x6] =	wrdreg s21  }
0xf: {  	s1 =	sadd.s32 s6, s19;
	[dreg:$0x8] =	wrdreg s23  }
0x10: {  	s28 =	sadd.s32 s6, s2;
	s24 =	sadd.s32 $0x2A00, s22;
	[dreg:$0x9] =	wrdreg s1  }
0x11: {  	s31 =	sadd.s32 $0x16C00, s28;
	[dreg:$0xa] =	wrdreg s24  }
0x12: {  	s20 =	simm.s32 $0x100;
	[dreg:$0xe] =	wrdreg s31;
	s1 =	sadd.s32 $0x17A00, s28  }
0x13: {  	s2 =	simm.s32 $0x0;
	s21 =	simm.s32 $0x7100;
	[dreg:$0xf] =	wrdreg s1  }
.LBB2_1:
0x14: {  	[dreg:$0x11] =	wrdreg s2  }
0x15: {  	s0 =	rddreg [dreg:$0x1];
	s2 =	simm.s32 $0x5  }
0x16: {  	[tilespmem:s26], [sflag:$0x5] =	stream.linear.gather [hbm4b:s0+s26], $0x100, $0x38;
	[tilespmem:$0x1C100] =	vst v63  }
0x17: {  	_ =	swait.ge [sflag:s2], $0x100  }
0x18: {  	[sflag:s2] =	ssyncset.done $0x0  }
0x19: {  	[sflag:s2] =	ssyncadd.s32 $0xFFFFFF00  }
0x1a: {  	v0 =	vld [tilespmem:$0x0]  }
0x1b: {  	v1 =	vld [tilespmem:$0x10]  }
0x1c: {  	v2 =	vld [tilespmem:$0x20]  }
0x1d: {  	v3 =	vld [tilespmem:$0x30]  }
0x1e: {  	s3 =	simm.s32 $0x1;
	s30 =	simm.s32 $0x2;
	s4 =	simm.s32 $0x3;
	v4 =	vld [tilespmem:$0x40]  }
0x1f: {  	s12 =	simm.s32 $0x4;
	v5 =	vmov s3;
	v7 =	vmov s30;
	v10 =	vmov s4;
	v22 =	vld [tilespmem:$0xA0]  }
0x20: {  	v53 =	vmov s12;
	v11 =	vshll.u32 v7, $0x7;
	v13 =	vshll.u32 v10, $0x8;
	v31 =	vld [tilespmem:$0xB0]  }
0x21: {  	v7 =	vshll.u32 v7, $0x8;
	v10 =	vshll.u32 v10, $0x7;
	v54 =	vshll.u32 v53, $0x7  }
0x22: {  	v23 =	vand.u32 $0x7800, v13;
	v30 =	vand.u32 $0x380, v10;
	v25 =	vand.u32 $0x7800, v7  }
0x23: {  	v28 =	vand.u32 $0x300, v11;
	v20 =	vand.u32 $0x7F, v0;
	v0 =	vshll.u32 v0, $0x3  }
0x24: {  	v18 =	vand.u32 $0x7F, v1;
	v16 =	vand.u32 $0x7F, v2;
	v12 =	vand.u32 $0x7F, v3  }
0x25: {  	v6 =	vand.u32 $0x7F, v4;
	v62 =	vshll.u32 v22, $0x3;
	v40 =	vshll.u32 v31, $0x3  }
0x26: {  	v22 =	vand.u32 $0x7F, v22;
	v21 =	vand.u32 $0xFFFFFC00, v0;
	v0 =	vshll.u32 v1, $0x3  }
0x27: {  	v19 =	vand.u32 $0xFFFFFC00, v0;
	v0 =	vshll.u32 v2, $0x3;
	v2 =	vmov s26  }
0x28: {  	v1 =	vld [tilespmem:$0x50];
	v7 =	vadd.s32 v21, v25;
	v17 =	vand.u32 $0xFFFFFC00, v0;
	v0 =	vshll.u32 v3, $0x3  }
0x29: {  	v7 =	vor.u32 v28, v7;
	v14 =	vand.u32 $0xFFFFFC00, v0;
	v0 =	vshll.u32 v4, $0x3  }
0x2a: {  	v58 =	vadd.s32 v17, v25;
	v9 =	vand.u32 $0xFFFFFC00, v0;
	v0 =	vshll.u32 v2, $0x7  }
0x2b: {  	v2 =	vshll.u32 v2, $0x8;
	v60 =	vor.u32 v28, v58;
	v43 =	vadd.s32 v14, v23  }
0x2c: {  	v46 =	vadd.s32 v14, v25;
	v27 =	vand.u32 $0x7800, v2;
	v2 =	vshll.u32 v5, $0x7  }
0x2d: {  	v8 =	vld [tilespmem:$0x80];
	v5 =	vshll.u32 v5, $0x8;
	v26 =	vand.u32 $0x200, v0;
	v13 =	vand.u32 $0x7F, v1  }
0x2e: {  	v32 =	vld [tilespmem:$0x90];
	v1 =	vshll.u32 v1, $0x3;
	v41 =	vadd.s32 v9, v23;
	v42 =	vadd.s32 v9, v25  }
0x2f: {  	s5 =	rddreg [dreg:$0x5];
	v3 =	vld [tilespmem:$0x60];
	v24 =	vand.u32 $0x7800, v5;
	v5 =	vadd.s32 v21, v23;
	v29 =	vand.u32 $0x280, v2  }
0x30: {  	v4 =	vld [tilespmem:$0x70];
	[tilespmem:s20], [sflag:$0x1] =	stream.linear.gather [hbm4b:s5+s26], $0x7000, $0x38;
	v0 =	vadd.s32 v21, v27;
	v15 =	vand.u32 $0xFFFFFC00, v1;
	v2 =	vor.u32 v30, v5  }
0x31: {  	s7 =	simm.s32 $0x1;
	s6 =	rddreg [dreg:$0x6];
	v10 =	vadd.s32 v21, v24;
	v0 =	vor.u32 v26, v0;
	v2 =	vor.u32 v20, v2  }
0x32: {  	[tilespmem:s21], [sflag:$0x2] =	stream.linear.gather [hbm4b:s6+s26], $0x7000, $0x38;
	v44 =	vadd.s32 v14, v27;
	v5 =	vor.u32 v29, v10;
	v0 =	vor.u32 v20, v0;
	[tilespmem:$0x1C100] =	vst v63  }
0x33: {  	_ =	swait.ge [sflag:s7], $0x7000;
	v50 =	vor.u32 v30, v41;
	v51 =	vadd.s32 v9, v27;
	v5 =	vor.u32 v20, v5  }
0x34: {  	v42 =	vor.u32 v28, v42;
	[sflag:s7] =	ssyncset.done $0x0;
	v10 =	vor.u32 v20, v7;
	v7 =	vadd.s32 v19, v23  }
0x35: {  	[sflag:s7] =	ssyncadd.s32 $0xFFFF9000;
	v11 =	vor.u32 v30, v7;
	v7 =	vand.u32 $0x7F, v3;
	v3 =	vshll.u32 v3, $0x3  }
0x36: {  	v34 =	vor.u32 v18, v11;
	v11 =	vand.u32 $0xFFFFFC00, v3;
	v3 =	vadd.s32 v19, v27;
	v2 =	vld.idx.msk [tilespmem:v2+s20+$0x0], $0xffff  }
0x37: {  	s8 =	simm.s32 $0x180;
	s1 =	sand.u32 $0x7800, s26;
	v1 =	vadd.s32 v19, v24;
	v37 =	vadd.s32 v17, v24;
	v3 =	vor.u32 v26, v3;
	v0 =	vld.idx.msk [tilespmem:v0+s20+$0x0], $0xffff  }
0x38: {  	s9 =	simm.s32 $0x80;
	s11 =	simm.s32 $0x100;
	s3 =	sadd.s32 $0xE100, s1;
	v45 =	vadd.s32 v14, v24;
	v1 =	vor.u32 v29, v1;
	v3 =	vor.u32 v18, v3;
	v33 =	vld.idx.msk [tilespmem:v5+s20+$0x0], $0xffff  }
0x39: {  	s0 =	sand.u32 $0x380, s8;
	s10 =	sand.u32 $0x280, s9;
	s4 =	simm.s32 $0x0;
	v52 =	vadd.s32 v9, v24;
	v56 =	vor.u32 v6, v42;
	v1 =	vor.u32 v18, v1  }
0x3a: {  	s1 =	sadd.s32 s0, s3;
	s4 =	sand.u32 $0x200, s4;
	s2 =	sand.u32 $0x300, s11;
	v58 =	vadd.s32 v15, v23;
	v41 =	vor.u32 v29, v52;
	v5 =	vadd.s32 v19, v25  }
0x3b: {  	s0 =	sor.u32 s10, s3;
	s2 =	sadd.s32 s2, s3;
	s3 =	sor.u32 s4, s3;
	v41 =	vor.u32 v6, v41;
	v35 =	vld.idx.msk [tilespmem:v10+s20+$0x0], $0xffff;
	v10 =	vor.u32 v28, v5;
	v5 =	vand.u32 $0x7F, v4;
	[tilespmem:s1+$0x0] =	vst v2  }
0x3c: {  	v4 =	vshll.u32 v4, $0x3;
	v36 =	vor.u32 v18, v10;
	v2 =	vadd.s32 v17, v23;
	[tilespmem:s3+$0x0] =	vst v0  }
0x3d: {  	v10 =	vand.u32 $0xFFFFFC00, v4;
	v4 =	vand.u32 $0x7F, v8;
	[tilespmem:s0+$0x0] =	vst v33;
	v2 =	vor.u32 v30, v2;
	v61 =	vld.idx.msk [tilespmem:v3+s20+$0x0], $0xffff  }
0x3e: {  	v3 =	vshll.u32 v32, $0x3;
	v33 =	vld.idx.msk [tilespmem:v1+s20+$0x0], $0xffff;
	v38 =	vor.u32 v16, v2;
	v1 =	vor.u32 v29, v37  }
0x3f: {  	v34 =	vld.idx.msk [tilespmem:v34+s20+$0x0], $0xffff;
	v2 =	vshll.u32 v8, $0x3;
	v3 =	vand.u32 $0xFFFFFC00, v3;
	v59 =	vor.u32 v16, v1  }
0x40: {  	[tilespmem:s2+$0x0] =	vst v35;
	v8 =	vand.u32 $0xFFFFFC00, v2;
	v1 =	vadd.s32 v17, v27;
	v2 =	vand.u32 $0x7F, v32  }
0x41: {  	v0 =	vld.idx.msk [tilespmem:v36+s20+$0x0], $0xffff;
	v36 =	vor.u32 v16, v60;
	v32 =	vor.u32 v26, v51;
	v60 =	vadd.s32 v15, v24  }
0x42: {  	v42 =	vadd.s32 v3, v27;
	v51 =	vadd.s32 v10, v27;
	v1 =	vor.u32 v26, v1  }
0x43: {  	v52 =	vadd.s32 v8, v27;
	v51 =	vor.u32 v26, v51;
	v39 =	vor.u32 v16, v1  }
0x44: {  	s13 =	simm.s32 $0x5;
	v1 =	vand.u32 $0xFFFFFC00, v62;
	v62 =	vadd.s32 v15, v25;
	[tilespmem:s1+$0x10] =	vst v34;
	v34 =	vor.u32 v30, v43  }
0x45: {  	s5 =	simm.s32 $0x6;
	v51 =	vor.u32 v5, v51;
	v43 =	vmov s13;
	v63 =	vld.idx.msk [tilespmem:v38+s20+$0x0], $0xffff;
	[tilespmem:s0+$0x10] =	vst v33;
	v34 =	vor.u32 v12, v34  }
0x46: {  	v33 =	vor.u32 v26, v44;
	v44 =	vmov s5;
	v35 =	vld.idx.msk [tilespmem:v59+s20+$0x0], $0xffff;
	[tilespmem:s2+$0x10] =	vst v0;
	v0 =	vor.u32 v29, v45  }
0x47: {  	v38 =	vor.u32 v28, v62;
	v62 =	vadd.s32 v10, v23;
	v36 =	vld.idx.msk [tilespmem:v36+s20+$0x0], $0xffff;
	v47 =	vor.u32 v12, v0  }
0x48: {  	[tilespmem:s3+$0x10] =	vst v61;
	v33 =	vor.u32 v12, v33;
	v45 =	vor.u32 v6, v32;
	v0 =	vor.u32 v28, v46  }
0x49: {  	v32 =	vand.u32 $0x200, v54;
	v59 =	vadd.s32 v15, v27;
	v48 =	vld.idx.msk [tilespmem:v39+s20+$0x0], $0xffff;
	v49 =	vor.u32 v12, v0  }
0x4a: {  	v38 =	vor.u32 v13, v38;
	v46 =	vadd.s32 v1, v27;
	v0 =	vand.u32 $0xFFFFFC00, v40;
	[tilespmem:s1+$0x20] =	vst v63  }
0x4b: {  	v40 =	vor.u32 v6, v50;
	v34 =	vld.idx.msk [tilespmem:v34+s20+$0x0], $0xffff;
	[tilespmem:s0+$0x20] =	vst v35;
	v35 =	vshll.u32 v53, $0x8;
	v53 =	vadd.s32 v11, v23  }
0x4c: {  	v63 =	vshll.u32 v43, $0x8;
	v37 =	vld.idx.msk [tilespmem:v47+s20+$0x0], $0xffff;
	[tilespmem:s2+$0x20] =	vst v36;
	v36 =	vadd.s32 v0, v27;
	v47 =	vor.u32 v30, v58  }
0x4d: {  	v27 =	vadd.s32 v11, v27;
	v53 =	vor.u32 v30, v53;
	v58 =	vadd.s32 v11, v24  }
0x4e: {  	[tilespmem:s3+$0x20] =	vst v48;
	v55 =	vld.idx.msk [tilespmem:v49+s20+$0x0], $0xffff;
	v47 =	vor.u32 v13, v47;
	v48 =	vshll.u32 v43, $0x7;
	v53 =	vor.u32 v7, v53  }
0x4f: {  	v27 =	vor.u32 v26, v27;
	v43 =	vadd.s32 v1, v25;
	v57 =	vld.idx.msk [tilespmem:v33+s20+$0x0], $0xffff;
	v33 =	vand.u32 $0x7800, v35  }
0x50: {  	v35 =	vor.u32 v29, v60;
	v60 =	vadd.s32 v11, v25;
	v27 =	vor.u32 v7, v27;
	[tilespmem:s1+$0x30] =	vst v34  }
0x51: {  	v49 =	vshll.u32 v44, $0x7;
	v43 =	vor.u32 v28, v43;
	v35 =	vor.u32 v13, v35;
	[tilespmem:s0+$0x30] =	vst v37;
	v61 =	vld.idx.msk [tilespmem:v40+s20+$0x0], $0xffff  }
0x52: {  	v43 =	vor.u32 v22, v43;
	v34 =	vor.u32 v26, v59;
	v59 =	vor.u32 v29, v58;
	v41 =	vld.idx.msk [tilespmem:v41+s20+$0x0], $0xffff  }
0x53: {  	v50 =	vor.u32 v13, v34;
	v34 =	vadd.s32 v14, v33;
	v40 =	vadd.s32 v19, v33;
	[tilespmem:s2+$0x30] =	vst v55  }
0x54: {  	v37 =	vadd.s32 v17, v33;
	v55 =	vshll.u32 v44, $0x8;
	v44 =	vadd.s32 v1, v24;
	[tilespmem:s3+$0x30] =	vst v57;
	v39 =	vld.idx.msk [tilespmem:v56+s20+$0x0], $0xffff  }
0x55: {  	v40 =	vor.u32 v32, v40;
	v37 =	vor.u32 v32, v37;
	v34 =	vor.u32 v32, v34;
	v45 =	vld.idx.msk [tilespmem:v45+s20+$0x0], $0xffff  }
0x56: {  	v56 =	vor.u32 v7, v59;
	v44 =	vor.u32 v29, v44;
	v40 =	vor.u32 v18, v40;
	[tilespmem:s1+$0x40] =	vst v61  }
0x57: {  	v37 =	vor.u32 v16, v37;
	v34 =	vor.u32 v12, v34;
	v47 =	vld.idx.msk [tilespmem:v47+s20+$0x0], $0xffff;
	[tilespmem:s0+$0x40] =	vst v41  }
0x58: {  	v44 =	vor.u32 v22, v44;
	v61 =	vadd.s32 v21, v33;
	v41 =	vand.u32 $0x7800, v55;
	v54 =	vld.idx.msk [tilespmem:v35+s20+$0x0], $0xffff  }
0x59: {  	[tilespmem:s2+$0x40] =	vst v39;
	v39 =	vor.u32 v28, v60;
	v35 =	vor.u32 v26, v36;
	v36 =	vadd.s32 v0, v25  }
0x5a: {  	v60 =	vadd.s32 v10, v25;
	v59 =	vadd.s32 v21, v41;
	[tilespmem:s3+$0x40] =	vst v45;
	v57 =	vld.idx.msk [tilespmem:v38+s20+$0x0], $0xffff  }
0x5b: {  	v58 =	vor.u32 v7, v39;
	v39 =	vadd.s32 v0, v24;
	v38 =	vor.u32 v26, v46;
	v50 =	vld.idx.msk [tilespmem:v50+s20+$0x0], $0xffff  }
0x5c: {  	v46 =	vor.u32 v30, v62;
	v55 =	vor.u32 v28, v60;
	v45 =	vor.u32 v32, v61  }
0x5d: {  	v46 =	vor.u32 v5, v46;
	v55 =	vor.u32 v5, v55;
	v45 =	vor.u32 v20, v45;
	[tilespmem:s1+$0x50] =	vst v47  }
0x5e: {  	v47 =	vor.u32 v26, v42;
	v42 =	vand.u32 $0x7800, v63;
	v63 =	vadd.s32 v10, v24;
	v53 =	vld.idx.msk [tilespmem:v53+s20+$0x0], $0xffff;
	[tilespmem:s0+$0x50] =	vst v54  }
0x5f: {  	v38 =	vor.u32 v22, v38;
	v54 =	vor.u32 v29, v63;
	v56 =	vld.idx.msk [tilespmem:v56+s20+$0x0], $0xffff;
	[tilespmem:s2+$0x50] =	vst v57  }
0x60: {  	v26 =	vor.u32 v26, v52;
	[tilespmem:s3+$0x50] =	vst v50;
	v50 =	vor.u32 v5, v54;
	v57 =	vld.idx.msk [tilespmem:v58+s20+$0x0], $0xffff  }
0x61: {  	v52 =	vadd.s32 v8, v25;
	v47 =	vor.u32 v2, v47;
	v54 =	vadd.s32 v3, v24;
	v27 =	vld.idx.msk [tilespmem:v27+s20+$0x0], $0xffff  }
0x62: {  	v58 =	vadd.s32 v3, v25;
	v24 =	vadd.s32 v8, v24;
	v25 =	vadd.s32 v8, v23  }
0x63: {  	v60 =	vor.u32 v30, v25;
	v25 =	vand.u32 $0x280, v48;
	v48 =	vor.u32 v4, v26;
	[tilespmem:s1+$0x60] =	vst v53  }
0x64: {  	s14 =	simm.s32 $0x7;
	v24 =	vor.u32 v29, v24;
	v61 =	vor.u32 v4, v60;
	v46 =	vld.idx.msk [tilespmem:v46+s20+$0x0], $0xffff;
	[tilespmem:s0+$0x60] =	vst v56  }
0x65: {  	v26 =	vmov s14;
	v60 =	vadd.s32 v3, v23;
	v53 =	vadd.s32 v21, v42;
	v50 =	vld.idx.msk [tilespmem:v50+s20+$0x0], $0xffff;
	[tilespmem:s2+$0x60] =	vst v57  }
0x66: {  	v57 =	vor.u32 v4, v24;
	v24 =	vor.u32 v28, v52;
	[tilespmem:s3+$0x60] =	vst v27;
	v55 =	vld.idx.msk [tilespmem:v55+s20+$0x0], $0xffff;
	v27 =	vshll.u32 v26, $0x8  }
0x67: {  	v26 =	vshll.u32 v26, $0x7;
	v52 =	vor.u32 v4, v24;
	v51 =	vld.idx.msk [tilespmem:v51+s20+$0x0], $0xffff;
	v27 =	vand.u32 $0x7800, v27  }
0x68: {  	v45 =	vld.idx.msk [tilespmem:v45+s20+$0x0], $0xffff;
	v24 =	vor.u32 v25, v53;
	v26 =	vand.u32 $0x380, v26;
	v62 =	vadd.s32 v21, v27  }
0x69: {  	v63 =	vor.u32 v30, v60;
	[tilespmem:s1+$0x70] =	vst v46;
	v46 =	vor.u32 v20, v24;
	v53 =	vor.u32 v26, v62  }
0x6a: {  	s15 =	sand.u32 $0x7, s26;
	p0 =	por $0x0, $0x0;
	s17 =	sand.u32 $0x3, s26;
	v24 =	vand.u32 $0x300, v49;
	v62 =	vor.u32 v28, v58;
	v56 =	vld.idx.msk [tilespmem:v61+s20+$0x0], $0xffff;
	v49 =	vor.u32 v20, v53;
	[tilespmem:s0+$0x70] =	vst v50  }
0x6b: {  	s28 =	simm.s32 $0x280;
	s16 =	sshll.u32 s15, $0x7;
	s4 =	simm.s32 $0x1;
	v60 =	vor.u32 v24, v59;
	v50 =	vor.u32 v2, v63;
	v57 =	vld.idx.msk [tilespmem:v57+s20+$0x0], $0xffff;
	[tilespmem:s2+$0x70] =	vst v55  }
0x6c: {  	s8 =	simm.s32 $0x380;
	s4 =	simm.s32 @!p0 $0x0;
	s0 =	sadd.s32 $0x0, s16;
	v61 =	vor.u32 v29, v54;
	v53 =	vor.u32 v20, v60;
	[tilespmem:s3+$0x70] =	vst v51;
	v52 =	vld.idx.msk [tilespmem:v52+s20+$0x0], $0xffff  }
0x6d: {  	s4 =	sshll.u32 s4, $0x9;
	s1 =	sshll.u32 s17, $0x8;
	v58 =	vadd.s32 v19, v42;
	v28 =	vor.u32 v28, v36;
	v51 =	vor.u32 v2, v61;
	s3 =	sadd.s32 $0x180, s0;
	v48 =	vld.idx.msk [tilespmem:v48+s20+$0x0], $0xffff  }
0x6e: {  	v54 =	vadd.s32 v17, v42;
	v59 =	vadd.s32 v17, v41;
	s1 =	sadd.s32 $0x0, s1;
	v58 =	vor.u32 v25, v58;
	s2 =	sadd.s32 $0x80, s0;
	s18 =	sor.u32 $0x400, s3;
	v46 =	vld.idx.msk [tilespmem:v46+s20+$0x0], $0xffff  }
0x6f: {  	s7 =	simm.s32 $0x400;
	v55 =	vor.u32 v2, v62;
	v60 =	vadd.s32 v19, v27;
	s0 =	sadd.s32 $0x100, s1;
	s19 =	sor.u32 $0x400, s2;
	v49 =	vld.idx.msk [tilespmem:v49+s20+$0x0], $0xffff;
	[tilespmem:s18+$0xE100] =	vst v56  }
0x70: {  	s6 =	sand.u32 $0x7800, s7;
	v60 =	vor.u32 v26, v60;
	v61 =	vadd.s32 v1, v23;
	s1 =	sadd.s32 $0x0, s4;
	s22 =	sor.u32 $0x400, s0;
	v50 =	vld.idx.msk [tilespmem:v50+s20+$0x0], $0xffff;
	[tilespmem:s19+$0xE100] =	vst v57  }
0x71: {  	s24 =	sadd.s32 $0xE100, s6;
	s5 =	sand.u32 $0x280, s28;
	v60 =	vor.u32 v18, v60;
	v63 =	vor.u32 v30, v61;
	s23 =	sor.u32 $0x400, s1;
	v53 =	vld.idx.msk [tilespmem:v53+s20+$0x0], $0xffff;
	[tilespmem:s22+$0xE100] =	vst v52  }
0x72: {  	s25 =	sand.u32 $0x380, s8;
	s16 =	sor.u32 s5, s24;
	v61 =	vor.u32 v22, v63;
	v56 =	vadd.s32 v19, v41;
	v51 =	vld.idx.msk [tilespmem:v51+s20+$0x0], $0xffff;
	[tilespmem:s23+$0xE100] =	vst v48  }
0x73: {  	s29 =	simm.s32 $0x300;
	s12 =	sadd.s32 s25, s24;
	v29 =	vor.u32 v29, v39;
	v62 =	vor.u32 v18, v58;
	v56 =	vor.u32 v24, v56;
	[tilespmem:s16+$0x0] =	vst v46  }
0x74: {  	s6 =	sand.u32 $0x300, s29;
	s9 =	sor.u32 $0x410, s3;
	v63 =	vadd.s32 v17, v27;
	v48 =	vld.idx.msk [tilespmem:v55+s20+$0x0], $0xffff;
	v55 =	vor.u32 v18, v56;
	[tilespmem:s12+$0x0] =	vst v49  }
0x75: {  	s10 =	simm.s32 $0x200;
	s17 =	sadd.s32 s6, s24;
	v52 =	vadd.s32 v9, v27;
	v56 =	vor.u32 v24, v59;
	v47 =	vld.idx.msk [tilespmem:v47+s20+$0x0], $0xffff;
	[tilespmem:s9+$0xE100] =	vst v50  }
0x76: {  	v59 =	vadd.s32 v14, v27;
	v36 =	vor.u32 v26, v52;
	v49 =	vld.idx.msk [tilespmem:v60+s20+$0x0], $0xffff;
	s9 =	sand.u32 $0x200, s10;
	[tilespmem:s17+$0x0] =	vst v53;
	s10 =	sor.u32 $0x410, s2  }
0x77: {  	v52 =	vadd.s32 v10, v33;
	v57 =	vor.u32 v16, v56;
	v50 =	vld.idx.msk [tilespmem:v61+s20+$0x0], $0xffff;
	s11 =	sor.u32 s9, s24;
	[tilespmem:s10+$0xE100] =	vst v51  }
0x78: {  	s13 =	sor.u32 $0x410, s0;
	v60 =	vor.u32 v26, v63;
	v61 =	vadd.s32 v0, v23;
	v23 =	vand.u32 $0x7F, v31;
	v31 =	vld.idx.msk [tilespmem:v62+s20+$0x0], $0xffff;
	[tilespmem:s11+$0x0] =	vst v45  }
0x79: {  	s15 =	sor.u32 $0x410, s1;
	v46 =	vor.u32 v16, v60;
	v62 =	vor.u32 v25, v54;
	v63 =	vld.idx.msk [tilespmem:v55+s20+$0x0], $0xffff;
	[tilespmem:s13+$0xE100] =	vst v48  }
0x7a: {  	v30 =	vor.u32 v30, v61;
	v45 =	vor.u32 v16, v62;
	v44 =	vld.idx.msk [tilespmem:v44+s20+$0x0], $0xffff;
	[tilespmem:s15+$0xE100] =	vst v47  }
0x7b: {  	s14 =	sor.u32 $0x420, s3;
	v52 =	vor.u32 v32, v52;
	v30 =	vor.u32 v23, v30;
	v40 =	vld.idx.msk [tilespmem:v40+s20+$0x0], $0xffff;
	[tilespmem:s12+$0x10] =	vst v49  }
0x7c: {  	v36 =	vor.u32 v6, v36;
	v52 =	vor.u32 v5, v52;
	v39 =	vld.idx.msk [tilespmem:v43+s20+$0x0], $0xffff;
	[tilespmem:s14+$0xE100] =	vst v50  }
0x7d: {  	v53 =	vadd.s32 v9, v42;
	v60 =	vadd.s32 v14, v42;
	v38 =	vld.idx.msk [tilespmem:v38+s20+$0x0], $0xffff;
	[tilespmem:s16+$0x10] =	vst v31  }
0x7e: {  	s18 =	sor.u32 $0x420, s2;
	v29 =	vor.u32 v23, v29;
	v61 =	vor.u32 v25, v60;
	v58 =	vld.idx.msk [tilespmem:v46+s20+$0x0], $0xffff;
	[tilespmem:s17+$0x10] =	vst v63  }
0x7f: {  	v35 =	vor.u32 v23, v35;
	v31 =	vor.u32 v26, v59;
	v45 =	vld.idx.msk [tilespmem:v45+s20+$0x0], $0xffff;
	[tilespmem:s18+$0xE100] =	vst v44  }
0x80: {  	s22 =	sor.u32 $0x420, s0;
	v31 =	vor.u32 v12, v31;
	v63 =	vadd.s32 v14, v41;
	v30 =	vld.idx.msk [tilespmem:v30+s20+$0x0], $0xffff;
	[tilespmem:s11+$0x10] =	vst v40  }
0x81: {  	s23 =	sor.u32 $0x420, s1;
	v62 =	vld.idx.msk [tilespmem:v57+s20+$0x0], $0xffff;
	v40 =	vor.u32 v12, v61;
	v48 =	vor.u32 v24, v63;
	[tilespmem:s22+$0xE100] =	vst v39  }
0x82: {  	v28 =	vor.u32 v23, v28;
	v37 =	vld.idx.msk [tilespmem:v37+s20+$0x0], $0xffff;
	v51 =	vor.u32 v12, v48;
	[tilespmem:s23+$0xE100] =	vst v38  }
0x83: {  	s19 =	simm.s32 $0x8;
	v55 =	vor.u32 v25, v53;
	v49 =	vadd.s32 v1, v33;
	v29 =	vld.idx.msk [tilespmem:v29+s20+$0x0], $0xffff;
	[tilespmem:s12+$0x20] =	vst v58  }
0x84: {  	s3 =	sor.u32 $0x430, s3;
	v54 =	vmov s19;
	v46 =	vadd.s32 v0, v33;
	v57 =	vadd.s32 v9, v41;
	v35 =	vld.idx.msk [tilespmem:v35+s20+$0x0], $0xffff;
	[tilespmem:s16+$0x20] =	vst v45  }
0x85: {  	v60 =	vshll.u32 v54, $0x8;
	v39 =	vadd.s32 v1, v41;
	v38 =	vadd.s32 v3, v33;
	v31 =	vld.idx.msk [tilespmem:v31+s20+$0x0], $0xffff;
	[tilespmem:s3+$0xE100] =	vst v30  }
0x86: {  	v58 =	vshll.u32 v54, $0x7;
	v54 =	vadd.s32 v15, v42;
	v45 =	vor.u32 v24, v57;
	v40 =	vld.idx.msk [tilespmem:v40+s20+$0x0], $0xffff;
	[tilespmem:s17+$0x20] =	vst v62  }
0x87: {  	s25 =	simm.s32 $0xA;
	s2 =	sor.u32 $0x430, s2;
	v30 =	vadd.s32 v9, v33;
	[tilespmem:s11+$0x20] =	vst v37;
	v56 =	vld.idx.msk [tilespmem:v51+s20+$0x0], $0xffff;
	v37 =	vor.u32 v6, v55  }
0x88: {  	s1 =	sor.u32 $0x430, s1;
	v59 =	vmov s25;
	v61 =	vor.u32 v6, v45;
	[tilespmem:s2+$0xE100] =	vst v29;
	v30 =	vor.u32 v32, v30;
	v34 =	vld.idx.msk [tilespmem:v34+s20+$0x0], $0xffff  }
0x89: {  	v48 =	vshll.u32 v59, $0x8;
	v57 =	vadd.s32 v15, v41;
	v62 =	vld.idx.msk [tilespmem:v28+s20+$0x0], $0xffff;
	v30 =	vor.u32 v6, v30;
	[tilespmem:s1+$0xE100] =	vst v35  }
0x8a: {  	v28 =	vadd.s32 v15, v27;
	v29 =	vadd.s32 v15, v33;
	v44 =	vor.u32 v24, v57;
	[tilespmem:s12+$0x30] =	vst v31  }
0x8b: {  	s24 =	simm.s32 $0x9;
	v45 =	vshll.u32 v59, $0x7;
	v59 =	vadd.s32 v11, v41;
	v53 =	vor.u32 v26, v28;
	v36 =	vld.idx.msk [tilespmem:v36+s20+$0x0], $0xffff;
	[tilespmem:s16+$0x30] =	vst v40  }
0x8c: {  	v63 =	vmov s24;
	v55 =	vor.u32 v25, v54;
	v29 =	vor.u32 v32, v29;
	v37 =	vld.idx.msk [tilespmem:v37+s20+$0x0], $0xffff;
	[tilespmem:s17+$0x30] =	vst v56  }
0x8d: {  	v28 =	vand.u32 $0x7800, v60;
	v60 =	vadd.s32 v11, v27;
	v40 =	vor.u32 v13, v53;
	[tilespmem:s11+$0x30] =	vst v34;
	v56 =	vld.idx.msk [tilespmem:v61+s20+$0x0], $0xffff  }
0x8e: {  	s0 =	sor.u32 $0x430, s0;
	v29 =	vor.u32 v13, v29;
	v35 =	vadd.s32 v14, v28;
	v34 =	vor.u32 v13, v55;
	v30 =	vld.idx.msk [tilespmem:v30+s20+$0x0], $0xffff  }
0x8f: {  	v31 =	vand.u32 $0x200, v58;
	v58 =	vor.u32 v13, v44;
	v44 =	vadd.s32 v19, v28;
	[tilespmem:s0+$0xE100] =	vst v62  }
0x90: {  	v53 =	vadd.s32 v8, v33;
	v33 =	vadd.s32 v11, v33;
	v62 =	vadd.s32 v11, v42;
	[tilespmem:s12+$0x40] =	vst v36  }
0x91: {  	v33 =	vor.u32 v32, v33;
	v61 =	vor.u32 v26, v60;
	v55 =	vadd.s32 v21, v28;
	[tilespmem:s16+$0x40] =	vst v37  }
0x92: {  	v43 =	vshll.u32 v63, $0x7;
	v57 =	vor.u32 v7, v33;
	v33 =	vor.u32 v32, v49;
	v40 =	vld.idx.msk [tilespmem:v40+s20+$0x0], $0xffff;
	[tilespmem:s17+$0x40] =	vst v56  }
0x93: {  	v47 =	vshll.u32 v63, $0x8;
	v37 =	vor.u32 v7, v61;
	v63 =	vld.idx.msk [tilespmem:v34+s20+$0x0], $0xffff;
	[tilespmem:s11+$0x40] =	vst v30;
	v30 =	vor.u32 v25, v62  }
0x94: {  	v36 =	vadd.s32 v17, v28;
	v50 =	vld.idx.msk [tilespmem:v58+s20+$0x0], $0xffff;
	v51 =	vor.u32 v7, v30;
	v30 =	vor.u32 v24, v59  }
0x95: {  	v61 =	vadd.s32 v10, v27;
	v34 =	vadd.s32 v0, v42;
	v54 =	vld.idx.msk [tilespmem:v29+s20+$0x0], $0xffff;
	v60 =	vor.u32 v7, v30  }
0x96: {  	v62 =	vor.u32 v26, v61;
	v29 =	vor.u32 v32, v46;
	v46 =	vor.u32 v32, v38  }
0x97: {  	v38 =	vand.u32 $0x7800, v48;
	v59 =	vadd.s32 v10, v41;
	v48 =	vadd.s32 v3, v42;
	[tilespmem:s12+$0x50] =	vst v40  }
0x98: {  	p0 =	por !p0, !p0;
	s1 =	simm.s32 $0x1;
	v30 =	vadd.s32 v0, v41;
	v49 =	vld.idx.msk [tilespmem:v37+s20+$0x0], $0xffff;
	[tilespmem:s16+$0x50] =	vst v63;
	v63 =	vadd.s32 v10, v42  }
0x99: {  	s1 =	simm.s32 @!p0 $0x0;
	v37 =	vand.u32 $0x7800, v47;
	[tilespmem:s17+$0x50] =	vst v50;
	v50 =	vor.u32 v5, v62;
	v47 =	vor.u32 v25, v63;
	v58 =	vld.idx.msk [tilespmem:v51+s20+$0x0], $0xffff  }
0x9a: {  	s28 =	sand.u32 $0x3, s30;
	s1 =	sshll.u32 s1, $0x9;
	v63 =	vor.u32 v24, v59;
	[tilespmem:s11+$0x50] =	vst v54;
	v61 =	vor.u32 v5, v47;
	v60 =	vld.idx.msk [tilespmem:v60+s20+$0x0], $0xffff  }
0x9b: {  	s25 =	simm.s32 $0xC;
	s0 =	sshll.u32 s28, $0x8;
	s1 =	sadd.s32 $0x400, s1;
	v40 =	vadd.s32 v1, v42;
	v62 =	vor.u32 v32, v53;
	v54 =	vor.u32 v5, v63;
	v51 =	vld.idx.msk [tilespmem:v57+s20+$0x0], $0xffff  }
0x9c: {  	s23 =	simm.s32 $0x0;
	s0 =	sadd.s32 $0x400, s0;
	s18 =	sor.u32 $0x400, s1;
	v59 =	vor.u32 v31, v55;
	v56 =	vadd.s32 v21, v37;
	v47 =	vadd.s32 v3, v41  }
0x9d: {  	s9 =	sor.u32 $0x410, s1;
	s2 =	sor.u32 $0x420, s1;
	s29 =	sadd.s32 $0x100, s0;
	v57 =	vadd.s32 v8, v42;
	v42 =	vadd.s32 v8, v41;
	v41 =	vadd.s32 v8, v27;
	[tilespmem:s12+$0x60] =	vst v49  }
0x9e: {  	s0 =	sor.u32 $0x430, s1;
	s1 =	simm.s32 $0xB;
	s19 =	sor.u32 $0x400, s29;
	v63 =	vor.u32 v26, v41;
	v49 =	vor.u32 v4, v62;
	v53 =	vld.idx.msk [tilespmem:v50+s20+$0x0], $0xffff;
	[tilespmem:s16+$0x60] =	vst v58  }
0x9f: {  	s10 =	sor.u32 $0x410, s29;
	s3 =	sor.u32 $0x420, s29;
	s31 =	sor.u32 $0x430, s29;
	v32 =	vand.u32 $0x280, v43;
	v50 =	vadd.s32 v21, v38;
	v58 =	vor.u32 v4, v63;
	v55 =	vld.idx.msk [tilespmem:v61+s20+$0x0], $0xffff;
	[tilespmem:s17+$0x60] =	vst v60  }
.LBB2_2:
0xa0: {  	p1 =	slt.u32 s25, $0x6C;
	v59 =	vor.u32 v20, v59;
	v60 =	vmov s1;
	[tilespmem:s11+$0x60] =	vst v51;
	v51 =	vor.u32 v25, v57;
	v54 =	vld.idx.msk [tilespmem:v54+s20+$0x0], $0xffff;
	v41 =	vmovc v31  }
0xa1: {  	v57 =	vor.u32 v24, v42;
	v42 =	vmovc v37;
	v31 =	vshll.u32 v60, $0x8;
	v52 =	vld.idx.msk [tilespmem:v52+s20+$0x0], $0xffff;
	v51 =	vor.u32 v4, v51  }
0xa2: {  	v43 =	vmovc v38;
	v57 =	vor.u32 v4, v57;
	v37 =	vand.u32 $0x7800, v31;
	v31 =	vshll.u32 v60, $0x7  }
0xa3: {  	v38 =	vor.u32 v32, v56;
	v56 =	vadd.s32 v21, v37;
	v60 =	vand.u32 $0x380, v31;
	[tilespmem:s12+$0x70] =	vst v53  }
0xa4: {  	s23 =	sadd.s32 $0x4, s23;
	v38 =	vor.u32 v20, v38;
	v53 =	vor.u32 v60, v56;
	v56 =	vld.idx.msk [tilespmem:v58+s20+$0x0], $0xffff;
	v58 =	vadd.s32 v3, v27  }
0xa5: {  	s1 =	sand.u32 $0x7, s23;
	v31 =	vand.u32 $0x300, v45;
	v59 =	vld.idx.msk [tilespmem:v59+s20+$0x0], $0xffff;
	v45 =	vor.u32 v20, v53;
	[tilespmem:s16+$0x70] =	vst v55;
	v53 =	vor.u32 v26, v58  }
0xa6: {  	s1 =	sshll.u32 s1, $0x7;
	v50 =	vor.u32 v31, v50;
	v51 =	vld.idx.msk [tilespmem:v51+s20+$0x0], $0xffff;
	[tilespmem:s17+$0x70] =	vst v54;
	v53 =	vor.u32 v2, v53  }
0xa7: {  	v48 =	vor.u32 v25, v48;
	s30 =	sadd.s32 $0x2, s30;
	s1 =	sadd.s32 s7, s1;
	v50 =	vor.u32 v20, v50;
	[tilespmem:s11+$0x70] =	vst v52;
	v52 =	vld.idx.msk [tilespmem:v57+s20+$0x0], $0xffff  }
0xa8: {  	v47 =	vor.u32 v24, v47;
	p0 =	por !p0, !p0;
	v48 =	vor.u32 v2, v48;
	s5 =	sadd.s32 $0x80, s1;
	s4 =	sadd.s32 $0x180, s1;
	v54 =	vadd.s32 v17, v42;
	v49 =	vld.idx.msk [tilespmem:v49+s20+$0x0], $0xffff  }
0xa9: {  	v47 =	vor.u32 v2, v47;
	v55 =	vadd.s32 v19, v42;
	s6 =	sor.u32 $0x400, s5;
	s29 =	sor.u32 $0x410, s5;
	v57 =	vadd.s32 v17, v43;
	s11 =	sor.u32 $0x400, s4;
	v38 =	vld.idx.msk [tilespmem:v38+s20+$0x0], $0xffff  }
0xaa: {  	v46 =	vor.u32 v2, v46;
	v58 =	vadd.s32 v19, v37;
	s13 =	sor.u32 $0x420, s5;
	s1 =	sor.u32 $0x430, s5;
	v45 =	vld.idx.msk [tilespmem:v45+s20+$0x0], $0xffff;
	[tilespmem:s11+$0xE100] =	vst v56;
	s11 =	simm.s32 $0x1  }
0xab: {  	v61 =	vadd.s32 v1, v27;
	s5 =	sand.u32 $0x3, s30;
	v58 =	vor.u32 v60, v58;
	v56 =	vadd.s32 v19, v43;
	s11 =	simm.s32 @!p0 $0x0;
	v53 =	vld.idx.msk [tilespmem:v53+s20+$0x0], $0xffff  }
0xac: {  	s7 =	sadd.s32 $0x400, s7;
	s5 =	sshll.u32 s5, $0x8;
	v58 =	vor.u32 v18, v58;
	s14 =	sshll.u32 s11, $0x9;
	v50 =	vld.idx.msk [tilespmem:v50+s20+$0x0], $0xffff;
	[tilespmem:s6+$0xE100] =	vst v51;
	v51 =	vor.u32 v26, v61  }
0xad: {  	s8 =	sadd.s32 $0x200, s8;
	v55 =	vor.u32 v32, v55;
	s5 =	sadd.s32 s7, s5;
	s6 =	sand.u32 $0x7800, s7;
	v48 =	vld.idx.msk [tilespmem:v48+s20+$0x0], $0xffff;
	[tilespmem:s19+$0xE100] =	vst v52;
	v51 =	vor.u32 v22, v51  }
0xae: {  	s12 =	sand.u32 $0x380, s8;
	s11 =	sadd.s32 $0xFFFFFE80, s8;
	s6 =	sadd.s32 $0xE100, s6;
	v52 =	vor.u32 v18, v55;
	v55 =	vor.u32 v31, v56;
	[tilespmem:s18+$0xE100] =	vst v49;
	v47 =	vld.idx.msk [tilespmem:v47+s20+$0x0], $0xffff  }
0xaf: {  	v40 =	vor.u32 v25, v40;
	v44 =	vor.u32 v41, v44;
	s15 =	sadd.s32 $0xFFFFFF00, s8;
	s17 =	sadd.s32 $0xFFFFFF80, s8;
	v49 =	vor.u32 v18, v55;
	s12 =	sadd.s32 s12, s6;
	v46 =	vld.idx.msk [tilespmem:v46+s20+$0x0], $0xffff  }
0xb0: {  	v39 =	vor.u32 v24, v39;
	v40 =	vor.u32 v22, v40;
	v44 =	vor.u32 v18, v44;
	s15 =	sand.u32 $0x280, s15;
	s11 =	sand.u32 $0x200, s11;
	s18 =	sor.u32 $0x410, s4;
	[tilespmem:s12+$0x0] =	vst v45  }
0xb1: {  	v39 =	vor.u32 v22, v39;
	s11 =	sor.u32 s11, s6;
	s16 =	sor.u32 s15, s6;
	s15 =	sand.u32 $0x300, s17;
	v55 =	vadd.s32 v17, v37;
	v45 =	vld.idx.msk [tilespmem:v58+s20+$0x0], $0xffff;
	[tilespmem:s18+$0xE100] =	vst v53  }
0xb2: {  	s14 =	sadd.s32 s14, s7;
	s17 =	sadd.s32 s15, s6;
	s15 =	sadd.s32 $0x100, s5;
	v53 =	vadd.s32 v0, v27;
	v27 =	vmov v37;
	[tilespmem:s16+$0x0] =	vst v38;
	v38 =	vor.u32 v60, v55;
	v51 =	vld.idx.msk [tilespmem:v51+s20+$0x0], $0xffff  }
0xb3: {  	s19 =	sor.u32 $0x400, s15;
	s22 =	sor.u32 $0x410, s15;
	s18 =	sor.u32 $0x400, s14;
	v37 =	vld.idx.msk [tilespmem:v52+s20+$0x0], $0xffff;
	[tilespmem:s17+$0x0] =	vst v50;
	v38 =	vor.u32 v16, v38;
	v50 =	vor.u32 v26, v53;
	v26 =	vmov v60  }
0xb4: {  	s24 =	sor.u32 $0x410, s14;
	s6 =	sor.u32 $0x420, s14;
	s5 =	sor.u32 $0x420, s15;
	v52 =	vor.u32 v32, v54;
	[tilespmem:s11+$0x0] =	vst v59;
	v49 =	vld.idx.msk [tilespmem:v49+s20+$0x0], $0xffff;
	v50 =	vor.u32 v23, v50  }
0xb5: {  	s15 =	sor.u32 $0x430, s15;
	s14 =	sor.u32 $0x430, s14;
	v53 =	vor.u32 v31, v57;
	v52 =	vor.u32 v16, v52;
	v44 =	vld.idx.msk [tilespmem:v44+s20+$0x0], $0xffff;
	[tilespmem:s29+$0xE100] =	vst v48  }
0xb6: {  	v36 =	vor.u32 v41, v36;
	v48 =	vor.u32 v16, v53;
	v40 =	vld.idx.msk [tilespmem:v40+s20+$0x0], $0xffff;
	[tilespmem:s10+$0xE100] =	vst v47;
	s10 =	smov.u32 s22  }
0xb7: {  	v34 =	vor.u32 v25, v34;
	v25 =	vmov v32;
	v36 =	vor.u32 v16, v36;
	s22 =	sor.u32 $0x420, s4;
	[tilespmem:s12+$0x10] =	vst v45;
	v39 =	vld.idx.msk [tilespmem:v39+s20+$0x0], $0xffff  }
0xb8: {  	v33 =	vor.u32 v22, v33;
	v32 =	vld.idx.msk [tilespmem:v38+s20+$0x0], $0xffff;
	v38 =	vadd.s32 v14, v27;
	[tilespmem:s22+$0xE100] =	vst v51  }
0xb9: {  	v34 =	vor.u32 v23, v34;
	[tilespmem:s16+$0x10] =	vst v37;
	v37 =	vor.u32 v26, v38;
	v38 =	vld.idx.msk [tilespmem:v50+s20+$0x0], $0xffff  }
0xba: {  	v47 =	vadd.s32 v14, v42;
	v45 =	vld.idx.msk [tilespmem:v52+s20+$0x0], $0xffff;
	[tilespmem:s17+$0x10] =	vst v49;
	v37 =	vor.u32 v12, v37  }
0xbb: {  	[tilespmem:s11+$0x10] =	vst v44;
	v44 =	vor.u32 v25, v47;
	v47 =	vld.idx.msk [tilespmem:v48+s20+$0x0], $0xffff;
	v48 =	vadd.s32 v14, v43  }
0xbc: {  	v36 =	vld.idx.msk [tilespmem:v36+s20+$0x0], $0xffff;
	v44 =	vor.u32 v12, v44;
	v48 =	vor.u32 v31, v48;
	[tilespmem:s9+$0xE100] =	vst v46;
	s9 =	smov.u32 s24  }
0xbd: {  	v35 =	vor.u32 v41, v35;
	v46 =	vor.u32 v12, v48;
	v33 =	vld.idx.msk [tilespmem:v33+s20+$0x0], $0xffff;
	[tilespmem:s13+$0xE100] =	vst v40  }
0xbe: {  	v30 =	vor.u32 v24, v30;
	v35 =	vor.u32 v12, v35;
	v24 =	vmov v31;
	s4 =	sor.u32 $0x430, s4;
	[tilespmem:s12+$0x20] =	vst v32;
	v32 =	vld.idx.msk [tilespmem:v34+s20+$0x0], $0xffff  }
0xbf: {  	v30 =	vor.u32 v23, v30;
	v34 =	vadd.s32 v9, v27;
	v31 =	vld.idx.msk [tilespmem:v37+s20+$0x0], $0xffff;
	[tilespmem:s4+$0xE100] =	vst v38  }
0xc0: {  	v29 =	vor.u32 v23, v29;
	v37 =	vadd.s32 v9, v28;
	v34 =	vor.u32 v26, v34;
	[tilespmem:s16+$0x20] =	vst v45  }
0xc1: {  	v40 =	vadd.s32 v9, v42;
	v34 =	vor.u32 v6, v34;
	v38 =	vld.idx.msk [tilespmem:v44+s20+$0x0], $0xffff;
	[tilespmem:s17+$0x20] =	vst v47  }
0xc2: {  	v45 =	vadd.s32 v9, v43;
	v44 =	vmov s25;
	[tilespmem:s11+$0x20] =	vst v36;
	v36 =	vor.u32 v25, v40;
	v40 =	vld.idx.msk [tilespmem:v46+s20+$0x0], $0xffff  }
0xc3: {  	v45 =	vor.u32 v24, v45;
	v46 =	vshll.u32 v44, $0x7;
	v35 =	vld.idx.msk [tilespmem:v35+s20+$0x0], $0xffff;
	v36 =	vor.u32 v6, v36;
	[tilespmem:s3+$0xE100] =	vst v39;
	s3 =	smov.u32 s5  }
0xc4: {  	s4 =	sadd.s32 $0x1, s25;
	v37 =	vor.u32 v41, v37;
	v39 =	vshll.u32 v44, $0x8;
	s5 =	sadd.s32 $0x2, s25;
	v44 =	vor.u32 v6, v45;
	[tilespmem:s2+$0xE100] =	vst v33;
	v30 =	vld.idx.msk [tilespmem:v30+s20+$0x0], $0xffff;
	s2 =	smov.u32 s6  }
0xc5: {  	v37 =	vor.u32 v6, v37;
	v33 =	vmov s4;
	v47 =	vmov s5;
	[tilespmem:s12+$0x30] =	vst v31;
	v29 =	vld.idx.msk [tilespmem:v29+s20+$0x0], $0xffff  }
0xc6: {  	v45 =	vadd.s32 v15, v27;
	v31 =	vand.u32 $0x200, v46;
	v46 =	vadd.s32 v0, v28;
	v34 =	vld.idx.msk [tilespmem:v34+s20+$0x0], $0xffff;
	[tilespmem:s1+$0xE100] =	vst v32  }
0xc7: {  	v48 =	vadd.s32 v1, v28;
	v32 =	vadd.s32 v15, v28;
	[tilespmem:s16+$0x30] =	vst v38;
	v38 =	vor.u32 v26, v45  }
0xc8: {  	v39 =	vand.u32 $0x7800, v39;
	v49 =	vld.idx.msk [tilespmem:v36+s20+$0x0], $0xffff;
	v36 =	vadd.s32 v15, v42;
	[tilespmem:s17+$0x30] =	vst v40;
	v38 =	vor.u32 v13, v38  }
0xc9: {  	v55 =	vshll.u32 v33, $0x7;
	[tilespmem:s11+$0x30] =	vst v35;
	v35 =	vor.u32 v25, v36;
	v40 =	vld.idx.msk [tilespmem:v44+s20+$0x0], $0xffff;
	v36 =	vadd.s32 v15, v43  }
0xca: {  	v45 =	vshll.u32 v47, $0x7;
	v37 =	vld.idx.msk [tilespmem:v37+s20+$0x0], $0xffff;
	v50 =	vor.u32 v13, v35;
	v35 =	vor.u32 v24, v36;
	[tilespmem:s31+$0xE100] =	vst v30;
	s31 =	smov.u32 s15  }
0xcb: {  	v30 =	vor.u32 v41, v32;
	v32 =	vadd.s32 v3, v28;
	v51 =	vor.u32 v13, v35;
	[tilespmem:s0+$0xE100] =	vst v29;
	s0 =	smov.u32 s14  }
0xcc: {  	v53 =	vadd.s32 v8, v28;
	v52 =	vadd.s32 v10, v28;
	v29 =	vor.u32 v13, v30;
	[tilespmem:s12+$0x40] =	vst v34  }
0xcd: {  	v28 =	vadd.s32 v11, v28;
	v35 =	vadd.s32 v14, v39;
	v30 =	vadd.s32 v11, v27;
	v38 =	vld.idx.msk [tilespmem:v38+s20+$0x0], $0xffff  }
0xce: {  	v44 =	vadd.s32 v19, v39;
	v36 =	vadd.s32 v17, v39;
	v30 =	vor.u32 v26, v30;
	[tilespmem:s16+$0x40] =	vst v49  }
0xcf: {  	v54 =	vor.u32 v7, v30;
	v49 =	vshll.u32 v33, $0x8;
	v33 =	vadd.s32 v11, v42;
	v50 =	vld.idx.msk [tilespmem:v50+s20+$0x0], $0xffff;
	[tilespmem:s17+$0x40] =	vst v40  }
0xd0: {  	v47 =	vshll.u32 v47, $0x8;
	v30 =	vor.u32 v25, v33;
	v33 =	vadd.s32 v11, v43;
	[tilespmem:s11+$0x40] =	vst v37;
	v51 =	vld.idx.msk [tilespmem:v51+s20+$0x0], $0xffff  }
0xd1: {  	v56 =	vadd.s32 v21, v39;
	v58 =	vor.u32 v7, v30;
	v30 =	vor.u32 v24, v33;
	v57 =	vld.idx.msk [tilespmem:v29+s20+$0x0], $0xffff  }
0xd2: {  	v33 =	vor.u32 v41, v28;
	v28 =	vmovc v39;
	v29 =	vor.u32 v41, v46;
	v59 =	vor.u32 v7, v30  }
0xd3: {  	v34 =	vadd.s32 v0, v42;
	v60 =	vor.u32 v7, v33;
	v30 =	vadd.s32 v0, v43;
	[tilespmem:s12+$0x50] =	vst v38  }
0xd4: {  	v40 =	vadd.s32 v1, v42;
	v37 =	vadd.s32 v10, v27;
	v33 =	vor.u32 v41, v48;
	v61 =	vld.idx.msk [tilespmem:v54+s20+$0x0], $0xffff  }
0xd5: {  	v39 =	vadd.s32 v1, v43;
	v46 =	vor.u32 v41, v32;
	v32 =	vor.u32 v26, v37;
	[tilespmem:s16+$0x50] =	vst v50  }
0xd6: {  	v37 =	vand.u32 $0x7800, v49;
	v48 =	vadd.s32 v10, v42;
	v32 =	vor.u32 v5, v32;
	v49 =	vld.idx.msk [tilespmem:v58+s20+$0x0], $0xffff;
	[tilespmem:s17+$0x50] =	vst v51  }
0xd7: {  	v38 =	vand.u32 $0x7800, v47;
	v47 =	vor.u32 v25, v48;
	v50 =	vadd.s32 v10, v43;
	[tilespmem:s11+$0x50] =	vst v57;
	v58 =	vld.idx.msk [tilespmem:v59+s20+$0x0], $0xffff  }
0xd8: {  	v48 =	vadd.s32 v3, v42;
	v51 =	vld.idx.msk [tilespmem:v60+s20+$0x0], $0xffff;
	v60 =	vor.u32 v5, v47;
	v47 =	vor.u32 v24, v50  }
.Ltmp0:
0xd9: {  	v50 =	vor.u32 v41, v52;
	v54 =	vor.u32 v5, v47;
	v47 =	vadd.s32 v3, v43;
	(pc) =	sbr.rel @p1 .LBB2_2-.Ltmp0, $4  }
0xda: {  	v57 =	vadd.s32 v8, v42;
	v41 =	vor.u32 v41, v53;
	v52 =	vor.u32 v5, v50;
	[tilespmem:s12+$0x60] =	vst v61  }
0xdb: {  	v59 =	vor.u32 v31, v56;
	v42 =	vadd.s32 v8, v43;
	v53 =	vld.idx.msk [tilespmem:v32+s20+$0x0], $0xffff;
	v32 =	vadd.s32 v8, v27  }
0xdc: {  	v56 =	vadd.s32 v21, v37;
	v50 =	vadd.s32 v21, v38;
	[tilespmem:s16+$0x60] =	vst v49;
	v43 =	vor.u32 v26, v32  }
0xdd: {  	s1 =	sadd.s32 $0x3, s25;
	s25 =	sadd.s32 $0x4, s25;
	v32 =	vand.u32 $0x280, v55;
	v49 =	vor.u32 v4, v41;
	v55 =	vld.idx.msk [tilespmem:v60+s20+$0x0], $0xffff;
	[tilespmem:s17+$0x60] =	vst v58;
	v58 =	vor.u32 v4, v43  }
0xde: {  	v43 =	vmov s1  }
0xdf: {  	v59 =	vor.u32 v20, v59;
	v41 =	vor.u32 v25, v57;
	v57 =	vshll.u32 v43, $0x8  }
0xe0: {  	v60 =	vor.u32 v4, v41;
	v43 =	vshll.u32 v43, $0x7;
	v41 =	vand.u32 $0x7800, v57  }
0xe1: {  	v57 =	vor.u32 v24, v42;
	v42 =	vand.u32 $0x380, v43;
	v61 =	vadd.s32 v21, v41  }
0xe2: {  	[tilespmem:s11+$0x60] =	vst v51;
	v56 =	vor.u32 v32, v56;
	v43 =	vor.u32 v42, v61  }
0xe3: {  	v63 =	vadd.s32 v3, v27;
	v48 =	vor.u32 v25, v48;
	v52 =	vld.idx.msk [tilespmem:v52+s20+$0x0], $0xffff;
	v62 =	vor.u32 v20, v43  }
0xe4: {  	v54 =	vld.idx.msk [tilespmem:v54+s20+$0x0], $0xffff;
	v44 =	vor.u32 v31, v44;
	v56 =	vor.u32 v20, v56;
	[tilespmem:s12+$0x70] =	vst v53;
	v43 =	vand.u32 $0x300, v45  }
0xe5: {  	v47 =	vor.u32 v24, v47;
	s12 =	sadd.s32 $0x4, s23;
	v51 =	vor.u32 v4, v57;
	v57 =	vld.idx.msk [tilespmem:v58+s20+$0x0], $0xffff;
	v50 =	vor.u32 v43, v50  }
0xe6: {  	v46 =	vor.u32 v2, v46;
	s14 =	sand.u32 $0x7, s12;
	[tilespmem:s16+$0x70] =	vst v55;
	v45 =	vld.idx.msk [tilespmem:v59+s20+$0x0], $0xffff;
	v50 =	vor.u32 v20, v50  }
0xe7: {  	v36 =	vor.u32 v31, v36;
	v44 =	vor.u32 v18, v44;
	s1 =	sshll.u32 s14, $0x7;
	v55 =	vld.idx.msk [tilespmem:v60+s20+$0x0], $0xffff;
	v60 =	vadd.s32 v19, v41  }
0xe8: {  	s15 =	sadd.s32 $0x200, s8;
	v61 =	vadd.s32 v19, v37;
	s5 =	sadd.s32 s7, s1;
	[tilespmem:s11+$0x70] =	vst v52;
	s11 =	sadd.s32 $0x400, s7;
	v58 =	vor.u32 v42, v60;
	v53 =	vld.idx.msk [tilespmem:v62+s20+$0x0], $0xffff  }
0xe9: {  	v35 =	vor.u32 v31, v35;
	s1 =	sadd.s32 $0x180, s5;
	v52 =	vld.idx.msk [tilespmem:v56+s20+$0x0], $0xffff;
	s7 =	sadd.s32 $0xFFFFFE80, s15;
	s6 =	sand.u32 $0x7800, s11;
	v56 =	vor.u32 v18, v58;
	v62 =	vor.u32 v32, v61  }
0xea: {  	v40 =	vor.u32 v25, v40;
	[tilespmem:s17+$0x70] =	vst v54;
	v59 =	vadd.s32 v19, v38;
	s4 =	sor.u32 $0x400, s1;
	s14 =	sand.u32 $0x200, s7;
	s6 =	sadd.s32 $0xE100, s6;
	v58 =	vor.u32 v18, v62  }
0xeb: {  	s8 =	sand.u32 $0x380, s15;
	s13 =	sadd.s32 $0xFFFFFF00, s15;
	v36 =	vor.u32 v16, v36;
	v59 =	vor.u32 v43, v59;
	[tilespmem:s4+$0xE100] =	vst v57;
	s23 =	sor.u32 s14, s6;
	v50 =	vld.idx.msk [tilespmem:v50+s20+$0x0], $0xffff  }
0xec: {  	s16 =	sand.u32 $0x280, s13;
	v54 =	vor.u32 v26, v63;
	v49 =	vld.idx.msk [tilespmem:v49+s20+$0x0], $0xffff;
	v57 =	vor.u32 v18, v59;
	s8 =	sadd.s32 s8, s6;
	[tilespmem:s23+$0x0] =	vst v45  }
0xed: {  	s17 =	sadd.s32 $0xFFFFFF80, s15;
	v63 =	vadd.s32 v17, v41;
	v54 =	vor.u32 v2, v54;
	s4 =	sor.u32 s16, s6;
	v44 =	vld.idx.msk [tilespmem:v44+s20+$0x0], $0xffff;
	[tilespmem:s8+$0x0] =	vst v53  }
0xee: {  	s13 =	sand.u32 $0x300, s17;
	v60 =	vadd.s32 v17, v37;
	v61 =	vor.u32 v42, v63;
	[tilespmem:s4+$0x0] =	vst v52;
	v56 =	vld.idx.msk [tilespmem:v56+s20+$0x0], $0xffff  }
0xef: {  	v39 =	vor.u32 v24, v39;
	s7 =	sadd.s32 $0x80, s5;
	s22 =	sadd.s32 s13, s6;
	v63 =	vor.u32 v32, v60;
	v52 =	vor.u32 v16, v61;
	v62 =	vld.idx.msk [tilespmem:v58+s20+$0x0], $0xffff  }
0xf0: {  	v51 =	vld.idx.msk [tilespmem:v51+s20+$0x0], $0xffff;
	v59 =	vadd.s32 v17, v38;
	s5 =	sor.u32 $0x400, s7;
	[tilespmem:s22+$0x0] =	vst v50;
	v50 =	vor.u32 v16, v63  }
0xf1: {  	v25 =	vor.u32 v25, v34;
	v60 =	vor.u32 v43, v59;
	[tilespmem:s5+$0xE100] =	vst v55;
	v45 =	vld.idx.msk [tilespmem:v57+s20+$0x0], $0xffff  }
0xf2: {  	v48 =	vor.u32 v2, v48;
	v54 =	vld.idx.msk [tilespmem:v54+s20+$0x0], $0xffff;
	v55 =	vor.u32 v16, v60;
	[tilespmem:s23+$0x10] =	vst v44  }
0xf3: {  	v35 =	vor.u32 v12, v35;
	v61 =	vadd.s32 v14, v41;
	v36 =	vld.idx.msk [tilespmem:v36+s20+$0x0], $0xffff;
	[tilespmem:s8+$0x10] =	vst v56  }
0xf4: {  	v63 =	vadd.s32 v14, v37;
	[tilespmem:s4+$0x10] =	vst v62;
	v62 =	vor.u32 v42, v61;
	v52 =	vld.idx.msk [tilespmem:v52+s20+$0x0], $0xffff  }
0xf5: {  	[tilespmem:s18+$0xE100] =	vst v49;
	v61 =	vor.u32 v32, v63;
	v50 =	vld.idx.msk [tilespmem:v50+s20+$0x0], $0xffff;
	v60 =	vor.u32 v12, v62  }
0xf6: {  	v58 =	vadd.s32 v1, v27;
	v62 =	vadd.s32 v14, v38;
	v53 =	vor.u32 v12, v61;
	[tilespmem:s22+$0x10] =	vst v45  }
0xf7: {  	[tilespmem:s19+$0xE100] =	vst v51;
	v63 =	vor.u32 v26, v58;
	v45 =	vor.u32 v43, v62;
	v58 =	vld.idx.msk [tilespmem:v55+s20+$0x0], $0xffff  }
0xf8: {  	v59 =	vadd.s32 v9, v41;
	v48 =	vld.idx.msk [tilespmem:v48+s20+$0x0], $0xffff;
	[tilespmem:s23+$0x20] =	vst v36;
	v45 =	vor.u32 v12, v45  }
0xf9: {  	v33 =	vor.u32 v22, v33;
	v49 =	vor.u32 v42, v59;
	v35 =	vld.idx.msk [tilespmem:v35+s20+$0x0], $0xffff;
	[tilespmem:s8+$0x20] =	vst v52  }
0xfa: {  	v61 =	vor.u32 v22, v63;
	[tilespmem:s4+$0x20] =	vst v50;
	v51 =	vld.idx.msk [tilespmem:v60+s20+$0x0], $0xffff;
	v60 =	vadd.s32 v9, v37  }
0xfb: {  	v49 =	vor.u32 v6, v49;
	v63 =	vadd.s32 v9, v28;
	v53 =	vld.idx.msk [tilespmem:v53+s20+$0x0], $0xffff;
	v50 =	vor.u32 v32, v60  }
0xfc: {  	s24 =	sor.u32 $0x410, s1;
	v62 =	vadd.s32 v9, v38;
	v57 =	vor.u32 v31, v63;
	[tilespmem:s22+$0x20] =	vst v58;
	v50 =	vor.u32 v6, v50  }
0xfd: {  	[tilespmem:s24+$0xE100] =	vst v54;
	v44 =	vor.u32 v43, v62;
	v56 =	vld.idx.msk [tilespmem:v45+s20+$0x0], $0xffff;
	v45 =	vor.u32 v6, v57  }
0xfe: {  	v47 =	vor.u32 v2, v47;
	v46 =	vld.idx.msk [tilespmem:v46+s20+$0x0], $0xffff;
	v44 =	vor.u32 v6, v44;
	[tilespmem:s23+$0x30] =	vst v35  }
0xff: {  	v59 =	vadd.s32 v15, v37;
	v52 =	vld.idx.msk [tilespmem:v61+s20+$0x0], $0xffff;
	v58 =	vadd.s32 v15, v41;
	[tilespmem:s8+$0x30] =	vst v51  }
0x100: {  	v61 =	vadd.s32 v15, v28;
	[tilespmem:s4+$0x30] =	vst v53;
	v51 =	vor.u32 v42, v58;
	v49 =	vld.idx.msk [tilespmem:v49+s20+$0x0], $0xffff  }
0x101: {  	v54 =	vor.u32 v31, v61;
	v53 =	vor.u32 v32, v59;
	v51 =	vor.u32 v13, v51;
	v50 =	vld.idx.msk [tilespmem:v50+s20+$0x0], $0xffff  }
0x102: {  	v60 =	vadd.s32 v15, v38;
	v53 =	vor.u32 v13, v53;
	[tilespmem:s22+$0x30] =	vst v56;
	v63 =	vld.idx.msk [tilespmem:v45+s20+$0x0], $0xffff  }
0x103: {  	v40 =	vor.u32 v22, v40;
	v36 =	vor.u32 v43, v60;
	v45 =	vor.u32 v13, v54;
	v62 =	vld.idx.msk [tilespmem:v44+s20+$0x0], $0xffff  }
0x104: {  	v39 =	vor.u32 v22, v39;
	v47 =	vld.idx.msk [tilespmem:v47+s20+$0x0], $0xffff;
	v27 =	vadd.s32 v0, v27;
	v36 =	vor.u32 v13, v36  }
0x105: {  	v55 =	vadd.s32 v11, v41;
	v58 =	vadd.s32 v11, v38;
	v59 =	vadd.s32 v11, v28;
	[tilespmem:s8+$0x40] =	vst v49  }
0x106: {  	v56 =	vadd.s32 v11, v37;
	v49 =	vor.u32 v42, v55;
	v51 =	vld.idx.msk [tilespmem:v51+s20+$0x0], $0xffff;
	[tilespmem:s4+$0x40] =	vst v50  }
0x107: {  	v49 =	vor.u32 v7, v49;
	v50 =	vor.u32 v32, v56;
	[tilespmem:s23+$0x40] =	vst v63;
	v57 =	vld.idx.msk [tilespmem:v53+s20+$0x0], $0xffff  }
0x108: {  	v60 =	vor.u32 v31, v59;
	[tilespmem:s22+$0x40] =	vst v62;
	v50 =	vor.u32 v7, v50;
	v44 =	vld.idx.msk [tilespmem:v45+s20+$0x0], $0xffff  }
0x109: {  	s25 =	sor.u32 $0x410, s7;
	[tilespmem:s10+$0xE100] =	vst v47;
	v35 =	vor.u32 v43, v58;
	v61 =	vor.u32 v7, v60;
	v36 =	vld.idx.msk [tilespmem:v36+s20+$0x0], $0xffff  }
0x10a: {  	[tilespmem:s25+$0xE100] =	vst v48;
	v26 =	vor.u32 v26, v27;
	v27 =	vld.idx.msk [tilespmem:v39+s20+$0x0], $0xffff;
	v35 =	vor.u32 v7, v35  }
0x10b: {  	v63 =	vadd.s32 v10, v28;
	v56 =	vadd.s32 v10, v38;
	v62 =	vadd.s32 v10, v41;
	[tilespmem:s8+$0x50] =	vst v51  }
0x10c: {  	v53 =	vadd.s32 v10, v37;
	v47 =	vor.u32 v42, v62;
	v45 =	vld.idx.msk [tilespmem:v49+s20+$0x0], $0xffff;
	[tilespmem:s4+$0x50] =	vst v57  }
0x10d: {  	v55 =	vor.u32 v32, v53;
	v54 =	vor.u32 v5, v47;
	[tilespmem:s23+$0x50] =	vst v44;
	v49 =	vld.idx.msk [tilespmem:v50+s20+$0x0], $0xffff  }
0x10e: {  	v48 =	vor.u32 v31, v63;
	v57 =	vor.u32 v5, v55;
	[tilespmem:s22+$0x50] =	vst v36;
	v39 =	vld.idx.msk [tilespmem:v61+s20+$0x0], $0xffff  }
0x10f: {  	v29 =	vor.u32 v23, v29;
	v58 =	vor.u32 v43, v56;
	v59 =	vor.u32 v5, v48;
	v35 =	vld.idx.msk [tilespmem:v35+s20+$0x0], $0xffff  }
0x110: {  	v40 =	vld.idx.msk [tilespmem:v40+s20+$0x0], $0xffff;
	[tilespmem:s9+$0xE100] =	vst v46;
	v26 =	vor.u32 v23, v26;
	v47 =	vor.u32 v5, v58  }
0x111: {  	v60 =	vadd.s32 v8, v28;
	v63 =	vadd.s32 v8, v38;
	v62 =	vadd.s32 v8, v41;
	[tilespmem:s8+$0x60] =	vst v45  }
0x112: {  	v61 =	vadd.s32 v8, v37;
	v45 =	vor.u32 v42, v62;
	v36 =	vld.idx.msk [tilespmem:v54+s20+$0x0], $0xffff;
	[tilespmem:s4+$0x60] =	vst v49  }
0x113: {  	v53 =	vor.u32 v4, v45;
	v54 =	vor.u32 v32, v61;
	[tilespmem:s23+$0x60] =	vst v39;
	v44 =	vld.idx.msk [tilespmem:v57+s20+$0x0], $0xffff  }
0x114: {  	s28 =	sor.u32 $0x420, s1;
	[tilespmem:s22+$0x60] =	vst v35;
	v45 =	vor.u32 v4, v54;
	v57 =	vor.u32 v31, v60;
	v34 =	vld.idx.msk [tilespmem:v59+s20+$0x0], $0xffff  }
0x115: {  	[tilespmem:s28+$0xE100] =	vst v52;
	v56 =	vor.u32 v43, v63;
	v55 =	vld.idx.msk [tilespmem:v47+s20+$0x0], $0xffff;
	v46 =	vor.u32 v4, v57  }
0x116: {  	v25 =	vor.u32 v23, v25;
	v24 =	vor.u32 v24, v30;
	s6 =	sadd.s32 $0x4, s12;
	v26 =	vld.idx.msk [tilespmem:v26+s20+$0x0], $0xffff;
	v47 =	vor.u32 v4, v56  }
0x117: {  	s5 =	sand.u32 $0x7, s6;
	v58 =	vadd.s32 v3, v28;
	v61 =	vadd.s32 v3, v38;
	v60 =	vadd.s32 v3, v41;
	[tilespmem:s8+$0x70] =	vst v36  }
0x118: {  	p0 =	por !p0, !p0;
	s5 =	sshll.u32 s5, $0x7;
	v59 =	vadd.s32 v3, v37;
	v36 =	vor.u32 v42, v60;
	v35 =	vld.idx.msk [tilespmem:v53+s20+$0x0], $0xffff;
	[tilespmem:s4+$0x70] =	vst v44  }
0x119: {  	s1 =	sor.u32 $0x430, s1;
	s5 =	sadd.s32 s11, s5;
	v62 =	vor.u32 v32, v59;
	s8 =	sadd.s32 $0x2, s30;
	v36 =	vor.u32 v2, v36;
	[tilespmem:s23+$0x70] =	vst v34;
	v44 =	vld.idx.msk [tilespmem:v45+s20+$0x0], $0xffff  }
0x11a: {  	s9 =	sor.u32 $0x420, s7;
	v39 =	vor.u32 v2, v62;
	s6 =	sand.u32 $0x3, s8;
	s8 =	simm.s32 $0x1;
	v53 =	vor.u32 v31, v58;
	[tilespmem:s22+$0x70] =	vst v55;
	v46 =	vld.idx.msk [tilespmem:v46+s20+$0x0], $0xffff  }
0x11b: {  	s12 =	sadd.s32 $0x180, s5;
	s5 =	sadd.s32 $0x80, s5;
	[tilespmem:s9+$0xE100] =	vst v40;
	v52 =	vor.u32 v43, v61;
	s8 =	simm.s32 @!p0 $0x0;
	v30 =	vor.u32 v2, v53;
	v63 =	vld.idx.msk [tilespmem:v47+s20+$0x0], $0xffff  }
0x11c: {  	v24 =	vor.u32 v23, v24;
	s14 =	sor.u32 $0x400, s12;
	v33 =	vld.idx.msk [tilespmem:v33+s20+$0x0], $0xffff;
	[tilespmem:s1+$0xE100] =	vst v26;
	s10 =	sshll.u32 s6, $0x8;
	v45 =	vor.u32 v2, v52;
	s8 =	sshll.u32 s8, $0x9  }
0x11d: {  	s15 =	sor.u32 $0x400, s5;
	v54 =	vadd.s32 v1, v28;
	v56 =	vadd.s32 v1, v41;
	v57 =	vadd.s32 v1, v38;
	s13 =	sadd.s32 s11, s10;
	s8 =	sadd.s32 s8, s11;
	[tilespmem:s14+$0xE100] =	vst v35  }
0x11e: {  	v55 =	vadd.s32 v1, v37;
	s4 =	sadd.s32 $0x100, s13;
	s17 =	sor.u32 $0x400, s8;
	v35 =	vor.u32 v42, v56;
	v36 =	vld.idx.msk [tilespmem:v36+s20+$0x0], $0xffff;
	[tilespmem:s15+$0xE100] =	vst v44  }
0x11f: {  	v59 =	vor.u32 v32, v55;
	s16 =	sor.u32 $0x400, s4;
	v58 =	vor.u32 v22, v35;
	[tilespmem:s17+$0xE100] =	vst v46;
	v39 =	vld.idx.msk [tilespmem:v39+s20+$0x0], $0xffff  }
0x120: {  	v26 =	vor.u32 v31, v54;
	v35 =	vor.u32 v22, v59;
	[tilespmem:s16+$0xE100] =	vst v63;
	v30 =	vld.idx.msk [tilespmem:v30+s20+$0x0], $0xffff  }
0x121: {  	[tilespmem:s2+$0xE100] =	vst v33;
	v61 =	vor.u32 v43, v57;
	v26 =	vor.u32 v22, v26;
	v60 =	vld.idx.msk [tilespmem:v45+s20+$0x0], $0xffff  }
0x122: {  	s18 =	sor.u32 $0x410, s12;
	v25 =	vld.idx.msk [tilespmem:v25+s20+$0x0], $0xffff;
	[tilespmem:s3+$0xE100] =	vst v27;
	v27 =	vadd.s32 v0, v28;
	v62 =	vor.u32 v22, v61  }
0x123: {  	s19 =	sor.u32 $0x410, s5;
	v27 =	vor.u32 v31, v27;
	v24 =	vld.idx.msk [tilespmem:v24+s20+$0x0], $0xffff;
	v63 =	vadd.s32 v0, v41;
	[tilespmem:s18+$0xE100] =	vst v36  }
0x124: {  	v28 =	vadd.s32 v0, v37;
	s23 =	sor.u32 $0x410, s8;
	v36 =	vor.u32 v42, v63;
	v34 =	vld.idx.msk [tilespmem:v58+s20+$0x0], $0xffff;
	[tilespmem:s19+$0xE100] =	vst v39  }
0x125: {  	v28 =	vor.u32 v32, v28;
	s22 =	sor.u32 $0x410, s4;
	v36 =	vor.u32 v23, v36;
	[tilespmem:s23+$0xE100] =	vst v30;
	v35 =	vld.idx.msk [tilespmem:v35+s20+$0x0], $0xffff  }
0x126: {  	s24 =	sor.u32 $0x430, s7;
	v28 =	vor.u32 v23, v28;
	v41 =	vadd.s32 v0, v38;
	[tilespmem:s22+$0xE100] =	vst v60;
	v26 =	vld.idx.msk [tilespmem:v26+s20+$0x0], $0xffff  }
0x127: {  	[tilespmem:s24+$0xE100] =	vst v25;
	v25 =	vor.u32 v23, v27;
	v30 =	vor.u32 v43, v41;
	v45 =	vld.idx.msk [tilespmem:v62+s20+$0x0], $0xffff  }
0x128: {  	s25 =	sor.u32 $0x420, s12;
	[tilespmem:s31+$0xE100] =	vst v24;
	v30 =	vor.u32 v23, v30  }
0x129: {  	v27 =	vld.idx.msk [tilespmem:v29+s20+$0x0], $0xffff;
	s28 =	sor.u32 $0x420, s5;
	[tilespmem:s25+$0xE100] =	vst v34  }
0x12a: {  	s7 =	sor.u32 $0x420, s8;
	v29 =	vld.idx.msk [tilespmem:v36+s20+$0x0], $0xffff;
	[tilespmem:s28+$0xE100] =	vst v35  }
0x12b: {  	s3 =	sor.u32 $0x420, s4;
	[tilespmem:s7+$0xE100] =	vst v26;
	v28 =	vld.idx.msk [tilespmem:v28+s20+$0x0], $0xffff  }
0x12c: {  	s2 =	simm.s32 $0x0;
	[tilespmem:s3+$0xE100] =	vst v45;
	v24 =	vld.idx.msk [tilespmem:v25+s20+$0x0], $0xffff  }
0x12d: {  	s30 =	simm.s32 $0x2;
	v26 =	vld.idx.msk [tilespmem:v30+s20+$0x0], $0xffff;
	v30 =	vmov s2  }
0x12e: {  	s9 =	simm.s32 $0x1;
	v31 =	vmov s30;
	v25 =	vshll.u32 v30, $0x8  }
0x12f: {  	[tilespmem:s0+$0xE100] =	vst v27;
	s10 =	sor.u32 $0x430, s12;
	s11 =	simm.s32 $0x3;
	v46 =	vshll.u32 v30, $0x7;
	v30 =	vmov s9;
	v27 =	vand.u32 $0x7800, v25  }
0x130: {  	s12 =	sor.u32 $0x430, s5;
	v25 =	vshll.u32 v30, $0x7;
	v47 =	vshll.u32 v30, $0x8;
	[tilespmem:s10+$0xE100] =	vst v29;
	v29 =	vmov s11  }
0x131: {  	s14 =	sor.u32 $0x430, s8;
	v52 =	vadd.s32 v21, v27;
	v56 =	vadd.s32 v19, v27;
	v62 =	vadd.s32 v17, v27;
	[tilespmem:s12+$0xE100] =	vst v28  }
0x132: {  	s13 =	sor.u32 $0x430, s4;
	v28 =	vshll.u32 v31, $0x7;
	v30 =	vshll.u32 v29, $0x8;
	v29 =	vshll.u32 v29, $0x7;
	[tilespmem:s14+$0xE100] =	vst v24  }
0x133: {  	v24 =	vand.u32 $0x7800, v47;
	[tilespmem:s13+$0xE100] =	vst v26;
	v26 =	vshll.u32 v31, $0x8;
	v30 =	vand.u32 $0x7800, v30  }
0x134: {  	v31 =	vand.u32 $0x380, v29;
	v49 =	vadd.s32 v21, v24;
	v29 =	vand.u32 $0x280, v25  }
0x135: {  	s15 =	simm.s32 $0xE100;
	v28 =	vand.u32 $0x300, v28;
	v54 =	vadd.s32 v19, v24;
	v48 =	vadd.s32 v21, v30;
	s0 =	rddreg [dreg:$0x7]  }
0x136: {  	v58 =	vadd.s32 v17, v24;
	v25 =	vand.u32 $0x7800, v26;
	[hbm4b:s0+s2] =	stream.linear.scatter [tilespmem:s15], [sflag:$0x3], $0x7000, $0x38;
	v33 =	vor.u32 v31, v48;
	[tilespmem:$0x1C100] =	vst v63  }
0x137: {  	s17 =	simm.s32 $0x2;
	v26 =	vor.u32 v29, v49;
	s16 =	rddreg [dreg:$0x8];
	v50 =	vadd.s32 v21, v25;
	v33 =	vor.u32 v20, v33  }
0x138: {  	v51 =	vor.u32 v20, v26;
	v26 =	vand.u32 $0x200, v46;
	v34 =	vor.u32 v28, v50;
	[tilespmem:s20], [sflag:$0x1] =	stream.linear.gather [hbm4b:s16+s2], $0x7000, $0x38;
	[tilespmem:$0x1C100] =	vst v63  }
0x139: {  	v47 =	vadd.s32 v14, v24;
	v32 =	vor.u32 v26, v52;
	v34 =	vor.u32 v20, v34;
	_ =	swait.ge [sflag:s17], $0x7000  }
0x13a: {  	v53 =	vadd.s32 v19, v30;
	v37 =	vor.u32 v29, v54;
	v32 =	vor.u32 v20, v32;
	[sflag:s17] =	ssyncset.done $0x0  }
0x13b: {  	v57 =	vadd.s32 v17, v30;
	v59 =	vor.u32 v29, v58;
	v45 =	vadd.s32 v14, v30;
	[sflag:s17] =	ssyncadd.s32 $0xFFFF9000  }
0x13c: {  	v49 =	vor.u32 v29, v47;
	v54 =	vadd.s32 v9, v24;
	v36 =	vor.u32 v31, v53;
	v33 =	vld.idx.msk [tilespmem:v33+s21+$0x0], $0xffff  }
0x13d: {  	v47 =	vadd.s32 v1, v27;
	v55 =	vadd.s32 v19, v25;
	v36 =	vor.u32 v18, v36;
	v35 =	vld.idx.msk [tilespmem:v51+s21+$0x0], $0xffff  }
0x13e: {  	s18 =	simm.s32 $0x180;
	s19 =	sand.u32 $0x7800, s2;
	v37 =	vor.u32 v18, v37;
	v60 =	vadd.s32 v17, v25;
	v38 =	vor.u32 v28, v55;
	v34 =	vld.idx.msk [tilespmem:v34+s21+$0x0], $0xffff  }
0x13f: {  	s23 =	simm.s32 $0x80;
	s22 =	sadd.s32 $0x15100, s19;
	s0 =	sand.u32 $0x380, s18;
	v61 =	vor.u32 v16, v59;
	v39 =	vor.u32 v26, v56;
	v38 =	vor.u32 v18, v38;
	v32 =	vld.idx.msk [tilespmem:v32+s21+$0x0], $0xffff  }
0x140: {  	s24 =	sand.u32 $0x280, s23;
	s25 =	simm.s32 $0x100;
	v46 =	vadd.s32 v14, v27;
	v53 =	vadd.s32 v9, v27;
	s1 =	sadd.s32 s0, s22;
	v39 =	vor.u32 v18, v39  }
0x141: {  	s28 =	simm.s32 $0x0;
	s3 =	sand.u32 $0x300, s25;
	v41 =	vor.u32 v29, v54;
	v54 =	vadd.s32 v15, v27;
	v43 =	vadd.s32 v1, v25;
	s0 =	sor.u32 s24, s22;
	[tilespmem:s1+$0x0] =	vst v33  }
0x142: {  	s5 =	sand.u32 $0x200, s28;
	s3 =	sadd.s32 s3, s22;
	v44 =	vor.u32 v28, v60;
	[tilespmem:s0+$0x0] =	vst v35;
	v33 =	vor.u32 v31, v57;
	v36 =	vld.idx.msk [tilespmem:v36+s21+$0x0], $0xffff  }
0x143: {  	s31 =	sor.u32 s5, s22;
	v50 =	vadd.s32 v14, v25;
	v35 =	vld.idx.msk [tilespmem:v37+s21+$0x0], $0xffff;
	v33 =	vor.u32 v16, v33;
	[tilespmem:s3+$0x0] =	vst v34  }
0x144: {  	v52 =	vadd.s32 v9, v30;
	v56 =	vadd.s32 v9, v25;
	[tilespmem:s31+$0x0] =	vst v32;
	v63 =	vld.idx.msk [tilespmem:v38+s21+$0x0], $0xffff  }
0x145: {  	v41 =	vor.u32 v6, v41;
	v37 =	vor.u32 v26, v62;
	v39 =	vld.idx.msk [tilespmem:v39+s21+$0x0], $0xffff;
	v38 =	vor.u32 v16, v44  }
0x146: {  	v43 =	vor.u32 v28, v43;
	v40 =	vor.u32 v31, v52;
	v37 =	vor.u32 v16, v37  }
0x147: {  	v42 =	vor.u32 v28, v56;
	v52 =	vadd.s32 v8, v27;
	v43 =	vor.u32 v22, v43;
	[tilespmem:s1+$0x10] =	vst v36  }
0x148: {  	s6 =	simm.s32 $0x4;
	v40 =	vor.u32 v6, v40;
	[tilespmem:s0+$0x10] =	vst v35;
	v36 =	vor.u32 v31, v45;
	v33 =	vld.idx.msk [tilespmem:v33+s21+$0x0], $0xffff  }
0x149: {  	v55 =	vmov s6;
	v42 =	vor.u32 v6, v42;
	v34 =	vld.idx.msk [tilespmem:v61+s21+$0x0], $0xffff;
	[tilespmem:s3+$0x10] =	vst v63;
	v48 =	vor.u32 v12, v36  }
0x14a: {  	v59 =	vshll.u32 v55, $0x8;
	v51 =	vor.u32 v28, v50;
	[tilespmem:s31+$0x10] =	vst v39;
	v36 =	vor.u32 v12, v49;
	v38 =	vld.idx.msk [tilespmem:v38+s21+$0x0], $0xffff  }
0x14b: {  	v57 =	vshll.u32 v55, $0x7;
	v35 =	vor.u32 v26, v46;
	v39 =	vor.u32 v12, v51;
	v37 =	vld.idx.msk [tilespmem:v37+s21+$0x0], $0xffff  }
0x14c: {  	v55 =	vadd.s32 v15, v24;
	v62 =	vor.u32 v26, v54;
	v35 =	vor.u32 v12, v35  }
0x14d: {  	v50 =	vor.u32 v13, v62;
	v62 =	vadd.s32 v11, v25;
	v46 =	vadd.s32 v3, v27;
	[tilespmem:s1+$0x20] =	vst v33  }
0x14e: {  	v51 =	vadd.s32 v10, v27;
	v46 =	vor.u32 v26, v46;
	[tilespmem:s0+$0x20] =	vst v34;
	v32 =	vld.idx.msk [tilespmem:v48+s21+$0x0], $0xffff  }
0x14f: {  	v51 =	vor.u32 v26, v51;
	v46 =	vor.u32 v2, v46;
	v36 =	vld.idx.msk [tilespmem:v36+s21+$0x0], $0xffff;
	[tilespmem:s3+$0x20] =	vst v38  }
0x150: {  	v51 =	vor.u32 v5, v51;
	v33 =	vor.u32 v26, v53;
	[tilespmem:s31+$0x20] =	vst v37;
	v58 =	vld.idx.msk [tilespmem:v39+s21+$0x0], $0xffff  }
0x151: {  	v34 =	vand.u32 $0x200, v57;
	v53 =	vadd.s32 v15, v30;
	v57 =	vadd.s32 v15, v25;
	v35 =	vld.idx.msk [tilespmem:v35+s21+$0x0], $0xffff  }
0x152: {  	v33 =	vor.u32 v6, v33;
	v38 =	vadd.s32 v0, v27;
	v45 =	vor.u32 v31, v53  }
0x153: {  	v61 =	vor.u32 v28, v57;
	v27 =	vadd.s32 v11, v27;
	v56 =	vor.u32 v13, v45;
	[tilespmem:s1+$0x30] =	vst v32  }
0x154: {  	s8 =	simm.s32 $0x5;
	v39 =	vor.u32 v28, v62;
	v27 =	vor.u32 v26, v27;
	[tilespmem:s0+$0x30] =	vst v36;
	v40 =	vld.idx.msk [tilespmem:v40+s21+$0x0], $0xffff  }
0x155: {  	v60 =	vmov s8;
	v62 =	vadd.s32 v10, v24;
	v36 =	vor.u32 v29, v55;
	[tilespmem:s3+$0x30] =	vst v58;
	v41 =	vld.idx.msk [tilespmem:v41+s21+$0x0], $0xffff  }
0x156: {  	v45 =	vshll.u32 v60, $0x7;
	v27 =	vor.u32 v7, v27;
	[tilespmem:s31+$0x30] =	vst v35;
	v58 =	vor.u32 v13, v36;
	v42 =	vld.idx.msk [tilespmem:v42+s21+$0x0], $0xffff  }
0x157: {  	v32 =	vand.u32 $0x7800, v59;
	v59 =	vadd.s32 v11, v30;
	v36 =	vor.u32 v13, v61;
	v63 =	vld.idx.msk [tilespmem:v33+s21+$0x0], $0xffff  }
0x158: {  	v37 =	vadd.s32 v17, v32;
	v53 =	vor.u32 v31, v59;
	v49 =	vadd.s32 v21, v32  }
0x159: {  	v35 =	vor.u32 v26, v38;
	v59 =	vor.u32 v7, v39;
	v39 =	vadd.s32 v0, v24;
	[tilespmem:s1+$0x40] =	vst v40  }
0x15a: {  	s9 =	simm.s32 $0x6;
	v38 =	vor.u32 v26, v47;
	[tilespmem:s0+$0x40] =	vst v41;
	v41 =	vshll.u32 v60, $0x8;
	v60 =	vadd.s32 v11, v24;
	v54 =	vld.idx.msk [tilespmem:v56+s21+$0x0], $0xffff  }
0x15b: {  	v44 =	vmov s9;
	v53 =	vor.u32 v7, v53;
	v55 =	vld.idx.msk [tilespmem:v58+s21+$0x0], $0xffff;
	[tilespmem:s3+$0x40] =	vst v42;
	v61 =	vor.u32 v29, v60  }
0x15c: {  	v48 =	vshll.u32 v44, $0x7;
	v26 =	vor.u32 v26, v52;
	[tilespmem:s31+$0x40] =	vst v63;
	v57 =	vor.u32 v7, v61;
	v63 =	vld.idx.msk [tilespmem:v36+s21+$0x0], $0xffff  }
0x15d: {  	v52 =	vadd.s32 v8, v24;
	v33 =	vadd.s32 v14, v32;
	v49 =	vor.u32 v34, v49;
	v50 =	vld.idx.msk [tilespmem:v50+s21+$0x0], $0xffff  }
0x15e: {  	v37 =	vor.u32 v34, v37;
	v38 =	vor.u32 v22, v38;
	v60 =	vadd.s32 v10, v30  }
0x15f: {  	v35 =	vor.u32 v23, v35;
	v49 =	vor.u32 v20, v49;
	v61 =	vor.u32 v31, v60;
	[tilespmem:s1+$0x50] =	vst v54  }
0x160: {  	v33 =	vor.u32 v34, v33;
	v56 =	vshll.u32 v44, $0x8;
	v47 =	vor.u32 v5, v61;
	[tilespmem:s0+$0x50] =	vst v55;
	v53 =	vld.idx.msk [tilespmem:v53+s21+$0x0], $0xffff  }
0x161: {  	v42 =	vand.u32 $0x7800, v41;
	v54 =	vor.u32 v29, v62;
	v55 =	vld.idx.msk [tilespmem:v57+s21+$0x0], $0xffff;
	[tilespmem:s3+$0x50] =	vst v63;
	v63 =	vadd.s32 v10, v25  }
0x162: {  	v41 =	vand.u32 $0x7800, v56;
	[tilespmem:s31+$0x50] =	vst v50;
	v50 =	vor.u32 v5, v54;
	v56 =	vor.u32 v28, v63;
	v57 =	vld.idx.msk [tilespmem:v59+s21+$0x0], $0xffff  }
0x163: {  	v37 =	vor.u32 v16, v37;
	v33 =	vor.u32 v12, v33;
	v27 =	vld.idx.msk [tilespmem:v27+s21+$0x0], $0xffff;
	v56 =	vor.u32 v5, v56  }
0x164: {  	v44 =	vadd.s32 v1, v24;
	v58 =	vadd.s32 v3, v25;
	v36 =	vadd.s32 v0, v25  }
0x165: {  	v54 =	vadd.s32 v3, v24;
	v25 =	vadd.s32 v8, v25;
	v24 =	vadd.s32 v8, v30;
	[tilespmem:s1+$0x60] =	vst v53  }
0x166: {  	v60 =	vor.u32 v31, v24;
	v24 =	vand.u32 $0x280, v45;
	v45 =	vor.u32 v4, v26;
	[tilespmem:s0+$0x60] =	vst v55;
	v47 =	vld.idx.msk [tilespmem:v47+s21+$0x0], $0xffff  }
0x167: {  	s10 =	simm.s32 $0x7;
	v26 =	vor.u32 v29, v52;
	v60 =	vor.u32 v4, v60;
	v50 =	vld.idx.msk [tilespmem:v50+s21+$0x0], $0xffff;
	[tilespmem:s3+$0x60] =	vst v57  }
0x168: {  	v61 =	vmov s10;
	v25 =	vor.u32 v28, v25;
	[tilespmem:s31+$0x60] =	vst v27;
	v52 =	vld.idx.msk [tilespmem:v56+s21+$0x0], $0xffff;
	v56 =	vor.u32 v4, v26  }
0x169: {  	v53 =	vadd.s32 v21, v42;
	v27 =	vshll.u32 v61, $0x8;
	v57 =	vor.u32 v4, v25;
	v51 =	vld.idx.msk [tilespmem:v51+s21+$0x0], $0xffff  }
0x16a: {  	v25 =	vor.u32 v24, v53;
	v26 =	vand.u32 $0x7800, v27;
	v27 =	vshll.u32 v61, $0x7  }
0x16b: {  	v49 =	vld.idx.msk [tilespmem:v49+s21+$0x0], $0xffff;
	v61 =	vor.u32 v29, v54;
	v62 =	vadd.s32 v21, v26;
	v27 =	vand.u32 $0x380, v27;
	[tilespmem:s1+$0x70] =	vst v47  }
0x16c: {  	v53 =	vor.u32 v27, v62;
	v47 =	vor.u32 v20, v25;
	[tilespmem:s0+$0x70] =	vst v50;
	v55 =	vld.idx.msk [tilespmem:v60+s21+$0x0], $0xffff  }
0x16d: {  	p0 =	por $0x0, $0x0;
	s5 =	simm.s32 $0x1;
	s11 =	sand.u32 $0x7, s2;
	v25 =	vand.u32 $0x300, v48;
	v48 =	vor.u32 v20, v53;
	v60 =	vadd.s32 v3, v30;
	v56 =	vld.idx.msk [tilespmem:v56+s21+$0x0], $0xffff;
	[tilespmem:s3+$0x70] =	vst v52  }
0x16e: {  	s5 =	simm.s32 @!p0 $0x0;
	s12 =	sshll.u32 s11, $0x7;
	s13 =	sand.u32 $0x3, s2;
	v59 =	vadd.s32 v21, v41;
	[tilespmem:s31+$0x70] =	vst v51;
	v51 =	vor.u32 v2, v61;
	v63 =	vor.u32 v31, v60  }
0x16f: {  	s15 =	sshll.u32 s5, $0x9;
	s9 =	simm.s32 $0x400;
	v40 =	vadd.s32 v19, v32;
	s0 =	sadd.s32 $0x0, s12;
	v60 =	vor.u32 v25, v59;
	v53 =	vld.idx.msk [tilespmem:v57+s21+$0x0], $0xffff;
	v50 =	vor.u32 v2, v63  }
0x170: {  	s19 =	sand.u32 $0x7800, s9;
	v40 =	vor.u32 v34, v40;
	v62 =	vor.u32 v28, v58;
	s1 =	sshll.u32 s13, $0x8;
	s3 =	sadd.s32 $0x80, s0;
	v45 =	vld.idx.msk [tilespmem:v45+s21+$0x0], $0xffff;
	v52 =	vor.u32 v20, v60  }
0x171: {  	v44 =	vor.u32 v29, v44;
	v40 =	vor.u32 v18, v40;
	s4 =	sadd.s32 $0x180, s0;
	s1 =	sadd.s32 $0x0, s1;
	v57 =	vor.u32 v2, v62;
	s16 =	sor.u32 $0x400, s3;
	v47 =	vld.idx.msk [tilespmem:v47+s21+$0x0], $0xffff  }
0x172: {  	s22 =	sadd.s32 $0x15100, s19;
	v44 =	vor.u32 v22, v44;
	s14 =	sor.u32 $0x400, s4;
	s1 =	sadd.s32 $0x100, s1;
	v60 =	vadd.s32 v19, v26;
	v48 =	vld.idx.msk [tilespmem:v48+s21+$0x0], $0xffff;
	[tilespmem:s16+$0x15100] =	vst v56  }
0x173: {  	v58 =	vadd.s32 v19, v42;
	s0 =	sadd.s32 $0x0, s15;
	s31 =	simm.s32 $0x200;
	s17 =	sor.u32 $0x400, s1;
	v60 =	vor.u32 v27, v60;
	[tilespmem:s14+$0x15100] =	vst v55;
	v51 =	vld.idx.msk [tilespmem:v51+s21+$0x0], $0xffff  }
0x174: {  	s10 =	simm.s32 $0x380;
	v58 =	vor.u32 v24, v58;
	s18 =	sor.u32 $0x400, s0;
	s8 =	sand.u32 $0x200, s31;
	v60 =	vor.u32 v18, v60;
	[tilespmem:s17+$0x15100] =	vst v53;
	v50 =	vld.idx.msk [tilespmem:v50+s21+$0x0], $0xffff  }
0x175: {  	s24 =	simm.s32 $0x280;
	s23 =	sand.u32 $0x380, s10;
	v61 =	vadd.s32 v1, v30;
	v62 =	vor.u32 v18, v58;
	s16 =	sor.u32 s8, s22;
	[tilespmem:s18+$0x15100] =	vst v45;
	v52 =	vld.idx.msk [tilespmem:v52+s21+$0x0], $0xffff  }
0x176: {  	s5 =	sand.u32 $0x280, s24;
	v63 =	vor.u32 v31, v61;
	v55 =	vadd.s32 v19, v41;
	s18 =	sadd.s32 s23, s22;
	[tilespmem:s16+$0x0] =	vst v49;
	v45 =	vld.idx.msk [tilespmem:v57+s21+$0x0], $0xffff  }
0x177: {  	v61 =	vor.u32 v22, v63;
	v55 =	vor.u32 v25, v55;
	s17 =	sor.u32 s5, s22;
	v46 =	vld.idx.msk [tilespmem:v46+s21+$0x0], $0xffff;
	[tilespmem:s18+$0x0] =	vst v48  }
0x178: {  	s25 =	simm.s32 $0x300;
	v29 =	vor.u32 v29, v39;
	s11 =	sor.u32 $0x410, s3;
	v55 =	vor.u32 v18, v55;
	v40 =	vld.idx.msk [tilespmem:v40+s21+$0x0], $0xffff;
	[tilespmem:s17+$0x0] =	vst v47  }
0x179: {  	s7 =	sand.u32 $0x300, s25;
	v54 =	vadd.s32 v17, v42;
	v29 =	vor.u32 v23, v29;
	s28 =	sor.u32 $0x410, s4;
	v48 =	vld.idx.msk [tilespmem:v60+s21+$0x0], $0xffff;
	[tilespmem:s11+$0x15100] =	vst v51  }
0x17a: {  	s19 =	sadd.s32 s7, s22;
	v30 =	vadd.s32 v0, v30;
	v63 =	vadd.s32 v17, v26;
	v60 =	vld.idx.msk [tilespmem:v62+s21+$0x0], $0xffff;
	[tilespmem:s28+$0x15100] =	vst v50  }
0x17b: {  	v30 =	vor.u32 v31, v30;
	s12 =	sor.u32 $0x410, s1;
	v58 =	vor.u32 v27, v63;
	[tilespmem:s19+$0x0] =	vst v52;
	v44 =	vld.idx.msk [tilespmem:v44+s21+$0x0], $0xffff  }
0x17c: {  	v31 =	vor.u32 v24, v54;
	v47 =	vor.u32 v16, v58;
	[tilespmem:s12+$0x15100] =	vst v45;
	v50 =	vld.idx.msk [tilespmem:v61+s21+$0x0], $0xffff  }
0x17d: {  	v28 =	vor.u32 v28, v36;
	v31 =	vor.u32 v16, v31;
	s14 =	sor.u32 $0x410, s0;
	[tilespmem:s16+$0x10] =	vst v40;
	v61 =	vld.idx.msk [tilespmem:v55+s21+$0x0], $0xffff  }
0x17e: {  	v36 =	vadd.s32 v0, v32;
	v59 =	vadd.s32 v17, v41;
	[tilespmem:s14+$0x15100] =	vst v46;
	v39 =	vld.idx.msk [tilespmem:v43+s21+$0x0], $0xffff  }
0x17f: {  	v30 =	vor.u32 v23, v30;
	v62 =	vor.u32 v25, v59;
	v37 =	vld.idx.msk [tilespmem:v37+s21+$0x0], $0xffff;
	[tilespmem:s18+$0x10] =	vst v48  }
0x180: {  	v28 =	vor.u32 v23, v28;
	s15 =	sor.u32 $0x420, s3;
	v63 =	vor.u32 v16, v62;
	v38 =	vld.idx.msk [tilespmem:v38+s21+$0x0], $0xffff;
	[tilespmem:s17+$0x10] =	vst v60  }
0x181: {  	s13 =	sor.u32 $0x420, s4;
	v54 =	vadd.s32 v14, v26;
	v49 =	vadd.s32 v1, v32;
	v52 =	vld.idx.msk [tilespmem:v47+s21+$0x0], $0xffff;
	[tilespmem:s15+$0x15100] =	vst v44  }
0x182: {  	v45 =	vor.u32 v27, v54;
	v55 =	vadd.s32 v14, v42;
	v31 =	vld.idx.msk [tilespmem:v31+s21+$0x0], $0xffff;
	[tilespmem:s13+$0x15100] =	vst v50  }
0x183: {  	v45 =	vor.u32 v12, v45;
	v56 =	vor.u32 v24, v55;
	[tilespmem:s19+$0x10] =	vst v61;
	v29 =	vld.idx.msk [tilespmem:v29+s21+$0x0], $0xffff  }
0x184: {  	s23 =	sor.u32 $0x420, s1;
	v58 =	vadd.s32 v14, v41;
	v40 =	vor.u32 v12, v56;
	[tilespmem:s16+$0x20] =	vst v37;
	v30 =	vld.idx.msk [tilespmem:v30+s21+$0x0], $0xffff  }
0x185: {  	s25 =	simm.s32 $0x9;
	s24 =	sor.u32 $0x420, s0;
	v62 =	vadd.s32 v9, v42;
	v48 =	vor.u32 v25, v58;
	[tilespmem:s23+$0x15100] =	vst v39;
	v57 =	vld.idx.msk [tilespmem:v63+s21+$0x0], $0xffff  }
0x186: {  	v54 =	vadd.s32 v9, v41;
	v58 =	vmov s25;
	v59 =	vor.u32 v12, v48;
	[tilespmem:s24+$0x15100] =	vst v38;
	v33 =	vld.idx.msk [tilespmem:v33+s21+$0x0], $0xffff  }
0x187: {  	s28 =	simm.s32 $0xA;
	v43 =	vshll.u32 v58, $0x7;
	v47 =	vshll.u32 v58, $0x8;
	v58 =	vadd.s32 v11, v42;
	v35 =	vld.idx.msk [tilespmem:v35+s21+$0x0], $0xffff;
	[tilespmem:s18+$0x20] =	vst v52  }
0x188: {  	v48 =	vmov s28;
	v61 =	vadd.s32 v9, v26;
	v38 =	vadd.s32 v3, v32;
	[tilespmem:s17+$0x20] =	vst v31;
	v60 =	vld.idx.msk [tilespmem:v45+s21+$0x0], $0xffff  }
0x189: {  	v31 =	vor.u32 v27, v61;
	v52 =	vor.u32 v24, v62;
	v62 =	vadd.s32 v15, v41;
	v40 =	vld.idx.msk [tilespmem:v40+s21+$0x0], $0xffff  }
0x18a: {  	s4 =	sor.u32 $0x430, s4;
	s22 =	simm.s32 $0x8;
	v63 =	vor.u32 v6, v31;
	v37 =	vor.u32 v6, v52;
	v45 =	vor.u32 v25, v54;
	[tilespmem:s19+$0x20] =	vst v57  }
0x18b: {  	s3 =	sor.u32 $0x430, s3;
	v31 =	vmov s22;
	v39 =	vor.u32 v25, v62;
	[tilespmem:s4+$0x15100] =	vst v30;
	v30 =	vadd.s32 v9, v32;
	v53 =	vld.idx.msk [tilespmem:v59+s21+$0x0], $0xffff  }
0x18c: {  	v52 =	vadd.s32 v10, v32;
	v45 =	vor.u32 v6, v45;
	[tilespmem:s3+$0x15100] =	vst v29;
	v30 =	vor.u32 v34, v30  }
0x18d: {  	v54 =	vadd.s32 v8, v32;
	v62 =	vadd.s32 v10, v26;
	[tilespmem:s16+$0x30] =	vst v33;
	v30 =	vor.u32 v6, v30  }
0x18e: {  	v55 =	vshll.u32 v31, $0x7;
	v29 =	vadd.s32 v15, v32;
	v54 =	vor.u32 v34, v54;
	v57 =	vld.idx.msk [tilespmem:v28+s21+$0x0], $0xffff;
	[tilespmem:s18+$0x30] =	vst v60  }
0x18f: {  	v56 =	vshll.u32 v31, $0x8;
	v28 =	vadd.s32 v15, v26;
	v29 =	vor.u32 v34, v29;
	[tilespmem:s17+$0x30] =	vst v40;
	v44 =	vld.idx.msk [tilespmem:v63+s21+$0x0], $0xffff  }
0x190: {  	v31 =	vand.u32 $0x200, v55;
	v59 =	vor.u32 v27, v28;
	v60 =	vadd.s32 v15, v42;
	v37 =	vld.idx.msk [tilespmem:v37+s21+$0x0], $0xffff;
	[tilespmem:s19+$0x30] =	vst v53  }
0x191: {  	s0 =	sor.u32 $0x430, s0;
	v32 =	vadd.s32 v11, v32;
	v40 =	vor.u32 v13, v59;
	v61 =	vor.u32 v24, v60;
	v45 =	vld.idx.msk [tilespmem:v45+s21+$0x0], $0xffff  }
0x192: {  	s1 =	sor.u32 $0x430, s1;
	[tilespmem:s0+$0x15100] =	vst v35;
	v28 =	vand.u32 $0x7800, v56;
	v29 =	vor.u32 v13, v29;
	v33 =	vor.u32 v13, v61;
	v30 =	vld.idx.msk [tilespmem:v30+s21+$0x0], $0xffff  }
0x193: {  	v56 =	vadd.s32 v11, v26;
	v32 =	vor.u32 v34, v32;
	v63 =	vor.u32 v13, v39;
	[tilespmem:s1+$0x15100] =	vst v57  }
0x194: {  	v35 =	vadd.s32 v14, v28;
	v55 =	vadd.s32 v21, v28;
	v59 =	vadd.s32 v11, v41;
	[tilespmem:s18+$0x40] =	vst v44  }
0x195: {  	v39 =	vadd.s32 v17, v28;
	v57 =	vor.u32 v27, v56;
	v56 =	vadd.s32 v10, v41;
	[tilespmem:s17+$0x40] =	vst v37  }
0x196: {  	v46 =	vshll.u32 v48, $0x7;
	v44 =	vadd.s32 v19, v28;
	v37 =	vor.u32 v7, v57;
	v40 =	vld.idx.msk [tilespmem:v40+s21+$0x0], $0xffff;
	[tilespmem:s19+$0x40] =	vst v45  }
0x197: {  	v48 =	vshll.u32 v48, $0x8;
	v57 =	vadd.s32 v8, v42;
	v53 =	vld.idx.msk [tilespmem:v33+s21+$0x0], $0xffff;
	[tilespmem:s16+$0x40] =	vst v30;
	v30 =	vor.u32 v24, v58  }
0x198: {  	v33 =	vadd.s32 v0, v42;
	v50 =	vld.idx.msk [tilespmem:v63+s21+$0x0], $0xffff;
	v51 =	vor.u32 v7, v30;
	v30 =	vor.u32 v25, v59  }
0x199: {  	v58 =	vor.u32 v7, v32;
	v32 =	vor.u32 v34, v49;
	v60 =	vld.idx.msk [tilespmem:v29+s21+$0x0], $0xffff;
	v61 =	vor.u32 v7, v30  }
0x19a: {  	v45 =	vor.u32 v34, v38;
	v38 =	vand.u32 $0x7800, v48;
	v48 =	vadd.s32 v3, v42  }
0x19b: {  	v29 =	vor.u32 v34, v36;
	v36 =	vadd.s32 v1, v41;
	v63 =	vor.u32 v27, v62;
	[tilespmem:s18+$0x50] =	vst v40  }
0x19c: {  	p0 =	por !p0, !p0;
	s0 =	simm.s32 $0x1;
	v30 =	vadd.s32 v0, v41;
	[tilespmem:s17+$0x50] =	vst v53;
	v53 =	vadd.s32 v10, v42;
	v49 =	vld.idx.msk [tilespmem:v37+s21+$0x0], $0xffff  }
0x19d: {  	s0 =	simm.s32 @!p0 $0x0;
	v37 =	vand.u32 $0x7800, v47;
	v47 =	vor.u32 v24, v53;
	[tilespmem:s19+$0x50] =	vst v50;
	v50 =	vor.u32 v5, v63;
	v59 =	vld.idx.msk [tilespmem:v51+s21+$0x0], $0xffff  }
0x19e: {  	s31 =	sand.u32 $0x3, s30;
	s0 =	sshll.u32 s0, $0x9;
	v62 =	vor.u32 v5, v47;
	[tilespmem:s16+$0x50] =	vst v60;
	v60 =	vor.u32 v25, v56;
	v61 =	vld.idx.msk [tilespmem:v61+s21+$0x0], $0xffff  }
0x19f: {  	s0 =	sadd.s32 $0x400, s0;
	s1 =	sshll.u32 s31, $0x8;
	v40 =	vadd.s32 v1, v42;
	v63 =	vor.u32 v34, v52;
	v51 =	vld.idx.msk [tilespmem:v58+s21+$0x0], $0xffff;
	v52 =	vor.u32 v5, v60  }
0x1a0: {  	s25 =	simm.s32 $0xC;
	s29 =	sor.u32 $0x400, s0;
	s1 =	sadd.s32 $0x400, s1;
	v42 =	vadd.s32 v8, v26;
	v47 =	vadd.s32 v3, v41;
	v53 =	vor.u32 v5, v63  }
0x1a1: {  	s11 =	sor.u32 $0x410, s0;
	s7 =	sor.u32 $0x420, s0;
	s1 =	sadd.s32 $0x100, s1;
	v56 =	vadd.s32 v8, v41;
	v60 =	vor.u32 v31, v55;
	v58 =	vadd.s32 v21, v37;
	[tilespmem:s18+$0x60] =	vst v49  }
0x1a2: {  	s0 =	sor.u32 $0x430, s0;
	s23 =	sor.u32 $0x400, s1;
	s12 =	sor.u32 $0x410, s1;
	v63 =	vor.u32 v27, v42;
	v49 =	vor.u32 v4, v54;
	v55 =	vld.idx.msk [tilespmem:v50+s21+$0x0], $0xffff;
	[tilespmem:s17+$0x60] =	vst v59  }
0x1a3: {  	s8 =	sor.u32 $0x420, s1;
	s3 =	sor.u32 $0x430, s1;
	s1 =	simm.s32 $0xB;
	v34 =	vand.u32 $0x280, v43;
	v50 =	vadd.s32 v21, v38;
	v59 =	vor.u32 v4, v63;
	v54 =	vld.idx.msk [tilespmem:v62+s21+$0x0], $0xffff;
	[tilespmem:s19+$0x60] =	vst v61  }
.LBB2_4:
0x1a4: {  	p1 =	slt.u32 s25, $0x6C;
	v60 =	vor.u32 v20, v60;
	v61 =	vmov s1;
	[tilespmem:s16+$0x60] =	vst v51;
	v57 =	vor.u32 v24, v57;
	v51 =	vld.idx.msk [tilespmem:v52+s21+$0x0], $0xffff;
	v41 =	vmovc v31  }
0x1a5: {  	v56 =	vor.u32 v25, v56;
	v42 =	vmovc v37;
	v31 =	vshll.u32 v61, $0x8;
	v52 =	vld.idx.msk [tilespmem:v53+s21+$0x0], $0xffff;
	v53 =	vor.u32 v4, v57  }
0x1a6: {  	v43 =	vmovc v38;
	v56 =	vor.u32 v4, v56;
	v37 =	vand.u32 $0x7800, v31;
	v31 =	vshll.u32 v61, $0x7  }
0x1a7: {  	v38 =	vor.u32 v34, v58;
	v57 =	vadd.s32 v21, v37;
	v58 =	vand.u32 $0x380, v31;
	[tilespmem:s18+$0x70] =	vst v55  }
0x1a8: {  	s2 =	sadd.s32 $0x4, s2;
	v38 =	vor.u32 v20, v38;
	v55 =	vor.u32 v58, v57;
	v57 =	vld.idx.msk [tilespmem:v59+s21+$0x0], $0xffff;
	v59 =	vadd.s32 v3, v26  }
0x1a9: {  	s1 =	sand.u32 $0x7, s2;
	v31 =	vand.u32 $0x300, v46;
	v60 =	vld.idx.msk [tilespmem:v60+s21+$0x0], $0xffff;
	v46 =	vor.u32 v20, v55;
	[tilespmem:s17+$0x70] =	vst v54;
	v54 =	vor.u32 v27, v59  }
0x1aa: {  	s1 =	sshll.u32 s1, $0x7;
	v50 =	vor.u32 v31, v50;
	v53 =	vld.idx.msk [tilespmem:v53+s21+$0x0], $0xffff;
	[tilespmem:s19+$0x70] =	vst v51;
	v51 =	vor.u32 v2, v54  }
0x1ab: {  	v48 =	vor.u32 v24, v48;
	s30 =	sadd.s32 $0x2, s30;
	s1 =	sadd.s32 s9, s1;
	v50 =	vor.u32 v20, v50;
	[tilespmem:s16+$0x70] =	vst v52;
	v52 =	vld.idx.msk [tilespmem:v56+s21+$0x0], $0xffff  }
0x1ac: {  	v47 =	vor.u32 v25, v47;
	p0 =	por !p0, !p0;
	v48 =	vor.u32 v2, v48;
	s5 =	sadd.s32 $0x80, s1;
	s4 =	sadd.s32 $0x180, s1;
	v54 =	vadd.s32 v17, v42;
	v49 =	vld.idx.msk [tilespmem:v49+s21+$0x0], $0xffff  }
0x1ad: {  	v47 =	vor.u32 v2, v47;
	v55 =	vadd.s32 v19, v42;
	s6 =	sor.u32 $0x400, s5;
	s31 =	sor.u32 $0x410, s5;
	s14 =	sor.u32 $0x400, s4;
	v56 =	vadd.s32 v17, v43;
	v38 =	vld.idx.msk [tilespmem:v38+s21+$0x0], $0xffff  }
0x1ae: {  	v45 =	vor.u32 v2, v45;
	v59 =	vadd.s32 v19, v37;
	s13 =	sor.u32 $0x420, s5;
	s1 =	sor.u32 $0x430, s5;
	v46 =	vld.idx.msk [tilespmem:v46+s21+$0x0], $0xffff;
	[tilespmem:s14+$0x15100] =	vst v57;
	s14 =	simm.s32 $0x1  }
0x1af: {  	v61 =	vadd.s32 v1, v26;
	s5 =	sand.u32 $0x3, s30;
	v59 =	vor.u32 v58, v59;
	v57 =	vadd.s32 v19, v43;
	s14 =	simm.s32 @!p0 $0x0;
	v51 =	vld.idx.msk [tilespmem:v51+s21+$0x0], $0xffff  }
0x1b0: {  	s9 =	sadd.s32 $0x400, s9;
	s5 =	sshll.u32 s5, $0x8;
	v59 =	vor.u32 v18, v59;
	s14 =	sshll.u32 s14, $0x9;
	v50 =	vld.idx.msk [tilespmem:v50+s21+$0x0], $0xffff;
	[tilespmem:s6+$0x15100] =	vst v53;
	v53 =	vor.u32 v27, v61  }
0x1b1: {  	s10 =	sadd.s32 $0x200, s10;
	v55 =	vor.u32 v34, v55;
	s5 =	sadd.s32 s9, s5;
	s6 =	sand.u32 $0x7800, s9;
	v48 =	vld.idx.msk [tilespmem:v48+s21+$0x0], $0xffff;
	[tilespmem:s23+$0x15100] =	vst v52;
	v52 =	vor.u32 v22, v53  }
0x1b2: {  	s15 =	sadd.s32 $0xFFFFFE80, s10;
	s16 =	sand.u32 $0x380, s10;
	s6 =	sadd.s32 $0x15100, s6;
	v53 =	vor.u32 v18, v55;
	v55 =	vor.u32 v31, v57;
	[tilespmem:s29+$0x15100] =	vst v49;
	v47 =	vld.idx.msk [tilespmem:v47+s21+$0x0], $0xffff  }
0x1b3: {  	v40 =	vor.u32 v24, v40;
	v44 =	vor.u32 v41, v44;
	s17 =	sadd.s32 $0xFFFFFF00, s10;
	s19 =	sadd.s32 $0xFFFFFF80, s10;
	v49 =	vor.u32 v18, v55;
	s18 =	sadd.s32 s16, s6;
	v45 =	vld.idx.msk [tilespmem:v45+s21+$0x0], $0xffff  }
0x1b4: {  	v36 =	vor.u32 v25, v36;
	v40 =	vor.u32 v22, v40;
	s15 =	sand.u32 $0x200, s15;
	v44 =	vor.u32 v18, v44;
	s22 =	sor.u32 $0x410, s4;
	s17 =	sand.u32 $0x280, s17;
	[tilespmem:s18+$0x0] =	vst v46  }
0x1b5: {  	v36 =	vor.u32 v22, v36;
	s16 =	sor.u32 s15, s6;
	s17 =	sor.u32 s17, s6;
	s15 =	sand.u32 $0x300, s19;
	v55 =	vadd.s32 v17, v37;
	v46 =	vld.idx.msk [tilespmem:v59+s21+$0x0], $0xffff;
	[tilespmem:s22+$0x15100] =	vst v51  }
0x1b6: {  	s14 =	sadd.s32 s14, s9;
	s19 =	sadd.s32 s15, s6;
	s15 =	sadd.s32 $0x100, s5;
	[tilespmem:s17+$0x0] =	vst v38;
	v38 =	vor.u32 v58, v55;
	v51 =	vld.idx.msk [tilespmem:v52+s21+$0x0], $0xffff;
	v52 =	vadd.s32 v0, v26;
	v26 =	vmov v37  }
0x1b7: {  	s29 =	sor.u32 $0x400, s14;
	s23 =	sor.u32 $0x400, s15;
	s22 =	sor.u32 $0x410, s15;
	v37 =	vld.idx.msk [tilespmem:v53+s21+$0x0], $0xffff;
	[tilespmem:s19+$0x0] =	vst v50;
	v38 =	vor.u32 v16, v38;
	v50 =	vor.u32 v27, v52;
	v27 =	vmov v58  }
0x1b8: {  	s24 =	sor.u32 $0x410, s14;
	s6 =	sor.u32 $0x420, s14;
	s5 =	sor.u32 $0x420, s15;
	v52 =	vor.u32 v34, v54;
	[tilespmem:s16+$0x0] =	vst v60;
	v49 =	vld.idx.msk [tilespmem:v49+s21+$0x0], $0xffff;
	v50 =	vor.u32 v23, v50  }
0x1b9: {  	s14 =	sor.u32 $0x430, s14;
	s15 =	sor.u32 $0x430, s15;
	v53 =	vor.u32 v31, v56;
	v52 =	vor.u32 v16, v52;
	v44 =	vld.idx.msk [tilespmem:v44+s21+$0x0], $0xffff;
	[tilespmem:s31+$0x15100] =	vst v48  }
0x1ba: {  	v39 =	vor.u32 v41, v39;
	v48 =	vor.u32 v16, v53;
	v40 =	vld.idx.msk [tilespmem:v40+s21+$0x0], $0xffff;
	[tilespmem:s12+$0x15100] =	vst v47;
	s12 =	smov.u32 s22  }
0x1bb: {  	v33 =	vor.u32 v24, v33;
	v24 =	vmov v34;
	v39 =	vor.u32 v16, v39;
	s22 =	sor.u32 $0x420, s4;
	[tilespmem:s18+$0x10] =	vst v46;
	v36 =	vld.idx.msk [tilespmem:v36+s21+$0x0], $0xffff  }
0x1bc: {  	v32 =	vor.u32 v22, v32;
	v34 =	vld.idx.msk [tilespmem:v38+s21+$0x0], $0xffff;
	v38 =	vadd.s32 v14, v26;
	[tilespmem:s22+$0x15100] =	vst v51  }
0x1bd: {  	v33 =	vor.u32 v23, v33;
	[tilespmem:s17+$0x10] =	vst v37;
	v37 =	vor.u32 v27, v38;
	v38 =	vld.idx.msk [tilespmem:v50+s21+$0x0], $0xffff  }
0x1be: {  	v47 =	vadd.s32 v14, v42;
	v46 =	vld.idx.msk [tilespmem:v52+s21+$0x0], $0xffff;
	[tilespmem:s19+$0x10] =	vst v49;
	v37 =	vor.u32 v12, v37  }
0x1bf: {  	[tilespmem:s16+$0x10] =	vst v44;
	v44 =	vor.u32 v24, v47;
	v47 =	vld.idx.msk [tilespmem:v48+s21+$0x0], $0xffff;
	v48 =	vadd.s32 v14, v43  }
0x1c0: {  	v39 =	vld.idx.msk [tilespmem:v39+s21+$0x0], $0xffff;
	v44 =	vor.u32 v12, v44;
	v48 =	vor.u32 v31, v48;
	[tilespmem:s11+$0x15100] =	vst v45;
	s11 =	smov.u32 s24  }
0x1c1: {  	v35 =	vor.u32 v41, v35;
	v45 =	vor.u32 v12, v48;
	v32 =	vld.idx.msk [tilespmem:v32+s21+$0x0], $0xffff;
	[tilespmem:s13+$0x15100] =	vst v40  }
0x1c2: {  	v30 =	vor.u32 v25, v30;
	v35 =	vor.u32 v12, v35;
	v25 =	vmov v31;
	s4 =	sor.u32 $0x430, s4;
	[tilespmem:s18+$0x20] =	vst v34;
	v33 =	vld.idx.msk [tilespmem:v33+s21+$0x0], $0xffff  }
0x1c3: {  	v30 =	vor.u32 v23, v30;
	v34 =	vadd.s32 v9, v26;
	v31 =	vld.idx.msk [tilespmem:v37+s21+$0x0], $0xffff;
	[tilespmem:s4+$0x15100] =	vst v38  }
0x1c4: {  	v29 =	vor.u32 v23, v29;
	v37 =	vadd.s32 v9, v28;
	v34 =	vor.u32 v27, v34;
	[tilespmem:s17+$0x20] =	vst v46  }
0x1c5: {  	v40 =	vadd.s32 v9, v42;
	v34 =	vor.u32 v6, v34;
	v38 =	vld.idx.msk [tilespmem:v44+s21+$0x0], $0xffff;
	[tilespmem:s19+$0x20] =	vst v47  }
0x1c6: {  	v44 =	vmov s25;
	[tilespmem:s16+$0x20] =	vst v39;
	v39 =	vor.u32 v24, v40;
	v40 =	vld.idx.msk [tilespmem:v45+s21+$0x0], $0xffff;
	v45 =	vadd.s32 v9, v43  }
0x1c7: {  	v46 =	vshll.u32 v44, $0x7;
	v35 =	vld.idx.msk [tilespmem:v35+s21+$0x0], $0xffff;
	v39 =	vor.u32 v6, v39;
	v45 =	vor.u32 v25, v45;
	[tilespmem:s8+$0x15100] =	vst v36;
	s8 =	smov.u32 s5  }
0x1c8: {  	s4 =	sadd.s32 $0x1, s25;
	v37 =	vor.u32 v41, v37;
	v36 =	vshll.u32 v44, $0x8;
	s5 =	sadd.s32 $0x2, s25;
	v44 =	vor.u32 v6, v45;
	[tilespmem:s7+$0x15100] =	vst v32;
	v30 =	vld.idx.msk [tilespmem:v30+s21+$0x0], $0xffff;
	s7 =	smov.u32 s6  }
0x1c9: {  	v37 =	vor.u32 v6, v37;
	v32 =	vmov s4;
	v45 =	vmov s5;
	[tilespmem:s18+$0x30] =	vst v31;
	v29 =	vld.idx.msk [tilespmem:v29+s21+$0x0], $0xffff  }
0x1ca: {  	v47 =	vadd.s32 v0, v28;
	v31 =	vand.u32 $0x200, v46;
	v46 =	vadd.s32 v15, v26;
	v34 =	vld.idx.msk [tilespmem:v34+s21+$0x0], $0xffff;
	[tilespmem:s1+$0x15100] =	vst v33  }
0x1cb: {  	v48 =	vadd.s32 v1, v28;
	v33 =	vadd.s32 v15, v28;
	[tilespmem:s17+$0x30] =	vst v38;
	v38 =	vor.u32 v27, v46  }
0x1cc: {  	v36 =	vand.u32 $0x7800, v36;
	v49 =	vld.idx.msk [tilespmem:v39+s21+$0x0], $0xffff;
	v39 =	vadd.s32 v15, v42;
	[tilespmem:s19+$0x30] =	vst v40;
	v38 =	vor.u32 v13, v38  }
0x1cd: {  	v54 =	vshll.u32 v32, $0x7;
	[tilespmem:s16+$0x30] =	vst v35;
	v35 =	vor.u32 v24, v39;
	v40 =	vld.idx.msk [tilespmem:v44+s21+$0x0], $0xffff;
	v39 =	vadd.s32 v15, v43  }
0x1ce: {  	v46 =	vshll.u32 v45, $0x7;
	v37 =	vld.idx.msk [tilespmem:v37+s21+$0x0], $0xffff;
	v50 =	vor.u32 v13, v35;
	v35 =	vor.u32 v25, v39;
	[tilespmem:s3+$0x15100] =	vst v30;
	s3 =	smov.u32 s15  }
0x1cf: {  	v51 =	vadd.s32 v3, v28;
	v30 =	vor.u32 v41, v33;
	v33 =	vor.u32 v13, v35;
	[tilespmem:s0+$0x15100] =	vst v29;
	s0 =	smov.u32 s14  }
0x1d0: {  	v55 =	vadd.s32 v8, v28;
	v52 =	vadd.s32 v10, v28;
	v29 =	vor.u32 v13, v30;
	[tilespmem:s18+$0x40] =	vst v34  }
0x1d1: {  	v28 =	vadd.s32 v11, v28;
	v35 =	vadd.s32 v14, v36;
	v30 =	vadd.s32 v11, v26;
	v34 =	vld.idx.msk [tilespmem:v38+s21+$0x0], $0xffff  }
0x1d2: {  	v44 =	vadd.s32 v19, v36;
	v39 =	vadd.s32 v17, v36;
	v30 =	vor.u32 v27, v30;
	[tilespmem:s17+$0x40] =	vst v49  }
0x1d3: {  	v38 =	vshll.u32 v32, $0x8;
	v32 =	vadd.s32 v11, v42;
	v49 =	vld.idx.msk [tilespmem:v50+s21+$0x0], $0xffff;
	[tilespmem:s19+$0x40] =	vst v40;
	v50 =	vor.u32 v7, v30  }
0x1d4: {  	v53 =	vshll.u32 v45, $0x8;
	v30 =	vor.u32 v24, v32;
	v32 =	vadd.s32 v11, v43;
	[tilespmem:s16+$0x40] =	vst v37;
	v56 =	vld.idx.msk [tilespmem:v33+s21+$0x0], $0xffff  }
0x1d5: {  	v58 =	vadd.s32 v21, v36;
	v59 =	vor.u32 v7, v30;
	v30 =	vor.u32 v25, v32;
	v57 =	vld.idx.msk [tilespmem:v29+s21+$0x0], $0xffff  }
0x1d6: {  	v32 =	vor.u32 v41, v28;
	v28 =	vmovc v36;
	v29 =	vor.u32 v41, v47;
	v47 =	vor.u32 v7, v30  }
0x1d7: {  	v33 =	vadd.s32 v0, v42;
	v60 =	vor.u32 v7, v32;
	v30 =	vadd.s32 v0, v43;
	[tilespmem:s18+$0x50] =	vst v34  }
0x1d8: {  	v40 =	vadd.s32 v1, v42;
	v37 =	vadd.s32 v10, v26;
	v32 =	vor.u32 v41, v48;
	v34 =	vld.idx.msk [tilespmem:v50+s21+$0x0], $0xffff  }
0x1d9: {  	v45 =	vor.u32 v41, v51;
	v36 =	vadd.s32 v1, v43;
	v48 =	vor.u32 v27, v37;
	[tilespmem:s17+$0x50] =	vst v49  }
0x1da: {  	v37 =	vand.u32 $0x7800, v38;
	v50 =	vadd.s32 v10, v42;
	v49 =	vld.idx.msk [tilespmem:v59+s21+$0x0], $0xffff;
	[tilespmem:s19+$0x50] =	vst v56;
	v59 =	vor.u32 v5, v48  }
0x1db: {  	v38 =	vand.u32 $0x7800, v53;
	v48 =	vor.u32 v24, v50;
	[tilespmem:s16+$0x50] =	vst v57;
	v61 =	vld.idx.msk [tilespmem:v47+s21+$0x0], $0xffff;
	v47 =	vadd.s32 v10, v43  }
0x1dc: {  	v62 =	vor.u32 v5, v48;
	v48 =	vadd.s32 v3, v42;
	v51 =	vld.idx.msk [tilespmem:v60+s21+$0x0], $0xffff;
	v47 =	vor.u32 v25, v47  }
.Ltmp1:
0x1dd: {  	v50 =	vor.u32 v41, v52;
	v52 =	vor.u32 v5, v47;
	v47 =	vadd.s32 v3, v43;
	(pc) =	sbr.rel @p1 .LBB2_4-.Ltmp1, $4  }
0x1de: {  	v41 =	vor.u32 v41, v55;
	v53 =	vor.u32 v5, v50;
	v57 =	vadd.s32 v8, v42;
	[tilespmem:s18+$0x60] =	vst v34  }
0x1df: {  	v56 =	vadd.s32 v8, v43;
	v60 =	vor.u32 v31, v58;
	v34 =	vadd.s32 v8, v26;
	v55 =	vld.idx.msk [tilespmem:v59+s21+$0x0], $0xffff  }
0x1e0: {  	v50 =	vadd.s32 v21, v38;
	v58 =	vadd.s32 v21, v37;
	v42 =	vor.u32 v27, v34;
	[tilespmem:s17+$0x60] =	vst v49  }
0x1e1: {  	s1 =	sadd.s32 $0x3, s25;
	s25 =	sadd.s32 $0x4, s25;
	v34 =	vand.u32 $0x280, v54;
	v49 =	vor.u32 v4, v41;
	v59 =	vor.u32 v4, v42;
	v54 =	vld.idx.msk [tilespmem:v62+s21+$0x0], $0xffff;
	[tilespmem:s19+$0x60] =	vst v61  }
0x1e2: {  	v41 =	vmov s1  }
0x1e3: {  	v42 =	vshll.u32 v41, $0x8  }
0x1e4: {  	v41 =	vshll.u32 v41, $0x7;
	v42 =	vand.u32 $0x7800, v42  }
0x1e5: {  	v41 =	vand.u32 $0x380, v41;
	v43 =	vadd.s32 v21, v42  }
0x1e6: {  	v60 =	vor.u32 v20, v60;
	v43 =	vor.u32 v41, v43  }
0x1e7: {  	v58 =	vor.u32 v34, v58;
	[tilespmem:s16+$0x60] =	vst v51;
	v61 =	vor.u32 v20, v43  }
0x1e8: {  	v63 =	vor.u32 v24, v57;
	v57 =	vor.u32 v20, v58;
	v43 =	vand.u32 $0x300, v46;
	v46 =	vld.idx.msk [tilespmem:v53+s21+$0x0], $0xffff  }
0x1e9: {  	v52 =	vld.idx.msk [tilespmem:v52+s21+$0x0], $0xffff;
	v51 =	vor.u32 v4, v63;
	[tilespmem:s18+$0x70] =	vst v55;
	v50 =	vor.u32 v43, v50  }
0x1ea: {  	v62 =	vor.u32 v25, v56;
	s6 =	sadd.s32 $0x200, s10;
	v44 =	vor.u32 v31, v44;
	v55 =	vld.idx.msk [tilespmem:v59+s21+$0x0], $0xffff;
	v50 =	vor.u32 v20, v50  }
0x1eb: {  	s10 =	sadd.s32 $0xFFFFFF00, s6;
	v44 =	vor.u32 v18, v44;
	v58 =	vadd.s32 v19, v42;
	v53 =	vor.u32 v4, v62;
	v56 =	vld.idx.msk [tilespmem:v60+s21+$0x0], $0xffff  }
0x1ec: {  	s13 =	sadd.s32 $0xFFFFFF80, s6;
	s18 =	sadd.s32 $0x4, s2;
	s2 =	sadd.s32 $0x400, s9;
	v59 =	vadd.s32 v19, v37;
	v58 =	vor.u32 v41, v58;
	[tilespmem:s17+$0x70] =	vst v54;
	v60 =	vld.idx.msk [tilespmem:v61+s21+$0x0], $0xffff  }
0x1ed: {  	s5 =	sand.u32 $0x7800, s2;
	v63 =	vor.u32 v34, v59;
	v54 =	vld.idx.msk [tilespmem:v57+s21+$0x0], $0xffff;
	v57 =	vor.u32 v18, v58;
	[tilespmem:s16+$0x70] =	vst v46;
	s16 =	sand.u32 $0x380, s6;
	s6 =	sadd.s32 $0xFFFFFE80, s6  }
0x1ee: {  	s15 =	sand.u32 $0x7, s18;
	s5 =	sadd.s32 $0x15100, s5;
	v51 =	vld.idx.msk [tilespmem:v51+s21+$0x0], $0xffff;
	v58 =	vor.u32 v18, v63;
	s6 =	sand.u32 $0x200, s6  }
0x1ef: {  	v39 =	vor.u32 v31, v39;
	s1 =	sshll.u32 s15, $0x7;
	[tilespmem:s19+$0x70] =	vst v52;
	v61 =	vadd.s32 v19, v38;
	v46 =	vld.idx.msk [tilespmem:v50+s21+$0x0], $0xffff;
	s28 =	sor.u32 s6, s5  }
0x1f0: {  	v39 =	vor.u32 v16, v39;
	s22 =	sand.u32 $0x280, s10;
	s1 =	sadd.s32 s9, s1;
	v52 =	vld.idx.msk [tilespmem:v53+s21+$0x0], $0xffff;
	v62 =	vor.u32 v43, v61;
	s19 =	sadd.s32 s16, s5;
	[tilespmem:s28+$0x0] =	vst v56  }
0x1f1: {  	s10 =	sor.u32 s22, s5;
	s17 =	sadd.s32 $0x180, s1;
	s1 =	sadd.s32 $0x80, s1;
	v50 =	vor.u32 v18, v62;
	v44 =	vld.idx.msk [tilespmem:v44+s21+$0x0], $0xffff;
	[tilespmem:s19+$0x0] =	vst v60;
	v60 =	vadd.s32 v17, v42  }
0x1f2: {  	s13 =	sand.u32 $0x300, s13;
	v63 =	vadd.s32 v17, v37;
	s24 =	sor.u32 $0x400, s1;
	[tilespmem:s10+$0x0] =	vst v54;
	v57 =	vld.idx.msk [tilespmem:v57+s21+$0x0], $0xffff;
	v61 =	vor.u32 v41, v60  }
0x1f3: {  	s25 =	sadd.s32 s13, s5;
	v53 =	vor.u32 v34, v63;
	[tilespmem:s24+$0x15100] =	vst v51;
	v51 =	vld.idx.msk [tilespmem:v58+s21+$0x0], $0xffff;
	v54 =	vor.u32 v16, v61  }
0x1f4: {  	v48 =	vor.u32 v24, v48;
	[tilespmem:s25+$0x0] =	vst v46;
	v46 =	vor.u32 v16, v53  }
0x1f5: {  	v47 =	vor.u32 v25, v47;
	v35 =	vor.u32 v31, v35;
	v63 =	vadd.s32 v17, v38;
	v49 =	vld.idx.msk [tilespmem:v49+s21+$0x0], $0xffff  }
0x1f6: {  	v48 =	vor.u32 v2, v48;
	v60 =	vor.u32 v43, v63;
	v50 =	vld.idx.msk [tilespmem:v50+s21+$0x0], $0xffff;
	[tilespmem:s28+$0x10] =	vst v44  }
0x1f7: {  	v35 =	vor.u32 v12, v35;
	v53 =	vor.u32 v16, v60;
	v39 =	vld.idx.msk [tilespmem:v39+s21+$0x0], $0xffff;
	[tilespmem:s19+$0x10] =	vst v57  }
0x1f8: {  	s4 =	sor.u32 $0x400, s17;
	v62 =	vadd.s32 v3, v26;
	v61 =	vadd.s32 v14, v42;
	[tilespmem:s10+$0x10] =	vst v51;
	v54 =	vld.idx.msk [tilespmem:v54+s21+$0x0], $0xffff  }
0x1f9: {  	[tilespmem:s4+$0x15100] =	vst v55;
	v59 =	vor.u32 v27, v62;
	v62 =	vor.u32 v41, v61;
	v46 =	vld.idx.msk [tilespmem:v46+s21+$0x0], $0xffff  }
0x1fa: {  	v58 =	vadd.s32 v9, v42;
	[tilespmem:s23+$0x15100] =	vst v52;
	v63 =	vadd.s32 v14, v37;
	v51 =	vor.u32 v12, v62  }
0x1fb: {  	v52 =	vor.u32 v2, v59;
	v55 =	vor.u32 v34, v63;
	v57 =	vadd.s32 v14, v38;
	[tilespmem:s25+$0x10] =	vst v50  }
0x1fc: {  	v55 =	vor.u32 v12, v55;
	v50 =	vor.u32 v43, v57;
	v53 =	vld.idx.msk [tilespmem:v53+s21+$0x0], $0xffff;
	[tilespmem:s28+$0x20] =	vst v39  }
0x1fd: {  	v59 =	vor.u32 v41, v58;
	v63 =	vadd.s32 v9, v28;
	v44 =	vor.u32 v12, v50;
	[tilespmem:s19+$0x20] =	vst v54  }
0x1fe: {  	v35 =	vld.idx.msk [tilespmem:v35+s21+$0x0], $0xffff;
	[tilespmem:s10+$0x20] =	vst v46;
	v46 =	vor.u32 v6, v59;
	v59 =	vor.u32 v31, v63  }
0x1ff: {  	v45 =	vor.u32 v2, v45;
	v40 =	vor.u32 v24, v40;
	v51 =	vld.idx.msk [tilespmem:v51+s21+$0x0], $0xffff;
	v39 =	vor.u32 v6, v59  }
0x200: {  	v47 =	vor.u32 v2, v47;
	v40 =	vor.u32 v22, v40;
	v48 =	vld.idx.msk [tilespmem:v48+s21+$0x0], $0xffff;
	v60 =	vadd.s32 v9, v37  }
0x201: {  	v61 =	vadd.s32 v9, v38;
	v50 =	vor.u32 v34, v60;
	v54 =	vld.idx.msk [tilespmem:v55+s21+$0x0], $0xffff;
	[tilespmem:s25+$0x20] =	vst v53  }
0x202: {  	v62 =	vadd.s32 v1, v26;
	v50 =	vor.u32 v6, v50;
	v53 =	vor.u32 v43, v61;
	v44 =	vld.idx.msk [tilespmem:v44+s21+$0x0], $0xffff  }
0x203: {  	v52 =	vld.idx.msk [tilespmem:v52+s21+$0x0], $0xffff;
	v63 =	vadd.s32 v15, v28;
	v53 =	vor.u32 v6, v53;
	[tilespmem:s28+$0x30] =	vst v35  }
0x204: {  	v60 =	vadd.s32 v15, v42;
	v56 =	vor.u32 v31, v63;
	[tilespmem:s19+$0x30] =	vst v51;
	v39 =	vld.idx.msk [tilespmem:v39+s21+$0x0], $0xffff  }
0x205: {  	v55 =	vor.u32 v27, v62;
	v35 =	vor.u32 v13, v56;
	v51 =	vor.u32 v41, v60;
	v46 =	vld.idx.msk [tilespmem:v46+s21+$0x0], $0xffff  }
0x206: {  	v62 =	vadd.s32 v15, v38;
	v61 =	vadd.s32 v15, v37;
	[tilespmem:s10+$0x30] =	vst v54;
	v51 =	vor.u32 v13, v51  }
0x207: {  	s6 =	sor.u32 $0x410, s1;
	v55 =	vor.u32 v22, v55;
	v54 =	vor.u32 v34, v61;
	v50 =	vld.idx.msk [tilespmem:v50+s21+$0x0], $0xffff;
	[tilespmem:s25+$0x30] =	vst v44  }
0x208: {  	[tilespmem:s6+$0x15100] =	vst v48;
	v54 =	vor.u32 v13, v54;
	v44 =	vor.u32 v43, v62;
	v53 =	vld.idx.msk [tilespmem:v53+s21+$0x0], $0xffff  }
0x209: {  	v47 =	vld.idx.msk [tilespmem:v47+s21+$0x0], $0xffff;
	v63 =	vadd.s32 v11, v28;
	v44 =	vor.u32 v13, v44;
	[tilespmem:s28+$0x40] =	vst v39  }
0x20a: {  	s31 =	sor.u32 $0x410, s17;
	v57 =	vadd.s32 v11, v42;
	v56 =	vor.u32 v31, v63;
	[tilespmem:s19+$0x40] =	vst v46;
	v35 =	vld.idx.msk [tilespmem:v35+s21+$0x0], $0xffff  }
0x20b: {  	[tilespmem:s31+$0x15100] =	vst v52;
	v48 =	vor.u32 v7, v56;
	v46 =	vor.u32 v41, v57;
	v58 =	vld.idx.msk [tilespmem:v51+s21+$0x0], $0xffff  }
0x20c: {  	v59 =	vadd.s32 v11, v37;
	v52 =	vld.idx.msk [tilespmem:v55+s21+$0x0], $0xffff;
	[tilespmem:s10+$0x40] =	vst v50;
	v46 =	vor.u32 v7, v46  }
0x20d: {  	v61 =	vadd.s32 v11, v38;
	v50 =	vor.u32 v34, v59;
	v60 =	vld.idx.msk [tilespmem:v54+s21+$0x0], $0xffff;
	[tilespmem:s25+$0x40] =	vst v53  }
0x20e: {  	v63 =	vadd.s32 v10, v28;
	v62 =	vor.u32 v43, v61;
	v50 =	vor.u32 v7, v50;
	v44 =	vld.idx.msk [tilespmem:v44+s21+$0x0], $0xffff  }
0x20f: {  	v55 =	vor.u32 v7, v62;
	v57 =	vadd.s32 v10, v42;
	v59 =	vadd.s32 v10, v37;
	[tilespmem:s28+$0x50] =	vst v35  }
0x210: {  	[tilespmem:s19+$0x50] =	vst v58;
	v58 =	vor.u32 v41, v57;
	v56 =	vld.idx.msk [tilespmem:v48+s21+$0x0], $0xffff;
	v57 =	vor.u32 v31, v63  }
0x211: {  	[tilespmem:s29+$0x15100] =	vst v49;
	v61 =	vor.u32 v34, v59;
	v46 =	vld.idx.msk [tilespmem:v46+s21+$0x0], $0xffff;
	v59 =	vor.u32 v5, v57  }
0x212: {  	v45 =	vld.idx.msk [tilespmem:v45+s21+$0x0], $0xffff;
	[tilespmem:s10+$0x50] =	vst v60;
	v60 =	vor.u32 v5, v58  }
0x213: {  	v36 =	vor.u32 v25, v36;
	v62 =	vadd.s32 v10, v38;
	v49 =	vld.idx.msk [tilespmem:v50+s21+$0x0], $0xffff;
	[tilespmem:s25+$0x50] =	vst v44  }
0x214: {  	[tilespmem:s12+$0x15100] =	vst v47;
	v47 =	vor.u32 v5, v61;
	v50 =	vor.u32 v43, v62;
	v39 =	vld.idx.msk [tilespmem:v55+s21+$0x0], $0xffff  }
0x215: {  	v58 =	vld.idx.msk [tilespmem:v40+s21+$0x0], $0xffff;
	v54 =	vor.u32 v5, v50;
	v55 =	vadd.s32 v0, v26;
	[tilespmem:s28+$0x60] =	vst v56  }
0x216: {  	v36 =	vor.u32 v22, v36;
	v26 =	vor.u32 v27, v55;
	[tilespmem:s19+$0x60] =	vst v46;
	v40 =	vld.idx.msk [tilespmem:v59+s21+$0x0], $0xffff  }
0x217: {  	v61 =	vadd.s32 v8, v37;
	v26 =	vor.u32 v23, v26;
	v44 =	vld.idx.msk [tilespmem:v60+s21+$0x0], $0xffff;
	v60 =	vadd.s32 v8, v42  }
0x218: {  	v48 =	vor.u32 v34, v61;
	[tilespmem:s10+$0x60] =	vst v49;
	v46 =	vor.u32 v41, v60  }
0x219: {  	s13 =	sor.u32 $0x420, s17;
	v63 =	vadd.s32 v8, v28;
	v47 =	vld.idx.msk [tilespmem:v47+s21+$0x0], $0xffff;
	[tilespmem:s25+$0x60] =	vst v39;
	v46 =	vor.u32 v4, v46  }
0x21a: {  	[tilespmem:s13+$0x15100] =	vst v52;
	v51 =	vor.u32 v4, v48;
	v52 =	vor.u32 v31, v63;
	v35 =	vld.idx.msk [tilespmem:v54+s21+$0x0], $0xffff  }
0x21b: {  	[tilespmem:s11+$0x15100] =	vst v45;
	v36 =	vld.idx.msk [tilespmem:v36+s21+$0x0], $0xffff;
	v62 =	vadd.s32 v8, v38;
	v27 =	vor.u32 v4, v52  }
0x21c: {  	v39 =	vor.u32 v43, v62;
	v26 =	vld.idx.msk [tilespmem:v26+s21+$0x0], $0xffff;
	[tilespmem:s28+$0x70] =	vst v40  }
0x21d: {  	s15 =	sadd.s32 $0x4, s18;
	v53 =	vadd.s32 v3, v42;
	v56 =	vadd.s32 v3, v28;
	v39 =	vor.u32 v4, v39;
	[tilespmem:s19+$0x70] =	vst v44  }
0x21e: {  	p0 =	por !p0, !p0;
	s18 =	sadd.s32 $0x2, s30;
	s4 =	sand.u32 $0x7, s15;
	v54 =	vadd.s32 v3, v37;
	[tilespmem:s10+$0x70] =	vst v47;
	v44 =	vld.idx.msk [tilespmem:v46+s21+$0x0], $0xffff;
	v46 =	vor.u32 v41, v53  }
0x21f: {  	s14 =	sor.u32 $0x420, s1;
	s22 =	sor.u32 $0x430, s17;
	s4 =	sshll.u32 s4, $0x7;
	v45 =	vld.idx.msk [tilespmem:v51+s21+$0x0], $0xffff;
	[tilespmem:s25+$0x70] =	vst v35;
	v35 =	vor.u32 v34, v54;
	v46 =	vor.u32 v2, v46  }
0x220: {  	s5 =	sand.u32 $0x3, s18;
	s6 =	simm.s32 $0x1;
	[tilespmem:s8+$0x15100] =	vst v36;
	v57 =	vor.u32 v31, v56;
	s19 =	sadd.s32 s2, s4;
	v27 =	vld.idx.msk [tilespmem:v27+s21+$0x0], $0xffff;
	v35 =	vor.u32 v2, v35  }
0x221: {  	s5 =	sshll.u32 s5, $0x8;
	s6 =	simm.s32 @!p0 $0x0;
	v55 =	vadd.s32 v3, v38;
	s4 =	sadd.s32 $0x180, s19;
	[tilespmem:s22+$0x15100] =	vst v26;
	v26 =	vor.u32 v2, v57  }
0x222: {  	v32 =	vor.u32 v22, v32;
	[tilespmem:s14+$0x15100] =	vst v58;
	s28 =	sshll.u32 s6, $0x9;
	v47 =	vor.u32 v43, v55;
	s24 =	sadd.s32 $0x80, s19;
	s25 =	sor.u32 $0x400, s4;
	v39 =	vld.idx.msk [tilespmem:v39+s21+$0x0], $0xffff  }
0x223: {  	v29 =	vor.u32 v23, v29;
	s23 =	sadd.s32 s2, s5;
	v61 =	vor.u32 v24, v33;
	s2 =	sadd.s32 s28, s2;
	v58 =	vor.u32 v2, v47;
	s31 =	sor.u32 $0x400, s24;
	[tilespmem:s25+$0x15100] =	vst v44  }
0x224: {  	v24 =	vor.u32 v23, v61;
	v62 =	vadd.s32 v1, v42;
	s12 =	sor.u32 $0x400, s2;
	[tilespmem:s31+$0x15100] =	vst v45;
	v59 =	vld.idx.msk [tilespmem:v46+s21+$0x0], $0xffff  }
0x225: {  	s29 =	sadd.s32 $0x100, s23;
	v33 =	vor.u32 v41, v62;
	v47 =	vadd.s32 v1, v37;
	[tilespmem:s12+$0x15100] =	vst v27;
	v60 =	vld.idx.msk [tilespmem:v35+s21+$0x0], $0xffff  }
0x226: {  	s11 =	sor.u32 $0x400, s29;
	v49 =	vadd.s32 v1, v28;
	v33 =	vor.u32 v22, v33;
	v40 =	vor.u32 v34, v47;
	v26 =	vld.idx.msk [tilespmem:v26+s21+$0x0], $0xffff  }
0x227: {  	v48 =	vadd.s32 v1, v38;
	v51 =	vor.u32 v31, v49;
	v50 =	vor.u32 v22, v40;
	[tilespmem:s11+$0x15100] =	vst v39  }
0x228: {  	v36 =	vor.u32 v43, v48;
	v52 =	vor.u32 v25, v30;
	s13 =	sor.u32 $0x410, s4;
	v27 =	vor.u32 v22, v51;
	v63 =	vld.idx.msk [tilespmem:v58+s21+$0x0], $0xffff  }
0x229: {  	v32 =	vld.idx.msk [tilespmem:v32+s21+$0x0], $0xffff;
	v36 =	vor.u32 v22, v36;
	v25 =	vor.u32 v23, v52;
	s14 =	sor.u32 $0x410, s24;
	[tilespmem:s13+$0x15100] =	vst v59  }
0x22a: {  	v24 =	vld.idx.msk [tilespmem:v24+s21+$0x0], $0xffff;
	v55 =	vadd.s32 v0, v38;
	s16 =	sor.u32 $0x410, s2;
	v53 =	vadd.s32 v0, v42;
	[tilespmem:s14+$0x15100] =	vst v60  }
0x22b: {  	v54 =	vadd.s32 v0, v37;
	[tilespmem:s16+$0x15100] =	vst v26;
	v26 =	vor.u32 v41, v53;
	v33 =	vld.idx.msk [tilespmem:v33+s21+$0x0], $0xffff  }
0x22c: {  	s15 =	sor.u32 $0x410, s29;
	v30 =	vor.u32 v34, v54;
	v57 =	vadd.s32 v0, v28;
	v26 =	vor.u32 v23, v26;
	v56 =	vld.idx.msk [tilespmem:v50+s21+$0x0], $0xffff  }
0x22d: {  	v30 =	vor.u32 v23, v30;
	v28 =	vor.u32 v31, v57;
	[tilespmem:s15+$0x15100] =	vst v63;
	v27 =	vld.idx.msk [tilespmem:v27+s21+$0x0], $0xffff  }
0x22e: {  	s1 =	sor.u32 $0x430, s1;
	[tilespmem:s7+$0x15100] =	vst v32;
	v35 =	vor.u32 v43, v55;
	v60 =	vor.u32 v23, v28;
	v58 =	vld.idx.msk [tilespmem:v36+s21+$0x0], $0xffff  }
0x22f: {  	v61 =	vld.idx.msk [tilespmem:v29+s21+$0x0], $0xffff;
	[tilespmem:s1+$0x15100] =	vst v24;
	s17 =	sor.u32 $0x420, s4;
	v59 =	vor.u32 v23, v35  }
0x230: {  	v25 =	vld.idx.msk [tilespmem:v25+s21+$0x0], $0xffff;
	s18 =	sor.u32 $0x420, s24;
	[tilespmem:s17+$0x15100] =	vst v33  }
0x231: {  	s22 =	sor.u32 $0x420, s2;
	[tilespmem:s18+$0x15100] =	vst v56;
	v26 =	vld.idx.msk [tilespmem:v26+s21+$0x0], $0xffff  }
0x232: {  	s19 =	sor.u32 $0x420, s29;
	[tilespmem:s22+$0x15100] =	vst v27;
	v62 =	vld.idx.msk [tilespmem:v30+s21+$0x0], $0xffff  }
0x233: {  	[tilespmem:s19+$0x15100] =	vst v58;
	v24 =	vld.idx.msk [tilespmem:v60+s21+$0x0], $0xffff  }
0x234: {  	[tilespmem:s0+$0x15100] =	vst v61;
	v63 =	vld.idx.msk [tilespmem:v59+s21+$0x0], $0xffff  }
0x235: {  	s23 =	sor.u32 $0x430, s4;
	[tilespmem:s3+$0x15100] =	vst v25  }
0x236: {  	s24 =	sor.u32 $0x430, s24;
	[tilespmem:s23+$0x15100] =	vst v26  }
0x237: {  	s28 =	sor.u32 $0x430, s2;
	[tilespmem:s24+$0x15100] =	vst v62  }
0x238: {  	s25 =	sor.u32 $0x430, s29;
	[tilespmem:s28+$0x15100] =	vst v24  }
0x239: {  	[tilespmem:s25+$0x15100] =	vst v63  }
0x23a: {  	s29 =	simm.s32 $0x15100;
	s0 =	rddreg [dreg:$0x9]  }
0x23b: {  	[hbm4b:s0+s26] =	stream.linear.scatter [tilespmem:s29], [sflag:$0x4], $0x7000, $0x38;
	[tilespmem:$0x1C100] =	vst v63  }
0x23c: {  	s30 =	simm.s32 $0x1;
	s31 =	rddreg [dreg:$0xa]  }
0x23d: {  	[tilespmem:s21], [sflag:$0x2] =	stream.linear.gather [hbm4b:s31+s26], $0x7000, $0x38;
	[tilespmem:$0x1C100] =	vst v63  }
.LBB2_6:
0x23e: {  	s2 =	simm.s32 $0x0  }
0x23f: {  	s0 =	simm.s32 $0x1;
	s31 =	simm.s32 $0x2;
	v24 =	vmov s2  }
0x240: {  	v25 =	vmov s0;
	v28 =	vmov s31;
	v26 =	vshll.u32 v24, $0x7  }
0x241: {  	v24 =	vshll.u32 v24, $0x8;
	v29 =	vshll.u32 v25, $0x7;
	v32 =	vshll.u32 v28, $0x7  }
0x242: {  	s4 =	simm.s32 $0x3;
	v25 =	vshll.u32 v25, $0x8;
	v28 =	vshll.u32 v28, $0x8;
	v27 =	vand.u32 $0x7800, v24  }
0x243: {  	v24 =	vmov s4;
	v29 =	vand.u32 $0x280, v29;
	v26 =	vand.u32 $0x200, v26  }
0x244: {  	v30 =	vshll.u32 v24, $0x8;
	v57 =	vadd.s32 v21, v27;
	v39 =	vadd.s32 v19, v27  }
0x245: {  	v62 =	vadd.s32 v17, v27;
	v45 =	vadd.s32 v14, v27;
	v52 =	vadd.s32 v9, v27  }
0x246: {  	v31 =	vand.u32 $0x7800, v30;
	v30 =	vshll.u32 v24, $0x7;
	v24 =	vand.u32 $0x7800, v25  }
0x247: {  	v39 =	vor.u32 v26, v39;
	v25 =	vadd.s32 v21, v31;
	v30 =	vand.u32 $0x380, v30  }
0x248: {  	s5 =	simm.s32 $0x1;
	v33 =	vadd.s32 v21, v24;
	v36 =	vadd.s32 v19, v31;
	v37 =	vadd.s32 v19, v24  }
0x249: {  	_ =	swait.ge [sflag:s5], $0x7000;
	v39 =	vor.u32 v18, v39;
	v34 =	vor.u32 v30, v25;
	v25 =	vand.u32 $0x7800, v28  }
0x24a: {  	[sflag:s5] =	ssyncset.done $0x0;
	v28 =	vor.u32 v29, v33;
	v55 =	vor.u32 v20, v34;
	v56 =	vadd.s32 v21, v25  }
0x24b: {  	s6 =	simm.s32 $0x3;
	[sflag:s5] =	ssyncadd.s32 $0xFFFF9000;
	v35 =	vor.u32 v20, v28;
	v28 =	vand.u32 $0x300, v32;
	v32 =	vor.u32 v26, v57  }
0x24c: {  	_ =	swait.ge [sflag:s6], $0x7000;
	v58 =	vadd.s32 v17, v31;
	v34 =	vor.u32 v28, v56;
	v32 =	vor.u32 v20, v32  }
0x24d: {  	[sflag:s6] =	ssyncset.done $0x0;
	v40 =	vadd.s32 v17, v24;
	v44 =	vadd.s32 v14, v31;
	v34 =	vor.u32 v20, v34  }
0x24e: {  	[sflag:s6] =	ssyncadd.s32 $0xFFFF9000;
	v46 =	vadd.s32 v14, v24;
	v51 =	vadd.s32 v9, v31;
	v41 =	vadd.s32 v9, v24  }
0x24f: {  	v36 =	vor.u32 v30, v36;
	v37 =	vor.u32 v29, v37;
	v59 =	vor.u32 v29, v40;
	v33 =	vld.idx.msk [tilespmem:v55+s20+$0x0], $0xffff  }
0x250: {  	v48 =	vor.u32 v29, v46;
	v40 =	vor.u32 v30, v51;
	v36 =	vor.u32 v18, v36;
	v35 =	vld.idx.msk [tilespmem:v35+s20+$0x0], $0xffff  }
0x251: {  	s7 =	simm.s32 $0x180;
	s1 =	sand.u32 $0x7800, s2;
	v54 =	vor.u32 v29, v41;
	v38 =	vadd.s32 v19, v25;
	v37 =	vor.u32 v18, v37;
	v32 =	vld.idx.msk [tilespmem:v32+s20+$0x0], $0xffff  }
0x252: {  	s3 =	simm.s32 $0x80;
	s0 =	sand.u32 $0x380, s7;
	s4 =	sadd.s32 $0xE100, s1;
	v46 =	vadd.s32 v1, v27;
	v51 =	vadd.s32 v10, v27;
	v38 =	vor.u32 v28, v38;
	v34 =	vld.idx.msk [tilespmem:v34+s20+$0x0], $0xffff  }
0x253: {  	s8 =	sand.u32 $0x280, s3;
	s5 =	simm.s32 $0x0;
	s1 =	sadd.s32 s0, s4;
	v60 =	vadd.s32 v17, v25;
	v61 =	vor.u32 v16, v59;
	v38 =	vor.u32 v18, v38  }
0x254: {  	s9 =	simm.s32 $0x100;
	s0 =	sor.u32 s8, s4;
	s5 =	sand.u32 $0x200, s5;
	v49 =	vadd.s32 v14, v25;
	v40 =	vor.u32 v6, v40;
	v59 =	vor.u32 v26, v52;
	[tilespmem:s1+$0x0] =	vst v33  }
0x255: {  	s3 =	sand.u32 $0x300, s9;
	s7 =	sor.u32 s5, s4;
	v52 =	vadd.s32 v8, v27;
	[tilespmem:s0+$0x0] =	vst v35;
	v33 =	vor.u32 v30, v58;
	v36 =	vld.idx.msk [tilespmem:v36+s20+$0x0], $0xffff  }
0x256: {  	s10 =	simm.s32 $0x4;
	s3 =	sadd.s32 s3, s4;
	v51 =	vor.u32 v26, v51;
	v35 =	vld.idx.msk [tilespmem:v37+s20+$0x0], $0xffff;
	v33 =	vor.u32 v16, v33;
	[tilespmem:s7+$0x0] =	vst v32  }
0x257: {  	v53 =	vmov s10;
	v43 =	vor.u32 v28, v60;
	v37 =	vor.u32 v26, v62;
	[tilespmem:s3+$0x0] =	vst v34;
	v39 =	vld.idx.msk [tilespmem:v39+s20+$0x0], $0xffff  }
0x258: {  	v50 =	vor.u32 v28, v49;
	v55 =	vadd.s32 v9, v25;
	v37 =	vor.u32 v16, v37;
	v63 =	vld.idx.msk [tilespmem:v38+s20+$0x0], $0xffff  }
0x259: {  	v56 =	vshll.u32 v53, $0x7;
	v41 =	vor.u32 v28, v55;
	v38 =	vor.u32 v16, v43  }
0x25a: {  	v60 =	vadd.s32 v15, v31;
	v51 =	vor.u32 v5, v51;
	v41 =	vor.u32 v6, v41;
	[tilespmem:s1+$0x10] =	vst v36  }
0x25b: {  	v58 =	vshll.u32 v53, $0x8;
	v53 =	vadd.s32 v11, v31;
	[tilespmem:s0+$0x10] =	vst v35;
	v36 =	vor.u32 v30, v44;
	v33 =	vld.idx.msk [tilespmem:v33+s20+$0x0], $0xffff  }
0x25c: {  	v62 =	vadd.s32 v15, v24;
	v34 =	vld.idx.msk [tilespmem:v61+s20+$0x0], $0xffff;
	v47 =	vor.u32 v12, v36;
	[tilespmem:s7+$0x10] =	vst v39  }
0x25d: {  	v32 =	vand.u32 $0x200, v56;
	v35 =	vor.u32 v26, v45;
	v36 =	vor.u32 v12, v48;
	[tilespmem:s3+$0x10] =	vst v63;
	v37 =	vld.idx.msk [tilespmem:v37+s20+$0x0], $0xffff  }
0x25e: {  	s12 =	simm.s32 $0x6;
	v56 =	vadd.s32 v15, v25;
	v53 =	vor.u32 v30, v53;
	v35 =	vor.u32 v12, v35;
	v38 =	vld.idx.msk [tilespmem:v38+s20+$0x0], $0xffff  }
0x25f: {  	v53 =	vor.u32 v7, v53;
	v44 =	vmov s12;
	v39 =	vor.u32 v12, v50  }
0x260: {  	v45 =	vor.u32 v6, v59;
	v61 =	vadd.s32 v15, v27;
	v49 =	vshll.u32 v44, $0x7;
	[tilespmem:s1+$0x20] =	vst v33  }
0x261: {  	[tilespmem:s0+$0x20] =	vst v34;
	v34 =	vor.u32 v6, v54;
	v33 =	vand.u32 $0x7800, v58;
	v58 =	vor.u32 v28, v56;
	v42 =	vld.idx.msk [tilespmem:v47+s20+$0x0], $0xffff  }
0x262: {  	v56 =	vshll.u32 v44, $0x8;
	v44 =	vadd.s32 v1, v24;
	v36 =	vld.idx.msk [tilespmem:v36+s20+$0x0], $0xffff;
	[tilespmem:s7+$0x20] =	vst v37;
	v47 =	vor.u32 v30, v60  }
0x263: {  	v60 =	vor.u32 v26, v61;
	v61 =	vor.u32 v13, v58;
	[tilespmem:s3+$0x20] =	vst v38;
	v35 =	vld.idx.msk [tilespmem:v35+s20+$0x0], $0xffff  }
0x264: {  	v37 =	vadd.s32 v17, v33;
	v44 =	vor.u32 v29, v44;
	v38 =	vadd.s32 v0, v27;
	v57 =	vld.idx.msk [tilespmem:v39+s20+$0x0], $0xffff  }
0x265: {  	v63 =	vor.u32 v13, v47;
	v50 =	vor.u32 v13, v60;
	v60 =	vadd.s32 v10, v31  }
0x266: {  	s11 =	simm.s32 $0x5;
	v44 =	vor.u32 v22, v44;
	v37 =	vor.u32 v32, v37;
	v39 =	vadd.s32 v0, v24;
	[tilespmem:s1+$0x30] =	vst v42  }
0x267: {  	v43 =	vmov s11;
	v37 =	vor.u32 v16, v37;
	[tilespmem:s0+$0x30] =	vst v36;
	v36 =	vor.u32 v29, v62;
	v40 =	vld.idx.msk [tilespmem:v40+s20+$0x0], $0xffff  }
0x268: {  	v47 =	vshll.u32 v43, $0x7;
	v62 =	vadd.s32 v11, v24;
	v48 =	vld.idx.msk [tilespmem:v34+s20+$0x0], $0xffff;
	[tilespmem:s7+$0x30] =	vst v35;
	v34 =	vadd.s32 v14, v33  }
0x269: {  	v35 =	vor.u32 v26, v38;
	v38 =	vor.u32 v26, v46;
	[tilespmem:s3+$0x30] =	vst v57;
	v57 =	vor.u32 v13, v36  }
0x26a: {  	v45 =	vld.idx.msk [tilespmem:v45+s20+$0x0], $0xffff;
	v38 =	vor.u32 v22, v38;
	v34 =	vor.u32 v32, v34;
	v35 =	vor.u32 v23, v35  }
0x26b: {  	v59 =	vld.idx.msk [tilespmem:v41+s20+$0x0], $0xffff;
	v41 =	vadd.s32 v3, v27;
	v27 =	vadd.s32 v11, v27;
	v34 =	vor.u32 v12, v34  }
0x26c: {  	v27 =	vor.u32 v26, v27;
	v46 =	vor.u32 v26, v41;
	v26 =	vor.u32 v26, v52  }
0x26d: {  	v52 =	vadd.s32 v8, v25;
	v27 =	vor.u32 v7, v27;
	v46 =	vor.u32 v2, v46;
	[tilespmem:s1+$0x40] =	vst v40  }
0x26e: {  	v40 =	vadd.s32 v19, v33;
	[tilespmem:s0+$0x40] =	vst v48;
	v48 =	vshll.u32 v43, $0x8;
	v43 =	vadd.s32 v11, v25;
	v54 =	vld.idx.msk [tilespmem:v63+s20+$0x0], $0xffff  }
0x26f: {  	v55 =	vld.idx.msk [tilespmem:v57+s20+$0x0], $0xffff;
	v63 =	vor.u32 v29, v62;
	[tilespmem:s7+$0x40] =	vst v45;
	v45 =	vadd.s32 v21, v33  }
0x270: {  	v36 =	vor.u32 v28, v43;
	[tilespmem:s3+$0x40] =	vst v59;
	v57 =	vor.u32 v7, v63;
	v50 =	vld.idx.msk [tilespmem:v50+s20+$0x0], $0xffff  }
0x271: {  	v43 =	vadd.s32 v1, v25;
	v42 =	vand.u32 $0x7800, v48;
	v62 =	vadd.s32 v10, v24;
	v58 =	vld.idx.msk [tilespmem:v61+s20+$0x0], $0xffff  }
0x272: {  	v40 =	vor.u32 v32, v40;
	v59 =	vor.u32 v7, v36;
	v36 =	vadd.s32 v0, v25  }
0x273: {  	v48 =	vor.u32 v29, v62;
	v45 =	vor.u32 v32, v45;
	v40 =	vor.u32 v18, v40;
	[tilespmem:s1+$0x50] =	vst v54  }
0x274: {  	v43 =	vor.u32 v28, v43;
	v61 =	vor.u32 v30, v60;
	[tilespmem:s0+$0x50] =	vst v55;
	v53 =	vld.idx.msk [tilespmem:v53+s20+$0x0], $0xffff  }
0x275: {  	v60 =	vadd.s32 v10, v25;
	v63 =	vor.u32 v5, v61;
	v55 =	vld.idx.msk [tilespmem:v57+s20+$0x0], $0xffff;
	[tilespmem:s7+$0x50] =	vst v50  }
0x276: {  	v41 =	vand.u32 $0x7800, v56;
	v48 =	vor.u32 v5, v48;
	v56 =	vor.u32 v28, v60;
	[tilespmem:s3+$0x50] =	vst v58;
	v27 =	vld.idx.msk [tilespmem:v27+s20+$0x0], $0xffff  }
0x277: {  	v45 =	vor.u32 v20, v45;
	v43 =	vor.u32 v22, v43;
	v56 =	vor.u32 v5, v56;
	v57 =	vld.idx.msk [tilespmem:v59+s20+$0x0], $0xffff  }
0x278: {  	v54 =	vadd.s32 v21, v42;
	v58 =	vadd.s32 v3, v25;
	v25 =	vadd.s32 v8, v31  }
0x279: {  	s13 =	simm.s32 $0x7;
	v50 =	vadd.s32 v3, v24;
	v24 =	vadd.s32 v8, v24;
	v60 =	vor.u32 v30, v25;
	[tilespmem:s1+$0x60] =	vst v53  }
0x27a: {  	v25 =	vand.u32 $0x280, v47;
	v47 =	vor.u32 v4, v26;
	v26 =	vmov s13;
	[tilespmem:s0+$0x60] =	vst v55;
	v53 =	vld.idx.msk [tilespmem:v63+s20+$0x0], $0xffff  }
0x27b: {  	v24 =	vor.u32 v29, v24;
	v61 =	vor.u32 v4, v60;
	v48 =	vld.idx.msk [tilespmem:v48+s20+$0x0], $0xffff;
	[tilespmem:s7+$0x60] =	vst v27;
	v27 =	vshll.u32 v26, $0x8  }
0x27c: {  	v26 =	vshll.u32 v26, $0x7;
	[tilespmem:s3+$0x60] =	vst v57;
	v57 =	vor.u32 v4, v24;
	v51 =	vld.idx.msk [tilespmem:v51+s20+$0x0], $0xffff;
	v27 =	vand.u32 $0x7800, v27  }
0x27d: {  	v24 =	vor.u32 v28, v52;
	v26 =	vand.u32 $0x380, v26;
	v56 =	vld.idx.msk [tilespmem:v56+s20+$0x0], $0xffff;
	v62 =	vadd.s32 v21, v27  }
0x27e: {  	v45 =	vld.idx.msk [tilespmem:v45+s20+$0x0], $0xffff;
	v52 =	vor.u32 v4, v24;
	v24 =	vor.u32 v25, v54;
	v54 =	vor.u32 v26, v62  }
0x27f: {  	v59 =	vadd.s32 v21, v41;
	v60 =	vadd.s32 v3, v31;
	v63 =	vor.u32 v20, v54;
	[tilespmem:s1+$0x70] =	vst v53  }
0x280: {  	p0 =	por $0x0, $0x0;
	s26 =	simm.s32 $0x280;
	s14 =	sand.u32 $0x7, s2;
	v60 =	vor.u32 v30, v60;
	v53 =	vor.u32 v20, v24;
	v24 =	vand.u32 $0x300, v49;
	[tilespmem:s0+$0x70] =	vst v48;
	v55 =	vld.idx.msk [tilespmem:v61+s20+$0x0], $0xffff  }
0x281: {  	s16 =	sand.u32 $0x3, s2;
	s15 =	sshll.u32 s14, $0x7;
	s5 =	simm.s32 $0x1;
	v48 =	vor.u32 v2, v60;
	v61 =	vor.u32 v24, v59;
	v57 =	vld.idx.msk [tilespmem:v57+s20+$0x0], $0xffff;
	[tilespmem:s7+$0x70] =	vst v51  }
0x282: {  	s9 =	simm.s32 $0x400;
	s5 =	simm.s32 @!p0 $0x0;
	v50 =	vor.u32 v29, v50;
	s0 =	sadd.s32 $0x0, s15;
	[tilespmem:s3+$0x70] =	vst v56;
	v54 =	vor.u32 v20, v61;
	v47 =	vld.idx.msk [tilespmem:v47+s20+$0x0], $0xffff  }
0x283: {  	s10 =	simm.s32 $0x380;
	s17 =	sshll.u32 s5, $0x9;
	v29 =	vor.u32 v29, v39;
	v50 =	vor.u32 v2, v50;
	v62 =	vor.u32 v28, v58;
	s4 =	sadd.s32 $0x180, s0;
	v51 =	vld.idx.msk [tilespmem:v52+s20+$0x0], $0xffff  }
0x284: {  	v58 =	vadd.s32 v19, v42;
	v28 =	vor.u32 v28, v36;
	s1 =	sshll.u32 s16, $0x8;
	v60 =	vadd.s32 v19, v27;
	s6 =	sor.u32 $0x400, s4;
	s3 =	sadd.s32 $0x80, s0;
	v49 =	vld.idx.msk [tilespmem:v63+s20+$0x0], $0xffff  }
0x285: {  	v58 =	vor.u32 v25, v58;
	s1 =	sadd.s32 $0x0, s1;
	v60 =	vor.u32 v26, v60;
	s0 =	sadd.s32 $0x0, s17;
	s18 =	sor.u32 $0x400, s3;
	v53 =	vld.idx.msk [tilespmem:v53+s20+$0x0], $0xffff;
	[tilespmem:s6+$0xE100] =	vst v55  }
0x286: {  	s23 =	sand.u32 $0x7800, s9;
	v56 =	vor.u32 v2, v62;
	s1 =	sadd.s32 $0x100, s1;
	v61 =	vadd.s32 v1, v31;
	s22 =	sor.u32 $0x400, s0;
	[tilespmem:s18+$0xE100] =	vst v57;
	v48 =	vld.idx.msk [tilespmem:v48+s20+$0x0], $0xffff  }
0x287: {  	s25 =	sand.u32 $0x380, s10;
	s24 =	sadd.s32 $0xE100, s23;
	v60 =	vor.u32 v18, v60;
	v62 =	vor.u32 v18, v58;
	s19 =	sor.u32 $0x400, s1;
	v54 =	vld.idx.msk [tilespmem:v54+s20+$0x0], $0xffff;
	[tilespmem:s22+$0xE100] =	vst v47  }
0x288: {  	s5 =	sand.u32 $0x280, s26;
	s17 =	sadd.s32 s25, s24;
	v63 =	vor.u32 v30, v61;
	v55 =	vadd.s32 v19, v41;
	v50 =	vld.idx.msk [tilespmem:v50+s20+$0x0], $0xffff;
	[tilespmem:s19+$0xE100] =	vst v51  }
0x289: {  	s28 =	simm.s32 $0x300;
	v61 =	vor.u32 v22, v63;
	s18 =	sor.u32 s5, s24;
	v55 =	vor.u32 v24, v55;
	v46 =	vld.idx.msk [tilespmem:v46+s20+$0x0], $0xffff;
	[tilespmem:s17+$0x0] =	vst v49  }
0x28a: {  	v29 =	vor.u32 v23, v29;
	v28 =	vor.u32 v23, v28;
	s7 =	sand.u32 $0x300, s28;
	s8 =	sor.u32 $0x410, s4;
	v55 =	vor.u32 v18, v55;
	[tilespmem:s18+$0x0] =	vst v53  }
0x28b: {  	s11 =	simm.s32 $0x200;
	v59 =	vadd.s32 v17, v41;
	v31 =	vadd.s32 v0, v31;
	s19 =	sadd.s32 s7, s24;
	v47 =	vld.idx.msk [tilespmem:v56+s20+$0x0], $0xffff;
	[tilespmem:s8+$0xE100] =	vst v48  }
0x28c: {  	v52 =	vadd.s32 v17, v42;
	v30 =	vor.u32 v30, v31;
	v49 =	vld.idx.msk [tilespmem:v60+s20+$0x0], $0xffff;
	s8 =	sand.u32 $0x200, s11;
	[tilespmem:s19+$0x0] =	vst v54;
	s11 =	sor.u32 $0x410, s3  }
0x28d: {  	s14 =	sor.u32 $0x410, s0;
	v31 =	vor.u32 v25, v52;
	v63 =	vadd.s32 v17, v27;
	v53 =	vld.idx.msk [tilespmem:v62+s20+$0x0], $0xffff;
	[tilespmem:s11+$0xE100] =	vst v50  }
0x28e: {  	v52 =	vadd.s32 v14, v27;
	v58 =	vor.u32 v26, v63;
	v51 =	vld.idx.msk [tilespmem:v61+s20+$0x0], $0xffff;
	s16 =	sor.u32 s8, s24;
	[tilespmem:s14+$0xE100] =	vst v46  }
0x28f: {  	s12 =	sor.u32 $0x410, s1;
	v30 =	vor.u32 v23, v30;
	v48 =	vor.u32 v16, v58;
	v60 =	vld.idx.msk [tilespmem:v55+s20+$0x0], $0xffff;
	[tilespmem:s16+$0x0] =	vst v45  }
0x290: {  	v31 =	vor.u32 v16, v31;
	v54 =	vadd.s32 v14, v42;
	v44 =	vld.idx.msk [tilespmem:v44+s20+$0x0], $0xffff;
	[tilespmem:s12+$0xE100] =	vst v47  }
0x291: {  	v58 =	vadd.s32 v14, v41;
	v61 =	vor.u32 v24, v59;
	v38 =	vld.idx.msk [tilespmem:v38+s20+$0x0], $0xffff;
	[tilespmem:s17+$0x10] =	vst v49  }
0x292: {  	s13 =	sor.u32 $0x420, s4;
	v56 =	vor.u32 v25, v54;
	v62 =	vor.u32 v16, v61;
	v40 =	vld.idx.msk [tilespmem:v40+s20+$0x0], $0xffff;
	[tilespmem:s18+$0x10] =	vst v53  }
0x293: {  	v54 =	vadd.s32 v9, v41;
	v46 =	vadd.s32 v0, v33;
	v39 =	vld.idx.msk [tilespmem:v43+s20+$0x0], $0xffff;
	[tilespmem:s13+$0xE100] =	vst v51  }
0x294: {  	s15 =	sor.u32 $0x420, s3;
	v50 =	vadd.s32 v10, v33;
	v47 =	vor.u32 v26, v52;
	v63 =	vld.idx.msk [tilespmem:v48+s20+$0x0], $0xffff;
	[tilespmem:s19+$0x10] =	vst v60  }
0x295: {  	s24 =	sor.u32 $0x420, s0;
	v61 =	vadd.s32 v9, v27;
	v45 =	vor.u32 v24, v54;
	v31 =	vld.idx.msk [tilespmem:v31+s20+$0x0], $0xffff;
	[tilespmem:s15+$0xE100] =	vst v44  }
0x296: {  	v50 =	vor.u32 v32, v50;
	v55 =	vor.u32 v12, v47;
	v30 =	vld.idx.msk [tilespmem:v30+s20+$0x0], $0xffff;
	[tilespmem:s24+$0xE100] =	vst v38  }
0x297: {  	s23 =	sor.u32 $0x420, s1;
	v48 =	vor.u32 v24, v58;
	v57 =	vld.idx.msk [tilespmem:v62+s20+$0x0], $0xffff;
	[tilespmem:s16+$0x10] =	vst v40;
	v40 =	vor.u32 v12, v56  }
0x298: {  	v45 =	vor.u32 v6, v45;
	v59 =	vor.u32 v12, v48;
	[tilespmem:s23+$0xE100] =	vst v39;
	v37 =	vld.idx.msk [tilespmem:v37+s20+$0x0], $0xffff  }
0x299: {  	v49 =	vadd.s32 v1, v33;
	v62 =	vadd.s32 v9, v42;
	v29 =	vld.idx.msk [tilespmem:v29+s20+$0x0], $0xffff;
	[tilespmem:s17+$0x20] =	vst v63  }
0x29a: {  	s4 =	sor.u32 $0x430, s4;
	v52 =	vor.u32 v25, v62;
	v35 =	vld.idx.msk [tilespmem:v35+s20+$0x0], $0xffff;
	v62 =	vadd.s32 v15, v41;
	[tilespmem:s18+$0x20] =	vst v31  }
0x29b: {  	s25 =	simm.s32 $0x9;
	v39 =	vadd.s32 v1, v41;
	v31 =	vor.u32 v26, v61;
	v60 =	vld.idx.msk [tilespmem:v55+s20+$0x0], $0xffff;
	[tilespmem:s4+$0xE100] =	vst v30  }
0x29c: {  	s26 =	simm.s32 $0xA;
	v47 =	vmov s25;
	v43 =	vor.u32 v24, v62;
	v63 =	vor.u32 v6, v31;
	[tilespmem:s19+$0x20] =	vst v57;
	v40 =	vld.idx.msk [tilespmem:v40+s20+$0x0], $0xffff  }
0x29d: {  	s22 =	simm.s32 $0x8;
	s3 =	sor.u32 $0x430, s3;
	v48 =	vmov s26;
	v30 =	vadd.s32 v9, v33;
	v53 =	vld.idx.msk [tilespmem:v59+s20+$0x0], $0xffff;
	[tilespmem:s16+$0x20] =	vst v37;
	v37 =	vor.u32 v6, v52  }
0x29e: {  	s0 =	sor.u32 $0x430, s0;
	v62 =	vadd.s32 v10, v27;
	v31 =	vmov s22;
	v30 =	vor.u32 v32, v30;
	[tilespmem:s3+$0xE100] =	vst v29;
	v34 =	vld.idx.msk [tilespmem:v34+s20+$0x0], $0xffff  }
0x29f: {  	v43 =	vor.u32 v13, v43;
	v55 =	vshll.u32 v31, $0x7;
	[tilespmem:s0+$0xE100] =	vst v35;
	v30 =	vor.u32 v6, v30  }
0x2a0: {  	v56 =	vshll.u32 v31, $0x8;
	v57 =	vld.idx.msk [tilespmem:v28+s20+$0x0], $0xffff;
	v28 =	vadd.s32 v15, v27;
	v29 =	vadd.s32 v15, v33;
	[tilespmem:s17+$0x30] =	vst v60  }
0x2a1: {  	v31 =	vand.u32 $0x200, v55;
	v58 =	vor.u32 v26, v28;
	v59 =	vadd.s32 v15, v42;
	v36 =	vld.idx.msk [tilespmem:v63+s20+$0x0], $0xffff;
	[tilespmem:s18+$0x30] =	vst v40  }
0x2a2: {  	v28 =	vand.u32 $0x7800, v56;
	v60 =	vor.u32 v25, v59;
	[tilespmem:s19+$0x30] =	vst v53;
	v40 =	vor.u32 v13, v58;
	v37 =	vld.idx.msk [tilespmem:v37+s20+$0x0], $0xffff  }
0x2a3: {  	v55 =	vshll.u32 v47, $0x7;
	v29 =	vor.u32 v32, v29;
	v61 =	vld.idx.msk [tilespmem:v45+s20+$0x0], $0xffff;
	[tilespmem:s16+$0x30] =	vst v34;
	v34 =	vor.u32 v13, v60  }
0x2a4: {  	s1 =	sor.u32 $0x430, s1;
	v35 =	vadd.s32 v14, v28;
	v44 =	vadd.s32 v19, v28;
	v56 =	vadd.s32 v21, v28;
	v30 =	vld.idx.msk [tilespmem:v30+s20+$0x0], $0xffff  }
0x2a5: {  	v29 =	vor.u32 v13, v29;
	v59 =	vadd.s32 v11, v42;
	[tilespmem:s1+$0xE100] =	vst v57;
	v63 =	vadd.s32 v3, v33  }
0x2a6: {  	v57 =	vadd.s32 v11, v27;
	v53 =	vadd.s32 v8, v33;
	v33 =	vadd.s32 v11, v33;
	[tilespmem:s17+$0x40] =	vst v36  }
0x2a7: {  	v47 =	vshll.u32 v47, $0x8;
	v58 =	vor.u32 v26, v57;
	v33 =	vor.u32 v32, v33;
	v40 =	vld.idx.msk [tilespmem:v40+s20+$0x0], $0xffff;
	[tilespmem:s18+$0x40] =	vst v37  }
0x2a8: {  	v45 =	vshll.u32 v48, $0x7;
	v57 =	vor.u32 v7, v33;
	[tilespmem:s19+$0x40] =	vst v61;
	v37 =	vor.u32 v7, v58;
	v60 =	vld.idx.msk [tilespmem:v34+s20+$0x0], $0xffff  }
0x2a9: {  	v48 =	vshll.u32 v48, $0x8;
	v61 =	vadd.s32 v11, v41;
	v43 =	vld.idx.msk [tilespmem:v43+s20+$0x0], $0xffff;
	[tilespmem:s16+$0x40] =	vst v30;
	v30 =	vor.u32 v25, v59  }
0x2aa: {  	v33 =	vor.u32 v32, v49;
	v51 =	vor.u32 v7, v30;
	v30 =	vor.u32 v24, v61;
	v52 =	vld.idx.msk [tilespmem:v29+s20+$0x0], $0xffff  }
0x2ab: {  	v38 =	vand.u32 $0x7800, v48;
	v48 =	vadd.s32 v3, v42;
	v54 =	vor.u32 v7, v30  }
0x2ac: {  	v36 =	vadd.s32 v17, v28;
	v58 =	vadd.s32 v10, v41;
	v34 =	vadd.s32 v0, v42;
	[tilespmem:s17+$0x50] =	vst v40  }
0x2ad: {  	v29 =	vor.u32 v32, v46;
	v46 =	vor.u32 v32, v63;
	v63 =	vor.u32 v26, v62;
	[tilespmem:s18+$0x50] =	vst v60  }
0x2ae: {  	p0 =	por !p0, !p0;
	s0 =	simm.s32 $0x1;
	v30 =	vadd.s32 v0, v41;
	v49 =	vld.idx.msk [tilespmem:v37+s20+$0x0], $0xffff;
	v37 =	vand.u32 $0x7800, v47;
	v47 =	vadd.s32 v10, v42;
	[tilespmem:s19+$0x50] =	vst v43  }
0x2af: {  	s0 =	simm.s32 @!p0 $0x0;
	v59 =	vor.u32 v5, v63;
	v60 =	vld.idx.msk [tilespmem:v51+s20+$0x0], $0xffff;
	[tilespmem:s16+$0x50] =	vst v52;
	v52 =	vor.u32 v25, v47  }
0x2b0: {  	s28 =	sand.u32 $0x3, s31;
	s0 =	sshll.u32 s0, $0x9;
	v40 =	vadd.s32 v1, v42;
	v63 =	vor.u32 v24, v58;
	v61 =	vld.idx.msk [tilespmem:v54+s20+$0x0], $0xffff;
	v62 =	vor.u32 v5, v52  }
0x2b1: {  	s0 =	sadd.s32 $0x400, s0;
	s1 =	sshll.u32 s28, $0x8;
	v58 =	vor.u32 v31, v56;
	v42 =	vadd.s32 v8, v42;
	v51 =	vld.idx.msk [tilespmem:v57+s20+$0x0], $0xffff;
	v54 =	vor.u32 v5, v63  }
0x2b2: {  	s25 =	simm.s32 $0xC;
	s23 =	sor.u32 $0x400, s0;
	s1 =	sadd.s32 $0x400, s1;
	v43 =	vadd.s32 v8, v41;
	v56 =	vadd.s32 v21, v37;
	v52 =	vor.u32 v5, v50  }
0x2b3: {  	s11 =	sor.u32 $0x410, s0;
	s7 =	sor.u32 $0x420, s0;
	s1 =	sadd.s32 $0x100, s1;
	v47 =	vadd.s32 v3, v41;
	v41 =	vadd.s32 v8, v27;
	v57 =	vor.u32 v32, v53;
	[tilespmem:s17+$0x60] =	vst v49  }
0x2b4: {  	s0 =	sor.u32 $0x430, s0;
	s29 =	sor.u32 $0x400, s1;
	s12 =	sor.u32 $0x410, s1;
	v50 =	vadd.s32 v21, v38;
	v63 =	vor.u32 v26, v41;
	v53 =	vld.idx.msk [tilespmem:v59+s20+$0x0], $0xffff;
	[tilespmem:s18+$0x60] =	vst v60  }
0x2b5: {  	s8 =	sor.u32 $0x420, s1;
	s3 =	sor.u32 $0x430, s1;
	s1 =	simm.s32 $0xB;
	v32 =	vand.u32 $0x280, v55;
	v49 =	vor.u32 v4, v57;
	v57 =	vor.u32 v4, v63;
	v55 =	vld.idx.msk [tilespmem:v62+s20+$0x0], $0xffff;
	[tilespmem:s19+$0x60] =	vst v61  }
.LBB2_7:
0x2b6: {  	p1 =	slt.u32 s25, $0x6C;
	v58 =	vor.u32 v20, v58;
	v59 =	vmov s1;
	[tilespmem:s16+$0x60] =	vst v51;
	v60 =	vor.u32 v25, v42;
	v51 =	vld.idx.msk [tilespmem:v54+s20+$0x0], $0xffff;
	v41 =	vmovc v31  }
0x2b7: {  	v42 =	vmovc v37;
	v31 =	vshll.u32 v59, $0x8;
	v52 =	vld.idx.msk [tilespmem:v52+s20+$0x0], $0xffff;
	v54 =	vor.u32 v4, v60;
	v60 =	vor.u32 v24, v43  }
0x2b8: {  	v43 =	vmovc v38;
	v37 =	vand.u32 $0x7800, v31;
	v31 =	vshll.u32 v59, $0x7;
	v59 =	vor.u32 v4, v60  }
0x2b9: {  	v38 =	vor.u32 v32, v56;
	v56 =	vadd.s32 v21, v37;
	v60 =	vand.u32 $0x380, v31;
	[tilespmem:s17+$0x70] =	vst v53  }
0x2ba: {  	s2 =	sadd.s32 $0x4, s2;
	v38 =	vor.u32 v20, v38;
	v53 =	vor.u32 v60, v56;
	v56 =	vld.idx.msk [tilespmem:v57+s20+$0x0], $0xffff;
	v57 =	vadd.s32 v3, v27  }
0x2bb: {  	s1 =	sand.u32 $0x7, s2;
	v31 =	vand.u32 $0x300, v45;
	v58 =	vld.idx.msk [tilespmem:v58+s20+$0x0], $0xffff;
	v45 =	vor.u32 v20, v53;
	[tilespmem:s18+$0x70] =	vst v55;
	v53 =	vor.u32 v26, v57  }
0x2bc: {  	s1 =	sshll.u32 s1, $0x7;
	v50 =	vor.u32 v31, v50;
	v54 =	vld.idx.msk [tilespmem:v54+s20+$0x0], $0xffff;
	[tilespmem:s19+$0x70] =	vst v51;
	v51 =	vor.u32 v2, v53  }
0x2bd: {  	v48 =	vor.u32 v25, v48;
	s31 =	sadd.s32 $0x2, s31;
	s1 =	sadd.s32 s9, s1;
	v50 =	vor.u32 v20, v50;
	[tilespmem:s16+$0x70] =	vst v52;
	v52 =	vld.idx.msk [tilespmem:v59+s20+$0x0], $0xffff  }
0x2be: {  	v47 =	vor.u32 v24, v47;
	p0 =	por !p0, !p0;
	v48 =	vor.u32 v2, v48;
	s6 =	sadd.s32 $0x80, s1;
	s4 =	sadd.s32 $0x180, s1;
	v53 =	vadd.s32 v17, v42;
	v49 =	vld.idx.msk [tilespmem:v49+s20+$0x0], $0xffff  }
0x2bf: {  	v47 =	vor.u32 v2, v47;
	v55 =	vadd.s32 v19, v42;
	v57 =	vadd.s32 v17, v43;
	s14 =	sor.u32 $0x400, s6;
	s5 =	sor.u32 $0x410, s6;
	s15 =	sor.u32 $0x400, s4;
	v38 =	vld.idx.msk [tilespmem:v38+s20+$0x0], $0xffff  }
0x2c0: {  	v46 =	vor.u32 v2, v46;
	s13 =	sor.u32 $0x420, s6;
	s1 =	sor.u32 $0x430, s6;
	v59 =	vadd.s32 v19, v37;
	v45 =	vld.idx.msk [tilespmem:v45+s20+$0x0], $0xffff;
	[tilespmem:s15+$0xE100] =	vst v56;
	s15 =	simm.s32 $0x1  }
0x2c1: {  	v61 =	vadd.s32 v1, v27;
	s6 =	sand.u32 $0x3, s31;
	v59 =	vor.u32 v60, v59;
	v56 =	vadd.s32 v19, v43;
	s15 =	simm.s32 @!p0 $0x0;
	v51 =	vld.idx.msk [tilespmem:v51+s20+$0x0], $0xffff  }
0x2c2: {  	s9 =	sadd.s32 $0x400, s9;
	s6 =	sshll.u32 s6, $0x8;
	v59 =	vor.u32 v18, v59;
	s15 =	sshll.u32 s15, $0x9;
	v50 =	vld.idx.msk [tilespmem:v50+s20+$0x0], $0xffff;
	[tilespmem:s14+$0xE100] =	vst v54;
	v54 =	vor.u32 v26, v61  }
0x2c3: {  	s10 =	sadd.s32 $0x200, s10;
	v55 =	vor.u32 v32, v55;
	s6 =	sadd.s32 s9, s6;
	s14 =	sand.u32 $0x7800, s9;
	v48 =	vld.idx.msk [tilespmem:v48+s20+$0x0], $0xffff;
	[tilespmem:s29+$0xE100] =	vst v52;
	v52 =	vor.u32 v22, v54  }
0x2c4: {  	s17 =	sand.u32 $0x380, s10;
	s16 =	sadd.s32 $0xFFFFFE80, s10;
	s14 =	sadd.s32 $0xE100, s14;
	v54 =	vor.u32 v18, v55;
	v55 =	vor.u32 v31, v56;
	[tilespmem:s23+$0xE100] =	vst v49;
	v47 =	vld.idx.msk [tilespmem:v47+s20+$0x0], $0xffff  }
0x2c5: {  	v40 =	vor.u32 v25, v40;
	v44 =	vor.u32 v41, v44;
	s18 =	sadd.s32 $0xFFFFFF00, s10;
	s19 =	sadd.s32 $0xFFFFFF80, s10;
	v49 =	vor.u32 v18, v55;
	s17 =	sadd.s32 s17, s14;
	v46 =	vld.idx.msk [tilespmem:v46+s20+$0x0], $0xffff  }
0x2c6: {  	v39 =	vor.u32 v24, v39;
	v40 =	vor.u32 v22, v40;
	v44 =	vor.u32 v18, v44;
	s22 =	sor.u32 $0x410, s4;
	s18 =	sand.u32 $0x280, s18;
	s16 =	sand.u32 $0x200, s16;
	[tilespmem:s17+$0x0] =	vst v45  }
0x2c7: {  	v39 =	vor.u32 v22, v39;
	s19 =	sand.u32 $0x300, s19;
	s16 =	sor.u32 s16, s14;
	s18 =	sor.u32 s18, s14;
	v55 =	vadd.s32 v17, v37;
	v45 =	vld.idx.msk [tilespmem:v59+s20+$0x0], $0xffff;
	[tilespmem:s22+$0xE100] =	vst v51  }
0x2c8: {  	s24 =	sadd.s32 $0x100, s6;
	s15 =	sadd.s32 s15, s9;
	s19 =	sadd.s32 s19, s14;
	[tilespmem:s18+$0x0] =	vst v38;
	v38 =	vor.u32 v60, v55;
	v51 =	vld.idx.msk [tilespmem:v52+s20+$0x0], $0xffff;
	v52 =	vadd.s32 v0, v27;
	v27 =	vmov v37  }
0x2c9: {  	s26 =	sor.u32 $0x410, s24;
	s29 =	sor.u32 $0x400, s24;
	s23 =	sor.u32 $0x400, s15;
	v37 =	vld.idx.msk [tilespmem:v54+s20+$0x0], $0xffff;
	[tilespmem:s19+$0x0] =	vst v50;
	v38 =	vor.u32 v16, v38;
	v50 =	vor.u32 v26, v52;
	v26 =	vmov v60  }
0x2ca: {  	s28 =	sor.u32 $0x410, s15;
	s6 =	sor.u32 $0x420, s15;
	s22 =	sor.u32 $0x420, s24;
	v52 =	vor.u32 v32, v53;
	[tilespmem:s16+$0x0] =	vst v58;
	v49 =	vld.idx.msk [tilespmem:v49+s20+$0x0], $0xffff;
	v50 =	vor.u32 v23, v50  }
0x2cb: {  	s14 =	sor.u32 $0x430, s15;
	s15 =	sor.u32 $0x430, s24;
	v53 =	vor.u32 v31, v57;
	v52 =	vor.u32 v16, v52;
	v44 =	vld.idx.msk [tilespmem:v44+s20+$0x0], $0xffff;
	[tilespmem:s5+$0xE100] =	vst v48  }
0x2cc: {  	v36 =	vor.u32 v41, v36;
	v48 =	vor.u32 v16, v53;
	v40 =	vld.idx.msk [tilespmem:v40+s20+$0x0], $0xffff;
	[tilespmem:s12+$0xE100] =	vst v47;
	s12 =	smov.u32 s26  }
0x2cd: {  	v34 =	vor.u32 v25, v34;
	v25 =	vmov v32;
	v36 =	vor.u32 v16, v36;
	s5 =	sor.u32 $0x420, s4;
	[tilespmem:s17+$0x10] =	vst v45;
	v39 =	vld.idx.msk [tilespmem:v39+s20+$0x0], $0xffff  }
0x2ce: {  	v33 =	vor.u32 v22, v33;
	v32 =	vld.idx.msk [tilespmem:v38+s20+$0x0], $0xffff;
	v38 =	vadd.s32 v14, v27;
	[tilespmem:s5+$0xE100] =	vst v51  }
0x2cf: {  	v34 =	vor.u32 v23, v34;
	[tilespmem:s18+$0x10] =	vst v37;
	v37 =	vor.u32 v26, v38;
	v38 =	vld.idx.msk [tilespmem:v50+s20+$0x0], $0xffff  }
0x2d0: {  	v47 =	vadd.s32 v14, v42;
	v45 =	vld.idx.msk [tilespmem:v52+s20+$0x0], $0xffff;
	[tilespmem:s19+$0x10] =	vst v49;
	v37 =	vor.u32 v12, v37  }
0x2d1: {  	[tilespmem:s16+$0x10] =	vst v44;
	v44 =	vor.u32 v25, v47;
	v47 =	vld.idx.msk [tilespmem:v48+s20+$0x0], $0xffff;
	v48 =	vadd.s32 v14, v43  }
0x2d2: {  	v36 =	vld.idx.msk [tilespmem:v36+s20+$0x0], $0xffff;
	v44 =	vor.u32 v12, v44;
	v48 =	vor.u32 v31, v48;
	[tilespmem:s11+$0xE100] =	vst v46;
	s11 =	smov.u32 s28  }
0x2d3: {  	v35 =	vor.u32 v41, v35;
	v46 =	vor.u32 v12, v48;
	v33 =	vld.idx.msk [tilespmem:v33+s20+$0x0], $0xffff;
	[tilespmem:s13+$0xE100] =	vst v40  }
0x2d4: {  	v30 =	vor.u32 v24, v30;
	v35 =	vor.u32 v12, v35;
	v24 =	vmov v31;
	s4 =	sor.u32 $0x430, s4;
	[tilespmem:s17+$0x20] =	vst v32;
	v32 =	vld.idx.msk [tilespmem:v34+s20+$0x0], $0xffff  }
0x2d5: {  	v30 =	vor.u32 v23, v30;
	v34 =	vadd.s32 v9, v27;
	v31 =	vld.idx.msk [tilespmem:v37+s20+$0x0], $0xffff;
	[tilespmem:s4+$0xE100] =	vst v38  }
0x2d6: {  	v29 =	vor.u32 v23, v29;
	v37 =	vadd.s32 v9, v28;
	v34 =	vor.u32 v26, v34;
	[tilespmem:s18+$0x20] =	vst v45  }
0x2d7: {  	v40 =	vadd.s32 v9, v42;
	v34 =	vor.u32 v6, v34;
	v38 =	vld.idx.msk [tilespmem:v44+s20+$0x0], $0xffff;
	[tilespmem:s19+$0x20] =	vst v47  }
0x2d8: {  	v45 =	vadd.s32 v9, v43;
	v44 =	vmov s25;
	[tilespmem:s16+$0x20] =	vst v36;
	v36 =	vor.u32 v25, v40;
	v40 =	vld.idx.msk [tilespmem:v46+s20+$0x0], $0xffff  }
0x2d9: {  	v45 =	vor.u32 v24, v45;
	v46 =	vshll.u32 v44, $0x7;
	v35 =	vld.idx.msk [tilespmem:v35+s20+$0x0], $0xffff;
	v36 =	vor.u32 v6, v36;
	[tilespmem:s8+$0xE100] =	vst v39;
	s8 =	smov.u32 s22  }
0x2da: {  	s5 =	sadd.s32 $0x2, s25;
	s4 =	sadd.s32 $0x1, s25;
	v37 =	vor.u32 v41, v37;
	v39 =	vshll.u32 v44, $0x8;
	v44 =	vor.u32 v6, v45;
	[tilespmem:s7+$0xE100] =	vst v33;
	v30 =	vld.idx.msk [tilespmem:v30+s20+$0x0], $0xffff;
	s7 =	smov.u32 s6  }
0x2db: {  	v47 =	vmov s5;
	v37 =	vor.u32 v6, v37;
	v33 =	vmov s4;
	[tilespmem:s17+$0x30] =	vst v31;
	v29 =	vld.idx.msk [tilespmem:v29+s20+$0x0], $0xffff  }
0x2dc: {  	v45 =	vadd.s32 v15, v27;
	v31 =	vand.u32 $0x200, v46;
	v46 =	vadd.s32 v0, v28;
	v34 =	vld.idx.msk [tilespmem:v34+s20+$0x0], $0xffff;
	[tilespmem:s1+$0xE100] =	vst v32  }
0x2dd: {  	v48 =	vadd.s32 v1, v28;
	v32 =	vadd.s32 v15, v28;
	[tilespmem:s18+$0x30] =	vst v38;
	v38 =	vor.u32 v26, v45  }
0x2de: {  	v39 =	vand.u32 $0x7800, v39;
	v49 =	vld.idx.msk [tilespmem:v36+s20+$0x0], $0xffff;
	v36 =	vadd.s32 v15, v42;
	[tilespmem:s19+$0x30] =	vst v40;
	v38 =	vor.u32 v13, v38  }
0x2df: {  	v55 =	vshll.u32 v33, $0x7;
	[tilespmem:s16+$0x30] =	vst v35;
	v35 =	vor.u32 v25, v36;
	v40 =	vld.idx.msk [tilespmem:v44+s20+$0x0], $0xffff;
	v36 =	vadd.s32 v15, v43  }
0x2e0: {  	v45 =	vshll.u32 v47, $0x7;
	v37 =	vld.idx.msk [tilespmem:v37+s20+$0x0], $0xffff;
	v50 =	vor.u32 v13, v35;
	v35 =	vor.u32 v24, v36;
	[tilespmem:s3+$0xE100] =	vst v30;
	s3 =	smov.u32 s15  }
0x2e1: {  	v30 =	vor.u32 v41, v32;
	v32 =	vadd.s32 v3, v28;
	v51 =	vor.u32 v13, v35;
	[tilespmem:s0+$0xE100] =	vst v29;
	s0 =	smov.u32 s14  }
0x2e2: {  	v53 =	vadd.s32 v8, v28;
	v52 =	vadd.s32 v10, v28;
	v29 =	vor.u32 v13, v30;
	[tilespmem:s17+$0x40] =	vst v34  }
0x2e3: {  	v28 =	vadd.s32 v11, v28;
	v35 =	vadd.s32 v14, v39;
	v30 =	vadd.s32 v11, v27;
	v38 =	vld.idx.msk [tilespmem:v38+s20+$0x0], $0xffff  }
0x2e4: {  	v44 =	vadd.s32 v19, v39;
	v36 =	vadd.s32 v17, v39;
	v30 =	vor.u32 v26, v30;
	[tilespmem:s18+$0x40] =	vst v49  }
0x2e5: {  	v54 =	vor.u32 v7, v30;
	v49 =	vshll.u32 v33, $0x8;
	v33 =	vadd.s32 v11, v42;
	v50 =	vld.idx.msk [tilespmem:v50+s20+$0x0], $0xffff;
	[tilespmem:s19+$0x40] =	vst v40  }
0x2e6: {  	v47 =	vshll.u32 v47, $0x8;
	v30 =	vor.u32 v25, v33;
	v33 =	vadd.s32 v11, v43;
	[tilespmem:s16+$0x40] =	vst v37;
	v51 =	vld.idx.msk [tilespmem:v51+s20+$0x0], $0xffff  }
0x2e7: {  	v56 =	vadd.s32 v21, v39;
	v58 =	vor.u32 v7, v30;
	v30 =	vor.u32 v24, v33;
	v57 =	vld.idx.msk [tilespmem:v29+s20+$0x0], $0xffff  }
0x2e8: {  	v33 =	vor.u32 v41, v28;
	v28 =	vmovc v39;
	v29 =	vor.u32 v41, v46;
	v59 =	vor.u32 v7, v30  }
0x2e9: {  	v34 =	vadd.s32 v0, v42;
	v60 =	vor.u32 v7, v33;
	v30 =	vadd.s32 v0, v43;
	[tilespmem:s17+$0x50] =	vst v38  }
0x2ea: {  	v40 =	vadd.s32 v1, v42;
	v37 =	vadd.s32 v10, v27;
	v33 =	vor.u32 v41, v48;
	v61 =	vld.idx.msk [tilespmem:v54+s20+$0x0], $0xffff  }
0x2eb: {  	v39 =	vadd.s32 v1, v43;
	v46 =	vor.u32 v41, v32;
	v32 =	vor.u32 v26, v37;
	[tilespmem:s18+$0x50] =	vst v50  }
0x2ec: {  	v37 =	vand.u32 $0x7800, v49;
	v48 =	vadd.s32 v10, v42;
	v32 =	vor.u32 v5, v32;
	v49 =	vld.idx.msk [tilespmem:v58+s20+$0x0], $0xffff;
	[tilespmem:s19+$0x50] =	vst v51  }
0x2ed: {  	v38 =	vand.u32 $0x7800, v47;
	v47 =	vor.u32 v25, v48;
	v50 =	vadd.s32 v10, v43;
	[tilespmem:s16+$0x50] =	vst v57;
	v57 =	vld.idx.msk [tilespmem:v59+s20+$0x0], $0xffff  }
0x2ee: {  	v48 =	vadd.s32 v3, v42;
	v59 =	vor.u32 v5, v47;
	v47 =	vor.u32 v24, v50;
	v51 =	vld.idx.msk [tilespmem:v60+s20+$0x0], $0xffff  }
.Ltmp2:
0x2ef: {  	v50 =	vor.u32 v41, v52;
	v54 =	vor.u32 v5, v47;
	v47 =	vadd.s32 v3, v43;
	(pc) =	sbr.rel @p1 .LBB2_7-.Ltmp2, $4  }
0x2f0: {  	v42 =	vadd.s32 v8, v42;
	v41 =	vor.u32 v41, v53;
	v52 =	vor.u32 v5, v50;
	[tilespmem:s17+$0x60] =	vst v61  }
0x2f1: {  	v58 =	vor.u32 v31, v56;
	v43 =	vadd.s32 v8, v43;
	v53 =	vld.idx.msk [tilespmem:v32+s20+$0x0], $0xffff;
	v32 =	vadd.s32 v8, v27  }
0x2f2: {  	v56 =	vadd.s32 v21, v37;
	v50 =	vadd.s32 v21, v38;
	[tilespmem:s18+$0x60] =	vst v49;
	v60 =	vor.u32 v26, v32  }
0x2f3: {  	s1 =	sadd.s32 $0x3, s25;
	s25 =	sadd.s32 $0x4, s25;
	v32 =	vand.u32 $0x280, v55;
	v49 =	vor.u32 v4, v41;
	v55 =	vld.idx.msk [tilespmem:v59+s20+$0x0], $0xffff;
	[tilespmem:s19+$0x60] =	vst v57;
	v57 =	vor.u32 v4, v60  }
0x2f4: {  	v59 =	vmov s1  }
0x2f5: {  	v58 =	vor.u32 v20, v58;
	v41 =	vshll.u32 v59, $0x8  }
0x2f6: {  	v60 =	vor.u32 v25, v42;
	v59 =	vshll.u32 v59, $0x7;
	v41 =	vand.u32 $0x7800, v41  }
0x2f7: {  	[tilespmem:s16+$0x60] =	vst v51;
	v51 =	vor.u32 v32, v56;
	v42 =	vand.u32 $0x380, v59;
	v61 =	vadd.s32 v21, v41  }
0x2f8: {  	v54 =	vld.idx.msk [tilespmem:v54+s20+$0x0], $0xffff;
	v51 =	vor.u32 v20, v51;
	v59 =	vor.u32 v4, v60;
	v60 =	vor.u32 v42, v61  }
0x2f9: {  	v52 =	vld.idx.msk [tilespmem:v52+s20+$0x0], $0xffff;
	v56 =	vor.u32 v20, v60;
	v60 =	vor.u32 v24, v43;
	v43 =	vand.u32 $0x300, v45  }
0x2fa: {  	v62 =	vadd.s32 v3, v27;
	[tilespmem:s17+$0x70] =	vst v53;
	v50 =	vor.u32 v43, v50  }
0x2fb: {  	s25 =	sadd.s32 $0x4, s2;
	v63 =	vor.u32 v26, v62;
	v53 =	vld.idx.msk [tilespmem:v57+s20+$0x0], $0xffff;
	[tilespmem:s18+$0x70] =	vst v55;
	v50 =	vor.u32 v20, v50  }
0x2fc: {  	s26 =	sand.u32 $0x7, s25;
	v61 =	vadd.s32 v19, v37;
	v58 =	vld.idx.msk [tilespmem:v58+s20+$0x0], $0xffff;
	v45 =	vor.u32 v4, v60;
	v60 =	vadd.s32 v19, v41  }
0x2fd: {  	s2 =	sadd.s32 $0x400, s9;
	s1 =	sshll.u32 s26, $0x7;
	[tilespmem:s19+$0x70] =	vst v54;
	v62 =	vor.u32 v32, v61;
	v51 =	vld.idx.msk [tilespmem:v51+s20+$0x0], $0xffff;
	v54 =	vor.u32 v42, v60  }
0x2fe: {  	s5 =	sadd.s32 $0x200, s10;
	s4 =	sand.u32 $0x7800, s2;
	s1 =	sadd.s32 s9, s1;
	[tilespmem:s16+$0x70] =	vst v52;
	v52 =	vor.u32 v18, v54;
	v54 =	vor.u32 v18, v62;
	v56 =	vld.idx.msk [tilespmem:v56+s20+$0x0], $0xffff  }
0x2ff: {  	v44 =	vor.u32 v31, v44;
	s28 =	sand.u32 $0x380, s5;
	s10 =	sadd.s32 $0xFFFFFF00, s5;
	s9 =	sadd.s32 $0x180, s1;
	v57 =	vld.idx.msk [tilespmem:v59+s20+$0x0], $0xffff;
	v59 =	vadd.s32 v19, v38  }
0x300: {  	v48 =	vor.u32 v25, v48;
	v44 =	vor.u32 v18, v44;
	s6 =	sadd.s32 $0xE100, s4;
	s10 =	sand.u32 $0x280, s10;
	s14 =	sor.u32 $0x400, s9;
	v59 =	vor.u32 v43, v59;
	v50 =	vld.idx.msk [tilespmem:v50+s20+$0x0], $0xffff  }
0x301: {  	v47 =	vor.u32 v24, v47;
	v46 =	vor.u32 v2, v46;
	s13 =	sadd.s32 $0xFFFFFF80, s5;
	s5 =	sadd.s32 $0xFFFFFE80, s5;
	s10 =	sor.u32 s10, s6;
	[tilespmem:s14+$0xE100] =	vst v53;
	v59 =	vor.u32 v18, v59  }
0x302: {  	v36 =	vor.u32 v31, v36;
	s5 =	sand.u32 $0x200, s5;
	s4 =	sadd.s32 s28, s6;
	v55 =	vor.u32 v2, v63;
	v60 =	vadd.s32 v17, v37;
	[tilespmem:s10+$0x0] =	vst v51  }
0x303: {  	s13 =	sand.u32 $0x300, s13;
	v63 =	vadd.s32 v17, v41;
	v60 =	vor.u32 v32, v60;
	s14 =	sor.u32 s5, s6;
	v53 =	vld.idx.msk [tilespmem:v54+s20+$0x0], $0xffff;
	[tilespmem:s4+$0x0] =	vst v56  }
0x304: {  	s13 =	sadd.s32 s13, s6;
	v62 =	vor.u32 v16, v60;
	[tilespmem:s14+$0x0] =	vst v58;
	v56 =	vor.u32 v42, v63;
	v52 =	vld.idx.msk [tilespmem:v52+s20+$0x0], $0xffff  }
0x305: {  	s1 =	sadd.s32 $0x80, s1;
	v61 =	vadd.s32 v17, v38;
	v44 =	vld.idx.msk [tilespmem:v44+s20+$0x0], $0xffff;
	v51 =	vor.u32 v16, v56;
	[tilespmem:s13+$0x0] =	vst v50  }
0x306: {  	v35 =	vor.u32 v31, v35;
	v36 =	vor.u32 v16, v36;
	s15 =	sor.u32 $0x400, s1;
	v63 =	vor.u32 v43, v61;
	v56 =	vld.idx.msk [tilespmem:v59+s20+$0x0], $0xffff  }
0x307: {  	v40 =	vor.u32 v25, v40;
	v49 =	vld.idx.msk [tilespmem:v49+s20+$0x0], $0xffff;
	[tilespmem:s15+$0xE100] =	vst v57;
	v57 =	vor.u32 v16, v63  }
0x308: {  	v58 =	vadd.s32 v14, v41;
	v45 =	vld.idx.msk [tilespmem:v45+s20+$0x0], $0xffff;
	[tilespmem:s10+$0x10] =	vst v53;
	v59 =	vadd.s32 v14, v37  }
0x309: {  	v60 =	vld.idx.msk [tilespmem:v62+s20+$0x0], $0xffff;
	v62 =	vor.u32 v32, v59;
	[tilespmem:s4+$0x10] =	vst v52;
	v52 =	vor.u32 v42, v58  }
0x30a: {  	[tilespmem:s14+$0x10] =	vst v44;
	v51 =	vld.idx.msk [tilespmem:v51+s20+$0x0], $0xffff;
	v61 =	vor.u32 v12, v52;
	v52 =	vor.u32 v12, v62  }
0x30b: {  	v39 =	vor.u32 v24, v39;
	v63 =	vadd.s32 v14, v38;
	v36 =	vld.idx.msk [tilespmem:v36+s20+$0x0], $0xffff;
	[tilespmem:s13+$0x10] =	vst v56  }
0x30c: {  	v35 =	vor.u32 v12, v35;
	[tilespmem:s23+$0xE100] =	vst v49;
	v53 =	vor.u32 v43, v63;
	v56 =	vld.idx.msk [tilespmem:v57+s20+$0x0], $0xffff  }
0x30d: {  	v48 =	vor.u32 v2, v48;
	v54 =	vadd.s32 v1, v27;
	[tilespmem:s29+$0xE100] =	vst v45;
	v57 =	vor.u32 v12, v53  }
0x30e: {  	v55 =	vld.idx.msk [tilespmem:v55+s20+$0x0], $0xffff;
	v54 =	vor.u32 v26, v54;
	[tilespmem:s10+$0x20] =	vst v60;
	v60 =	vadd.s32 v9, v37  }
0x30f: {  	v58 =	vadd.s32 v9, v41;
	[tilespmem:s4+$0x20] =	vst v51;
	v52 =	vld.idx.msk [tilespmem:v52+s20+$0x0], $0xffff;
	v51 =	vor.u32 v32, v60  }
0x310: {  	v59 =	vor.u32 v42, v58;
	[tilespmem:s14+$0x20] =	vst v36;
	v50 =	vld.idx.msk [tilespmem:v61+s20+$0x0], $0xffff;
	v51 =	vor.u32 v6, v51  }
0x311: {  	v62 =	vadd.s32 v9, v38;
	v45 =	vor.u32 v6, v59;
	v35 =	vld.idx.msk [tilespmem:v35+s20+$0x0], $0xffff;
	[tilespmem:s13+$0x20] =	vst v56  }
0x312: {  	s19 =	sor.u32 $0x410, s9;
	v63 =	vadd.s32 v9, v28;
	v44 =	vor.u32 v43, v62;
	v61 =	vor.u32 v22, v54;
	v56 =	vld.idx.msk [tilespmem:v57+s20+$0x0], $0xffff  }
0x313: {  	v48 =	vld.idx.msk [tilespmem:v48+s20+$0x0], $0xffff;
	[tilespmem:s19+$0xE100] =	vst v55;
	v44 =	vor.u32 v6, v44;
	v57 =	vor.u32 v31, v63  }
0x314: {  	v47 =	vor.u32 v2, v47;
	v46 =	vld.idx.msk [tilespmem:v46+s20+$0x0], $0xffff;
	v49 =	vor.u32 v6, v57;
	[tilespmem:s10+$0x30] =	vst v52  }
0x315: {  	v58 =	vadd.s32 v15, v41;
	v59 =	vadd.s32 v15, v37;
	[tilespmem:s4+$0x30] =	vst v50;
	v51 =	vld.idx.msk [tilespmem:v51+s20+$0x0], $0xffff  }
0x316: {  	v60 =	vadd.s32 v15, v38;
	[tilespmem:s14+$0x30] =	vst v35;
	v50 =	vor.u32 v42, v58;
	v45 =	vld.idx.msk [tilespmem:v45+s20+$0x0], $0xffff  }
0x317: {  	v52 =	vor.u32 v32, v59;
	v53 =	vld.idx.msk [tilespmem:v61+s20+$0x0], $0xffff;
	v50 =	vor.u32 v13, v50;
	[tilespmem:s13+$0x30] =	vst v56  }
0x318: {  	v36 =	vor.u32 v43, v60;
	v52 =	vor.u32 v13, v52;
	v61 =	vadd.s32 v15, v28;
	v62 =	vld.idx.msk [tilespmem:v44+s20+$0x0], $0xffff  }
0x319: {  	v25 =	vor.u32 v25, v34;
	v36 =	vor.u32 v13, v36;
	v54 =	vor.u32 v31, v61;
	v63 =	vld.idx.msk [tilespmem:v49+s20+$0x0], $0xffff  }
0x31a: {  	v39 =	vor.u32 v22, v39;
	v27 =	vadd.s32 v0, v27;
	v47 =	vld.idx.msk [tilespmem:v47+s20+$0x0], $0xffff;
	v49 =	vor.u32 v13, v54  }
0x31b: {  	v55 =	vadd.s32 v11, v41;
	v59 =	vadd.s32 v11, v28;
	v58 =	vadd.s32 v11, v38;
	[tilespmem:s4+$0x40] =	vst v45  }
0x31c: {  	v56 =	vadd.s32 v11, v37;
	[tilespmem:s10+$0x40] =	vst v51;
	v45 =	vor.u32 v42, v55;
	v50 =	vld.idx.msk [tilespmem:v50+s20+$0x0], $0xffff  }
0x31d: {  	v51 =	vor.u32 v32, v56;
	v57 =	vld.idx.msk [tilespmem:v52+s20+$0x0], $0xffff;
	v45 =	vor.u32 v7, v45;
	[tilespmem:s13+$0x40] =	vst v62  }
0x31e: {  	v35 =	vor.u32 v43, v58;
	v51 =	vor.u32 v7, v51;
	[tilespmem:s14+$0x40] =	vst v63;
	v36 =	vld.idx.msk [tilespmem:v36+s20+$0x0], $0xffff  }
0x31f: {  	[tilespmem:s12+$0xE100] =	vst v47;
	v60 =	vor.u32 v31, v59;
	v35 =	vor.u32 v7, v35;
	v44 =	vld.idx.msk [tilespmem:v49+s20+$0x0], $0xffff  }
0x320: {  	v40 =	vor.u32 v22, v40;
	v26 =	vor.u32 v26, v27;
	v27 =	vld.idx.msk [tilespmem:v39+s20+$0x0], $0xffff;
	v61 =	vor.u32 v7, v60  }
0x321: {  	v56 =	vadd.s32 v10, v38;
	v52 =	vadd.s32 v10, v37;
	v62 =	vadd.s32 v10, v41;
	[tilespmem:s4+$0x50] =	vst v50  }
0x322: {  	v58 =	vor.u32 v43, v56;
	v47 =	vor.u32 v42, v62;
	[tilespmem:s10+$0x50] =	vst v57;
	v45 =	vld.idx.msk [tilespmem:v45+s20+$0x0], $0xffff  }
0x323: {  	v55 =	vor.u32 v32, v52;
	v54 =	vor.u32 v5, v47;
	v49 =	vld.idx.msk [tilespmem:v51+s20+$0x0], $0xffff;
	[tilespmem:s13+$0x50] =	vst v36  }
0x324: {  	s22 =	sor.u32 $0x410, s1;
	v63 =	vadd.s32 v10, v28;
	v57 =	vor.u32 v5, v55;
	[tilespmem:s14+$0x50] =	vst v44;
	v35 =	vld.idx.msk [tilespmem:v35+s20+$0x0], $0xffff  }
0x325: {  	s23 =	sor.u32 $0x420, s9;
	[tilespmem:s22+$0xE100] =	vst v48;
	v48 =	vor.u32 v31, v63;
	v47 =	vor.u32 v5, v58;
	v39 =	vld.idx.msk [tilespmem:v61+s20+$0x0], $0xffff  }
0x326: {  	v33 =	vor.u32 v22, v33;
	v40 =	vld.idx.msk [tilespmem:v40+s20+$0x0], $0xffff;
	[tilespmem:s23+$0xE100] =	vst v53;
	v59 =	vor.u32 v5, v48  }
0x327: {  	v60 =	vadd.s32 v8, v28;
	v62 =	vadd.s32 v8, v41;
	v63 =	vadd.s32 v8, v38;
	[tilespmem:s4+$0x60] =	vst v45  }
0x328: {  	v61 =	vadd.s32 v8, v37;
	[tilespmem:s10+$0x60] =	vst v49;
	v45 =	vor.u32 v42, v62;
	v36 =	vld.idx.msk [tilespmem:v54+s20+$0x0], $0xffff  }
0x329: {  	v44 =	vld.idx.msk [tilespmem:v57+s20+$0x0], $0xffff;
	v53 =	vor.u32 v4, v45;
	v54 =	vor.u32 v32, v61;
	[tilespmem:s13+$0x60] =	vst v35  }
0x32a: {  	v56 =	vor.u32 v43, v63;
	[tilespmem:s14+$0x60] =	vst v39;
	v45 =	vor.u32 v4, v54;
	v55 =	vld.idx.msk [tilespmem:v47+s20+$0x0], $0xffff  }
0x32b: {  	[tilespmem:s11+$0xE100] =	vst v46;
	v57 =	vor.u32 v31, v60;
	v34 =	vld.idx.msk [tilespmem:v59+s20+$0x0], $0xffff;
	v47 =	vor.u32 v4, v56  }
0x32c: {  	v29 =	vor.u32 v23, v29;
	v26 =	vor.u32 v23, v26;
	v33 =	vld.idx.msk [tilespmem:v33+s20+$0x0], $0xffff;
	v46 =	vor.u32 v4, v57  }
0x32d: {  	s24 =	sadd.s32 $0x4, s25;
	v58 =	vadd.s32 v3, v28;
	v60 =	vadd.s32 v3, v41;
	v61 =	vadd.s32 v3, v38;
	[tilespmem:s4+$0x70] =	vst v36  }
0x32e: {  	s25 =	sadd.s32 $0x2, s31;
	v59 =	vadd.s32 v3, v37;
	[tilespmem:s10+$0x70] =	vst v44;
	s4 =	sand.u32 $0x7, s24;
	v36 =	vor.u32 v42, v60;
	v35 =	vld.idx.msk [tilespmem:v53+s20+$0x0], $0xffff  }
0x32f: {  	p0 =	por !p0, !p0;
	s5 =	sand.u32 $0x3, s25;
	v62 =	vor.u32 v32, v59;
	s4 =	sshll.u32 s4, $0x7;
	v44 =	vld.idx.msk [tilespmem:v45+s20+$0x0], $0xffff;
	v36 =	vor.u32 v2, v36;
	[tilespmem:s13+$0x70] =	vst v55  }
0x330: {  	s26 =	sor.u32 $0x420, s1;
	s5 =	sshll.u32 s5, $0x8;
	v52 =	vor.u32 v43, v61;
	v39 =	vor.u32 v2, v62;
	s28 =	sadd.s32 s2, s4;
	[tilespmem:s14+$0x70] =	vst v34;
	v63 =	vld.idx.msk [tilespmem:v47+s20+$0x0], $0xffff  }
0x331: {  	v25 =	vor.u32 v23, v25;
	s12 =	sadd.s32 s2, s5;
	s10 =	simm.s32 $0x1;
	v53 =	vor.u32 v31, v58;
	v45 =	vor.u32 v2, v52;
	v46 =	vld.idx.msk [tilespmem:v46+s20+$0x0], $0xffff;
	s4 =	sadd.s32 $0x180, s28  }
0x332: {  	v24 =	vor.u32 v24, v30;
	[tilespmem:s26+$0xE100] =	vst v40;
	v26 =	vld.idx.msk [tilespmem:v26+s20+$0x0], $0xffff;
	s10 =	simm.s32 @!p0 $0x0;
	v30 =	vor.u32 v2, v53;
	s13 =	sadd.s32 $0x80, s28;
	s14 =	sor.u32 $0x400, s4  }
0x333: {  	s6 =	sadd.s32 $0x100, s12;
	v57 =	vadd.s32 v1, v38;
	v54 =	vadd.s32 v1, v28;
	v56 =	vadd.s32 v1, v41;
	s10 =	sshll.u32 s10, $0x9;
	s15 =	sor.u32 $0x400, s13;
	[tilespmem:s14+$0xE100] =	vst v35  }
0x334: {  	s16 =	sor.u32 $0x400, s6;
	v55 =	vadd.s32 v1, v37;
	s2 =	sadd.s32 s10, s2;
	[tilespmem:s15+$0xE100] =	vst v44;
	v35 =	vor.u32 v42, v56;
	v36 =	vld.idx.msk [tilespmem:v36+s20+$0x0], $0xffff  }
0x335: {  	s17 =	sor.u32 $0x400, s2;
	v59 =	vor.u32 v32, v55;
	v39 =	vld.idx.msk [tilespmem:v39+s20+$0x0], $0xffff;
	v58 =	vor.u32 v22, v35;
	[tilespmem:s16+$0xE100] =	vst v63  }
0x336: {  	s9 =	sor.u32 $0x430, s9;
	v61 =	vor.u32 v43, v57;
	v35 =	vor.u32 v22, v59;
	[tilespmem:s17+$0xE100] =	vst v46;
	v60 =	vld.idx.msk [tilespmem:v45+s20+$0x0], $0xffff  }
0x337: {  	[tilespmem:s9+$0xE100] =	vst v26;
	v26 =	vor.u32 v31, v54;
	v62 =	vor.u32 v22, v61;
	v30 =	vld.idx.msk [tilespmem:v30+s20+$0x0], $0xffff  }
0x338: {  	v24 =	vor.u32 v23, v24;
	v25 =	vld.idx.msk [tilespmem:v25+s20+$0x0], $0xffff;
	[tilespmem:s8+$0xE100] =	vst v27;
	v26 =	vor.u32 v22, v26;
	s18 =	sor.u32 $0x410, s4  }
0x339: {  	v27 =	vadd.s32 v0, v28;
	v28 =	vadd.s32 v0, v37;
	s19 =	sor.u32 $0x410, s13;
	v63 =	vadd.s32 v0, v41;
	[tilespmem:s18+$0xE100] =	vst v36  }
0x33a: {  	s22 =	sor.u32 $0x410, s6;
	v28 =	vor.u32 v32, v28;
	v36 =	vor.u32 v42, v63;
	[tilespmem:s19+$0xE100] =	vst v39;
	v34 =	vld.idx.msk [tilespmem:v58+s20+$0x0], $0xffff  }
0x33b: {  	s23 =	sor.u32 $0x410, s2;
	v41 =	vadd.s32 v0, v38;
	v36 =	vor.u32 v23, v36;
	v35 =	vld.idx.msk [tilespmem:v35+s20+$0x0], $0xffff;
	[tilespmem:s22+$0xE100] =	vst v60  }
0x33c: {  	v28 =	vor.u32 v23, v28;
	[tilespmem:s23+$0xE100] =	vst v30;
	v30 =	vor.u32 v43, v41;
	v45 =	vld.idx.msk [tilespmem:v62+s20+$0x0], $0xffff  }
0x33d: {  	s1 =	sor.u32 $0x430, s1;
	[tilespmem:s7+$0xE100] =	vst v33;
	v27 =	vor.u32 v31, v27;
	v26 =	vld.idx.msk [tilespmem:v26+s20+$0x0], $0xffff;
	v30 =	vor.u32 v23, v30  }
0x33e: {  	v24 =	vld.idx.msk [tilespmem:v24+s20+$0x0], $0xffff;
	[tilespmem:s1+$0xE100] =	vst v25;
	v25 =	vor.u32 v23, v27;
	s24 =	sor.u32 $0x420, s4  }
0x33f: {  	v27 =	vld.idx.msk [tilespmem:v29+s20+$0x0], $0xffff;
	s25 =	sor.u32 $0x420, s13;
	[tilespmem:s24+$0xE100] =	vst v34  }
0x340: {  	s26 =	sor.u32 $0x420, s6;
	[tilespmem:s25+$0xE100] =	vst v35;
	v29 =	vld.idx.msk [tilespmem:v36+s20+$0x0], $0xffff  }
0x341: {  	s28 =	sor.u32 $0x420, s2;
	v28 =	vld.idx.msk [tilespmem:v28+s20+$0x0], $0xffff;
	[tilespmem:s26+$0xE100] =	vst v45  }
0x342: {  	[tilespmem:s28+$0xE100] =	vst v26;
	v26 =	vld.idx.msk [tilespmem:v30+s20+$0x0], $0xffff  }
0x343: {  	[tilespmem:s3+$0xE100] =	vst v24;
	v24 =	vld.idx.msk [tilespmem:v25+s20+$0x0], $0xffff  }
0x344: {  	[tilespmem:s0+$0xE100] =	vst v27;
	s1 =	sor.u32 $0x430, s4  }
0x345: {  	s3 =	sor.u32 $0x430, s13;
	[tilespmem:s1+$0xE100] =	vst v29  }
0x346: {  	s31 =	smul.u32 $0xE0, s30;
	s7 =	simm.s32 $0xE100;
	s4 =	sor.u32 $0x430, s6;
	[tilespmem:s3+$0xE100] =	vst v28  }
0x347: {  	s8 =	simm.s32 $0x1;
	s2 =	sor.u32 $0x430, s2;
	s1 =	rddreg [dreg:$0x4];
	[tilespmem:s4+$0xE100] =	vst v26  }
0x348: {  	s0 =	simm.s32 $0x0;
	s6 =	rddreg [dreg:$0x2];
	v25 =	vmov s8;
	s1 =	sadd.s32 s1, s31;
	[tilespmem:s2+$0xE100] =	vst v24  }
0x349: {  	s9 =	simm.s32 $0x3;
	v29 =	vshll.u32 v25, $0x7;
	v25 =	vshll.u32 v25, $0x8;
	v24 =	vmov s0;
	s5 =	sshll.u32 s1, $0x5;
	s3 =	rddreg [dreg:$0xb]  }
0x34a: {  	v29 =	vand.u32 $0x280, v29;
	s2 =	simm.s32 $0x2;
	v26 =	vshll.u32 v24, $0x7;
	v24 =	vshll.u32 v24, $0x8;
	s1 =	sadd.s32 s6, s5;
	s3 =	sadd.s32 s31, s3  }
0x34b: {  	v28 =	vmov s2;
	v27 =	vand.u32 $0x7800, v24;
	v24 =	vmov s9;
	[hbm4b:s1+s0] =	stream.linear.scatter [tilespmem:s7], [sflag:$0x3], $0x7000, $0x38;
	[tilespmem:$0x1C100] =	vst v63  }
0x34c: {  	s11 =	rddreg [dreg:$0x0];
	v46 =	vshll.u32 v28, $0x7;
	v28 =	vshll.u32 v28, $0x8;
	s10 =	sshll.u32 s3, $0x5;
	v30 =	vshll.u32 v24, $0x8  }
0x34d: {  	s12 =	simm.s32 $0x2;
	v26 =	vand.u32 $0x200, v26;
	v31 =	vshll.u32 v24, $0x7;
	s1 =	sadd.s32 s11, s10;
	v30 =	vand.u32 $0x7800, v30  }
0x34e: {  	v24 =	vand.u32 $0x7800, v25;
	v31 =	vand.u32 $0x380, v31;
	[tilespmem:s20], [sflag:$0x1] =	stream.linear.gather [hbm4b:s1+s0], $0x7000, $0x38;
	v25 =	vadd.s32 v21, v30;
	[tilespmem:$0x1C100] =	vst v63  }
0x34f: {  	v52 =	vadd.s32 v21, v27;
	v47 =	vadd.s32 v21, v24;
	_ =	swait.ge [sflag:s12], $0x7000;
	v48 =	vor.u32 v31, v25  }
0x350: {  	v25 =	vand.u32 $0x7800, v28;
	v28 =	vor.u32 v29, v47;
	[sflag:s12] =	ssyncset.done $0x0;
	v49 =	vor.u32 v20, v48  }
0x351: {  	s13 =	simm.s32 $0x4;
	v56 =	vadd.s32 v19, v27;
	v32 =	vor.u32 v26, v52;
	v51 =	vor.u32 v20, v28;
	[sflag:s12] =	ssyncadd.s32 $0xFFFF9000  }
0x352: {  	v62 =	vadd.s32 v17, v27;
	v54 =	vadd.s32 v19, v24;
	v32 =	vor.u32 v20, v32;
	_ =	swait.ge [sflag:s13], $0x7000  }
0x353: {  	v39 =	vor.u32 v26, v56;
	v50 =	vadd.s32 v21, v25;
	v28 =	vand.u32 $0x300, v46;
	[sflag:s13] =	ssyncset.done $0x0  }
0x354: {  	v58 =	vadd.s32 v17, v24;
	v53 =	vadd.s32 v19, v30;
	v34 =	vor.u32 v28, v50;
	[sflag:s13] =	ssyncadd.s32 $0xFFFF9000  }
0x355: {  	v37 =	vor.u32 v29, v54;
	v36 =	vor.u32 v31, v53;
	v34 =	vor.u32 v20, v34;
	v33 =	vld.idx.msk [tilespmem:v49+s21+$0x0], $0xffff  }
0x356: {  	v39 =	vor.u32 v18, v39;
	v57 =	vadd.s32 v17, v30;
	v36 =	vor.u32 v18, v36;
	v35 =	vld.idx.msk [tilespmem:v51+s21+$0x0], $0xffff  }
0x357: {  	s14 =	simm.s32 $0x180;
	s15 =	sand.u32 $0x7800, s0;
	v59 =	vor.u32 v29, v58;
	v45 =	vadd.s32 v14, v30;
	v37 =	vor.u32 v18, v37;
	v32 =	vld.idx.msk [tilespmem:v32+s21+$0x0], $0xffff  }
0x358: {  	s16 =	sadd.s32 $0x15100, s15;
	s17 =	simm.s32 $0x80;
	s1 =	sand.u32 $0x380, s14;
	v52 =	vadd.s32 v9, v30;
	v54 =	vadd.s32 v9, v24;
	v61 =	vor.u32 v16, v59  }
0x359: {  	s18 =	sand.u32 $0x280, s17;
	s22 =	simm.s32 $0x0;
	s3 =	sadd.s32 s1, s16;
	v47 =	vadd.s32 v14, v24;
	v40 =	vor.u32 v31, v52;
	v55 =	vadd.s32 v19, v25  }
0x35a: {  	s6 =	sand.u32 $0x200, s22;
	s1 =	sor.u32 s18, s16;
	v53 =	vadd.s32 v9, v27;
	v38 =	vor.u32 v28, v55;
	v34 =	vld.idx.msk [tilespmem:v34+s21+$0x0], $0xffff;
	[tilespmem:s3+$0x0] =	vst v33  }
0x35b: {  	s24 =	sor.u32 s6, s16;
	v41 =	vor.u32 v29, v54;
	v38 =	vor.u32 v18, v38;
	[tilespmem:s1+$0x0] =	vst v35;
	v36 =	vld.idx.msk [tilespmem:v36+s21+$0x0], $0xffff  }
0x35c: {  	s19 =	simm.s32 $0x100;
	v54 =	vadd.s32 v15, v27;
	v33 =	vor.u32 v31, v57;
	[tilespmem:s24+$0x0] =	vst v32;
	v35 =	vld.idx.msk [tilespmem:v37+s21+$0x0], $0xffff  }
0x35d: {  	s5 =	sand.u32 $0x300, s19;
	v52 =	vadd.s32 v8, v27;
	v33 =	vor.u32 v16, v33;
	v39 =	vld.idx.msk [tilespmem:v39+s21+$0x0], $0xffff;
	v37 =	vor.u32 v26, v62  }
0x35e: {  	s23 =	sadd.s32 s5, s16;
	v60 =	vadd.s32 v17, v25;
	v46 =	vadd.s32 v14, v27;
	v37 =	vor.u32 v16, v37  }
0x35f: {  	v40 =	vor.u32 v6, v40;
	v56 =	vadd.s32 v9, v25;
	v41 =	vor.u32 v6, v41;
	[tilespmem:s23+$0x0] =	vst v34  }
0x360: {  	v43 =	vadd.s32 v1, v25;
	v44 =	vor.u32 v28, v60;
	v50 =	vadd.s32 v14, v25;
	v63 =	vld.idx.msk [tilespmem:v38+s21+$0x0], $0xffff  }
0x361: {  	v42 =	vor.u32 v28, v56;
	v43 =	vor.u32 v28, v43;
	v38 =	vor.u32 v16, v44;
	[tilespmem:s3+$0x10] =	vst v36  }
0x362: {  	s25 =	simm.s32 $0x4;
	v42 =	vor.u32 v6, v42;
	v36 =	vor.u32 v31, v45;
	[tilespmem:s24+$0x10] =	vst v39;
	v33 =	vld.idx.msk [tilespmem:v33+s21+$0x0], $0xffff  }
0x363: {  	v55 =	vmov s25;
	[tilespmem:s1+$0x10] =	vst v35;
	v35 =	vor.u32 v26, v46;
	v48 =	vor.u32 v12, v36;
	v37 =	vld.idx.msk [tilespmem:v37+s21+$0x0], $0xffff  }
0x364: {  	v43 =	vor.u32 v22, v43;
	v49 =	vor.u32 v29, v47;
	v35 =	vor.u32 v12, v35  }
0x365: {  	v59 =	vshll.u32 v55, $0x8;
	v51 =	vor.u32 v28, v50;
	v47 =	vadd.s32 v1, v27;
	v34 =	vld.idx.msk [tilespmem:v61+s21+$0x0], $0xffff;
	[tilespmem:s23+$0x10] =	vst v63  }
0x366: {  	v57 =	vshll.u32 v55, $0x7;
	v62 =	vor.u32 v26, v54;
	v36 =	vor.u32 v12, v49;
	v38 =	vld.idx.msk [tilespmem:v38+s21+$0x0], $0xffff  }
0x367: {  	v55 =	vadd.s32 v15, v24;
	v50 =	vor.u32 v13, v62;
	v39 =	vor.u32 v12, v51;
	[tilespmem:s3+$0x20] =	vst v33  }
0x368: {  	v62 =	vadd.s32 v11, v25;
	v51 =	vadd.s32 v10, v27;
	[tilespmem:s24+$0x20] =	vst v37;
	v32 =	vld.idx.msk [tilespmem:v48+s21+$0x0], $0xffff  }
0x369: {  	v46 =	vadd.s32 v3, v27;
	v51 =	vor.u32 v26, v51;
	v33 =	vor.u32 v26, v53;
	v35 =	vld.idx.msk [tilespmem:v35+s21+$0x0], $0xffff  }
0x36a: {  	v46 =	vor.u32 v26, v46;
	v51 =	vor.u32 v5, v51;
	[tilespmem:s1+$0x20] =	vst v34;
	v33 =	vor.u32 v6, v33  }
0x36b: {  	v34 =	vand.u32 $0x200, v57;
	v53 =	vadd.s32 v15, v30;
	v57 =	vadd.s32 v15, v25;
	v36 =	vld.idx.msk [tilespmem:v36+s21+$0x0], $0xffff;
	[tilespmem:s23+$0x20] =	vst v38  }
0x36c: {  	v46 =	vor.u32 v2, v46;
	v45 =	vor.u32 v31, v53;
	v61 =	vor.u32 v28, v57;
	v58 =	vld.idx.msk [tilespmem:v39+s21+$0x0], $0xffff  }
0x36d: {  	v38 =	vadd.s32 v0, v27;
	v56 =	vor.u32 v13, v45;
	v27 =	vadd.s32 v11, v27;
	[tilespmem:s3+$0x30] =	vst v32  }
0x36e: {  	v39 =	vor.u32 v28, v62;
	v27 =	vor.u32 v26, v27;
	[tilespmem:s24+$0x30] =	vst v35;
	v40 =	vld.idx.msk [tilespmem:v40+s21+$0x0], $0xffff  }
0x36f: {  	v62 =	vadd.s32 v10, v24;
	v27 =	vor.u32 v7, v27;
	v32 =	vand.u32 $0x7800, v59;
	v63 =	vld.idx.msk [tilespmem:v33+s21+$0x0], $0xffff  }
0x370: {  	s26 =	simm.s32 $0x5;
	[tilespmem:s1+$0x30] =	vst v36;
	v36 =	vor.u32 v29, v55;
	v59 =	vadd.s32 v11, v30;
	v35 =	vor.u32 v26, v38  }
0x371: {  	v60 =	vmov s26;
	v38 =	vor.u32 v26, v47;
	v26 =	vor.u32 v26, v52;
	v41 =	vld.idx.msk [tilespmem:v41+s21+$0x0], $0xffff;
	[tilespmem:s23+$0x30] =	vst v58  }
0x372: {  	v52 =	vadd.s32 v8, v24;
	v33 =	vadd.s32 v14, v32;
	v58 =	vor.u32 v13, v36;
	v42 =	vld.idx.msk [tilespmem:v42+s21+$0x0], $0xffff  }
0x373: {  	v37 =	vadd.s32 v17, v32;
	v53 =	vor.u32 v31, v59;
	v36 =	vor.u32 v13, v61;
	[tilespmem:s3+$0x40] =	vst v40  }
0x374: {  	v45 =	vshll.u32 v60, $0x7;
	v49 =	vadd.s32 v21, v32;
	v59 =	vor.u32 v7, v39;
	[tilespmem:s24+$0x40] =	vst v63;
	v54 =	vld.idx.msk [tilespmem:v56+s21+$0x0], $0xffff  }
0x375: {  	v39 =	vadd.s32 v0, v24;
	v38 =	vor.u32 v22, v38;
	v53 =	vor.u32 v7, v53;
	v50 =	vld.idx.msk [tilespmem:v50+s21+$0x0], $0xffff  }
0x376: {  	s28 =	simm.s32 $0x6;
	v35 =	vor.u32 v23, v35;
	[tilespmem:s1+$0x40] =	vst v41;
	v41 =	vshll.u32 v60, $0x8;
	v60 =	vadd.s32 v11, v24  }
0x377: {  	v44 =	vmov s28;
	v49 =	vor.u32 v34, v49;
	v55 =	vld.idx.msk [tilespmem:v58+s21+$0x0], $0xffff;
	v61 =	vor.u32 v29, v60;
	[tilespmem:s23+$0x40] =	vst v42  }
0x378: {  	v37 =	vor.u32 v34, v37;
	v33 =	vor.u32 v34, v33;
	v57 =	vor.u32 v7, v61;
	v63 =	vld.idx.msk [tilespmem:v36+s21+$0x0], $0xffff  }
0x379: {  	v49 =	vor.u32 v20, v49;
	v37 =	vor.u32 v16, v37;
	v60 =	vadd.s32 v10, v30;
	[tilespmem:s3+$0x50] =	vst v54  }
0x37a: {  	v48 =	vshll.u32 v44, $0x7;
	v33 =	vor.u32 v12, v33;
	v61 =	vor.u32 v31, v60;
	[tilespmem:s24+$0x50] =	vst v50;
	v53 =	vld.idx.msk [tilespmem:v53+s21+$0x0], $0xffff  }
0x37b: {  	v40 =	vadd.s32 v19, v32;
	v56 =	vshll.u32 v44, $0x8;
	v47 =	vor.u32 v5, v61;
	v27 =	vld.idx.msk [tilespmem:v27+s21+$0x0], $0xffff  }
0x37c: {  	v44 =	vadd.s32 v1, v24;
	v58 =	vadd.s32 v3, v25;
	v40 =	vor.u32 v34, v40;
	[tilespmem:s1+$0x50] =	vst v55  }
0x37d: {  	v42 =	vand.u32 $0x7800, v41;
	v54 =	vor.u32 v29, v62;
	v55 =	vld.idx.msk [tilespmem:v57+s21+$0x0], $0xffff;
	[tilespmem:s23+$0x50] =	vst v63;
	v63 =	vadd.s32 v10, v25  }
0x37e: {  	v41 =	vand.u32 $0x7800, v56;
	v50 =	vor.u32 v5, v54;
	v56 =	vor.u32 v28, v63;
	v57 =	vld.idx.msk [tilespmem:v59+s21+$0x0], $0xffff  }
0x37f: {  	s5 =	simm.s32 $0x7;
	v54 =	vadd.s32 v3, v24;
	v24 =	vadd.s32 v8, v30;
	v56 =	vor.u32 v5, v56;
	[tilespmem:s3+$0x60] =	vst v53  }
0x380: {  	v36 =	vadd.s32 v0, v25;
	v61 =	vmov s5;
	v60 =	vor.u32 v31, v24;
	[tilespmem:s24+$0x60] =	vst v27;
	v47 =	vld.idx.msk [tilespmem:v47+s21+$0x0], $0xffff  }
0x381: {  	v25 =	vadd.s32 v8, v25;
	v24 =	vand.u32 $0x280, v45;
	v60 =	vor.u32 v4, v60;
	v51 =	vld.idx.msk [tilespmem:v51+s21+$0x0], $0xffff  }
0x382: {  	v45 =	vor.u32 v4, v26;
	v26 =	vor.u32 v29, v52;
	v25 =	vor.u32 v28, v25;
	[tilespmem:s1+$0x60] =	vst v55  }
0x383: {  	v53 =	vadd.s32 v21, v42;
	v27 =	vshll.u32 v61, $0x8;
	v50 =	vld.idx.msk [tilespmem:v50+s21+$0x0], $0xffff;
	[tilespmem:s23+$0x60] =	vst v57;
	v57 =	vor.u32 v4, v25  }
0x384: {  	v52 =	vld.idx.msk [tilespmem:v56+s21+$0x0], $0xffff;
	v56 =	vor.u32 v4, v26;
	v26 =	vand.u32 $0x7800, v27;
	v27 =	vshll.u32 v61, $0x7  }
0x385: {  	p0 =	por $0x0, $0x0;
	s22 =	simm.s32 $0x280;
	s6 =	sand.u32 $0x7, s0;
	v49 =	vld.idx.msk [tilespmem:v49+s21+$0x0], $0xffff;
	v25 =	vor.u32 v24, v53;
	v62 =	vadd.s32 v21, v26;
	v27 =	vand.u32 $0x380, v27;
	[tilespmem:s3+$0x70] =	vst v47  }
0x386: {  	s9 =	sshll.u32 s6, $0x7;
	s25 =	simm.s32 $0x200;
	s5 =	simm.s32 $0x1;
	v53 =	vor.u32 v27, v62;
	v47 =	vor.u32 v20, v25;
	[tilespmem:s24+$0x70] =	vst v51;
	v55 =	vld.idx.msk [tilespmem:v60+s21+$0x0], $0xffff  }
0x387: {  	s10 =	sand.u32 $0x3, s0;
	s28 =	sand.u32 $0x200, s25;
	s5 =	simm.s32 @!p0 $0x0;
	v25 =	vand.u32 $0x300, v48;
	v48 =	vor.u32 v20, v53;
	v60 =	vadd.s32 v3, v30;
	v45 =	vld.idx.msk [tilespmem:v45+s21+$0x0], $0xffff  }
0x388: {  	v44 =	vor.u32 v29, v44;
	s12 =	sshll.u32 s5, $0x9;
	s5 =	sand.u32 $0x280, s22;
	v59 =	vadd.s32 v21, v41;
	[tilespmem:s1+$0x70] =	vst v50;
	s1 =	sadd.s32 $0x0, s9;
	v63 =	vor.u32 v31, v60  }
0x389: {  	s3 =	sshll.u32 s10, $0x8;
	s10 =	simm.s32 $0x400;
	s6 =	sadd.s32 $0x180, s1;
	v60 =	vor.u32 v25, v59;
	v56 =	vld.idx.msk [tilespmem:v56+s21+$0x0], $0xffff;
	[tilespmem:s23+$0x70] =	vst v52;
	v50 =	vor.u32 v2, v63  }
0x38a: {  	v40 =	vor.u32 v18, v40;
	v61 =	vor.u32 v29, v54;
	s3 =	sadd.s32 $0x0, s3;
	s4 =	sadd.s32 $0x80, s1;
	s1 =	sadd.s32 $0x0, s12;
	v52 =	vor.u32 v20, v60;
	v53 =	vld.idx.msk [tilespmem:v57+s21+$0x0], $0xffff  }
0x38b: {  	v44 =	vor.u32 v22, v44;
	v62 =	vor.u32 v28, v58;
	v51 =	vor.u32 v2, v61;
	s16 =	sand.u32 $0x7800, s10;
	s11 =	sor.u32 $0x400, s6;
	s15 =	sor.u32 $0x400, s1;
	v47 =	vld.idx.msk [tilespmem:v47+s21+$0x0], $0xffff  }
0x38c: {  	s3 =	sadd.s32 $0x100, s3;
	s13 =	sor.u32 $0x400, s4;
	s17 =	sadd.s32 $0x15100, s16;
	v57 =	vor.u32 v2, v62;
	v60 =	vadd.s32 v19, v26;
	v48 =	vld.idx.msk [tilespmem:v48+s21+$0x0], $0xffff;
	[tilespmem:s15+$0x15100] =	vst v45  }
0x38d: {  	v58 =	vadd.s32 v19, v42;
	s23 =	simm.s32 $0x300;
	s14 =	sor.u32 $0x400, s3;
	v60 =	vor.u32 v27, v60;
	[tilespmem:s11+$0x15100] =	vst v55;
	s11 =	simm.s32 $0x380;
	v46 =	vld.idx.msk [tilespmem:v46+s21+$0x0], $0xffff  }
0x38e: {  	v58 =	vor.u32 v24, v58;
	s18 =	sor.u32 s5, s17;
	s26 =	sand.u32 $0x300, s23;
	v60 =	vor.u32 v18, v60;
	[tilespmem:s13+$0x15100] =	vst v56;
	s19 =	sand.u32 $0x380, s11;
	v50 =	vld.idx.msk [tilespmem:v50+s21+$0x0], $0xffff  }
0x38f: {  	v61 =	vadd.s32 v1, v30;
	v62 =	vor.u32 v18, v58;
	s29 =	sadd.s32 s26, s17;
	v52 =	vld.idx.msk [tilespmem:v52+s21+$0x0], $0xffff;
	[tilespmem:s14+$0x15100] =	vst v53;
	s19 =	sadd.s32 s19, s17;
	s17 =	sor.u32 s28, s17  }
0x390: {  	v63 =	vor.u32 v31, v61;
	v55 =	vadd.s32 v19, v41;
	v51 =	vld.idx.msk [tilespmem:v51+s21+$0x0], $0xffff;
	[tilespmem:s17+$0x0] =	vst v49  }
0x391: {  	v61 =	vor.u32 v22, v63;
	v55 =	vor.u32 v25, v55;
	v45 =	vld.idx.msk [tilespmem:v57+s21+$0x0], $0xffff;
	[tilespmem:s19+$0x0] =	vst v48  }
0x392: {  	v29 =	vor.u32 v29, v39;
	s13 =	sor.u32 $0x410, s1;
	v55 =	vor.u32 v18, v55;
	[tilespmem:s18+$0x0] =	vst v47;
	v40 =	vld.idx.msk [tilespmem:v40+s21+$0x0], $0xffff  }
0x393: {  	v54 =	vadd.s32 v17, v42;
	v29 =	vor.u32 v23, v29;
	s24 =	sor.u32 $0x410, s6;
	v48 =	vld.idx.msk [tilespmem:v60+s21+$0x0], $0xffff;
	[tilespmem:s13+$0x15100] =	vst v46  }
0x394: {  	v30 =	vadd.s32 v0, v30;
	v63 =	vadd.s32 v17, v26;
	v60 =	vld.idx.msk [tilespmem:v62+s21+$0x0], $0xffff;
	[tilespmem:s24+$0x15100] =	vst v50  }
0x395: {  	v30 =	vor.u32 v31, v30;
	s8 =	sor.u32 $0x410, s4;
	v58 =	vor.u32 v27, v63;
	[tilespmem:s29+$0x0] =	vst v52;
	v38 =	vld.idx.msk [tilespmem:v38+s21+$0x0], $0xffff  }
0x396: {  	v31 =	vor.u32 v24, v54;
	s9 =	sor.u32 $0x410, s3;
	v47 =	vor.u32 v16, v58;
	[tilespmem:s8+$0x15100] =	vst v51;
	v50 =	vld.idx.msk [tilespmem:v61+s21+$0x0], $0xffff  }
0x397: {  	v28 =	vor.u32 v28, v36;
	v31 =	vor.u32 v16, v31;
	v61 =	vld.idx.msk [tilespmem:v55+s21+$0x0], $0xffff;
	[tilespmem:s9+$0x15100] =	vst v45  }
0x398: {  	v36 =	vadd.s32 v0, v32;
	v59 =	vadd.s32 v17, v41;
	v44 =	vld.idx.msk [tilespmem:v44+s21+$0x0], $0xffff;
	[tilespmem:s17+$0x10] =	vst v40  }
0x399: {  	v30 =	vor.u32 v23, v30;
	v62 =	vor.u32 v25, v59;
	v39 =	vld.idx.msk [tilespmem:v43+s21+$0x0], $0xffff;
	[tilespmem:s19+$0x10] =	vst v48  }
0x39a: {  	v28 =	vor.u32 v23, v28;
	s23 =	sor.u32 $0x420, s1;
	v63 =	vor.u32 v16, v62;
	[tilespmem:s18+$0x10] =	vst v60;
	v37 =	vld.idx.msk [tilespmem:v37+s21+$0x0], $0xffff  }
0x39b: {  	s12 =	sor.u32 $0x420, s6;
	v54 =	vadd.s32 v14, v26;
	v49 =	vadd.s32 v1, v32;
	v52 =	vld.idx.msk [tilespmem:v47+s21+$0x0], $0xffff;
	[tilespmem:s23+$0x15100] =	vst v38  }
0x39c: {  	v45 =	vor.u32 v27, v54;
	v55 =	vadd.s32 v14, v42;
	v31 =	vld.idx.msk [tilespmem:v31+s21+$0x0], $0xffff;
	[tilespmem:s12+$0x15100] =	vst v50  }
0x39d: {  	s14 =	sor.u32 $0x420, s4;
	v45 =	vor.u32 v12, v45;
	v56 =	vor.u32 v24, v55;
	[tilespmem:s29+$0x10] =	vst v61;
	v35 =	vld.idx.msk [tilespmem:v35+s21+$0x0], $0xffff  }
0x39e: {  	s22 =	sor.u32 $0x420, s3;
	v58 =	vadd.s32 v14, v41;
	v40 =	vor.u32 v12, v56;
	[tilespmem:s14+$0x15100] =	vst v44;
	v30 =	vld.idx.msk [tilespmem:v30+s21+$0x0], $0xffff  }
0x39f: {  	v62 =	vadd.s32 v9, v42;
	s24 =	simm.s32 $0x9;
	v48 =	vor.u32 v25, v58;
	v57 =	vld.idx.msk [tilespmem:v63+s21+$0x0], $0xffff;
	[tilespmem:s22+$0x15100] =	vst v39  }
0x3a0: {  	v54 =	vadd.s32 v9, v41;
	v58 =	vmov s24;
	v59 =	vor.u32 v12, v48;
	v29 =	vld.idx.msk [tilespmem:v29+s21+$0x0], $0xffff;
	[tilespmem:s17+$0x20] =	vst v37  }
0x3a1: {  	s25 =	simm.s32 $0xA;
	v43 =	vshll.u32 v58, $0x7;
	v47 =	vshll.u32 v58, $0x8;
	v58 =	vadd.s32 v11, v42;
	[tilespmem:s19+$0x20] =	vst v52;
	v33 =	vld.idx.msk [tilespmem:v33+s21+$0x0], $0xffff  }
0x3a2: {  	v48 =	vmov s25;
	v38 =	vadd.s32 v3, v32;
	v61 =	vadd.s32 v9, v26;
	[tilespmem:s18+$0x20] =	vst v31;
	v60 =	vld.idx.msk [tilespmem:v45+s21+$0x0], $0xffff  }
0x3a3: {  	v31 =	vor.u32 v27, v61;
	v52 =	vor.u32 v24, v62;
	v62 =	vadd.s32 v15, v41;
	v40 =	vld.idx.msk [tilespmem:v40+s21+$0x0], $0xffff  }
0x3a4: {  	s16 =	simm.s32 $0x8;
	s15 =	sor.u32 $0x430, s6;
	v63 =	vor.u32 v6, v31;
	v37 =	vor.u32 v6, v52;
	v45 =	vor.u32 v25, v54;
	[tilespmem:s29+$0x20] =	vst v57  }
0x3a5: {  	s1 =	sor.u32 $0x430, s1;
	v31 =	vmov s16;
	v39 =	vor.u32 v25, v62;
	[tilespmem:s15+$0x15100] =	vst v30;
	v30 =	vadd.s32 v9, v32;
	v53 =	vld.idx.msk [tilespmem:v59+s21+$0x0], $0xffff  }
0x3a6: {  	s4 =	sor.u32 $0x430, s4;
	v52 =	vadd.s32 v10, v32;
	v45 =	vor.u32 v6, v45;
	[tilespmem:s1+$0x15100] =	vst v35;
	v30 =	vor.u32 v34, v30  }
0x3a7: {  	v54 =	vadd.s32 v8, v32;
	v62 =	vadd.s32 v10, v26;
	[tilespmem:s4+$0x15100] =	vst v29;
	v30 =	vor.u32 v6, v30  }
0x3a8: {  	v55 =	vshll.u32 v31, $0x7;
	v54 =	vor.u32 v34, v54;
	v57 =	vld.idx.msk [tilespmem:v28+s21+$0x0], $0xffff;
	v28 =	vadd.s32 v15, v26;
	[tilespmem:s19+$0x30] =	vst v60  }
0x3a9: {  	v56 =	vshll.u32 v31, $0x8;
	v29 =	vadd.s32 v15, v32;
	v32 =	vadd.s32 v11, v32;
	[tilespmem:s18+$0x30] =	vst v40;
	v44 =	vld.idx.msk [tilespmem:v63+s21+$0x0], $0xffff  }
0x3aa: {  	v31 =	vand.u32 $0x200, v55;
	v59 =	vor.u32 v27, v28;
	v60 =	vadd.s32 v15, v42;
	v37 =	vld.idx.msk [tilespmem:v37+s21+$0x0], $0xffff;
	[tilespmem:s29+$0x30] =	vst v53  }
0x3ab: {  	v28 =	vand.u32 $0x7800, v56;
	[tilespmem:s17+$0x30] =	vst v33;
	v40 =	vor.u32 v13, v59;
	v61 =	vor.u32 v24, v60;
	v45 =	vld.idx.msk [tilespmem:v45+s21+$0x0], $0xffff  }
0x3ac: {  	s3 =	sor.u32 $0x430, s3;
	v29 =	vor.u32 v34, v29;
	v56 =	vadd.s32 v11, v26;
	v33 =	vor.u32 v13, v61;
	v30 =	vld.idx.msk [tilespmem:v30+s21+$0x0], $0xffff  }
0x3ad: {  	v32 =	vor.u32 v34, v32;
	v29 =	vor.u32 v13, v29;
	v63 =	vor.u32 v13, v39;
	[tilespmem:s3+$0x15100] =	vst v57  }
0x3ae: {  	v35 =	vadd.s32 v14, v28;
	v55 =	vadd.s32 v21, v28;
	v59 =	vadd.s32 v11, v41;
	[tilespmem:s19+$0x40] =	vst v44  }
0x3af: {  	v39 =	vadd.s32 v17, v28;
	v57 =	vor.u32 v27, v56;
	v56 =	vadd.s32 v10, v41;
	[tilespmem:s18+$0x40] =	vst v37  }
0x3b0: {  	v46 =	vshll.u32 v48, $0x7;
	v44 =	vadd.s32 v19, v28;
	v37 =	vor.u32 v7, v57;
	v40 =	vld.idx.msk [tilespmem:v40+s21+$0x0], $0xffff;
	[tilespmem:s29+$0x40] =	vst v45  }
0x3b1: {  	v48 =	vshll.u32 v48, $0x8;
	v57 =	vadd.s32 v8, v42;
	v53 =	vld.idx.msk [tilespmem:v33+s21+$0x0], $0xffff;
	[tilespmem:s17+$0x40] =	vst v30;
	v30 =	vor.u32 v24, v58  }
0x3b2: {  	v33 =	vadd.s32 v0, v42;
	v50 =	vld.idx.msk [tilespmem:v63+s21+$0x0], $0xffff;
	v51 =	vor.u32 v7, v30;
	v30 =	vor.u32 v25, v59  }
0x3b3: {  	v58 =	vor.u32 v7, v32;
	v32 =	vor.u32 v34, v49;
	v60 =	vld.idx.msk [tilespmem:v29+s21+$0x0], $0xffff;
	v61 =	vor.u32 v7, v30  }
0x3b4: {  	v45 =	vor.u32 v34, v38;
	v38 =	vand.u32 $0x7800, v48;
	v48 =	vadd.s32 v3, v42  }
0x3b5: {  	v29 =	vor.u32 v34, v36;
	v36 =	vadd.s32 v1, v41;
	v63 =	vor.u32 v27, v62;
	[tilespmem:s19+$0x50] =	vst v40  }
0x3b6: {  	p0 =	por !p0, !p0;
	s1 =	simm.s32 $0x1;
	v30 =	vadd.s32 v0, v41;
	[tilespmem:s18+$0x50] =	vst v53;
	v53 =	vadd.s32 v10, v42;
	v49 =	vld.idx.msk [tilespmem:v37+s21+$0x0], $0xffff  }
0x3b7: {  	s1 =	simm.s32 @!p0 $0x0;
	v37 =	vand.u32 $0x7800, v47;
	v47 =	vor.u32 v24, v53;
	[tilespmem:s29+$0x50] =	vst v50;
	v50 =	vor.u32 v5, v63;
	v59 =	vld.idx.msk [tilespmem:v51+s21+$0x0], $0xffff  }
0x3b8: {  	s26 =	sand.u32 $0x3, s2;
	s1 =	sshll.u32 s1, $0x9;
	v62 =	vor.u32 v5, v47;
	[tilespmem:s17+$0x50] =	vst v60;
	v60 =	vor.u32 v25, v56;
	v61 =	vld.idx.msk [tilespmem:v61+s21+$0x0], $0xffff  }
0x3b9: {  	s1 =	sadd.s32 $0x400, s1;
	s3 =	sshll.u32 s26, $0x8;
	v40 =	vadd.s32 v1, v42;
	v63 =	vor.u32 v34, v52;
	v51 =	vld.idx.msk [tilespmem:v58+s21+$0x0], $0xffff;
	v52 =	vor.u32 v5, v60  }
0x3ba: {  	s4 =	simm.s32 $0xB;
	s23 =	sor.u32 $0x400, s1;
	s3 =	sadd.s32 $0x400, s3;
	v42 =	vadd.s32 v8, v26;
	v47 =	vadd.s32 v3, v41;
	v53 =	vor.u32 v5, v63  }
0x3bb: {  	s12 =	sor.u32 $0x410, s1;
	s8 =	sor.u32 $0x420, s1;
	s28 =	sadd.s32 $0x100, s3;
	v56 =	vadd.s32 v8, v41;
	v60 =	vor.u32 v31, v55;
	v58 =	vadd.s32 v21, v37;
	[tilespmem:s19+$0x60] =	vst v49  }
0x3bc: {  	s3 =	sor.u32 $0x430, s1;
	s1 =	simm.s32 $0xC;
	s25 =	sor.u32 $0x400, s28;
	v63 =	vor.u32 v27, v42;
	v49 =	vor.u32 v4, v54;
	v55 =	vld.idx.msk [tilespmem:v50+s21+$0x0], $0xffff;
	[tilespmem:s18+$0x60] =	vst v59  }
0x3bd: {  	s16 =	sor.u32 $0x410, s28;
	s9 =	sor.u32 $0x420, s28;
	s7 =	sor.u32 $0x430, s28;
	v34 =	vand.u32 $0x280, v43;
	v50 =	vadd.s32 v21, v38;
	v59 =	vor.u32 v4, v63;
	v54 =	vld.idx.msk [tilespmem:v62+s21+$0x0], $0xffff;
	[tilespmem:s29+$0x60] =	vst v61  }
.LBB2_9:
0x3be: {  	p1 =	slt.u32 s1, $0x6C;
	v60 =	vor.u32 v20, v60;
	v61 =	vmov s4;
	[tilespmem:s17+$0x60] =	vst v51;
	v57 =	vor.u32 v24, v57;
	v51 =	vld.idx.msk [tilespmem:v52+s21+$0x0], $0xffff;
	v41 =	vmovc v31  }
0x3bf: {  	v56 =	vor.u32 v25, v56;
	v42 =	vmovc v37;
	v31 =	vshll.u32 v61, $0x8;
	v52 =	vld.idx.msk [tilespmem:v53+s21+$0x0], $0xffff;
	v53 =	vor.u32 v4, v57  }
0x3c0: {  	v43 =	vmovc v38;
	v56 =	vor.u32 v4, v56;
	v37 =	vand.u32 $0x7800, v31;
	v31 =	vshll.u32 v61, $0x7  }
0x3c1: {  	v38 =	vor.u32 v34, v58;
	v57 =	vadd.s32 v21, v37;
	v58 =	vand.u32 $0x380, v31;
	[tilespmem:s19+$0x70] =	vst v55  }
0x3c2: {  	s0 =	sadd.s32 $0x4, s0;
	v38 =	vor.u32 v20, v38;
	v55 =	vor.u32 v58, v57;
	v57 =	vld.idx.msk [tilespmem:v59+s21+$0x0], $0xffff;
	v59 =	vadd.s32 v3, v26  }
0x3c3: {  	s4 =	sand.u32 $0x7, s0;
	v31 =	vand.u32 $0x300, v46;
	v60 =	vld.idx.msk [tilespmem:v60+s21+$0x0], $0xffff;
	v46 =	vor.u32 v20, v55;
	[tilespmem:s18+$0x70] =	vst v54;
	v54 =	vor.u32 v27, v59  }
0x3c4: {  	s4 =	sshll.u32 s4, $0x7;
	v50 =	vor.u32 v31, v50;
	v53 =	vld.idx.msk [tilespmem:v53+s21+$0x0], $0xffff;
	[tilespmem:s29+$0x70] =	vst v51;
	v51 =	vor.u32 v2, v54  }
0x3c5: {  	v48 =	vor.u32 v24, v48;
	s2 =	sadd.s32 $0x2, s2;
	s4 =	sadd.s32 s10, s4;
	v50 =	vor.u32 v20, v50;
	[tilespmem:s17+$0x70] =	vst v52;
	v52 =	vld.idx.msk [tilespmem:v56+s21+$0x0], $0xffff  }
0x3c6: {  	v47 =	vor.u32 v25, v47;
	p0 =	por !p0, !p0;
	v48 =	vor.u32 v2, v48;
	s5 =	sadd.s32 $0x80, s4;
	s13 =	sadd.s32 $0x180, s4;
	v54 =	vadd.s32 v17, v42;
	v49 =	vld.idx.msk [tilespmem:v49+s21+$0x0], $0xffff  }
0x3c7: {  	v47 =	vor.u32 v2, v47;
	v55 =	vadd.s32 v19, v42;
	s6 =	sor.u32 $0x400, s5;
	s22 =	sor.u32 $0x410, s5;
	s15 =	sor.u32 $0x400, s13;
	v56 =	vadd.s32 v17, v43;
	v38 =	vld.idx.msk [tilespmem:v38+s21+$0x0], $0xffff  }
0x3c8: {  	v45 =	vor.u32 v2, v45;
	v59 =	vadd.s32 v19, v37;
	s14 =	sor.u32 $0x420, s5;
	s4 =	sor.u32 $0x430, s5;
	v46 =	vld.idx.msk [tilespmem:v46+s21+$0x0], $0xffff;
	[tilespmem:s15+$0x15100] =	vst v57;
	s15 =	simm.s32 $0x1  }
0x3c9: {  	v61 =	vadd.s32 v1, v26;
	s5 =	sand.u32 $0x3, s2;
	v59 =	vor.u32 v58, v59;
	v57 =	vadd.s32 v19, v43;
	s15 =	simm.s32 @!p0 $0x0;
	v51 =	vld.idx.msk [tilespmem:v51+s21+$0x0], $0xffff  }
0x3ca: {  	s10 =	sadd.s32 $0x400, s10;
	s5 =	sshll.u32 s5, $0x8;
	v59 =	vor.u32 v18, v59;
	s15 =	sshll.u32 s15, $0x9;
	v50 =	vld.idx.msk [tilespmem:v50+s21+$0x0], $0xffff;
	[tilespmem:s6+$0x15100] =	vst v53;
	v53 =	vor.u32 v27, v61  }
0x3cb: {  	s11 =	sadd.s32 $0x200, s11;
	v55 =	vor.u32 v34, v55;
	s5 =	sadd.s32 s10, s5;
	s6 =	sand.u32 $0x7800, s10;
	v48 =	vld.idx.msk [tilespmem:v48+s21+$0x0], $0xffff;
	[tilespmem:s25+$0x15100] =	vst v52;
	v52 =	vor.u32 v22, v53  }
0x3cc: {  	s18 =	sand.u32 $0x380, s11;
	s17 =	sadd.s32 $0xFFFFFE80, s11;
	s6 =	sadd.s32 $0x15100, s6;
	v53 =	vor.u32 v18, v55;
	v55 =	vor.u32 v31, v57;
	[tilespmem:s23+$0x15100] =	vst v49;
	v47 =	vld.idx.msk [tilespmem:v47+s21+$0x0], $0xffff  }
0x3cd: {  	v40 =	vor.u32 v24, v40;
	v44 =	vor.u32 v41, v44;
	s24 =	sadd.s32 $0xFFFFFF80, s11;
	s23 =	sadd.s32 $0xFFFFFF00, s11;
	v49 =	vor.u32 v18, v55;
	s19 =	sadd.s32 s18, s6;
	v45 =	vld.idx.msk [tilespmem:v45+s21+$0x0], $0xffff  }
0x3ce: {  	v36 =	vor.u32 v25, v36;
	v40 =	vor.u32 v22, v40;
	v44 =	vor.u32 v18, v44;
	s17 =	sand.u32 $0x200, s17;
	s18 =	sand.u32 $0x280, s23;
	s23 =	sor.u32 $0x410, s13;
	[tilespmem:s19+$0x0] =	vst v46  }
0x3cf: {  	v36 =	vor.u32 v22, v36;
	s24 =	sand.u32 $0x300, s24;
	s17 =	sor.u32 s17, s6;
	v55 =	vadd.s32 v17, v37;
	s18 =	sor.u32 s18, s6;
	v46 =	vld.idx.msk [tilespmem:v59+s21+$0x0], $0xffff;
	[tilespmem:s23+$0x15100] =	vst v51  }
0x3d0: {  	s15 =	sadd.s32 s15, s10;
	s29 =	sadd.s32 s24, s6;
	s6 =	sadd.s32 $0x100, s5;
	[tilespmem:s18+$0x0] =	vst v38;
	v38 =	vor.u32 v58, v55;
	v51 =	vld.idx.msk [tilespmem:v52+s21+$0x0], $0xffff;
	v52 =	vadd.s32 v0, v26;
	v26 =	vmov v37  }
0x3d1: {  	s23 =	sor.u32 $0x400, s15;
	s25 =	sor.u32 $0x400, s6;
	s26 =	sor.u32 $0x410, s6;
	v37 =	vld.idx.msk [tilespmem:v53+s21+$0x0], $0xffff;
	[tilespmem:s29+$0x0] =	vst v50;
	v38 =	vor.u32 v16, v38;
	v50 =	vor.u32 v27, v52;
	v27 =	vmov v58  }
0x3d2: {  	s28 =	sor.u32 $0x410, s15;
	s5 =	sor.u32 $0x420, s15;
	s24 =	sor.u32 $0x420, s6;
	v52 =	vor.u32 v34, v54;
	[tilespmem:s17+$0x0] =	vst v60;
	v49 =	vld.idx.msk [tilespmem:v49+s21+$0x0], $0xffff;
	v50 =	vor.u32 v23, v50  }
0x3d3: {  	s15 =	sor.u32 $0x430, s15;
	s6 =	sor.u32 $0x430, s6;
	v53 =	vor.u32 v31, v56;
	v52 =	vor.u32 v16, v52;
	v44 =	vld.idx.msk [tilespmem:v44+s21+$0x0], $0xffff;
	[tilespmem:s22+$0x15100] =	vst v48  }
0x3d4: {  	v39 =	vor.u32 v41, v39;
	v48 =	vor.u32 v16, v53;
	v40 =	vld.idx.msk [tilespmem:v40+s21+$0x0], $0xffff;
	[tilespmem:s16+$0x15100] =	vst v47;
	s16 =	smov.u32 s26  }
0x3d5: {  	v33 =	vor.u32 v24, v33;
	v24 =	vmov v34;
	v39 =	vor.u32 v16, v39;
	s22 =	sor.u32 $0x420, s13;
	[tilespmem:s19+$0x10] =	vst v46;
	v36 =	vld.idx.msk [tilespmem:v36+s21+$0x0], $0xffff  }
0x3d6: {  	v32 =	vor.u32 v22, v32;
	v34 =	vld.idx.msk [tilespmem:v38+s21+$0x0], $0xffff;
	v38 =	vadd.s32 v14, v26;
	[tilespmem:s22+$0x15100] =	vst v51  }
0x3d7: {  	v33 =	vor.u32 v23, v33;
	[tilespmem:s18+$0x10] =	vst v37;
	v37 =	vor.u32 v27, v38;
	v38 =	vld.idx.msk [tilespmem:v50+s21+$0x0], $0xffff  }
0x3d8: {  	v47 =	vadd.s32 v14, v42;
	v46 =	vld.idx.msk [tilespmem:v52+s21+$0x0], $0xffff;
	[tilespmem:s29+$0x10] =	vst v49;
	v37 =	vor.u32 v12, v37  }
0x3d9: {  	[tilespmem:s17+$0x10] =	vst v44;
	v44 =	vor.u32 v24, v47;
	v47 =	vld.idx.msk [tilespmem:v48+s21+$0x0], $0xffff;
	v48 =	vadd.s32 v14, v43  }
0x3da: {  	v39 =	vld.idx.msk [tilespmem:v39+s21+$0x0], $0xffff;
	v44 =	vor.u32 v12, v44;
	v48 =	vor.u32 v31, v48;
	[tilespmem:s12+$0x15100] =	vst v45;
	s12 =	smov.u32 s28  }
0x3db: {  	v35 =	vor.u32 v41, v35;
	v45 =	vor.u32 v12, v48;
	v32 =	vld.idx.msk [tilespmem:v32+s21+$0x0], $0xffff;
	[tilespmem:s14+$0x15100] =	vst v40  }
0x3dc: {  	v30 =	vor.u32 v25, v30;
	v35 =	vor.u32 v12, v35;
	v25 =	vmov v31;
	s13 =	sor.u32 $0x430, s13;
	[tilespmem:s19+$0x20] =	vst v34;
	v33 =	vld.idx.msk [tilespmem:v33+s21+$0x0], $0xffff  }
0x3dd: {  	v30 =	vor.u32 v23, v30;
	v34 =	vadd.s32 v9, v26;
	v31 =	vld.idx.msk [tilespmem:v37+s21+$0x0], $0xffff;
	[tilespmem:s13+$0x15100] =	vst v38  }
0x3de: {  	v29 =	vor.u32 v23, v29;
	v37 =	vadd.s32 v9, v28;
	v34 =	vor.u32 v27, v34;
	[tilespmem:s18+$0x20] =	vst v46  }
0x3df: {  	v40 =	vadd.s32 v9, v42;
	v34 =	vor.u32 v6, v34;
	v38 =	vld.idx.msk [tilespmem:v44+s21+$0x0], $0xffff;
	[tilespmem:s29+$0x20] =	vst v47  }
0x3e0: {  	v44 =	vmov s1;
	[tilespmem:s17+$0x20] =	vst v39;
	v39 =	vor.u32 v24, v40;
	v40 =	vld.idx.msk [tilespmem:v45+s21+$0x0], $0xffff;
	v45 =	vadd.s32 v9, v43  }
0x3e1: {  	v46 =	vshll.u32 v44, $0x7;
	v35 =	vld.idx.msk [tilespmem:v35+s21+$0x0], $0xffff;
	v39 =	vor.u32 v6, v39;
	v45 =	vor.u32 v25, v45;
	[tilespmem:s9+$0x15100] =	vst v36;
	s9 =	smov.u32 s24  }
0x3e2: {  	s14 =	sadd.s32 $0x2, s1;
	s13 =	sadd.s32 $0x1, s1;
	v37 =	vor.u32 v41, v37;
	v36 =	vshll.u32 v44, $0x8;
	v44 =	vor.u32 v6, v45;
	[tilespmem:s8+$0x15100] =	vst v32;
	v30 =	vld.idx.msk [tilespmem:v30+s21+$0x0], $0xffff;
	s8 =	smov.u32 s5  }
0x3e3: {  	v37 =	vor.u32 v6, v37;
	v32 =	vmov s13;
	v45 =	vmov s14;
	[tilespmem:s19+$0x30] =	vst v31;
	v29 =	vld.idx.msk [tilespmem:v29+s21+$0x0], $0xffff  }
0x3e4: {  	v47 =	vadd.s32 v0, v28;
	v31 =	vand.u32 $0x200, v46;
	v46 =	vadd.s32 v15, v26;
	v34 =	vld.idx.msk [tilespmem:v34+s21+$0x0], $0xffff;
	[tilespmem:s4+$0x15100] =	vst v33  }
0x3e5: {  	v48 =	vadd.s32 v1, v28;
	v33 =	vadd.s32 v15, v28;
	[tilespmem:s18+$0x30] =	vst v38;
	v38 =	vor.u32 v27, v46  }
0x3e6: {  	v36 =	vand.u32 $0x7800, v36;
	v49 =	vld.idx.msk [tilespmem:v39+s21+$0x0], $0xffff;
	v39 =	vadd.s32 v15, v42;
	[tilespmem:s29+$0x30] =	vst v40;
	v38 =	vor.u32 v13, v38  }
0x3e7: {  	v54 =	vshll.u32 v32, $0x7;
	[tilespmem:s17+$0x30] =	vst v35;
	v35 =	vor.u32 v24, v39;
	v40 =	vld.idx.msk [tilespmem:v44+s21+$0x0], $0xffff;
	v39 =	vadd.s32 v15, v43  }
0x3e8: {  	v46 =	vshll.u32 v45, $0x7;
	v37 =	vld.idx.msk [tilespmem:v37+s21+$0x0], $0xffff;
	v50 =	vor.u32 v13, v35;
	v35 =	vor.u32 v25, v39;
	[tilespmem:s7+$0x15100] =	vst v30;
	s7 =	smov.u32 s6  }
0x3e9: {  	v51 =	vadd.s32 v3, v28;
	v30 =	vor.u32 v41, v33;
	v33 =	vor.u32 v13, v35;
	[tilespmem:s3+$0x15100] =	vst v29;
	s3 =	smov.u32 s15  }
0x3ea: {  	v55 =	vadd.s32 v8, v28;
	v52 =	vadd.s32 v10, v28;
	v29 =	vor.u32 v13, v30;
	[tilespmem:s19+$0x40] =	vst v34  }
0x3eb: {  	v28 =	vadd.s32 v11, v28;
	v35 =	vadd.s32 v14, v36;
	v30 =	vadd.s32 v11, v26;
	v34 =	vld.idx.msk [tilespmem:v38+s21+$0x0], $0xffff  }
0x3ec: {  	v44 =	vadd.s32 v19, v36;
	v39 =	vadd.s32 v17, v36;
	v30 =	vor.u32 v27, v30;
	[tilespmem:s18+$0x40] =	vst v49  }
0x3ed: {  	v38 =	vshll.u32 v32, $0x8;
	v32 =	vadd.s32 v11, v42;
	v49 =	vld.idx.msk [tilespmem:v50+s21+$0x0], $0xffff;
	[tilespmem:s29+$0x40] =	vst v40;
	v50 =	vor.u32 v7, v30  }
0x3ee: {  	v53 =	vshll.u32 v45, $0x8;
	v30 =	vor.u32 v24, v32;
	v32 =	vadd.s32 v11, v43;
	[tilespmem:s17+$0x40] =	vst v37;
	v56 =	vld.idx.msk [tilespmem:v33+s21+$0x0], $0xffff  }
0x3ef: {  	v58 =	vadd.s32 v21, v36;
	v59 =	vor.u32 v7, v30;
	v30 =	vor.u32 v25, v32;
	v57 =	vld.idx.msk [tilespmem:v29+s21+$0x0], $0xffff  }
0x3f0: {  	v32 =	vor.u32 v41, v28;
	v28 =	vmovc v36;
	v29 =	vor.u32 v41, v47;
	v47 =	vor.u32 v7, v30  }
0x3f1: {  	v33 =	vadd.s32 v0, v42;
	v60 =	vor.u32 v7, v32;
	v30 =	vadd.s32 v0, v43;
	[tilespmem:s19+$0x50] =	vst v34  }
0x3f2: {  	v40 =	vadd.s32 v1, v42;
	v37 =	vadd.s32 v10, v26;
	v32 =	vor.u32 v41, v48;
	v34 =	vld.idx.msk [tilespmem:v50+s21+$0x0], $0xffff  }
0x3f3: {  	v45 =	vor.u32 v41, v51;
	v36 =	vadd.s32 v1, v43;
	v48 =	vor.u32 v27, v37;
	[tilespmem:s18+$0x50] =	vst v49  }
0x3f4: {  	v37 =	vand.u32 $0x7800, v38;
	v50 =	vadd.s32 v10, v42;
	v49 =	vld.idx.msk [tilespmem:v59+s21+$0x0], $0xffff;
	[tilespmem:s29+$0x50] =	vst v56;
	v59 =	vor.u32 v5, v48  }
0x3f5: {  	v38 =	vand.u32 $0x7800, v53;
	v48 =	vor.u32 v24, v50;
	[tilespmem:s17+$0x50] =	vst v57;
	v61 =	vld.idx.msk [tilespmem:v47+s21+$0x0], $0xffff;
	v47 =	vadd.s32 v10, v43  }
0x3f6: {  	v62 =	vor.u32 v5, v48;
	v48 =	vadd.s32 v3, v42;
	v51 =	vld.idx.msk [tilespmem:v60+s21+$0x0], $0xffff;
	v47 =	vor.u32 v25, v47  }
.Ltmp3:
0x3f7: {  	v50 =	vor.u32 v41, v52;
	v52 =	vor.u32 v5, v47;
	v47 =	vadd.s32 v3, v43;
	(pc) =	sbr.rel @p1 .LBB2_9-.Ltmp3, $4  }
0x3f8: {  	v41 =	vor.u32 v41, v55;
	v53 =	vor.u32 v5, v50;
	v57 =	vadd.s32 v8, v42;
	[tilespmem:s19+$0x60] =	vst v34  }
0x3f9: {  	v56 =	vadd.s32 v8, v43;
	v60 =	vor.u32 v31, v58;
	v34 =	vadd.s32 v8, v26;
	v55 =	vld.idx.msk [tilespmem:v59+s21+$0x0], $0xffff  }
0x3fa: {  	v50 =	vadd.s32 v21, v38;
	v58 =	vadd.s32 v21, v37;
	v42 =	vor.u32 v27, v34;
	[tilespmem:s18+$0x60] =	vst v49  }
0x3fb: {  	s4 =	sadd.s32 $0x3, s1;
	s1 =	sadd.s32 $0x4, s1;
	v34 =	vand.u32 $0x280, v54;
	v49 =	vor.u32 v4, v41;
	v59 =	vor.u32 v4, v42;
	v54 =	vld.idx.msk [tilespmem:v62+s21+$0x0], $0xffff;
	[tilespmem:s29+$0x60] =	vst v61  }
0x3fc: {  	v41 =	vmov s4  }
0x3fd: {  	v42 =	vshll.u32 v41, $0x8  }
0x3fe: {  	v41 =	vshll.u32 v41, $0x7;
	v42 =	vand.u32 $0x7800, v42  }
0x3ff: {  	v41 =	vand.u32 $0x380, v41;
	v43 =	vadd.s32 v21, v42  }
0x400: {  	v60 =	vor.u32 v20, v60;
	v43 =	vor.u32 v41, v43  }
0x401: {  	v58 =	vor.u32 v34, v58;
	v61 =	vor.u32 v20, v43  }
0x402: {  	v63 =	vor.u32 v24, v57;
	v52 =	vld.idx.msk [tilespmem:v52+s21+$0x0], $0xffff;
	v57 =	vor.u32 v20, v58;
	[tilespmem:s19+$0x70] =	vst v55;
	v43 =	vand.u32 $0x300, v46  }
0x403: {  	[tilespmem:s17+$0x60] =	vst v51;
	v51 =	vor.u32 v4, v63;
	v55 =	vld.idx.msk [tilespmem:v59+s21+$0x0], $0xffff;
	v50 =	vor.u32 v43, v50  }
0x404: {  	v62 =	vor.u32 v25, v56;
	v46 =	vld.idx.msk [tilespmem:v53+s21+$0x0], $0xffff;
	v50 =	vor.u32 v20, v50  }
0x405: {  	s1 =	sadd.s32 $0x400, s10;
	s6 =	sadd.s32 $0x200, s11;
	v44 =	vor.u32 v31, v44;
	v58 =	vadd.s32 v19, v42;
	v53 =	vor.u32 v4, v62;
	v56 =	vld.idx.msk [tilespmem:v60+s21+$0x0], $0xffff  }
0x406: {  	s5 =	sand.u32 $0x7800, s1;
	s22 =	sand.u32 $0x380, s6;
	s11 =	sadd.s32 $0xFFFFFF00, s6;
	v44 =	vor.u32 v18, v44;
	v59 =	vadd.s32 v19, v37;
	v58 =	vor.u32 v41, v58;
	v60 =	vld.idx.msk [tilespmem:v61+s21+$0x0], $0xffff  }
0x407: {  	s13 =	sadd.s32 $0xFFFFFF80, s6;
	s6 =	sadd.s32 $0xFFFFFE80, s6;
	s19 =	sadd.s32 $0x4, s0;
	[tilespmem:s18+$0x70] =	vst v54;
	v63 =	vor.u32 v34, v59;
	v54 =	vld.idx.msk [tilespmem:v57+s21+$0x0], $0xffff;
	v57 =	vor.u32 v18, v58  }
0x408: {  	s5 =	sadd.s32 $0x15100, s5;
	s6 =	sand.u32 $0x200, s6;
	s0 =	sand.u32 $0x7, s19;
	[tilespmem:s29+$0x70] =	vst v52;
	v51 =	vld.idx.msk [tilespmem:v51+s21+$0x0], $0xffff;
	v58 =	vor.u32 v18, v63  }
0x409: {  	v39 =	vor.u32 v31, v39;
	s6 =	sor.u32 s6, s5;
	s0 =	sshll.u32 s0, $0x7;
	v61 =	vadd.s32 v19, v38;
	[tilespmem:s17+$0x70] =	vst v46;
	v46 =	vld.idx.msk [tilespmem:v50+s21+$0x0], $0xffff  }
0x40a: {  	v39 =	vor.u32 v16, v39;
	s26 =	sand.u32 $0x280, s11;
	s24 =	sadd.s32 s22, s5;
	s0 =	sadd.s32 s10, s0;
	v52 =	vld.idx.msk [tilespmem:v53+s21+$0x0], $0xffff;
	[tilespmem:s6+$0x0] =	vst v56;
	v62 =	vor.u32 v43, v61  }
0x40b: {  	s11 =	sor.u32 s26, s5;
	s18 =	sadd.s32 $0x180, s0;
	s0 =	sadd.s32 $0x80, s0;
	v44 =	vld.idx.msk [tilespmem:v44+s21+$0x0], $0xffff;
	v50 =	vor.u32 v18, v62;
	[tilespmem:s24+$0x0] =	vst v60;
	v60 =	vadd.s32 v17, v42  }
0x40c: {  	s13 =	sand.u32 $0x300, s13;
	v63 =	vadd.s32 v17, v37;
	s28 =	sor.u32 $0x400, s0;
	[tilespmem:s11+$0x0] =	vst v54;
	v57 =	vld.idx.msk [tilespmem:v57+s21+$0x0], $0xffff;
	v61 =	vor.u32 v41, v60  }
0x40d: {  	s29 =	sadd.s32 s13, s5;
	v53 =	vor.u32 v34, v63;
	[tilespmem:s28+$0x15100] =	vst v51;
	v51 =	vld.idx.msk [tilespmem:v58+s21+$0x0], $0xffff;
	v54 =	vor.u32 v16, v61  }
0x40e: {  	v48 =	vor.u32 v24, v48;
	[tilespmem:s29+$0x0] =	vst v46;
	v46 =	vor.u32 v16, v53  }
0x40f: {  	v47 =	vor.u32 v25, v47;
	v35 =	vor.u32 v31, v35;
	v63 =	vadd.s32 v17, v38;
	v49 =	vld.idx.msk [tilespmem:v49+s21+$0x0], $0xffff  }
0x410: {  	v48 =	vor.u32 v2, v48;
	v60 =	vor.u32 v43, v63;
	[tilespmem:s6+$0x10] =	vst v44;
	v50 =	vld.idx.msk [tilespmem:v50+s21+$0x0], $0xffff  }
0x411: {  	v35 =	vor.u32 v12, v35;
	v53 =	vor.u32 v16, v60;
	v39 =	vld.idx.msk [tilespmem:v39+s21+$0x0], $0xffff;
	[tilespmem:s24+$0x10] =	vst v57  }
0x412: {  	s15 =	sor.u32 $0x400, s18;
	v62 =	vadd.s32 v3, v26;
	v61 =	vadd.s32 v14, v42;
	[tilespmem:s11+$0x10] =	vst v51;
	v54 =	vld.idx.msk [tilespmem:v54+s21+$0x0], $0xffff  }
0x413: {  	[tilespmem:s15+$0x15100] =	vst v55;
	v59 =	vor.u32 v27, v62;
	v62 =	vor.u32 v41, v61;
	v46 =	vld.idx.msk [tilespmem:v46+s21+$0x0], $0xffff  }
0x414: {  	v58 =	vadd.s32 v9, v42;
	[tilespmem:s25+$0x15100] =	vst v52;
	v63 =	vadd.s32 v14, v37;
	v51 =	vor.u32 v12, v62  }
0x415: {  	v52 =	vor.u32 v2, v59;
	v55 =	vor.u32 v34, v63;
	v57 =	vadd.s32 v14, v38;
	[tilespmem:s29+$0x10] =	vst v50  }
0x416: {  	v55 =	vor.u32 v12, v55;
	[tilespmem:s6+$0x20] =	vst v39;
	v50 =	vor.u32 v43, v57;
	v53 =	vld.idx.msk [tilespmem:v53+s21+$0x0], $0xffff  }
0x417: {  	v59 =	vor.u32 v41, v58;
	v63 =	vadd.s32 v9, v28;
	v44 =	vor.u32 v12, v50;
	[tilespmem:s24+$0x20] =	vst v54  }
0x418: {  	v35 =	vld.idx.msk [tilespmem:v35+s21+$0x0], $0xffff;
	[tilespmem:s11+$0x20] =	vst v46;
	v46 =	vor.u32 v6, v59;
	v59 =	vor.u32 v31, v63  }
0x419: {  	v45 =	vor.u32 v2, v45;
	v40 =	vor.u32 v24, v40;
	v51 =	vld.idx.msk [tilespmem:v51+s21+$0x0], $0xffff;
	v39 =	vor.u32 v6, v59  }
0x41a: {  	v47 =	vor.u32 v2, v47;
	v40 =	vor.u32 v22, v40;
	v48 =	vld.idx.msk [tilespmem:v48+s21+$0x0], $0xffff;
	v60 =	vadd.s32 v9, v37  }
0x41b: {  	v61 =	vadd.s32 v9, v38;
	v50 =	vor.u32 v34, v60;
	v54 =	vld.idx.msk [tilespmem:v55+s21+$0x0], $0xffff;
	[tilespmem:s29+$0x20] =	vst v53  }
0x41c: {  	v62 =	vadd.s32 v1, v26;
	v50 =	vor.u32 v6, v50;
	v53 =	vor.u32 v43, v61;
	v44 =	vld.idx.msk [tilespmem:v44+s21+$0x0], $0xffff  }
0x41d: {  	v52 =	vld.idx.msk [tilespmem:v52+s21+$0x0], $0xffff;
	v63 =	vadd.s32 v15, v28;
	[tilespmem:s6+$0x30] =	vst v35;
	v53 =	vor.u32 v6, v53  }
0x41e: {  	v60 =	vadd.s32 v15, v42;
	v56 =	vor.u32 v31, v63;
	[tilespmem:s24+$0x30] =	vst v51;
	v39 =	vld.idx.msk [tilespmem:v39+s21+$0x0], $0xffff  }
0x41f: {  	v55 =	vor.u32 v27, v62;
	v35 =	vor.u32 v13, v56;
	v51 =	vor.u32 v41, v60;
	v46 =	vld.idx.msk [tilespmem:v46+s21+$0x0], $0xffff  }
0x420: {  	v62 =	vadd.s32 v15, v38;
	v61 =	vadd.s32 v15, v37;
	[tilespmem:s11+$0x30] =	vst v54;
	v51 =	vor.u32 v13, v51  }
0x421: {  	s14 =	sor.u32 $0x410, s0;
	v55 =	vor.u32 v22, v55;
	v54 =	vor.u32 v34, v61;
	v50 =	vld.idx.msk [tilespmem:v50+s21+$0x0], $0xffff;
	[tilespmem:s29+$0x30] =	vst v44  }
0x422: {  	[tilespmem:s14+$0x15100] =	vst v48;
	v54 =	vor.u32 v13, v54;
	v44 =	vor.u32 v43, v62;
	v53 =	vld.idx.msk [tilespmem:v53+s21+$0x0], $0xffff  }
0x423: {  	v47 =	vld.idx.msk [tilespmem:v47+s21+$0x0], $0xffff;
	v63 =	vadd.s32 v11, v28;
	v44 =	vor.u32 v13, v44;
	[tilespmem:s6+$0x40] =	vst v39  }
0x424: {  	s13 =	sor.u32 $0x410, s18;
	v57 =	vadd.s32 v11, v42;
	v56 =	vor.u32 v31, v63;
	[tilespmem:s24+$0x40] =	vst v46;
	v35 =	vld.idx.msk [tilespmem:v35+s21+$0x0], $0xffff  }
0x425: {  	[tilespmem:s13+$0x15100] =	vst v52;
	v48 =	vor.u32 v7, v56;
	v46 =	vor.u32 v41, v57;
	v58 =	vld.idx.msk [tilespmem:v51+s21+$0x0], $0xffff  }
0x426: {  	v59 =	vadd.s32 v11, v37;
	v52 =	vld.idx.msk [tilespmem:v55+s21+$0x0], $0xffff;
	[tilespmem:s11+$0x40] =	vst v50;
	v46 =	vor.u32 v7, v46  }
0x427: {  	v61 =	vadd.s32 v11, v38;
	v50 =	vor.u32 v34, v59;
	v60 =	vld.idx.msk [tilespmem:v54+s21+$0x0], $0xffff;
	[tilespmem:s29+$0x40] =	vst v53  }
0x428: {  	v63 =	vadd.s32 v10, v28;
	v62 =	vor.u32 v43, v61;
	v50 =	vor.u32 v7, v50;
	v44 =	vld.idx.msk [tilespmem:v44+s21+$0x0], $0xffff  }
0x429: {  	v55 =	vor.u32 v7, v62;
	v57 =	vadd.s32 v10, v42;
	v59 =	vadd.s32 v10, v37;
	[tilespmem:s6+$0x50] =	vst v35  }
0x42a: {  	[tilespmem:s24+$0x50] =	vst v58;
	v58 =	vor.u32 v41, v57;
	v56 =	vld.idx.msk [tilespmem:v48+s21+$0x0], $0xffff;
	v57 =	vor.u32 v31, v63  }
0x42b: {  	[tilespmem:s23+$0x15100] =	vst v49;
	v61 =	vor.u32 v34, v59;
	v46 =	vld.idx.msk [tilespmem:v46+s21+$0x0], $0xffff;
	v59 =	vor.u32 v5, v57  }
0x42c: {  	v45 =	vld.idx.msk [tilespmem:v45+s21+$0x0], $0xffff;
	[tilespmem:s11+$0x50] =	vst v60;
	v60 =	vor.u32 v5, v58  }
0x42d: {  	v36 =	vor.u32 v25, v36;
	v62 =	vadd.s32 v10, v38;
	v49 =	vld.idx.msk [tilespmem:v50+s21+$0x0], $0xffff;
	[tilespmem:s29+$0x50] =	vst v44  }
0x42e: {  	[tilespmem:s16+$0x15100] =	vst v47;
	v47 =	vor.u32 v5, v61;
	v50 =	vor.u32 v43, v62;
	v39 =	vld.idx.msk [tilespmem:v55+s21+$0x0], $0xffff  }
0x42f: {  	v58 =	vld.idx.msk [tilespmem:v40+s21+$0x0], $0xffff;
	v54 =	vor.u32 v5, v50;
	v55 =	vadd.s32 v0, v26;
	[tilespmem:s6+$0x60] =	vst v56  }
0x430: {  	v36 =	vor.u32 v22, v36;
	v26 =	vor.u32 v27, v55;
	[tilespmem:s24+$0x60] =	vst v46;
	v40 =	vld.idx.msk [tilespmem:v59+s21+$0x0], $0xffff  }
0x431: {  	v61 =	vadd.s32 v8, v37;
	v26 =	vor.u32 v23, v26;
	v44 =	vld.idx.msk [tilespmem:v60+s21+$0x0], $0xffff;
	v60 =	vadd.s32 v8, v42  }
0x432: {  	v48 =	vor.u32 v34, v61;
	[tilespmem:s11+$0x60] =	vst v49;
	v46 =	vor.u32 v41, v60  }
0x433: {  	s15 =	sor.u32 $0x420, s18;
	v63 =	vadd.s32 v8, v28;
	v47 =	vld.idx.msk [tilespmem:v47+s21+$0x0], $0xffff;
	[tilespmem:s29+$0x60] =	vst v39;
	v46 =	vor.u32 v4, v46  }
0x434: {  	[tilespmem:s15+$0x15100] =	vst v52;
	v51 =	vor.u32 v4, v48;
	v52 =	vor.u32 v31, v63;
	v35 =	vld.idx.msk [tilespmem:v54+s21+$0x0], $0xffff  }
0x435: {  	[tilespmem:s12+$0x15100] =	vst v45;
	v36 =	vld.idx.msk [tilespmem:v36+s21+$0x0], $0xffff;
	v62 =	vadd.s32 v8, v38;
	v27 =	vor.u32 v4, v52  }
0x436: {  	v32 =	vor.u32 v22, v32;
	v39 =	vor.u32 v43, v62;
	v26 =	vld.idx.msk [tilespmem:v26+s21+$0x0], $0xffff;
	[tilespmem:s6+$0x70] =	vst v40  }
0x437: {  	s2 =	sadd.s32 $0x2, s2;
	s19 =	sadd.s32 $0x4, s19;
	v53 =	vadd.s32 v3, v42;
	v56 =	vadd.s32 v3, v28;
	v39 =	vor.u32 v4, v39;
	[tilespmem:s24+$0x70] =	vst v44  }
0x438: {  	s2 =	sand.u32 $0x3, s2;
	s4 =	sand.u32 $0x7, s19;
	v54 =	vadd.s32 v3, v37;
	[tilespmem:s11+$0x70] =	vst v47;
	v44 =	vld.idx.msk [tilespmem:v46+s21+$0x0], $0xffff;
	v46 =	vor.u32 v41, v53  }
0x439: {  	p0 =	por !p0, !p0;
	s22 =	sshll.u32 s2, $0x8;
	s4 =	sshll.u32 s4, $0x7;
	v45 =	vld.idx.msk [tilespmem:v51+s21+$0x0], $0xffff;
	[tilespmem:s29+$0x70] =	vst v35;
	v35 =	vor.u32 v34, v54;
	v46 =	vor.u32 v2, v46  }
0x43a: {  	s5 =	simm.s32 $0x1;
	s4 =	sadd.s32 s1, s4;
	s23 =	sor.u32 $0x430, s18;
	[tilespmem:s9+$0x15100] =	vst v36;
	v57 =	vor.u32 v31, v56;
	v27 =	vld.idx.msk [tilespmem:v27+s21+$0x0], $0xffff;
	v35 =	vor.u32 v2, v35  }
0x43b: {  	s5 =	simm.s32 @!p0 $0x0;
	s16 =	sor.u32 $0x420, s0;
	s24 =	sadd.s32 $0x180, s4;
	[tilespmem:s23+$0x15100] =	vst v26;
	v26 =	vor.u32 v2, v57  }
0x43c: {  	v29 =	vor.u32 v23, v29;
	s26 =	sshll.u32 s5, $0x9;
	v32 =	vld.idx.msk [tilespmem:v32+s21+$0x0], $0xffff;
	v55 =	vadd.s32 v3, v38;
	[tilespmem:s16+$0x15100] =	vst v58;
	s4 =	sadd.s32 $0x80, s4;
	s25 =	sor.u32 $0x400, s24  }
0x43d: {  	v61 =	vor.u32 v24, v33;
	s6 =	sadd.s32 s1, s22;
	s1 =	sadd.s32 s26, s1;
	v47 =	vor.u32 v43, v55;
	s29 =	sor.u32 $0x400, s4;
	v39 =	vld.idx.msk [tilespmem:v39+s21+$0x0], $0xffff;
	[tilespmem:s25+$0x15100] =	vst v44  }
0x43e: {  	v62 =	vadd.s32 v1, v42;
	s11 =	sor.u32 $0x400, s1;
	v58 =	vor.u32 v2, v47;
	[tilespmem:s29+$0x15100] =	vst v45;
	v59 =	vld.idx.msk [tilespmem:v46+s21+$0x0], $0xffff  }
0x43f: {  	v33 =	vor.u32 v41, v62;
	v47 =	vadd.s32 v1, v37;
	[tilespmem:s11+$0x15100] =	vst v27;
	v60 =	vld.idx.msk [tilespmem:v35+s21+$0x0], $0xffff  }
0x440: {  	v48 =	vadd.s32 v1, v38;
	v33 =	vor.u32 v22, v33;
	s28 =	sadd.s32 $0x100, s6;
	v40 =	vor.u32 v34, v47;
	v26 =	vld.idx.msk [tilespmem:v26+s21+$0x0], $0xffff  }
0x441: {  	[tilespmem:s8+$0x15100] =	vst v32;
	v24 =	vor.u32 v23, v61;
	v36 =	vor.u32 v43, v48;
	s10 =	sor.u32 $0x400, s28;
	v50 =	vor.u32 v22, v40  }
0x442: {  	v61 =	vld.idx.msk [tilespmem:v29+s21+$0x0], $0xffff;
	v36 =	vor.u32 v22, v36;
	v52 =	vor.u32 v25, v30;
	s12 =	sor.u32 $0x410, s24;
	[tilespmem:s10+$0x15100] =	vst v39  }
0x443: {  	v25 =	vor.u32 v23, v52;
	v49 =	vadd.s32 v1, v28;
	s13 =	sor.u32 $0x410, s4;
	v63 =	vld.idx.msk [tilespmem:v58+s21+$0x0], $0xffff;
	[tilespmem:s12+$0x15100] =	vst v59  }
0x444: {  	s15 =	sor.u32 $0x410, s1;
	v51 =	vor.u32 v31, v49;
	v53 =	vadd.s32 v0, v42;
	v54 =	vadd.s32 v0, v37;
	[tilespmem:s13+$0x15100] =	vst v60  }
0x445: {  	v27 =	vor.u32 v22, v51;
	[tilespmem:s15+$0x15100] =	vst v26;
	v26 =	vor.u32 v41, v53;
	v33 =	vld.idx.msk [tilespmem:v33+s21+$0x0], $0xffff  }
0x446: {  	v30 =	vor.u32 v34, v54;
	v26 =	vor.u32 v23, v26;
	v56 =	vld.idx.msk [tilespmem:v50+s21+$0x0], $0xffff  }
0x447: {  	v24 =	vld.idx.msk [tilespmem:v24+s21+$0x0], $0xffff;
	s14 =	sor.u32 $0x410, s28;
	v30 =	vor.u32 v23, v30  }
0x448: {  	v25 =	vld.idx.msk [tilespmem:v25+s21+$0x0], $0xffff;
	v55 =	vadd.s32 v0, v38;
	[tilespmem:s14+$0x15100] =	vst v63  }
0x449: {  	[tilespmem:s3+$0x15100] =	vst v61;
	s16 =	sor.u32 $0x420, s24;
	v57 =	vadd.s32 v0, v28;
	v35 =	vor.u32 v43, v55;
	v58 =	vld.idx.msk [tilespmem:v36+s21+$0x0], $0xffff  }
0x44a: {  	s17 =	sor.u32 $0x420, s4;
	v28 =	vor.u32 v31, v57;
	v59 =	vor.u32 v23, v35;
	v27 =	vld.idx.msk [tilespmem:v27+s21+$0x0], $0xffff;
	[tilespmem:s16+$0x15100] =	vst v33  }
0x44b: {  	s0 =	sor.u32 $0x430, s0;
	v60 =	vor.u32 v23, v28;
	[tilespmem:s17+$0x15100] =	vst v56;
	v26 =	vld.idx.msk [tilespmem:v26+s21+$0x0], $0xffff  }
0x44c: {  	[tilespmem:s0+$0x15100] =	vst v24;
	v62 =	vld.idx.msk [tilespmem:v30+s21+$0x0], $0xffff  }
0x44d: {  	s18 =	sor.u32 $0x420, s28;
	[tilespmem:s7+$0x15100] =	vst v25  }
0x44e: {  	s19 =	sor.u32 $0x420, s1;
	[tilespmem:s18+$0x15100] =	vst v58  }
0x44f: {  	s22 =	sor.u32 $0x430, s24;
	[tilespmem:s19+$0x15100] =	vst v27;
	v63 =	vld.idx.msk [tilespmem:v59+s21+$0x0], $0xffff  }
0x450: {  	s23 =	sor.u32 $0x430, s4;
	v24 =	vld.idx.msk [tilespmem:v60+s21+$0x0], $0xffff;
	[tilespmem:s22+$0x15100] =	vst v26  }
0x451: {  	[tilespmem:s23+$0x15100] =	vst v62  }
0x452: {  	s30 =	sadd.s32 $0x1, s30;
	s0 =	rddreg [dreg:$0xc]  }
0x453: {  	p0 =	sne.s32 s30, $0xD;
	s24 =	sor.u32 $0x430, s28;
	s0 =	sadd.s32 s31, s0  }
0x454: {  	s1 =	sor.u32 $0x430, s1;
	s25 =	rddreg [dreg:$0x2];
	[tilespmem:s24+$0x15100] =	vst v63;
	s0 =	sshll.u32 s0, $0x5  }
0x455: {  	s26 =	simm.s32 $0x0;
	s28 =	simm.s32 $0x15100;
	[tilespmem:s1+$0x15100] =	vst v24;
	s0 =	sadd.s32 s25, s0  }
0x456: {  	[hbm4b:s0+s26] =	stream.linear.scatter [tilespmem:s28], [sflag:$0x4], $0x7000, $0x38;
	[tilespmem:$0x1C100] =	vst v63  }
.Ltmp4:
0x457: {  	s29 =	rddreg [dreg:$0xd];
	(pc) =	sbr.rel @p0 .LBB2_6-.Ltmp4, $4  }
0x458: {  	s0 =	sadd.s32 s31, s29  }
0x459: {  	s31 =	rddreg [dreg:$0x0];
	s0 =	sshll.u32 s0, $0x5  }
0x45a: {  	s0 =	sadd.s32 s31, s0  }
0x45b: {  	[tilespmem:s21], [sflag:$0x2] =	stream.linear.gather [hbm4b:s0+s26], $0x7000, $0x38;
	[tilespmem:$0x1C100] =	vst v63  }
0x45c: {  	s0 =	simm.s32 $0x0;
	s1 =	simm.s32 $0x1  }
0x45d: {  	s30 =	simm.s32 $0x2;
	v24 =	vmov s0;
	v25 =	vmov s1  }
0x45e: {  	s5 =	simm.s32 $0x3;
	v28 =	vmov s30;
	v26 =	vshll.u32 v24, $0x7;
	v24 =	vshll.u32 v24, $0x8  }
0x45f: {  	v29 =	vshll.u32 v25, $0x7;
	v27 =	vand.u32 $0x7800, v24;
	v24 =	vmov s5  }
0x460: {  	v32 =	vshll.u32 v28, $0x7;
	v25 =	vshll.u32 v25, $0x8;
	v30 =	vshll.u32 v24, $0x8  }
0x461: {  	v28 =	vshll.u32 v28, $0x8;
	v31 =	vand.u32 $0x7800, v30;
	v30 =	vshll.u32 v24, $0x7  }
0x462: {  	s6 =	simm.s32 $0x1;
	v24 =	vand.u32 $0x7800, v25;
	v25 =	vadd.s32 v21, v31;
	v30 =	vand.u32 $0x380, v30  }
0x463: {  	_ =	swait.ge [sflag:s6], $0x7000;
	v29 =	vand.u32 $0x280, v29;
	v33 =	vadd.s32 v21, v24;
	v34 =	vor.u32 v30, v25  }
0x464: {  	[sflag:s6] =	ssyncset.done $0x0;
	v25 =	vand.u32 $0x7800, v28;
	v28 =	vor.u32 v29, v33;
	v48 =	vor.u32 v20, v34  }
0x465: {  	s7 =	simm.s32 $0x3;
	[sflag:s6] =	ssyncadd.s32 $0xFFFF9000;
	v26 =	vand.u32 $0x200, v26;
	v50 =	vadd.s32 v21, v27;
	v35 =	vor.u32 v20, v28  }
0x466: {  	_ =	swait.ge [sflag:s7], $0x7000;
	v49 =	vadd.s32 v21, v25;
	v28 =	vand.u32 $0x300, v32;
	v32 =	vor.u32 v26, v50  }
0x467: {  	v39 =	vadd.s32 v19, v27;
	[sflag:s7] =	ssyncset.done $0x0;
	v34 =	vor.u32 v28, v49;
	v32 =	vor.u32 v20, v32  }
0x468: {  	v55 =	vadd.s32 v17, v27;
	[sflag:s7] =	ssyncadd.s32 $0xFFFF9000;
	v36 =	vadd.s32 v19, v31;
	v34 =	vor.u32 v20, v34  }
0x469: {  	v59 =	vadd.s32 v14, v27;
	v37 =	vadd.s32 v19, v24;
	v36 =	vor.u32 v30, v36;
	v33 =	vld.idx.msk [tilespmem:v48+s20+$0x0], $0xffff  }
0x46a: {  	v39 =	vor.u32 v26, v39;
	v37 =	vor.u32 v29, v37;
	v36 =	vor.u32 v18, v36;
	v35 =	vld.idx.msk [tilespmem:v35+s20+$0x0], $0xffff  }
0x46b: {  	s8 =	simm.s32 $0x180;
	s2 =	sand.u32 $0x7800, s0;
	v46 =	vadd.s32 v9, v27;
	v39 =	vor.u32 v18, v39;
	v37 =	vor.u32 v18, v37  }
0x46c: {  	s3 =	simm.s32 $0x80;
	s1 =	sand.u32 $0x380, s8;
	s4 =	sadd.s32 $0xE100, s2;
	v51 =	vadd.s32 v17, v31;
	v40 =	vadd.s32 v17, v24;
	v38 =	vadd.s32 v19, v25;
	v32 =	vld.idx.msk [tilespmem:v32+s20+$0x0], $0xffff  }
0x46d: {  	s9 =	sand.u32 $0x280, s3;
	s2 =	sadd.s32 s1, s4;
	v58 =	vadd.s32 v14, v31;
	v60 =	vadd.s32 v14, v24;
	v38 =	vor.u32 v28, v38;
	v34 =	vld.idx.msk [tilespmem:v34+s20+$0x0], $0xffff  }
0x46e: {  	s11 =	simm.s32 $0x4;
	s1 =	sor.u32 s9, s4;
	s5 =	simm.s32 $0x0;
	v45 =	vadd.s32 v9, v31;
	v41 =	vadd.s32 v9, v24;
	v38 =	vor.u32 v18, v38;
	[tilespmem:s2+$0x0] =	vst v33  }
0x46f: {  	s10 =	simm.s32 $0x100;
	v47 =	vmov s11;
	s5 =	sand.u32 $0x200, s5;
	v52 =	vor.u32 v29, v40;
	[tilespmem:s1+$0x0] =	vst v35;
	v33 =	vor.u32 v30, v51;
	v36 =	vld.idx.msk [tilespmem:v36+s20+$0x0], $0xffff  }
0x470: {  	s3 =	sand.u32 $0x300, s10;
	s7 =	sor.u32 s5, s4;
	v62 =	vor.u32 v29, v60;
	v40 =	vor.u32 v30, v45;
	v35 =	vld.idx.msk [tilespmem:v37+s20+$0x0], $0xffff;
	v33 =	vor.u32 v16, v33  }
0x471: {  	s12 =	simm.s32 $0x5;
	s3 =	sadd.s32 s3, s4;
	v53 =	vadd.s32 v17, v25;
	v54 =	vor.u32 v16, v52;
	v63 =	vadd.s32 v14, v25;
	[tilespmem:s7+$0x0] =	vst v32  }
0x472: {  	v43 =	vmov s12;
	v40 =	vor.u32 v6, v40;
	v37 =	vor.u32 v26, v55;
	[tilespmem:s3+$0x0] =	vst v34;
	v39 =	vld.idx.msk [tilespmem:v39+s20+$0x0], $0xffff  }
0x473: {  	v57 =	vor.u32 v28, v53;
	v44 =	vor.u32 v28, v63;
	v37 =	vor.u32 v16, v37;
	v56 =	vld.idx.msk [tilespmem:v38+s20+$0x0], $0xffff  }
0x474: {  	v49 =	vadd.s32 v9, v25;
	v53 =	vor.u32 v26, v46;
	v38 =	vor.u32 v16, v57;
	[tilespmem:s2+$0x10] =	vst v36  }
0x475: {  	v50 =	vshll.u32 v47, $0x7;
	v46 =	vadd.s32 v1, v27;
	[tilespmem:s1+$0x10] =	vst v35;
	v36 =	vor.u32 v30, v58;
	v33 =	vld.idx.msk [tilespmem:v33+s20+$0x0], $0xffff  }
0x476: {  	v45 =	vor.u32 v6, v53;
	v53 =	vadd.s32 v11, v31;
	v34 =	vld.idx.msk [tilespmem:v54+s20+$0x0], $0xffff;
	v61 =	vor.u32 v12, v36  }
0x477: {  	v53 =	vor.u32 v30, v53;
	v48 =	vor.u32 v29, v41;
	[tilespmem:s7+$0x10] =	vst v39;
	v36 =	vor.u32 v12, v62  }
0x478: {  	v52 =	vshll.u32 v47, $0x8;
	v41 =	vor.u32 v28, v49;
	v35 =	vor.u32 v26, v59;
	[tilespmem:s3+$0x10] =	vst v56;
	v37 =	vld.idx.msk [tilespmem:v37+s20+$0x0], $0xffff  }
0x479: {  	v53 =	vor.u32 v7, v53;
	v41 =	vor.u32 v6, v41;
	v35 =	vor.u32 v12, v35;
	v38 =	vld.idx.msk [tilespmem:v38+s20+$0x0], $0xffff  }
0x47a: {  	s13 =	simm.s32 $0x6;
	v32 =	vand.u32 $0x200, v50;
	v55 =	vadd.s32 v15, v27;
	v39 =	vor.u32 v12, v44;
	[tilespmem:s2+$0x20] =	vst v33  }
0x47b: {  	v58 =	vadd.s32 v15, v25;
	v44 =	vmov s13;
	v54 =	vadd.s32 v15, v31;
	[tilespmem:s1+$0x20] =	vst v34;
	v42 =	vld.idx.msk [tilespmem:v61+s20+$0x0], $0xffff  }
0x47c: {  	v60 =	vor.u32 v28, v58;
	v62 =	vor.u32 v26, v55;
	v47 =	vor.u32 v30, v54;
	v36 =	vld.idx.msk [tilespmem:v36+s20+$0x0], $0xffff  }
0x47d: {  	v56 =	vadd.s32 v15, v24;
	v63 =	vor.u32 v13, v60;
	v34 =	vor.u32 v6, v48;
	[tilespmem:s7+$0x20] =	vst v37  }
0x47e: {  	v50 =	vor.u32 v13, v62;
	v62 =	vadd.s32 v10, v31;
	v33 =	vand.u32 $0x7800, v52;
	[tilespmem:s3+$0x20] =	vst v38;
	v35 =	vld.idx.msk [tilespmem:v35+s20+$0x0], $0xffff  }
0x47f: {  	v57 =	vor.u32 v13, v47;
	v52 =	vadd.s32 v8, v27;
	v37 =	vadd.s32 v17, v33;
	v51 =	vld.idx.msk [tilespmem:v39+s20+$0x0], $0xffff  }
0x480: {  	v38 =	vadd.s32 v0, v27;
	v37 =	vor.u32 v32, v37;
	v39 =	vadd.s32 v0, v24;
	[tilespmem:s2+$0x30] =	vst v42  }
0x481: {  	v49 =	vshll.u32 v44, $0x7;
	v37 =	vor.u32 v16, v37;
	[tilespmem:s1+$0x30] =	vst v36;
	v36 =	vor.u32 v29, v56;
	v40 =	vld.idx.msk [tilespmem:v40+s20+$0x0], $0xffff  }
0x482: {  	v56 =	vshll.u32 v44, $0x8;
	v44 =	vadd.s32 v1, v24;
	v48 =	vld.idx.msk [tilespmem:v34+s20+$0x0], $0xffff;
	v59 =	vor.u32 v13, v36  }
0x483: {  	[tilespmem:s7+$0x30] =	vst v35;
	v34 =	vadd.s32 v14, v33;
	v35 =	vor.u32 v26, v38;
	v44 =	vor.u32 v29, v44  }
0x484: {  	v38 =	vor.u32 v26, v46;
	[tilespmem:s3+$0x30] =	vst v51;
	v51 =	vadd.s32 v10, v27;
	v44 =	vor.u32 v22, v44  }
0x485: {  	v45 =	vld.idx.msk [tilespmem:v45+s20+$0x0], $0xffff;
	v38 =	vor.u32 v22, v38;
	v34 =	vor.u32 v32, v34;
	v35 =	vor.u32 v23, v35  }
0x486: {  	v61 =	vld.idx.msk [tilespmem:v41+s20+$0x0], $0xffff;
	v41 =	vadd.s32 v3, v27;
	v27 =	vadd.s32 v11, v27;
	v51 =	vor.u32 v26, v51  }
0x487: {  	v34 =	vor.u32 v12, v34;
	v27 =	vor.u32 v26, v27;
	v46 =	vor.u32 v26, v41  }
0x488: {  	v51 =	vor.u32 v5, v51;
	v26 =	vor.u32 v26, v52;
	v52 =	vadd.s32 v8, v25;
	[tilespmem:s2+$0x40] =	vst v40  }
0x489: {  	v47 =	vshll.u32 v43, $0x7;
	v27 =	vor.u32 v7, v27;
	v46 =	vor.u32 v2, v46;
	[tilespmem:s1+$0x40] =	vst v48;
	v54 =	vld.idx.msk [tilespmem:v57+s20+$0x0], $0xffff  }
0x48a: {  	v40 =	vadd.s32 v19, v33;
	v48 =	vshll.u32 v43, $0x8;
	v43 =	vadd.s32 v11, v24;
	v55 =	vld.idx.msk [tilespmem:v59+s20+$0x0], $0xffff  }
0x48b: {  	v60 =	vor.u32 v29, v43;
	[tilespmem:s7+$0x40] =	vst v45;
	v45 =	vadd.s32 v21, v33;
	v43 =	vadd.s32 v1, v25  }
0x48c: {  	v42 =	vand.u32 $0x7800, v48;
	[tilespmem:s3+$0x40] =	vst v61;
	v61 =	vadd.s32 v11, v25;
	v57 =	vor.u32 v7, v60;
	v50 =	vld.idx.msk [tilespmem:v50+s20+$0x0], $0xffff  }
0x48d: {  	v40 =	vor.u32 v32, v40;
	v60 =	vadd.s32 v10, v24;
	v36 =	vor.u32 v28, v61;
	v58 =	vld.idx.msk [tilespmem:v63+s20+$0x0], $0xffff  }
0x48e: {  	v45 =	vor.u32 v32, v45;
	v40 =	vor.u32 v18, v40;
	v59 =	vor.u32 v7, v36  }
0x48f: {  	v43 =	vor.u32 v28, v43;
	v63 =	vor.u32 v30, v62;
	v48 =	vor.u32 v29, v60;
	[tilespmem:s2+$0x50] =	vst v54  }
0x490: {  	v62 =	vadd.s32 v10, v25;
	v45 =	vor.u32 v20, v45;
	[tilespmem:s1+$0x50] =	vst v55;
	v53 =	vld.idx.msk [tilespmem:v53+s20+$0x0], $0xffff  }
0x491: {  	v43 =	vor.u32 v22, v43;
	v61 =	vor.u32 v5, v63;
	v55 =	vld.idx.msk [tilespmem:v57+s20+$0x0], $0xffff;
	[tilespmem:s7+$0x50] =	vst v50  }
0x492: {  	v41 =	vand.u32 $0x7800, v56;
	v48 =	vor.u32 v5, v48;
	v56 =	vor.u32 v28, v62;
	[tilespmem:s3+$0x50] =	vst v58;
	v27 =	vld.idx.msk [tilespmem:v27+s20+$0x0], $0xffff  }
0x493: {  	v36 =	vadd.s32 v0, v25;
	v56 =	vor.u32 v5, v56;
	v50 =	vadd.s32 v3, v24;
	v57 =	vld.idx.msk [tilespmem:v59+s20+$0x0], $0xffff  }
0x494: {  	v24 =	vadd.s32 v8, v24;
	v58 =	vadd.s32 v3, v25;
	v25 =	vadd.s32 v8, v31  }
0x495: {  	s14 =	simm.s32 $0x7;
	v54 =	vadd.s32 v21, v42;
	v24 =	vor.u32 v29, v24;
	v60 =	vor.u32 v30, v25;
	[tilespmem:s2+$0x60] =	vst v53  }
0x496: {  	v25 =	vand.u32 $0x280, v47;
	v47 =	vor.u32 v4, v26;
	v26 =	vmov s14;
	[tilespmem:s1+$0x60] =	vst v55;
	v53 =	vld.idx.msk [tilespmem:v61+s20+$0x0], $0xffff  }
0x497: {  	v50 =	vor.u32 v29, v50;
	v63 =	vor.u32 v4, v60;
	v48 =	vld.idx.msk [tilespmem:v48+s20+$0x0], $0xffff;
	[tilespmem:s7+$0x60] =	vst v27;
	v27 =	vshll.u32 v26, $0x8  }
0x498: {  	v26 =	vshll.u32 v26, $0x7;
	[tilespmem:s3+$0x60] =	vst v57;
	v57 =	vor.u32 v4, v24;
	v51 =	vld.idx.msk [tilespmem:v51+s20+$0x0], $0xffff;
	v27 =	vand.u32 $0x7800, v27  }
0x499: {  	v24 =	vor.u32 v28, v52;
	v26 =	vand.u32 $0x380, v26;
	v56 =	vld.idx.msk [tilespmem:v56+s20+$0x0], $0xffff;
	v60 =	vadd.s32 v21, v27  }
0x49a: {  	v45 =	vld.idx.msk [tilespmem:v45+s20+$0x0], $0xffff;
	v52 =	vor.u32 v4, v24;
	v24 =	vor.u32 v25, v54;
	v54 =	vor.u32 v26, v60  }
0x49b: {  	v59 =	vadd.s32 v21, v41;
	v60 =	vadd.s32 v3, v31;
	v61 =	vor.u32 v20, v54;
	[tilespmem:s2+$0x70] =	vst v53  }
0x49c: {  	p0 =	por $0x0, $0x0;
	s28 =	simm.s32 $0x280;
	s15 =	sand.u32 $0x7, s0;
	v62 =	vor.u32 v30, v60;
	v53 =	vor.u32 v20, v24;
	v24 =	vand.u32 $0x300, v49;
	[tilespmem:s1+$0x70] =	vst v48;
	v55 =	vld.idx.msk [tilespmem:v63+s20+$0x0], $0xffff  }
0x49d: {  	s17 =	sand.u32 $0x3, s0;
	s16 =	sshll.u32 s15, $0x7;
	s5 =	simm.s32 $0x1;
	v48 =	vor.u32 v2, v62;
	v63 =	vor.u32 v24, v59;
	v57 =	vld.idx.msk [tilespmem:v57+s20+$0x0], $0xffff;
	[tilespmem:s7+$0x70] =	vst v51  }
0x49e: {  	s8 =	simm.s32 $0x400;
	s5 =	simm.s32 @!p0 $0x0;
	v29 =	vor.u32 v29, v39;
	s1 =	sadd.s32 $0x0, s16;
	[tilespmem:s3+$0x70] =	vst v56;
	v54 =	vor.u32 v20, v63;
	v47 =	vld.idx.msk [tilespmem:v47+s20+$0x0], $0xffff  }
0x49f: {  	s24 =	sand.u32 $0x7800, s8;
	s18 =	sshll.u32 s5, $0x9;
	v50 =	vor.u32 v2, v50;
	v60 =	vor.u32 v28, v58;
	v58 =	vadd.s32 v19, v42;
	s4 =	sadd.s32 $0x180, s1;
	v51 =	vld.idx.msk [tilespmem:v52+s20+$0x0], $0xffff  }
0x4a0: {  	s2 =	sshll.u32 s17, $0x8;
	v58 =	vor.u32 v25, v58;
	v56 =	vor.u32 v2, v60;
	s6 =	sor.u32 $0x400, s4;
	s3 =	sadd.s32 $0x80, s1;
	v60 =	vadd.s32 v19, v27;
	v49 =	vld.idx.msk [tilespmem:v61+s20+$0x0], $0xffff  }
0x4a1: {  	s2 =	sadd.s32 $0x0, s2;
	s1 =	sadd.s32 $0x0, s18;
	v63 =	vor.u32 v18, v58;
	s19 =	sor.u32 $0x400, s3;
	v60 =	vor.u32 v26, v60;
	v53 =	vld.idx.msk [tilespmem:v53+s20+$0x0], $0xffff;
	[tilespmem:s6+$0xE100] =	vst v55  }
0x4a2: {  	s9 =	simm.s32 $0x380;
	s2 =	sadd.s32 $0x100, s2;
	s23 =	sor.u32 $0x400, s1;
	v61 =	vadd.s32 v1, v31;
	v60 =	vor.u32 v18, v60;
	[tilespmem:s19+$0xE100] =	vst v57;
	v48 =	vld.idx.msk [tilespmem:v48+s20+$0x0], $0xffff  }
0x4a3: {  	s25 =	sadd.s32 $0xE100, s24;
	s26 =	sand.u32 $0x380, s9;
	s22 =	sor.u32 $0x400, s2;
	v61 =	vor.u32 v30, v61;
	v55 =	vadd.s32 v19, v41;
	v54 =	vld.idx.msk [tilespmem:v54+s20+$0x0], $0xffff;
	[tilespmem:s23+$0xE100] =	vst v47  }
0x4a4: {  	s5 =	sand.u32 $0x280, s28;
	s16 =	sadd.s32 s26, s25;
	v62 =	vor.u32 v22, v61;
	v50 =	vld.idx.msk [tilespmem:v50+s20+$0x0], $0xffff;
	v55 =	vor.u32 v24, v55;
	[tilespmem:s22+$0xE100] =	vst v51  }
0x4a5: {  	s29 =	simm.s32 $0x300;
	v28 =	vor.u32 v28, v36;
	s17 =	sor.u32 s5, s25;
	v55 =	vor.u32 v18, v55;
	v46 =	vld.idx.msk [tilespmem:v46+s20+$0x0], $0xffff;
	[tilespmem:s16+$0x0] =	vst v49  }
0x4a6: {  	v29 =	vor.u32 v23, v29;
	v28 =	vor.u32 v23, v28;
	s7 =	sand.u32 $0x300, s29;
	s10 =	sor.u32 $0x410, s4;
	v47 =	vld.idx.msk [tilespmem:v56+s20+$0x0], $0xffff;
	[tilespmem:s17+$0x0] =	vst v53  }
0x4a7: {  	s11 =	simm.s32 $0x200;
	v59 =	vadd.s32 v17, v41;
	s18 =	sadd.s32 s7, s25;
	v52 =	vadd.s32 v17, v42;
	v49 =	vld.idx.msk [tilespmem:v60+s20+$0x0], $0xffff;
	[tilespmem:s10+$0xE100] =	vst v48  }
0x4a8: {  	v31 =	vadd.s32 v0, v31;
	v60 =	vadd.s32 v17, v27;
	v53 =	vld.idx.msk [tilespmem:v63+s20+$0x0], $0xffff;
	s10 =	sand.u32 $0x200, s11;
	[tilespmem:s18+$0x0] =	vst v54;
	s11 =	sor.u32 $0x410, s3  }
0x4a9: {  	s15 =	sor.u32 $0x410, s1;
	v30 =	vor.u32 v30, v31;
	v61 =	vor.u32 v26, v60;
	v51 =	vld.idx.msk [tilespmem:v62+s20+$0x0], $0xffff;
	[tilespmem:s11+$0xE100] =	vst v50  }
0x4aa: {  	v31 =	vor.u32 v25, v52;
	v48 =	vor.u32 v16, v61;
	s12 =	sor.u32 s10, s25;
	v62 =	vld.idx.msk [tilespmem:v55+s20+$0x0], $0xffff;
	[tilespmem:s15+$0xE100] =	vst v46  }
0x4ab: {  	v58 =	vadd.s32 v14, v27;
	s13 =	sor.u32 $0x410, s2;
	v31 =	vor.u32 v16, v31;
	[tilespmem:s12+$0x0] =	vst v45;
	v44 =	vld.idx.msk [tilespmem:v44+s20+$0x0], $0xffff  }
0x4ac: {  	v30 =	vor.u32 v23, v30;
	v63 =	vor.u32 v24, v59;
	[tilespmem:s13+$0xE100] =	vst v47;
	v38 =	vld.idx.msk [tilespmem:v38+s20+$0x0], $0xffff  }
0x4ad: {  	v59 =	vadd.s32 v14, v42;
	v56 =	vor.u32 v16, v63;
	v40 =	vld.idx.msk [tilespmem:v40+s20+$0x0], $0xffff;
	[tilespmem:s16+$0x10] =	vst v49  }
0x4ae: {  	s14 =	sor.u32 $0x420, s4;
	v61 =	vor.u32 v25, v59;
	v63 =	vadd.s32 v14, v41;
	v39 =	vld.idx.msk [tilespmem:v43+s20+$0x0], $0xffff;
	[tilespmem:s17+$0x10] =	vst v53  }
0x4af: {  	v54 =	vadd.s32 v9, v27;
	v59 =	vadd.s32 v9, v41;
	v57 =	vld.idx.msk [tilespmem:v48+s20+$0x0], $0xffff;
	[tilespmem:s14+$0xE100] =	vst v51  }
0x4b0: {  	s19 =	sor.u32 $0x420, s3;
	v55 =	vadd.s32 v9, v42;
	v47 =	vor.u32 v26, v58;
	v31 =	vld.idx.msk [tilespmem:v31+s20+$0x0], $0xffff;
	[tilespmem:s18+$0x10] =	vst v62  }
0x4b1: {  	s24 =	sor.u32 $0x420, s1;
	v45 =	vor.u32 v24, v59;
	v60 =	vor.u32 v12, v47;
	v30 =	vld.idx.msk [tilespmem:v30+s20+$0x0], $0xffff;
	[tilespmem:s19+$0xE100] =	vst v44  }
0x4b2: {  	v46 =	vadd.s32 v0, v33;
	v45 =	vor.u32 v6, v45;
	v62 =	vld.idx.msk [tilespmem:v56+s20+$0x0], $0xffff;
	[tilespmem:s24+$0xE100] =	vst v38  }
0x4b3: {  	s23 =	sor.u32 $0x420, s2;
	v48 =	vor.u32 v24, v63;
	[tilespmem:s12+$0x10] =	vst v40;
	v40 =	vor.u32 v12, v61;
	v29 =	vld.idx.msk [tilespmem:v29+s20+$0x0], $0xffff  }
0x4b4: {  	v49 =	vadd.s32 v1, v33;
	v52 =	vor.u32 v12, v48;
	[tilespmem:s23+$0xE100] =	vst v39;
	v37 =	vld.idx.msk [tilespmem:v37+s20+$0x0], $0xffff  }
0x4b5: {  	v38 =	vadd.s32 v3, v33;
	v35 =	vld.idx.msk [tilespmem:v35+s20+$0x0], $0xffff;
	v39 =	vadd.s32 v1, v41;
	[tilespmem:s16+$0x20] =	vst v57  }
0x4b6: {  	s26 =	simm.s32 $0xA;
	[tilespmem:s17+$0x20] =	vst v31;
	v31 =	vor.u32 v26, v54;
	v57 =	vor.u32 v25, v55;
	v53 =	vld.idx.msk [tilespmem:v60+s20+$0x0], $0xffff  }
0x4b7: {  	s4 =	sor.u32 $0x430, s4;
	s22 =	simm.s32 $0x8;
	v59 =	vmov s26;
	v54 =	vadd.s32 v15, v42;
	v56 =	vor.u32 v6, v31;
	[tilespmem:s18+$0x20] =	vst v62;
	v62 =	vld.idx.msk [tilespmem:v28+s20+$0x0], $0xffff  }
0x4b8: {  	v31 =	vmov s22;
	v55 =	vor.u32 v25, v54;
	[tilespmem:s4+$0xE100] =	vst v30;
	v30 =	vadd.s32 v9, v33;
	v40 =	vld.idx.msk [tilespmem:v40+s20+$0x0], $0xffff  }
0x4b9: {  	s3 =	sor.u32 $0x430, s3;
	v60 =	vshll.u32 v31, $0x7;
	v61 =	vshll.u32 v31, $0x8;
	v58 =	vld.idx.msk [tilespmem:v52+s20+$0x0], $0xffff;
	[tilespmem:s12+$0x20] =	vst v37;
	v37 =	vor.u32 v6, v57  }
0x4ba: {  	s1 =	sor.u32 $0x430, s1;
	v28 =	vadd.s32 v15, v27;
	v30 =	vor.u32 v32, v30;
	v31 =	vand.u32 $0x200, v60;
	[tilespmem:s3+$0xE100] =	vst v29;
	v34 =	vld.idx.msk [tilespmem:v34+s20+$0x0], $0xffff  }
0x4bb: {  	v29 =	vadd.s32 v15, v33;
	[tilespmem:s1+$0xE100] =	vst v35;
	v52 =	vadd.s32 v10, v33;
	v30 =	vor.u32 v6, v30  }
0x4bc: {  	s25 =	simm.s32 $0x9;
	v60 =	vadd.s32 v11, v27;
	v57 =	vadd.s32 v15, v41;
	v29 =	vor.u32 v32, v29;
	[tilespmem:s16+$0x30] =	vst v53  }
0x4bd: {  	v63 =	vmov s25;
	v52 =	vor.u32 v32, v52;
	v44 =	vor.u32 v24, v57;
	v36 =	vld.idx.msk [tilespmem:v56+s20+$0x0], $0xffff;
	[tilespmem:s17+$0x30] =	vst v40  }
0x4be: {  	v48 =	vshll.u32 v59, $0x8;
	v29 =	vor.u32 v13, v29;
	v53 =	vor.u32 v26, v28;
	[tilespmem:s18+$0x30] =	vst v58;
	v37 =	vld.idx.msk [tilespmem:v37+s20+$0x0], $0xffff  }
0x4bf: {  	v52 =	vor.u32 v5, v52;
	v28 =	vand.u32 $0x7800, v61;
	v40 =	vor.u32 v13, v53;
	v56 =	vld.idx.msk [tilespmem:v45+s20+$0x0], $0xffff;
	[tilespmem:s12+$0x30] =	vst v34  }
0x4c0: {  	s2 =	sor.u32 $0x430, s2;
	v61 =	vor.u32 v26, v60;
	v35 =	vadd.s32 v14, v28;
	v34 =	vor.u32 v13, v55;
	v30 =	vld.idx.msk [tilespmem:v30+s20+$0x0], $0xffff  }
0x4c1: {  	[tilespmem:s2+$0xE100] =	vst v62;
	v62 =	vadd.s32 v11, v42;
	v58 =	vor.u32 v13, v44;
	v53 =	vadd.s32 v8, v33  }
0x4c2: {  	v33 =	vadd.s32 v11, v33;
	v44 =	vadd.s32 v19, v28;
	v45 =	vshll.u32 v59, $0x7;
	[tilespmem:s16+$0x40] =	vst v36  }
0x4c3: {  	v59 =	vadd.s32 v11, v41;
	v33 =	vor.u32 v32, v33;
	v55 =	vadd.s32 v21, v28;
	[tilespmem:s17+$0x40] =	vst v37  }
0x4c4: {  	v43 =	vshll.u32 v63, $0x7;
	v57 =	vor.u32 v7, v33;
	v33 =	vor.u32 v32, v49;
	v40 =	vld.idx.msk [tilespmem:v40+s20+$0x0], $0xffff;
	[tilespmem:s18+$0x40] =	vst v56  }
0x4c5: {  	v47 =	vshll.u32 v63, $0x8;
	v37 =	vor.u32 v7, v61;
	v63 =	vld.idx.msk [tilespmem:v34+s20+$0x0], $0xffff;
	[tilespmem:s12+$0x40] =	vst v30;
	v30 =	vor.u32 v25, v62  }
0x4c6: {  	v36 =	vadd.s32 v17, v28;
	v50 =	vld.idx.msk [tilespmem:v58+s20+$0x0], $0xffff;
	v51 =	vor.u32 v7, v30;
	v30 =	vor.u32 v24, v59  }
0x4c7: {  	v61 =	vadd.s32 v10, v27;
	v34 =	vadd.s32 v0, v42;
	v54 =	vld.idx.msk [tilespmem:v29+s20+$0x0], $0xffff;
	v60 =	vor.u32 v7, v30  }
0x4c8: {  	v62 =	vor.u32 v26, v61;
	v29 =	vor.u32 v32, v46;
	v46 =	vor.u32 v32, v38  }
0x4c9: {  	v38 =	vand.u32 $0x7800, v48;
	v59 =	vadd.s32 v10, v41;
	v48 =	vadd.s32 v3, v42;
	[tilespmem:s16+$0x50] =	vst v40  }
0x4ca: {  	p0 =	por !p0, !p0;
	s1 =	simm.s32 $0x1;
	v30 =	vadd.s32 v0, v41;
	v49 =	vld.idx.msk [tilespmem:v37+s20+$0x0], $0xffff;
	[tilespmem:s17+$0x50] =	vst v63;
	v63 =	vadd.s32 v10, v42  }
0x4cb: {  	s1 =	simm.s32 @!p0 $0x0;
	v37 =	vand.u32 $0x7800, v47;
	[tilespmem:s18+$0x50] =	vst v50;
	v50 =	vor.u32 v5, v62;
	v47 =	vor.u32 v25, v63;
	v58 =	vld.idx.msk [tilespmem:v51+s20+$0x0], $0xffff  }
0x4cc: {  	s28 =	sand.u32 $0x3, s30;
	s1 =	sshll.u32 s1, $0x9;
	v63 =	vor.u32 v24, v59;
	[tilespmem:s12+$0x50] =	vst v54;
	v61 =	vor.u32 v5, v47;
	v60 =	vld.idx.msk [tilespmem:v60+s20+$0x0], $0xffff  }
0x4cd: {  	s1 =	sadd.s32 $0x400, s1;
	s2 =	sshll.u32 s28, $0x8;
	v40 =	vadd.s32 v1, v42;
	v62 =	vor.u32 v32, v53;
	v54 =	vor.u32 v5, v63;
	v51 =	vld.idx.msk [tilespmem:v57+s20+$0x0], $0xffff  }
0x4ce: {  	s4 =	simm.s32 $0xB;
	s19 =	sor.u32 $0x400, s1;
	s2 =	sadd.s32 $0x400, s2;
	v56 =	vadd.s32 v21, v37;
	v59 =	vor.u32 v31, v55;
	v47 =	vadd.s32 v3, v41  }
0x4cf: {  	s10 =	sor.u32 $0x410, s1;
	s31 =	sor.u32 $0x430, s1;
	s29 =	sadd.s32 $0x100, s2;
	v57 =	vadd.s32 v8, v42;
	v42 =	vadd.s32 v8, v41;
	v41 =	vadd.s32 v8, v27;
	[tilespmem:s16+$0x60] =	vst v49  }
0x4d0: {  	s2 =	sor.u32 $0x420, s1;
	s1 =	simm.s32 $0xC;
	s23 =	sor.u32 $0x400, s29;
	v63 =	vor.u32 v26, v41;
	v49 =	vor.u32 v4, v62;
	v53 =	vld.idx.msk [tilespmem:v50+s20+$0x0], $0xffff;
	[tilespmem:s17+$0x60] =	vst v58  }
0x4d1: {  	s11 =	sor.u32 $0x410, s29;
	s7 =	sor.u32 $0x420, s29;
	s3 =	sor.u32 $0x430, s29;
	v32 =	vand.u32 $0x280, v43;
	v50 =	vadd.s32 v21, v38;
	v58 =	vor.u32 v4, v63;
	v55 =	vld.idx.msk [tilespmem:v61+s20+$0x0], $0xffff;
	[tilespmem:s18+$0x60] =	vst v60  }
.LBB2_12:
0x4d2: {  	p1 =	slt.u32 s1, $0x6C;
	v59 =	vor.u32 v20, v59;
	v60 =	vmov s4;
	[tilespmem:s12+$0x60] =	vst v51;
	v51 =	vor.u32 v25, v57;
	v54 =	vld.idx.msk [tilespmem:v54+s20+$0x0], $0xffff;
	v41 =	vmovc v31  }
0x4d3: {  	v57 =	vor.u32 v24, v42;
	v42 =	vmovc v37;
	v31 =	vshll.u32 v60, $0x8;
	v52 =	vld.idx.msk [tilespmem:v52+s20+$0x0], $0xffff;
	v51 =	vor.u32 v4, v51  }
0x4d4: {  	v43 =	vmovc v38;
	v57 =	vor.u32 v4, v57;
	v37 =	vand.u32 $0x7800, v31;
	v31 =	vshll.u32 v60, $0x7  }
0x4d5: {  	v38 =	vor.u32 v32, v56;
	v56 =	vadd.s32 v21, v37;
	v60 =	vand.u32 $0x380, v31;
	[tilespmem:s16+$0x70] =	vst v53  }
0x4d6: {  	s0 =	sadd.s32 $0x4, s0;
	v38 =	vor.u32 v20, v38;
	v53 =	vor.u32 v60, v56;
	v56 =	vld.idx.msk [tilespmem:v58+s20+$0x0], $0xffff;
	v58 =	vadd.s32 v3, v27  }
0x4d7: {  	s4 =	sand.u32 $0x7, s0;
	v31 =	vand.u32 $0x300, v45;
	v59 =	vld.idx.msk [tilespmem:v59+s20+$0x0], $0xffff;
	v45 =	vor.u32 v20, v53;
	[tilespmem:s17+$0x70] =	vst v55;
	v53 =	vor.u32 v26, v58  }
0x4d8: {  	s4 =	sshll.u32 s4, $0x7;
	v50 =	vor.u32 v31, v50;
	v51 =	vld.idx.msk [tilespmem:v51+s20+$0x0], $0xffff;
	[tilespmem:s18+$0x70] =	vst v54;
	v53 =	vor.u32 v2, v53  }
0x4d9: {  	v48 =	vor.u32 v25, v48;
	s30 =	sadd.s32 $0x2, s30;
	s4 =	sadd.s32 s8, s4;
	v50 =	vor.u32 v20, v50;
	[tilespmem:s12+$0x70] =	vst v52;
	v52 =	vld.idx.msk [tilespmem:v57+s20+$0x0], $0xffff  }
0x4da: {  	v47 =	vor.u32 v24, v47;
	p0 =	por !p0, !p0;
	v48 =	vor.u32 v2, v48;
	s5 =	sadd.s32 $0x80, s4;
	s13 =	sadd.s32 $0x180, s4;
	v54 =	vadd.s32 v17, v42;
	v49 =	vld.idx.msk [tilespmem:v49+s20+$0x0], $0xffff  }
0x4db: {  	v47 =	vor.u32 v2, v47;
	v55 =	vadd.s32 v19, v42;
	s6 =	sor.u32 $0x400, s5;
	s22 =	sor.u32 $0x410, s5;
	v57 =	vadd.s32 v17, v43;
	s12 =	sor.u32 $0x400, s13;
	v38 =	vld.idx.msk [tilespmem:v38+s20+$0x0], $0xffff  }
0x4dc: {  	v46 =	vor.u32 v2, v46;
	v58 =	vadd.s32 v19, v37;
	s14 =	sor.u32 $0x420, s5;
	s4 =	sor.u32 $0x430, s5;
	v45 =	vld.idx.msk [tilespmem:v45+s20+$0x0], $0xffff;
	[tilespmem:s12+$0xE100] =	vst v56;
	s12 =	simm.s32 $0x1  }
0x4dd: {  	v61 =	vadd.s32 v1, v27;
	s5 =	sand.u32 $0x3, s30;
	v58 =	vor.u32 v60, v58;
	v56 =	vadd.s32 v19, v43;
	s12 =	simm.s32 @!p0 $0x0;
	v53 =	vld.idx.msk [tilespmem:v53+s20+$0x0], $0xffff  }
0x4de: {  	s8 =	sadd.s32 $0x400, s8;
	s5 =	sshll.u32 s5, $0x8;
	v58 =	vor.u32 v18, v58;
	s15 =	sshll.u32 s12, $0x9;
	v50 =	vld.idx.msk [tilespmem:v50+s20+$0x0], $0xffff;
	[tilespmem:s6+$0xE100] =	vst v51;
	v51 =	vor.u32 v26, v61  }
0x4df: {  	s9 =	sadd.s32 $0x200, s9;
	v55 =	vor.u32 v32, v55;
	s5 =	sadd.s32 s8, s5;
	s6 =	sand.u32 $0x7800, s8;
	v48 =	vld.idx.msk [tilespmem:v48+s20+$0x0], $0xffff;
	[tilespmem:s23+$0xE100] =	vst v52;
	v51 =	vor.u32 v22, v51  }
0x4e0: {  	s16 =	sand.u32 $0x380, s9;
	s12 =	sadd.s32 $0xFFFFFE80, s9;
	s6 =	sadd.s32 $0xE100, s6;
	v52 =	vor.u32 v18, v55;
	v55 =	vor.u32 v31, v56;
	[tilespmem:s19+$0xE100] =	vst v49;
	v47 =	vld.idx.msk [tilespmem:v47+s20+$0x0], $0xffff  }
0x4e1: {  	v40 =	vor.u32 v25, v40;
	v44 =	vor.u32 v41, v44;
	s17 =	sadd.s32 $0xFFFFFF00, s9;
	s18 =	sadd.s32 $0xFFFFFF80, s9;
	v49 =	vor.u32 v18, v55;
	s16 =	sadd.s32 s16, s6;
	v46 =	vld.idx.msk [tilespmem:v46+s20+$0x0], $0xffff  }
0x4e2: {  	v39 =	vor.u32 v24, v39;
	v40 =	vor.u32 v22, v40;
	v44 =	vor.u32 v18, v44;
	s17 =	sand.u32 $0x280, s17;
	s12 =	sand.u32 $0x200, s12;
	s19 =	sor.u32 $0x410, s13;
	[tilespmem:s16+$0x0] =	vst v45  }
0x4e3: {  	v39 =	vor.u32 v22, v39;
	s18 =	sand.u32 $0x300, s18;
	s12 =	sor.u32 s12, s6;
	s17 =	sor.u32 s17, s6;
	v55 =	vadd.s32 v17, v37;
	v45 =	vld.idx.msk [tilespmem:v58+s20+$0x0], $0xffff;
	[tilespmem:s19+$0xE100] =	vst v53  }
0x4e4: {  	s15 =	sadd.s32 s15, s8;
	s18 =	sadd.s32 s18, s6;
	s6 =	sadd.s32 $0x100, s5;
	v53 =	vadd.s32 v0, v27;
	v27 =	vmov v37;
	[tilespmem:s17+$0x0] =	vst v38;
	v38 =	vor.u32 v60, v55;
	v51 =	vld.idx.msk [tilespmem:v51+s20+$0x0], $0xffff  }
0x4e5: {  	s23 =	sor.u32 $0x400, s6;
	s25 =	sor.u32 $0x410, s6;
	s19 =	sor.u32 $0x400, s15;
	v37 =	vld.idx.msk [tilespmem:v52+s20+$0x0], $0xffff;
	[tilespmem:s18+$0x0] =	vst v50;
	v38 =	vor.u32 v16, v38;
	v50 =	vor.u32 v26, v53;
	v26 =	vmov v60  }
0x4e6: {  	s26 =	sor.u32 $0x410, s15;
	s5 =	sor.u32 $0x420, s15;
	s24 =	sor.u32 $0x420, s6;
	v52 =	vor.u32 v32, v54;
	[tilespmem:s12+$0x0] =	vst v59;
	v49 =	vld.idx.msk [tilespmem:v49+s20+$0x0], $0xffff;
	v50 =	vor.u32 v23, v50  }
0x4e7: {  	s6 =	sor.u32 $0x430, s6;
	s15 =	sor.u32 $0x430, s15;
	v53 =	vor.u32 v31, v57;
	v52 =	vor.u32 v16, v52;
	v44 =	vld.idx.msk [tilespmem:v44+s20+$0x0], $0xffff;
	[tilespmem:s22+$0xE100] =	vst v48  }
0x4e8: {  	v36 =	vor.u32 v41, v36;
	v48 =	vor.u32 v16, v53;
	v40 =	vld.idx.msk [tilespmem:v40+s20+$0x0], $0xffff;
	[tilespmem:s11+$0xE100] =	vst v47;
	s11 =	smov.u32 s25  }
0x4e9: {  	v34 =	vor.u32 v25, v34;
	v25 =	vmov v32;
	v36 =	vor.u32 v16, v36;
	s22 =	sor.u32 $0x420, s13;
	[tilespmem:s16+$0x10] =	vst v45;
	v39 =	vld.idx.msk [tilespmem:v39+s20+$0x0], $0xffff  }
0x4ea: {  	v33 =	vor.u32 v22, v33;
	v32 =	vld.idx.msk [tilespmem:v38+s20+$0x0], $0xffff;
	v38 =	vadd.s32 v14, v27;
	[tilespmem:s22+$0xE100] =	vst v51  }
0x4eb: {  	v34 =	vor.u32 v23, v34;
	[tilespmem:s17+$0x10] =	vst v37;
	v37 =	vor.u32 v26, v38;
	v38 =	vld.idx.msk [tilespmem:v50+s20+$0x0], $0xffff  }
0x4ec: {  	v47 =	vadd.s32 v14, v42;
	v45 =	vld.idx.msk [tilespmem:v52+s20+$0x0], $0xffff;
	[tilespmem:s18+$0x10] =	vst v49;
	v37 =	vor.u32 v12, v37  }
0x4ed: {  	[tilespmem:s12+$0x10] =	vst v44;
	v44 =	vor.u32 v25, v47;
	v47 =	vld.idx.msk [tilespmem:v48+s20+$0x0], $0xffff;
	v48 =	vadd.s32 v14, v43  }
0x4ee: {  	v36 =	vld.idx.msk [tilespmem:v36+s20+$0x0], $0xffff;
	v44 =	vor.u32 v12, v44;
	v48 =	vor.u32 v31, v48;
	[tilespmem:s10+$0xE100] =	vst v46;
	s10 =	smov.u32 s26  }
0x4ef: {  	v35 =	vor.u32 v41, v35;
	v46 =	vor.u32 v12, v48;
	v33 =	vld.idx.msk [tilespmem:v33+s20+$0x0], $0xffff;
	[tilespmem:s14+$0xE100] =	vst v40  }
0x4f0: {  	v30 =	vor.u32 v24, v30;
	v35 =	vor.u32 v12, v35;
	v24 =	vmov v31;
	s13 =	sor.u32 $0x430, s13;
	[tilespmem:s16+$0x20] =	vst v32;
	v32 =	vld.idx.msk [tilespmem:v34+s20+$0x0], $0xffff  }
0x4f1: {  	v30 =	vor.u32 v23, v30;
	v34 =	vadd.s32 v9, v27;
	v31 =	vld.idx.msk [tilespmem:v37+s20+$0x0], $0xffff;
	[tilespmem:s13+$0xE100] =	vst v38  }
0x4f2: {  	v29 =	vor.u32 v23, v29;
	v37 =	vadd.s32 v9, v28;
	v34 =	vor.u32 v26, v34;
	[tilespmem:s17+$0x20] =	vst v45  }
0x4f3: {  	v40 =	vadd.s32 v9, v42;
	v34 =	vor.u32 v6, v34;
	v38 =	vld.idx.msk [tilespmem:v44+s20+$0x0], $0xffff;
	[tilespmem:s18+$0x20] =	vst v47  }
0x4f4: {  	v45 =	vadd.s32 v9, v43;
	v44 =	vmov s1;
	[tilespmem:s12+$0x20] =	vst v36;
	v36 =	vor.u32 v25, v40;
	v40 =	vld.idx.msk [tilespmem:v46+s20+$0x0], $0xffff  }
0x4f5: {  	v45 =	vor.u32 v24, v45;
	v46 =	vshll.u32 v44, $0x7;
	v35 =	vld.idx.msk [tilespmem:v35+s20+$0x0], $0xffff;
	v36 =	vor.u32 v6, v36;
	[tilespmem:s7+$0xE100] =	vst v39;
	s7 =	smov.u32 s24  }
0x4f6: {  	s14 =	sadd.s32 $0x2, s1;
	s13 =	sadd.s32 $0x1, s1;
	v37 =	vor.u32 v41, v37;
	v39 =	vshll.u32 v44, $0x8;
	v44 =	vor.u32 v6, v45;
	[tilespmem:s2+$0xE100] =	vst v33;
	v30 =	vld.idx.msk [tilespmem:v30+s20+$0x0], $0xffff;
	s2 =	smov.u32 s5  }
0x4f7: {  	v47 =	vmov s14;
	v37 =	vor.u32 v6, v37;
	v33 =	vmov s13;
	[tilespmem:s16+$0x30] =	vst v31;
	v29 =	vld.idx.msk [tilespmem:v29+s20+$0x0], $0xffff  }
0x4f8: {  	v45 =	vadd.s32 v15, v27;
	v31 =	vand.u32 $0x200, v46;
	v46 =	vadd.s32 v0, v28;
	v34 =	vld.idx.msk [tilespmem:v34+s20+$0x0], $0xffff;
	[tilespmem:s4+$0xE100] =	vst v32  }
0x4f9: {  	v48 =	vadd.s32 v1, v28;
	v32 =	vadd.s32 v15, v28;
	[tilespmem:s17+$0x30] =	vst v38;
	v38 =	vor.u32 v26, v45  }
0x4fa: {  	v39 =	vand.u32 $0x7800, v39;
	v49 =	vld.idx.msk [tilespmem:v36+s20+$0x0], $0xffff;
	v36 =	vadd.s32 v15, v42;
	[tilespmem:s18+$0x30] =	vst v40;
	v38 =	vor.u32 v13, v38  }
0x4fb: {  	v55 =	vshll.u32 v33, $0x7;
	[tilespmem:s12+$0x30] =	vst v35;
	v35 =	vor.u32 v25, v36;
	v40 =	vld.idx.msk [tilespmem:v44+s20+$0x0], $0xffff;
	v36 =	vadd.s32 v15, v43  }
0x4fc: {  	v45 =	vshll.u32 v47, $0x7;
	v37 =	vld.idx.msk [tilespmem:v37+s20+$0x0], $0xffff;
	v50 =	vor.u32 v13, v35;
	v35 =	vor.u32 v24, v36;
	[tilespmem:s3+$0xE100] =	vst v30;
	s3 =	smov.u32 s6  }
0x4fd: {  	v30 =	vor.u32 v41, v32;
	v32 =	vadd.s32 v3, v28;
	v51 =	vor.u32 v13, v35;
	[tilespmem:s31+$0xE100] =	vst v29;
	s31 =	smov.u32 s15  }
0x4fe: {  	v53 =	vadd.s32 v8, v28;
	v52 =	vadd.s32 v10, v28;
	v29 =	vor.u32 v13, v30;
	[tilespmem:s16+$0x40] =	vst v34  }
0x4ff: {  	v28 =	vadd.s32 v11, v28;
	v35 =	vadd.s32 v14, v39;
	v30 =	vadd.s32 v11, v27;
	v38 =	vld.idx.msk [tilespmem:v38+s20+$0x0], $0xffff  }
0x500: {  	v44 =	vadd.s32 v19, v39;
	v36 =	vadd.s32 v17, v39;
	v30 =	vor.u32 v26, v30;
	[tilespmem:s17+$0x40] =	vst v49  }
0x501: {  	v54 =	vor.u32 v7, v30;
	v49 =	vshll.u32 v33, $0x8;
	v33 =	vadd.s32 v11, v42;
	v50 =	vld.idx.msk [tilespmem:v50+s20+$0x0], $0xffff;
	[tilespmem:s18+$0x40] =	vst v40  }
0x502: {  	v47 =	vshll.u32 v47, $0x8;
	v30 =	vor.u32 v25, v33;
	v33 =	vadd.s32 v11, v43;
	[tilespmem:s12+$0x40] =	vst v37;
	v51 =	vld.idx.msk [tilespmem:v51+s20+$0x0], $0xffff  }
0x503: {  	v56 =	vadd.s32 v21, v39;
	v58 =	vor.u32 v7, v30;
	v30 =	vor.u32 v24, v33;
	v57 =	vld.idx.msk [tilespmem:v29+s20+$0x0], $0xffff  }
0x504: {  	v33 =	vor.u32 v41, v28;
	v28 =	vmovc v39;
	v29 =	vor.u32 v41, v46;
	v59 =	vor.u32 v7, v30  }
0x505: {  	v34 =	vadd.s32 v0, v42;
	v60 =	vor.u32 v7, v33;
	v30 =	vadd.s32 v0, v43;
	[tilespmem:s16+$0x50] =	vst v38  }
0x506: {  	v40 =	vadd.s32 v1, v42;
	v37 =	vadd.s32 v10, v27;
	v33 =	vor.u32 v41, v48;
	v61 =	vld.idx.msk [tilespmem:v54+s20+$0x0], $0xffff  }
0x507: {  	v39 =	vadd.s32 v1, v43;
	v46 =	vor.u32 v41, v32;
	v32 =	vor.u32 v26, v37;
	[tilespmem:s17+$0x50] =	vst v50  }
0x508: {  	v37 =	vand.u32 $0x7800, v49;
	v48 =	vadd.s32 v10, v42;
	v32 =	vor.u32 v5, v32;
	v49 =	vld.idx.msk [tilespmem:v58+s20+$0x0], $0xffff;
	[tilespmem:s18+$0x50] =	vst v51  }
0x509: {  	v38 =	vand.u32 $0x7800, v47;
	v47 =	vor.u32 v25, v48;
	v50 =	vadd.s32 v10, v43;
	[tilespmem:s12+$0x50] =	vst v57;
	v58 =	vld.idx.msk [tilespmem:v59+s20+$0x0], $0xffff  }
0x50a: {  	v48 =	vadd.s32 v3, v42;
	v51 =	vld.idx.msk [tilespmem:v60+s20+$0x0], $0xffff;
	v60 =	vor.u32 v5, v47;
	v47 =	vor.u32 v24, v50  }
.Ltmp5:
0x50b: {  	v50 =	vor.u32 v41, v52;
	v54 =	vor.u32 v5, v47;
	v47 =	vadd.s32 v3, v43;
	(pc) =	sbr.rel @p1 .LBB2_12-.Ltmp5, $4  }
0x50c: {  	v57 =	vadd.s32 v8, v42;
	v41 =	vor.u32 v41, v53;
	v52 =	vor.u32 v5, v50;
	[tilespmem:s16+$0x60] =	vst v61  }
0x50d: {  	v59 =	vor.u32 v31, v56;
	v42 =	vadd.s32 v8, v43;
	v53 =	vld.idx.msk [tilespmem:v32+s20+$0x0], $0xffff;
	v32 =	vadd.s32 v8, v27  }
0x50e: {  	v56 =	vadd.s32 v21, v37;
	v50 =	vadd.s32 v21, v38;
	[tilespmem:s17+$0x60] =	vst v49;
	v43 =	vor.u32 v26, v32  }
0x50f: {  	s4 =	sadd.s32 $0x3, s1;
	s1 =	sadd.s32 $0x4, s1;
	v32 =	vand.u32 $0x280, v55;
	v49 =	vor.u32 v4, v41;
	v55 =	vld.idx.msk [tilespmem:v60+s20+$0x0], $0xffff;
	[tilespmem:s18+$0x60] =	vst v58;
	v58 =	vor.u32 v4, v43  }
0x510: {  	v43 =	vmov s4  }
0x511: {  	v59 =	vor.u32 v20, v59;
	v41 =	vor.u32 v25, v57;
	v57 =	vshll.u32 v43, $0x8  }
0x512: {  	v60 =	vor.u32 v4, v41;
	v43 =	vshll.u32 v43, $0x7;
	v41 =	vand.u32 $0x7800, v57  }
0x513: {  	v57 =	vor.u32 v24, v42;
	v42 =	vand.u32 $0x380, v43;
	v61 =	vadd.s32 v21, v41  }
0x514: {  	v43 =	vor.u32 v42, v61  }
0x515: {  	v54 =	vld.idx.msk [tilespmem:v54+s20+$0x0], $0xffff;
	[tilespmem:s12+$0x60] =	vst v51;
	v56 =	vor.u32 v32, v56;
	v62 =	vor.u32 v20, v43;
	v43 =	vand.u32 $0x300, v45  }
0x516: {  	v52 =	vld.idx.msk [tilespmem:v52+s20+$0x0], $0xffff;
	v56 =	vor.u32 v20, v56;
	[tilespmem:s16+$0x70] =	vst v53;
	v50 =	vor.u32 v43, v50  }
0x517: {  	s15 =	sadd.s32 $0x4, s0;
	v63 =	vadd.s32 v3, v27;
	v51 =	vor.u32 v4, v57;
	v57 =	vld.idx.msk [tilespmem:v58+s20+$0x0], $0xffff;
	v50 =	vor.u32 v20, v50  }
0x518: {  	s6 =	sadd.s32 $0x200, s9;
	v48 =	vor.u32 v25, v48;
	v44 =	vor.u32 v31, v44;
	s0 =	sand.u32 $0x7, s15;
	[tilespmem:s17+$0x70] =	vst v55;
	v45 =	vld.idx.msk [tilespmem:v59+s20+$0x0], $0xffff  }
0x519: {  	v47 =	vor.u32 v24, v47;
	s9 =	sand.u32 $0x380, s6;
	s22 =	sadd.s32 $0xFFFFFF00, s6;
	v44 =	vor.u32 v18, v44;
	s0 =	sshll.u32 s0, $0x7;
	v55 =	vld.idx.msk [tilespmem:v60+s20+$0x0], $0xffff;
	v60 =	vadd.s32 v19, v41  }
0x51a: {  	s25 =	sadd.s32 $0xFFFFFF80, s6;
	s1 =	sadd.s32 s8, s0;
	s8 =	sadd.s32 $0x400, s8;
	v61 =	vadd.s32 v19, v37;
	v59 =	vadd.s32 v19, v38;
	v58 =	vor.u32 v42, v60;
	v53 =	vld.idx.msk [tilespmem:v62+s20+$0x0], $0xffff  }
0x51b: {  	s6 =	sadd.s32 $0xFFFFFE80, s6;
	s0 =	sadd.s32 $0x180, s1;
	s5 =	sand.u32 $0x7800, s8;
	[tilespmem:s12+$0x70] =	vst v52;
	v52 =	vld.idx.msk [tilespmem:v56+s20+$0x0], $0xffff;
	v56 =	vor.u32 v18, v58;
	v62 =	vor.u32 v32, v61  }
0x51c: {  	s6 =	sand.u32 $0x200, s6;
	[tilespmem:s18+$0x70] =	vst v54;
	s18 =	sor.u32 $0x400, s0;
	s5 =	sadd.s32 $0xE100, s5;
	v59 =	vor.u32 v43, v59;
	v58 =	vor.u32 v18, v62;
	v50 =	vld.idx.msk [tilespmem:v50+s20+$0x0], $0xffff  }
0x51d: {  	v46 =	vor.u32 v2, v46;
	v36 =	vor.u32 v31, v36;
	s26 =	sor.u32 s6, s5;
	[tilespmem:s18+$0xE100] =	vst v57;
	v57 =	vor.u32 v18, v59  }
0x51e: {  	v35 =	vor.u32 v31, v35;
	v40 =	vor.u32 v25, v40;
	s24 =	sand.u32 $0x280, s22;
	v54 =	vor.u32 v26, v63;
	s9 =	sadd.s32 s9, s5;
	[tilespmem:s26+$0x0] =	vst v45  }
0x51f: {  	v63 =	vadd.s32 v17, v41;
	s4 =	sor.u32 s24, s5;
	s12 =	sand.u32 $0x300, s25;
	v60 =	vadd.s32 v17, v37;
	v44 =	vld.idx.msk [tilespmem:v44+s20+$0x0], $0xffff;
	[tilespmem:s9+$0x0] =	vst v53  }
0x520: {  	s12 =	sadd.s32 s12, s5;
	v59 =	vadd.s32 v17, v38;
	v61 =	vor.u32 v42, v63;
	[tilespmem:s4+$0x0] =	vst v52;
	v56 =	vld.idx.msk [tilespmem:v56+s20+$0x0], $0xffff  }
0x521: {  	s1 =	sadd.s32 $0x80, s1;
	v63 =	vor.u32 v32, v60;
	v52 =	vor.u32 v16, v61;
	v62 =	vld.idx.msk [tilespmem:v58+s20+$0x0], $0xffff;
	[tilespmem:s12+$0x0] =	vst v50  }
0x522: {  	v39 =	vor.u32 v24, v39;
	s28 =	sor.u32 $0x400, s1;
	v60 =	vor.u32 v43, v59;
	v50 =	vor.u32 v16, v63;
	v45 =	vld.idx.msk [tilespmem:v57+s20+$0x0], $0xffff  }
0x523: {  	v48 =	vor.u32 v2, v48;
	v49 =	vld.idx.msk [tilespmem:v49+s20+$0x0], $0xffff;
	[tilespmem:s28+$0xE100] =	vst v55;
	v55 =	vor.u32 v16, v60  }
0x524: {  	v36 =	vor.u32 v16, v36;
	v54 =	vor.u32 v2, v54;
	v51 =	vld.idx.msk [tilespmem:v51+s20+$0x0], $0xffff;
	[tilespmem:s26+$0x10] =	vst v44  }
0x525: {  	v61 =	vadd.s32 v14, v41;
	v58 =	vadd.s32 v1, v27;
	v63 =	vadd.s32 v14, v37;
	[tilespmem:s9+$0x10] =	vst v56  }
0x526: {  	[tilespmem:s4+$0x10] =	vst v62;
	v62 =	vor.u32 v42, v61;
	v61 =	vor.u32 v32, v63;
	v52 =	vld.idx.msk [tilespmem:v52+s20+$0x0], $0xffff  }
0x527: {  	v50 =	vld.idx.msk [tilespmem:v50+s20+$0x0], $0xffff;
	v60 =	vor.u32 v12, v62;
	v62 =	vadd.s32 v14, v38;
	[tilespmem:s12+$0x10] =	vst v45  }
0x528: {  	v63 =	vor.u32 v26, v58;
	v53 =	vor.u32 v12, v61;
	v45 =	vor.u32 v43, v62;
	v58 =	vld.idx.msk [tilespmem:v55+s20+$0x0], $0xffff  }
0x529: {  	v59 =	vadd.s32 v9, v41;
	[tilespmem:s19+$0xE100] =	vst v49;
	v36 =	vld.idx.msk [tilespmem:v36+s20+$0x0], $0xffff;
	v45 =	vor.u32 v12, v45  }
0x52a: {  	v35 =	vor.u32 v12, v35;
	v54 =	vld.idx.msk [tilespmem:v54+s20+$0x0], $0xffff;
	v49 =	vor.u32 v42, v59;
	[tilespmem:s23+$0xE100] =	vst v51  }
0x52b: {  	v48 =	vld.idx.msk [tilespmem:v48+s20+$0x0], $0xffff;
	v49 =	vor.u32 v6, v49;
	v61 =	vor.u32 v22, v63;
	[tilespmem:s9+$0x20] =	vst v52  }
0x52c: {  	v63 =	vadd.s32 v9, v28;
	[tilespmem:s4+$0x20] =	vst v50;
	v51 =	vld.idx.msk [tilespmem:v60+s20+$0x0], $0xffff;
	v60 =	vadd.s32 v9, v37  }
0x52d: {  	v62 =	vadd.s32 v9, v38;
	v53 =	vld.idx.msk [tilespmem:v53+s20+$0x0], $0xffff;
	v50 =	vor.u32 v32, v60;
	[tilespmem:s12+$0x20] =	vst v58  }
0x52e: {  	[tilespmem:s26+$0x20] =	vst v36;
	v44 =	vor.u32 v43, v62;
	v50 =	vor.u32 v6, v50;
	v56 =	vld.idx.msk [tilespmem:v45+s20+$0x0], $0xffff  }
0x52f: {  	v47 =	vor.u32 v2, v47;
	s29 =	sor.u32 $0x410, s0;
	v35 =	vld.idx.msk [tilespmem:v35+s20+$0x0], $0xffff;
	v57 =	vor.u32 v31, v63;
	v44 =	vor.u32 v6, v44  }
0x530: {  	v59 =	vadd.s32 v15, v37;
	v46 =	vld.idx.msk [tilespmem:v46+s20+$0x0], $0xffff;
	[tilespmem:s29+$0xE100] =	vst v54;
	v45 =	vor.u32 v6, v57  }
0x531: {  	v52 =	vld.idx.msk [tilespmem:v61+s20+$0x0], $0xffff;
	v61 =	vadd.s32 v15, v28;
	v58 =	vadd.s32 v15, v41;
	[tilespmem:s9+$0x30] =	vst v51  }
0x532: {  	v60 =	vadd.s32 v15, v38;
	[tilespmem:s4+$0x30] =	vst v53;
	v51 =	vor.u32 v42, v58;
	v49 =	vld.idx.msk [tilespmem:v49+s20+$0x0], $0xffff  }
0x533: {  	v53 =	vor.u32 v32, v59;
	v51 =	vor.u32 v13, v51;
	v50 =	vld.idx.msk [tilespmem:v50+s20+$0x0], $0xffff;
	[tilespmem:s12+$0x30] =	vst v56  }
0x534: {  	[tilespmem:s26+$0x30] =	vst v35;
	v36 =	vor.u32 v43, v60;
	v53 =	vor.u32 v13, v53;
	v62 =	vld.idx.msk [tilespmem:v44+s20+$0x0], $0xffff  }
0x535: {  	v25 =	vor.u32 v25, v34;
	v54 =	vor.u32 v31, v61;
	v36 =	vor.u32 v13, v36;
	v63 =	vld.idx.msk [tilespmem:v45+s20+$0x0], $0xffff  }
0x536: {  	v39 =	vor.u32 v22, v39;
	v47 =	vld.idx.msk [tilespmem:v47+s20+$0x0], $0xffff;
	v27 =	vadd.s32 v0, v27;
	v45 =	vor.u32 v13, v54  }
0x537: {  	v55 =	vadd.s32 v11, v41;
	v58 =	vadd.s32 v11, v38;
	v59 =	vadd.s32 v11, v28;
	[tilespmem:s9+$0x40] =	vst v49  }
0x538: {  	v56 =	vadd.s32 v11, v37;
	v49 =	vor.u32 v42, v55;
	v51 =	vld.idx.msk [tilespmem:v51+s20+$0x0], $0xffff;
	[tilespmem:s4+$0x40] =	vst v50  }
0x539: {  	v49 =	vor.u32 v7, v49;
	v50 =	vor.u32 v32, v56;
	v57 =	vld.idx.msk [tilespmem:v53+s20+$0x0], $0xffff;
	[tilespmem:s12+$0x40] =	vst v62  }
0x53a: {  	v35 =	vor.u32 v43, v58;
	[tilespmem:s26+$0x40] =	vst v63;
	v50 =	vor.u32 v7, v50;
	v36 =	vld.idx.msk [tilespmem:v36+s20+$0x0], $0xffff  }
0x53b: {  	[tilespmem:s11+$0xE100] =	vst v47;
	v60 =	vor.u32 v31, v59;
	v35 =	vor.u32 v7, v35;
	v44 =	vld.idx.msk [tilespmem:v45+s20+$0x0], $0xffff  }
0x53c: {  	v40 =	vor.u32 v22, v40;
	v26 =	vor.u32 v26, v27;
	v27 =	vld.idx.msk [tilespmem:v39+s20+$0x0], $0xffff;
	v61 =	vor.u32 v7, v60  }
0x53d: {  	v63 =	vadd.s32 v10, v28;
	v56 =	vadd.s32 v10, v38;
	v62 =	vadd.s32 v10, v41;
	[tilespmem:s9+$0x50] =	vst v51  }
0x53e: {  	v53 =	vadd.s32 v10, v37;
	v47 =	vor.u32 v42, v62;
	v45 =	vld.idx.msk [tilespmem:v49+s20+$0x0], $0xffff;
	[tilespmem:s4+$0x50] =	vst v57  }
0x53f: {  	v55 =	vor.u32 v32, v53;
	v54 =	vor.u32 v5, v47;
	v49 =	vld.idx.msk [tilespmem:v50+s20+$0x0], $0xffff;
	[tilespmem:s12+$0x50] =	vst v36  }
0x540: {  	s6 =	sor.u32 $0x410, s1;
	v58 =	vor.u32 v43, v56;
	[tilespmem:s26+$0x50] =	vst v44;
	v57 =	vor.u32 v5, v55;
	v35 =	vld.idx.msk [tilespmem:v35+s20+$0x0], $0xffff  }
0x541: {  	[tilespmem:s6+$0xE100] =	vst v48;
	v48 =	vor.u32 v31, v63;
	v47 =	vor.u32 v5, v58;
	v39 =	vld.idx.msk [tilespmem:v61+s20+$0x0], $0xffff  }
0x542: {  	v33 =	vor.u32 v22, v33;
	v29 =	vor.u32 v23, v29;
	v40 =	vld.idx.msk [tilespmem:v40+s20+$0x0], $0xffff;
	v59 =	vor.u32 v5, v48  }
0x543: {  	v60 =	vadd.s32 v8, v28;
	v63 =	vadd.s32 v8, v38;
	v62 =	vadd.s32 v8, v41;
	[tilespmem:s9+$0x60] =	vst v45  }
0x544: {  	v61 =	vadd.s32 v8, v37;
	v45 =	vor.u32 v42, v62;
	v36 =	vld.idx.msk [tilespmem:v54+s20+$0x0], $0xffff;
	[tilespmem:s4+$0x60] =	vst v49  }
0x545: {  	v53 =	vor.u32 v4, v45;
	v54 =	vor.u32 v32, v61;
	v44 =	vld.idx.msk [tilespmem:v57+s20+$0x0], $0xffff;
	[tilespmem:s12+$0x60] =	vst v35  }
0x546: {  	v56 =	vor.u32 v43, v63;
	[tilespmem:s26+$0x60] =	vst v39;
	v45 =	vor.u32 v4, v54;
	v55 =	vld.idx.msk [tilespmem:v47+s20+$0x0], $0xffff  }
0x547: {  	[tilespmem:s10+$0xE100] =	vst v46;
	v57 =	vor.u32 v31, v60;
	v34 =	vld.idx.msk [tilespmem:v59+s20+$0x0], $0xffff;
	v47 =	vor.u32 v4, v56  }
0x548: {  	v25 =	vor.u32 v23, v25;
	s14 =	sadd.s32 $0x4, s15;
	v33 =	vld.idx.msk [tilespmem:v33+s20+$0x0], $0xffff;
	v26 =	vor.u32 v23, v26;
	v46 =	vor.u32 v4, v57  }
0x549: {  	s5 =	sand.u32 $0x7, s14;
	v58 =	vadd.s32 v3, v28;
	v61 =	vadd.s32 v3, v38;
	v60 =	vadd.s32 v3, v41;
	[tilespmem:s9+$0x70] =	vst v36  }
0x54a: {  	p0 =	por !p0, !p0;
	s5 =	sshll.u32 s5, $0x7;
	v59 =	vadd.s32 v3, v37;
	v36 =	vor.u32 v42, v60;
	v35 =	vld.idx.msk [tilespmem:v53+s20+$0x0], $0xffff;
	[tilespmem:s4+$0x70] =	vst v44  }
0x54b: {  	s15 =	sadd.s32 $0x2, s30;
	s13 =	sor.u32 $0x420, s0;
	s18 =	sadd.s32 s8, s5;
	v62 =	vor.u32 v32, v59;
	v36 =	vor.u32 v2, v36;
	v44 =	vld.idx.msk [tilespmem:v45+s20+$0x0], $0xffff;
	[tilespmem:s12+$0x70] =	vst v55  }
0x54c: {  	s16 =	sor.u32 $0x420, s1;
	s5 =	sadd.s32 $0x180, s18;
	s6 =	sand.u32 $0x3, s15;
	v51 =	vor.u32 v43, v61;
	v39 =	vor.u32 v2, v62;
	[tilespmem:s26+$0x70] =	vst v34;
	v63 =	vld.idx.msk [tilespmem:v47+s20+$0x0], $0xffff  }
0x54d: {  	s22 =	sor.u32 $0x400, s5;
	s10 =	simm.s32 $0x1;
	s6 =	sshll.u32 s6, $0x8;
	[tilespmem:s13+$0xE100] =	vst v52;
	v52 =	vor.u32 v31, v58;
	v46 =	vld.idx.msk [tilespmem:v46+s20+$0x0], $0xffff;
	v45 =	vor.u32 v2, v51  }
0x54e: {  	v24 =	vor.u32 v24, v30;
	s10 =	simm.s32 @!p0 $0x0;
	s19 =	sadd.s32 s8, s6;
	[tilespmem:s16+$0xE100] =	vst v40;
	v26 =	vld.idx.msk [tilespmem:v26+s20+$0x0], $0xffff;
	v30 =	vor.u32 v2, v52;
	s9 =	sadd.s32 $0x80, s18  }
0x54f: {  	s10 =	sshll.u32 s10, $0x9;
	v54 =	vadd.s32 v1, v37;
	v56 =	vadd.s32 v1, v38;
	s4 =	sadd.s32 $0x100, s19;
	s23 =	sor.u32 $0x400, s9;
	v55 =	vadd.s32 v1, v41;
	[tilespmem:s22+$0xE100] =	vst v35  }
0x550: {  	s24 =	sadd.s32 s10, s8;
	v58 =	vor.u32 v32, v54;
	s25 =	sor.u32 $0x400, s4;
	v35 =	vor.u32 v42, v55;
	v36 =	vld.idx.msk [tilespmem:v36+s20+$0x0], $0xffff;
	[tilespmem:s23+$0xE100] =	vst v44  }
0x551: {  	s10 =	sor.u32 $0x400, s24;
	v60 =	vor.u32 v43, v56;
	v57 =	vor.u32 v22, v35;
	v39 =	vld.idx.msk [tilespmem:v39+s20+$0x0], $0xffff;
	[tilespmem:s25+$0xE100] =	vst v63  }
0x552: {  	s0 =	sor.u32 $0x430, s0;
	v53 =	vadd.s32 v1, v28;
	[tilespmem:s10+$0xE100] =	vst v46;
	v35 =	vor.u32 v22, v58;
	v59 =	vld.idx.msk [tilespmem:v45+s20+$0x0], $0xffff  }
0x553: {  	[tilespmem:s0+$0xE100] =	vst v26;
	v61 =	vor.u32 v22, v60;
	v26 =	vor.u32 v31, v53;
	v30 =	vld.idx.msk [tilespmem:v30+s20+$0x0], $0xffff  }
0x554: {  	v24 =	vor.u32 v23, v24;
	v25 =	vld.idx.msk [tilespmem:v25+s20+$0x0], $0xffff;
	[tilespmem:s7+$0xE100] =	vst v27;
	s26 =	sor.u32 $0x410, s5;
	v26 =	vor.u32 v22, v26  }
0x555: {  	v27 =	vadd.s32 v0, v28;
	v62 =	vadd.s32 v0, v41;
	v28 =	vadd.s32 v0, v37;
	s28 =	sor.u32 $0x410, s9;
	[tilespmem:s26+$0xE100] =	vst v36  }
0x556: {  	s29 =	sor.u32 $0x410, s4;
	v28 =	vor.u32 v32, v28;
	v36 =	vor.u32 v42, v62;
	v34 =	vld.idx.msk [tilespmem:v57+s20+$0x0], $0xffff;
	[tilespmem:s28+$0xE100] =	vst v39  }
0x557: {  	s8 =	sor.u32 $0x410, s24;
	v63 =	vadd.s32 v0, v38;
	v36 =	vor.u32 v23, v36;
	v35 =	vld.idx.msk [tilespmem:v35+s20+$0x0], $0xffff;
	[tilespmem:s29+$0xE100] =	vst v59  }
0x558: {  	v28 =	vor.u32 v23, v28;
	[tilespmem:s8+$0xE100] =	vst v30;
	v30 =	vor.u32 v43, v63;
	v38 =	vld.idx.msk [tilespmem:v61+s20+$0x0], $0xffff  }
0x559: {  	[tilespmem:s2+$0xE100] =	vst v33;
	v27 =	vor.u32 v31, v27;
	s10 =	sor.u32 $0x430, s1;
	v26 =	vld.idx.msk [tilespmem:v26+s20+$0x0], $0xffff;
	v30 =	vor.u32 v23, v30  }
0x55a: {  	s11 =	sor.u32 $0x420, s5;
	v24 =	vld.idx.msk [tilespmem:v24+s20+$0x0], $0xffff;
	[tilespmem:s10+$0xE100] =	vst v25;
	v25 =	vor.u32 v23, v27  }
0x55b: {  	s12 =	sor.u32 $0x420, s9;
	v27 =	vld.idx.msk [tilespmem:v29+s20+$0x0], $0xffff;
	[tilespmem:s11+$0xE100] =	vst v34  }
0x55c: {  	s13 =	sor.u32 $0x420, s4;
	v29 =	vld.idx.msk [tilespmem:v36+s20+$0x0], $0xffff;
	[tilespmem:s12+$0xE100] =	vst v35  }
0x55d: {  	s14 =	sor.u32 $0x420, s24;
	v28 =	vld.idx.msk [tilespmem:v28+s20+$0x0], $0xffff;
	[tilespmem:s13+$0xE100] =	vst v38  }
0x55e: {  	s2 =	simm.s32 $0x0;
	[tilespmem:s14+$0xE100] =	vst v26;
	v26 =	vld.idx.msk [tilespmem:v30+s20+$0x0], $0xffff  }
0x55f: {  	[tilespmem:s3+$0xE100] =	vst v24;
	v24 =	vld.idx.msk [tilespmem:v25+s20+$0x0], $0xffff;
	v25 =	vmov s2  }
0x560: {  	s30 =	simm.s32 $0x2;
	s15 =	sor.u32 $0x430, s5;
	s16 =	simm.s32 $0x1;
	[tilespmem:s31+$0xE100] =	vst v27;
	v39 =	vshll.u32 v25, $0x7  }
0x561: {  	s17 =	sor.u32 $0x430, s9;
	v25 =	vshll.u32 v25, $0x8;
	v30 =	vmov s30;
	[tilespmem:s15+$0xE100] =	vst v29;
	v29 =	vmov s16  }
0x562: {  	s18 =	simm.s32 $0x3;
	s19 =	sor.u32 $0x430, s4;
	v27 =	vand.u32 $0x7800, v25;
	v40 =	vshll.u32 v30, $0x8;
	[tilespmem:s17+$0xE100] =	vst v28;
	v25 =	vshll.u32 v29, $0x7  }
0x563: {  	s22 =	sor.u32 $0x430, s24;
	v28 =	vmov s18;
	v29 =	vshll.u32 v29, $0x8;
	[tilespmem:s19+$0xE100] =	vst v26;
	v26 =	vshll.u32 v30, $0x7  }
0x564: {  	[tilespmem:s22+$0xE100] =	vst v24;
	v31 =	vshll.u32 v28, $0x8;
	v28 =	vshll.u32 v28, $0x7;
	v24 =	vand.u32 $0x7800, v29  }
0x565: {  	s24 =	simm.s32 $0x2;
	s23 =	simm.s32 $0xE100;
	v29 =	vand.u32 $0x280, v25;
	v25 =	vand.u32 $0x7800, v40;
	v30 =	vand.u32 $0x7800, v31;
	s0 =	rddreg [dreg:$0xe]  }
0x566: {  	v31 =	vand.u32 $0x380, v28;
	v28 =	vadd.s32 v21, v24;
	[hbm4b:s0+s2] =	stream.linear.scatter [tilespmem:s23], [sflag:$0x3], $0x7000, $0x38;
	v41 =	vadd.s32 v21, v30;
	[tilespmem:$0x1C100] =	vst v63  }
0x567: {  	v43 =	vadd.s32 v21, v25;
	v28 =	vor.u32 v29, v28;
	_ =	swait.ge [sflag:s24], $0x7000;
	v34 =	vor.u32 v31, v41  }
0x568: {  	v44 =	vor.u32 v20, v28;
	v28 =	vand.u32 $0x300, v26;
	[sflag:s24] =	ssyncset.done $0x0;
	v42 =	vor.u32 v20, v34  }
0x569: {  	s25 =	simm.s32 $0x4;
	v45 =	vadd.s32 v21, v27;
	v26 =	vand.u32 $0x200, v39;
	v34 =	vor.u32 v28, v43;
	[sflag:s24] =	ssyncadd.s32 $0xFFFF9000  }
0x56a: {  	v49 =	vadd.s32 v19, v27;
	v32 =	vor.u32 v26, v45;
	v34 =	vor.u32 v20, v34;
	_ =	swait.ge [sflag:s25], $0x7000  }
0x56b: {  	v55 =	vadd.s32 v17, v27;
	v59 =	vadd.s32 v14, v27;
	v32 =	vor.u32 v20, v32;
	[sflag:s25] =	ssyncset.done $0x0  }
0x56c: {  	v47 =	vadd.s32 v19, v24;
	v48 =	vadd.s32 v19, v25;
	v46 =	vadd.s32 v19, v30;
	[sflag:s25] =	ssyncadd.s32 $0xFFFF9000  }
0x56d: {  	v51 =	vadd.s32 v17, v24;
	v53 =	vadd.s32 v17, v25;
	v36 =	vor.u32 v31, v46;
	v33 =	vld.idx.msk [tilespmem:v42+s21+$0x0], $0xffff  }
0x56e: {  	v60 =	vadd.s32 v14, v24;
	v37 =	vor.u32 v29, v47;
	v36 =	vor.u32 v18, v36;
	v35 =	vld.idx.msk [tilespmem:v44+s21+$0x0], $0xffff  }
0x56f: {  	s26 =	simm.s32 $0x180;
	s28 =	sand.u32 $0x7800, s2;
	v63 =	vadd.s32 v14, v25;
	v37 =	vor.u32 v18, v37;
	v38 =	vor.u32 v28, v48;
	v34 =	vld.idx.msk [tilespmem:v34+s21+$0x0], $0xffff  }
0x570: {  	s31 =	simm.s32 $0x80;
	s29 =	sadd.s32 $0x15100, s28;
	s0 =	sand.u32 $0x380, s26;
	v50 =	vadd.s32 v17, v30;
	v39 =	vor.u32 v26, v49;
	v38 =	vor.u32 v18, v38;
	v32 =	vld.idx.msk [tilespmem:v32+s21+$0x0], $0xffff  }
0x571: {  	s6 =	simm.s32 $0x100;
	s5 =	sand.u32 $0x280, s31;
	v52 =	vor.u32 v29, v51;
	v58 =	vadd.s32 v14, v30;
	s1 =	sadd.s32 s0, s29;
	v39 =	vor.u32 v18, v39  }
0x572: {  	s7 =	simm.s32 $0x0;
	s3 =	sand.u32 $0x300, s6;
	v62 =	vor.u32 v29, v60;
	v47 =	vadd.s32 v9, v24;
	s0 =	sor.u32 s5, s29;
	v54 =	vor.u32 v16, v52;
	[tilespmem:s1+$0x0] =	vst v33  }
0x573: {  	s3 =	sadd.s32 s3, s29;
	s5 =	sand.u32 $0x200, s7;
	v46 =	vadd.s32 v9, v27;
	[tilespmem:s0+$0x0] =	vst v35;
	v33 =	vor.u32 v31, v50;
	v36 =	vld.idx.msk [tilespmem:v36+s21+$0x0], $0xffff  }
0x574: {  	v41 =	vor.u32 v29, v47;
	s8 =	sor.u32 s5, s29;
	v35 =	vld.idx.msk [tilespmem:v37+s21+$0x0], $0xffff;
	v33 =	vor.u32 v16, v33;
	[tilespmem:s3+$0x0] =	vst v34  }
0x575: {  	v47 =	vadd.s32 v1, v27;
	v57 =	vor.u32 v28, v53;
	[tilespmem:s8+$0x0] =	vst v32;
	v56 =	vld.idx.msk [tilespmem:v38+s21+$0x0], $0xffff  }
0x576: {  	v45 =	vadd.s32 v9, v30;
	v37 =	vor.u32 v26, v55;
	v39 =	vld.idx.msk [tilespmem:v39+s21+$0x0], $0xffff;
	v38 =	vor.u32 v16, v57  }
0x577: {  	v49 =	vadd.s32 v9, v25;
	v53 =	vadd.s32 v15, v30;
	v37 =	vor.u32 v16, v37  }
0x578: {  	v41 =	vor.u32 v6, v41;
	v40 =	vor.u32 v31, v45;
	v45 =	vor.u32 v31, v53;
	[tilespmem:s1+$0x10] =	vst v36  }
0x579: {  	v40 =	vor.u32 v6, v40;
	[tilespmem:s0+$0x10] =	vst v35;
	v36 =	vor.u32 v31, v58;
	v33 =	vld.idx.msk [tilespmem:v33+s21+$0x0], $0xffff  }
0x57a: {  	s9 =	simm.s32 $0x4;
	v44 =	vor.u32 v28, v63;
	v34 =	vld.idx.msk [tilespmem:v54+s21+$0x0], $0xffff;
	[tilespmem:s3+$0x10] =	vst v56;
	v61 =	vor.u32 v12, v36  }
0x57b: {  	v48 =	vmov s9;
	v42 =	vor.u32 v28, v49;
	[tilespmem:s8+$0x10] =	vst v39;
	v36 =	vor.u32 v12, v62;
	v38 =	vld.idx.msk [tilespmem:v38+s21+$0x0], $0xffff  }
0x57c: {  	v42 =	vor.u32 v6, v42;
	v35 =	vor.u32 v26, v59;
	v39 =	vor.u32 v12, v44;
	v37 =	vld.idx.msk [tilespmem:v37+s21+$0x0], $0xffff  }
0x57d: {  	v55 =	vadd.s32 v15, v24;
	v57 =	vadd.s32 v15, v25;
	v35 =	vor.u32 v12, v35  }
0x57e: {  	s10 =	simm.s32 $0x5;
	v59 =	vor.u32 v28, v57;
	v54 =	vadd.s32 v15, v27;
	v56 =	vor.u32 v13, v45;
	[tilespmem:s1+$0x20] =	vst v33  }
0x57f: {  	v43 =	vmov s10;
	v62 =	vadd.s32 v11, v30;
	v60 =	vor.u32 v26, v54;
	[tilespmem:s0+$0x20] =	vst v34;
	v32 =	vld.idx.msk [tilespmem:v61+s21+$0x0], $0xffff  }
0x580: {  	v52 =	vshll.u32 v48, $0x8;
	v53 =	vor.u32 v31, v62;
	v62 =	vadd.s32 v10, v30;
	v36 =	vld.idx.msk [tilespmem:v36+s21+$0x0], $0xffff;
	[tilespmem:s3+$0x20] =	vst v38  }
0x581: {  	v50 =	vshll.u32 v48, $0x7;
	v53 =	vor.u32 v7, v53;
	v33 =	vor.u32 v26, v46;
	[tilespmem:s8+$0x20] =	vst v37;
	v51 =	vld.idx.msk [tilespmem:v39+s21+$0x0], $0xffff  }
0x582: {  	v34 =	vand.u32 $0x200, v50;
	v46 =	vadd.s32 v3, v27;
	v50 =	vor.u32 v13, v60;
	v35 =	vld.idx.msk [tilespmem:v35+s21+$0x0], $0xffff  }
0x583: {  	v60 =	vadd.s32 v11, v25;
	v33 =	vor.u32 v6, v33;
	v38 =	vadd.s32 v0, v27  }
0x584: {  	v46 =	vor.u32 v26, v46;
	v39 =	vor.u32 v28, v60;
	v60 =	vadd.s32 v10, v24;
	[tilespmem:s1+$0x30] =	vst v32  }
0x585: {  	v45 =	vshll.u32 v43, $0x7;
	v46 =	vor.u32 v2, v46;
	v54 =	vor.u32 v29, v60;
	[tilespmem:s0+$0x30] =	vst v36;
	v40 =	vld.idx.msk [tilespmem:v40+s21+$0x0], $0xffff  }
0x586: {  	v32 =	vand.u32 $0x7800, v52;
	v36 =	vor.u32 v29, v55;
	v52 =	vadd.s32 v8, v27;
	[tilespmem:s3+$0x30] =	vst v51;
	v41 =	vld.idx.msk [tilespmem:v41+s21+$0x0], $0xffff  }
0x587: {  	[tilespmem:s8+$0x30] =	vst v35;
	v58 =	vor.u32 v13, v36;
	v36 =	vor.u32 v13, v59;
	v51 =	vadd.s32 v10, v27  }
0x588: {  	v27 =	vadd.s32 v11, v27;
	v37 =	vadd.s32 v17, v32;
	v49 =	vadd.s32 v21, v32;
	v42 =	vld.idx.msk [tilespmem:v42+s21+$0x0], $0xffff  }
0x589: {  	v35 =	vor.u32 v26, v38;
	v38 =	vor.u32 v26, v47;
	v61 =	vld.idx.msk [tilespmem:v33+s21+$0x0], $0xffff;
	v33 =	vadd.s32 v14, v32  }
0x58a: {  	v27 =	vor.u32 v26, v27;
	v51 =	vor.u32 v26, v51;
	v26 =	vor.u32 v26, v52  }
0x58b: {  	v52 =	vadd.s32 v8, v24;
	v49 =	vor.u32 v34, v49;
	v37 =	vor.u32 v34, v37;
	[tilespmem:s1+$0x40] =	vst v40  }
0x58c: {  	s11 =	simm.s32 $0x6;
	v38 =	vor.u32 v22, v38;
	[tilespmem:s0+$0x40] =	vst v41;
	v41 =	vshll.u32 v43, $0x8;
	v43 =	vadd.s32 v11, v24;
	v63 =	vld.idx.msk [tilespmem:v56+s21+$0x0], $0xffff  }
0x58d: {  	v44 =	vmov s11;
	v35 =	vor.u32 v23, v35;
	v55 =	vld.idx.msk [tilespmem:v58+s21+$0x0], $0xffff;
	[tilespmem:s3+$0x40] =	vst v42;
	v59 =	vor.u32 v29, v43  }
0x58e: {  	v48 =	vshll.u32 v44, $0x7;
	v27 =	vor.u32 v7, v27;
	[tilespmem:s8+$0x40] =	vst v61;
	v57 =	vor.u32 v7, v59;
	v61 =	vld.idx.msk [tilespmem:v36+s21+$0x0], $0xffff  }
0x58f: {  	v51 =	vor.u32 v5, v51;
	v33 =	vor.u32 v34, v33;
	v59 =	vor.u32 v7, v39;
	v50 =	vld.idx.msk [tilespmem:v50+s21+$0x0], $0xffff  }
0x590: {  	v49 =	vor.u32 v20, v49;
	v37 =	vor.u32 v16, v37;
	v33 =	vor.u32 v12, v33  }
0x591: {  	v40 =	vadd.s32 v19, v32;
	v56 =	vshll.u32 v44, $0x8;
	v44 =	vadd.s32 v1, v24;
	[tilespmem:s1+$0x50] =	vst v63  }
0x592: {  	v43 =	vadd.s32 v1, v25;
	v58 =	vadd.s32 v3, v25;
	[tilespmem:s0+$0x50] =	vst v55;
	v53 =	vld.idx.msk [tilespmem:v53+s21+$0x0], $0xffff  }
0x593: {  	v40 =	vor.u32 v34, v40;
	v63 =	vor.u32 v31, v62;
	v55 =	vld.idx.msk [tilespmem:v57+s21+$0x0], $0xffff;
	[tilespmem:s3+$0x50] =	vst v61  }
0x594: {  	v42 =	vand.u32 $0x7800, v41;
	v47 =	vor.u32 v5, v63;
	v61 =	vadd.s32 v10, v25;
	[tilespmem:s8+$0x50] =	vst v50;
	v57 =	vld.idx.msk [tilespmem:v59+s21+$0x0], $0xffff  }
0x595: {  	v41 =	vand.u32 $0x7800, v56;
	v50 =	vor.u32 v5, v54;
	v56 =	vor.u32 v28, v61;
	v27 =	vld.idx.msk [tilespmem:v27+s21+$0x0], $0xffff  }
0x596: {  	v39 =	vadd.s32 v0, v24;
	v36 =	vadd.s32 v0, v25;
	v56 =	vor.u32 v5, v56  }
0x597: {  	v54 =	vadd.s32 v3, v24;
	v25 =	vadd.s32 v8, v25;
	v24 =	vadd.s32 v8, v30;
	[tilespmem:s1+$0x60] =	vst v53  }
0x598: {  	s12 =	simm.s32 $0x7;
	v60 =	vor.u32 v31, v24;
	v24 =	vand.u32 $0x280, v45;
	v45 =	vor.u32 v4, v26;
	[tilespmem:s0+$0x60] =	vst v55  }
0x599: {  	v63 =	vmov s12;
	v26 =	vor.u32 v29, v52;
	v25 =	vor.u32 v28, v25;
	v47 =	vld.idx.msk [tilespmem:v47+s21+$0x0], $0xffff;
	[tilespmem:s3+$0x60] =	vst v57  }
0x59a: {  	v62 =	vor.u32 v4, v60;
	v53 =	vadd.s32 v21, v42;
	v50 =	vld.idx.msk [tilespmem:v50+s21+$0x0], $0xffff;
	[tilespmem:s8+$0x60] =	vst v27;
	v27 =	vshll.u32 v63, $0x8  }
0x59b: {  	v52 =	vld.idx.msk [tilespmem:v56+s21+$0x0], $0xffff;
	v56 =	vor.u32 v4, v26;
	v26 =	vand.u32 $0x7800, v27;
	v27 =	vshll.u32 v63, $0x7  }
0x59c: {  	v57 =	vor.u32 v4, v25;
	v51 =	vld.idx.msk [tilespmem:v51+s21+$0x0], $0xffff;
	v60 =	vadd.s32 v21, v26;
	v27 =	vand.u32 $0x380, v27  }
0x59d: {  	v49 =	vld.idx.msk [tilespmem:v49+s21+$0x0], $0xffff;
	v44 =	vor.u32 v29, v44;
	v25 =	vor.u32 v24, v53;
	v53 =	vor.u32 v27, v60  }
0x59e: {  	v59 =	vadd.s32 v21, v41;
	v60 =	vadd.s32 v3, v30;
	v61 =	vor.u32 v20, v53;
	[tilespmem:s1+$0x70] =	vst v47  }
0x59f: {  	s13 =	sand.u32 $0x7, s2;
	v47 =	vor.u32 v20, v25;
	v25 =	vand.u32 $0x300, v48;
	[tilespmem:s0+$0x70] =	vst v50;
	v55 =	vld.idx.msk [tilespmem:v62+s21+$0x0], $0xffff;
	v62 =	vor.u32 v31, v60  }
0x5a0: {  	p0 =	por $0x0, $0x0;
	s14 =	sshll.u32 s13, $0x7;
	v63 =	vor.u32 v25, v59;
	v56 =	vld.idx.msk [tilespmem:v56+s21+$0x0], $0xffff;
	[tilespmem:s3+$0x70] =	vst v52;
	v50 =	vor.u32 v2, v62  }
0x5a1: {  	s31 =	simm.s32 $0x200;
	s15 =	sand.u32 $0x3, s2;
	s0 =	sadd.s32 $0x0, s14;
	[tilespmem:s8+$0x70] =	vst v51;
	v59 =	vor.u32 v29, v54;
	v52 =	vor.u32 v20, v63;
	v53 =	vld.idx.msk [tilespmem:v57+s21+$0x0], $0xffff  }
0x5a2: {  	s5 =	simm.s32 $0x1;
	s9 =	simm.s32 $0x400;
	v40 =	vor.u32 v18, v40;
	v60 =	vor.u32 v28, v58;
	s4 =	sadd.s32 $0x180, s0;
	v45 =	vld.idx.msk [tilespmem:v45+s21+$0x0], $0xffff;
	v51 =	vor.u32 v2, v59  }
0x5a3: {  	s10 =	simm.s32 $0x380;
	v43 =	vor.u32 v28, v43;
	v44 =	vor.u32 v22, v44;
	s1 =	sshll.u32 s15, $0x8;
	v57 =	vor.u32 v2, v60;
	s16 =	sor.u32 $0x400, s4;
	v48 =	vld.idx.msk [tilespmem:v61+s21+$0x0], $0xffff  }
0x5a4: {  	s5 =	simm.s32 @!p0 $0x0;
	v58 =	vadd.s32 v19, v42;
	s1 =	sadd.s32 $0x0, s1;
	s3 =	sadd.s32 $0x80, s0;
	v60 =	vadd.s32 v19, v26;
	v47 =	vld.idx.msk [tilespmem:v47+s21+$0x0], $0xffff;
	[tilespmem:s16+$0x15100] =	vst v55  }
0x5a5: {  	s17 =	sshll.u32 s5, $0x9;
	s1 =	sadd.s32 $0x100, s1;
	s18 =	sor.u32 $0x400, s3;
	v58 =	vor.u32 v24, v58;
	v60 =	vor.u32 v27, v60;
	v61 =	vadd.s32 v1, v30;
	v50 =	vld.idx.msk [tilespmem:v50+s21+$0x0], $0xffff  }
0x5a6: {  	s23 =	sand.u32 $0x7800, s9;
	s0 =	sadd.s32 $0x0, s17;
	s19 =	sor.u32 $0x400, s1;
	v60 =	vor.u32 v18, v60;
	v61 =	vor.u32 v31, v61;
	[tilespmem:s18+$0x15100] =	vst v56;
	v52 =	vld.idx.msk [tilespmem:v52+s21+$0x0], $0xffff  }
0x5a7: {  	s24 =	sadd.s32 $0x15100, s23;
	s12 =	sand.u32 $0x200, s31;
	s22 =	sor.u32 $0x400, s0;
	v55 =	vadd.s32 v19, v41;
	v62 =	vor.u32 v22, v61;
	v51 =	vld.idx.msk [tilespmem:v51+s21+$0x0], $0xffff;
	[tilespmem:s19+$0x15100] =	vst v53  }
0x5a8: {  	s25 =	sand.u32 $0x380, s10;
	v63 =	vor.u32 v18, v58;
	s16 =	sor.u32 s12, s24;
	v55 =	vor.u32 v25, v55;
	[tilespmem:s22+$0x15100] =	vst v45;
	v45 =	vld.idx.msk [tilespmem:v57+s21+$0x0], $0xffff  }
0x5a9: {  	s26 =	simm.s32 $0x280;
	v43 =	vor.u32 v22, v43;
	s18 =	sadd.s32 s25, s24;
	[tilespmem:s16+$0x0] =	vst v49;
	v55 =	vor.u32 v18, v55;
	v46 =	vld.idx.msk [tilespmem:v46+s21+$0x0], $0xffff  }
0x5aa: {  	s28 =	simm.s32 $0x300;
	s5 =	sand.u32 $0x280, s26;
	v54 =	vadd.s32 v17, v42;
	v29 =	vor.u32 v29, v39;
	s29 =	sor.u32 $0x410, s4;
	v40 =	vld.idx.msk [tilespmem:v40+s21+$0x0], $0xffff;
	[tilespmem:s18+$0x0] =	vst v48  }
0x5ab: {  	s7 =	sand.u32 $0x300, s28;
	s17 =	sor.u32 s5, s24;
	v28 =	vor.u32 v28, v36;
	v36 =	vadd.s32 v0, v32;
	v48 =	vld.idx.msk [tilespmem:v60+s21+$0x0], $0xffff;
	[tilespmem:s29+$0x15100] =	vst v50  }
0x5ac: {  	v59 =	vadd.s32 v17, v41;
	s19 =	sadd.s32 s7, s24;
	v60 =	vadd.s32 v17, v26;
	[tilespmem:s17+$0x0] =	vst v47;
	v50 =	vld.idx.msk [tilespmem:v62+s21+$0x0], $0xffff  }
0x5ad: {  	s13 =	sor.u32 $0x410, s3;
	v30 =	vadd.s32 v0, v30;
	v61 =	vor.u32 v27, v60;
	[tilespmem:s19+$0x0] =	vst v52;
	v62 =	vld.idx.msk [tilespmem:v63+s21+$0x0], $0xffff  }
0x5ae: {  	s14 =	sor.u32 $0x410, s1;
	v30 =	vor.u32 v31, v30;
	v47 =	vor.u32 v16, v61;
	[tilespmem:s13+$0x15100] =	vst v51;
	v63 =	vld.idx.msk [tilespmem:v55+s21+$0x0], $0xffff  }
0x5af: {  	v31 =	vor.u32 v24, v54;
	v30 =	vor.u32 v23, v30;
	v44 =	vld.idx.msk [tilespmem:v44+s21+$0x0], $0xffff;
	[tilespmem:s14+$0x15100] =	vst v45  }
0x5b0: {  	v31 =	vor.u32 v16, v31;
	v56 =	vor.u32 v25, v59;
	s22 =	sor.u32 $0x410, s0;
	[tilespmem:s16+$0x10] =	vst v40;
	v39 =	vld.idx.msk [tilespmem:v43+s21+$0x0], $0xffff  }
0x5b1: {  	v29 =	vor.u32 v23, v29;
	v57 =	vor.u32 v16, v56;
	[tilespmem:s22+$0x15100] =	vst v46;
	v37 =	vld.idx.msk [tilespmem:v37+s21+$0x0], $0xffff  }
0x5b2: {  	s15 =	sor.u32 $0x420, s4;
	v28 =	vor.u32 v23, v28;
	v54 =	vadd.s32 v9, v42;
	v38 =	vld.idx.msk [tilespmem:v38+s21+$0x0], $0xffff;
	[tilespmem:s18+$0x10] =	vst v48  }
0x5b3: {  	v59 =	vadd.s32 v14, v26;
	v53 =	vadd.s32 v9, v26;
	v58 =	vld.idx.msk [tilespmem:v47+s21+$0x0], $0xffff;
	[tilespmem:s15+$0x15100] =	vst v50  }
0x5b4: {  	v49 =	vadd.s32 v1, v32;
	v60 =	vadd.s32 v14, v42;
	[tilespmem:s17+$0x10] =	vst v62;
	v30 =	vld.idx.msk [tilespmem:v30+s21+$0x0], $0xffff  }
0x5b5: {  	s23 =	sor.u32 $0x420, s3;
	v56 =	vor.u32 v24, v54;
	v61 =	vor.u32 v24, v60;
	[tilespmem:s19+$0x10] =	vst v63;
	v31 =	vld.idx.msk [tilespmem:v31+s21+$0x0], $0xffff  }
0x5b6: {  	v45 =	vor.u32 v27, v59;
	v40 =	vor.u32 v12, v61;
	[tilespmem:s23+$0x15100] =	vst v44;
	v62 =	vld.idx.msk [tilespmem:v57+s21+$0x0], $0xffff  }
0x5b7: {  	s25 =	sor.u32 $0x420, s1;
	v45 =	vor.u32 v12, v45;
	v63 =	vadd.s32 v14, v41;
	v29 =	vld.idx.msk [tilespmem:v29+s21+$0x0], $0xffff;
	[tilespmem:s16+$0x20] =	vst v37  }
0x5b8: {  	s26 =	sor.u32 $0x420, s0;
	s29 =	simm.s32 $0xA;
	v48 =	vor.u32 v25, v63;
	v37 =	vor.u32 v6, v56;
	[tilespmem:s25+$0x15100] =	vst v39;
	v33 =	vld.idx.msk [tilespmem:v33+s21+$0x0], $0xffff  }
0x5b9: {  	[tilespmem:s26+$0x15100] =	vst v38;
	v63 =	vmov s29;
	v38 =	vadd.s32 v3, v32;
	v51 =	vor.u32 v12, v48;
	v61 =	vld.idx.msk [tilespmem:v28+s21+$0x0], $0xffff  }
0x5ba: {  	v35 =	vld.idx.msk [tilespmem:v35+s21+$0x0], $0xffff;
	v28 =	vadd.s32 v15, v26;
	v46 =	vshll.u32 v63, $0x7;
	v48 =	vshll.u32 v63, $0x8  }
0x5bb: {  	v63 =	vadd.s32 v11, v41;
	v50 =	vor.u32 v27, v28;
	[tilespmem:s18+$0x20] =	vst v58;
	v58 =	vadd.s32 v9, v41  }
0x5bc: {  	v52 =	vld.idx.msk [tilespmem:v45+s21+$0x0], $0xffff;
	v45 =	vor.u32 v25, v58;
	[tilespmem:s17+$0x20] =	vst v31;
	v31 =	vor.u32 v27, v53  }
0x5bd: {  	s28 =	simm.s32 $0x9;
	s4 =	sor.u32 $0x430, s4;
	v58 =	vadd.s32 v15, v41;
	[tilespmem:s19+$0x20] =	vst v62;
	v40 =	vld.idx.msk [tilespmem:v40+s21+$0x0], $0xffff;
	v55 =	vor.u32 v6, v31  }
0x5be: {  	s3 =	sor.u32 $0x430, s3;
	[tilespmem:s4+$0x15100] =	vst v30;
	v30 =	vadd.s32 v9, v32;
	v45 =	vor.u32 v6, v45;
	v62 =	vmov s28;
	v57 =	vld.idx.msk [tilespmem:v51+s21+$0x0], $0xffff  }
0x5bf: {  	s24 =	simm.s32 $0x8;
	[tilespmem:s3+$0x15100] =	vst v29;
	v29 =	vadd.s32 v15, v32;
	v39 =	vor.u32 v25, v58;
	v30 =	vor.u32 v34, v30  }
0x5c0: {  	v31 =	vmov s24;
	v51 =	vadd.s32 v15, v42;
	[tilespmem:s16+$0x30] =	vst v33;
	v30 =	vor.u32 v6, v30  }
0x5c1: {  	v54 =	vshll.u32 v62, $0x7;
	v29 =	vor.u32 v34, v29;
	v47 =	vshll.u32 v62, $0x8;
	[tilespmem:s18+$0x30] =	vst v52  }
0x5c2: {  	v62 =	vadd.s32 v11, v42;
	v59 =	vshll.u32 v31, $0x7;
	v29 =	vor.u32 v13, v29;
	v44 =	vld.idx.msk [tilespmem:v55+s21+$0x0], $0xffff;
	[tilespmem:s17+$0x30] =	vst v40  }
0x5c3: {  	s0 =	sor.u32 $0x430, s0;
	v60 =	vshll.u32 v31, $0x8;
	[tilespmem:s19+$0x30] =	vst v57;
	v40 =	vor.u32 v13, v50;
	v57 =	vor.u32 v24, v51;
	v37 =	vld.idx.msk [tilespmem:v37+s21+$0x0], $0xffff  }
0x5c4: {  	[tilespmem:s0+$0x15100] =	vst v35;
	v31 =	vand.u32 $0x200, v59;
	v28 =	vand.u32 $0x7800, v60;
	v43 =	vld.idx.msk [tilespmem:v45+s21+$0x0], $0xffff;
	v33 =	vor.u32 v13, v57  }
0x5c5: {  	s1 =	sor.u32 $0x430, s1;
	v59 =	vor.u32 v13, v39;
	v60 =	vadd.s32 v11, v26;
	v35 =	vadd.s32 v14, v28;
	v30 =	vld.idx.msk [tilespmem:v30+s21+$0x0], $0xffff  }
0x5c6: {  	[tilespmem:s1+$0x15100] =	vst v61;
	v39 =	vadd.s32 v17, v28;
	v61 =	vor.u32 v27, v60;
	v56 =	vadd.s32 v21, v28  }
0x5c7: {  	v50 =	vadd.s32 v10, v32;
	v55 =	vadd.s32 v8, v32;
	v32 =	vadd.s32 v11, v32;
	[tilespmem:s18+$0x40] =	vst v44  }
0x5c8: {  	v32 =	vor.u32 v34, v32;
	v45 =	vor.u32 v34, v38;
	v40 =	vld.idx.msk [tilespmem:v40+s21+$0x0], $0xffff;
	[tilespmem:s17+$0x40] =	vst v37  }
0x5c9: {  	v38 =	vand.u32 $0x7800, v48;
	v48 =	vadd.s32 v3, v42;
	v50 =	vor.u32 v34, v50;
	[tilespmem:s19+$0x40] =	vst v43;
	v43 =	vld.idx.msk [tilespmem:v33+s21+$0x0], $0xffff  }
0x5ca: {  	v37 =	vor.u32 v7, v61;
	[tilespmem:s16+$0x40] =	vst v30;
	v30 =	vor.u32 v24, v62;
	v60 =	vld.idx.msk [tilespmem:v59+s21+$0x0], $0xffff  }
0x5cb: {  	v58 =	vor.u32 v7, v32;
	v61 =	vor.u32 v7, v30;
	v30 =	vor.u32 v25, v63;
	v53 =	vld.idx.msk [tilespmem:v29+s21+$0x0], $0xffff  }
0x5cc: {  	v32 =	vor.u32 v34, v49;
	v44 =	vadd.s32 v19, v28;
	v57 =	vor.u32 v7, v30  }
0x5cd: {  	v62 =	vadd.s32 v10, v26;
	v29 =	vor.u32 v34, v36;
	v33 =	vadd.s32 v0, v42;
	[tilespmem:s18+$0x50] =	vst v40  }
0x5ce: {  	v36 =	vadd.s32 v1, v41;
	v63 =	vor.u32 v27, v62;
	v62 =	vor.u32 v34, v55;
	[tilespmem:s17+$0x50] =	vst v43  }
0x5cf: {  	v59 =	vor.u32 v5, v63;
	v49 =	vld.idx.msk [tilespmem:v37+s21+$0x0], $0xffff;
	v37 =	vand.u32 $0x7800, v47;
	v47 =	vadd.s32 v10, v42;
	[tilespmem:s19+$0x50] =	vst v60  }
0x5d0: {  	p0 =	por !p0, !p0;
	s31 =	sand.u32 $0x3, s30;
	s0 =	simm.s32 $0x1;
	[tilespmem:s16+$0x50] =	vst v53;
	v53 =	vadd.s32 v10, v41;
	v60 =	vld.idx.msk [tilespmem:v61+s21+$0x0], $0xffff;
	v43 =	vor.u32 v24, v47  }
0x5d1: {  	s1 =	sshll.u32 s31, $0x8;
	s0 =	simm.s32 @!p0 $0x0;
	v30 =	vadd.s32 v0, v41;
	v57 =	vld.idx.msk [tilespmem:v57+s21+$0x0], $0xffff;
	v63 =	vor.u32 v25, v53;
	v61 =	vor.u32 v5, v43  }
0x5d2: {  	s1 =	sadd.s32 $0x400, s1;
	s0 =	sshll.u32 s0, $0x9;
	v40 =	vadd.s32 v1, v42;
	v42 =	vadd.s32 v8, v42;
	v51 =	vld.idx.msk [tilespmem:v58+s21+$0x0], $0xffff;
	v52 =	vor.u32 v5, v63  }
0x5d3: {  	s4 =	simm.s32 $0xB;
	s1 =	sadd.s32 $0x100, s1;
	s0 =	sadd.s32 $0x400, s0;
	v47 =	vadd.s32 v3, v41;
	v53 =	vor.u32 v5, v50;
	v58 =	vor.u32 v31, v56  }
0x5d4: {  	s25 =	sor.u32 $0x400, s1;
	s12 =	sor.u32 $0x410, s1;
	s8 =	sor.u32 $0x420, s1;
	v56 =	vadd.s32 v21, v37;
	v43 =	vadd.s32 v8, v41;
	v41 =	vadd.s32 v8, v26;
	[tilespmem:s18+$0x60] =	vst v49  }
0x5d5: {  	s3 =	sor.u32 $0x430, s1;
	s1 =	simm.s32 $0xC;
	s23 =	sor.u32 $0x400, s0;
	v50 =	vadd.s32 v21, v38;
	v63 =	vor.u32 v27, v41;
	v55 =	vld.idx.msk [tilespmem:v59+s21+$0x0], $0xffff;
	[tilespmem:s17+$0x60] =	vst v60  }
0x5d6: {  	s11 =	sor.u32 $0x410, s0;
	s7 =	sor.u32 $0x420, s0;
	s0 =	sor.u32 $0x430, s0;
	v34 =	vand.u32 $0x280, v54;
	v49 =	vor.u32 v4, v62;
	[tilespmem:s19+$0x60] =	vst v57;
	v57 =	vor.u32 v4, v63;
	v54 =	vld.idx.msk [tilespmem:v61+s21+$0x0], $0xffff  }
.LBB2_14:
0x5d7: {  	p1 =	slt.u32 s1, $0x6C;
	v58 =	vor.u32 v20, v58;
	v59 =	vmov s4;
	[tilespmem:s16+$0x60] =	vst v51;
	v60 =	vor.u32 v24, v42;
	v51 =	vld.idx.msk [tilespmem:v52+s21+$0x0], $0xffff;
	v41 =	vmovc v31  }
0x5d8: {  	v42 =	vmovc v37;
	v31 =	vshll.u32 v59, $0x8;
	v52 =	vld.idx.msk [tilespmem:v53+s21+$0x0], $0xffff;
	v53 =	vor.u32 v4, v60;
	v60 =	vor.u32 v25, v43  }
0x5d9: {  	v43 =	vmovc v38;
	v37 =	vand.u32 $0x7800, v31;
	v31 =	vshll.u32 v59, $0x7;
	v59 =	vor.u32 v4, v60  }
0x5da: {  	v38 =	vor.u32 v34, v56;
	v56 =	vadd.s32 v21, v37;
	v60 =	vand.u32 $0x380, v31;
	[tilespmem:s18+$0x70] =	vst v55  }
0x5db: {  	s2 =	sadd.s32 $0x4, s2;
	v38 =	vor.u32 v20, v38;
	v55 =	vor.u32 v60, v56;
	v56 =	vld.idx.msk [tilespmem:v57+s21+$0x0], $0xffff;
	v57 =	vadd.s32 v3, v26  }
0x5dc: {  	s4 =	sand.u32 $0x7, s2;
	v31 =	vand.u32 $0x300, v46;
	v58 =	vld.idx.msk [tilespmem:v58+s21+$0x0], $0xffff;
	v46 =	vor.u32 v20, v55;
	[tilespmem:s17+$0x70] =	vst v54;
	v54 =	vor.u32 v27, v57  }
0x5dd: {  	s4 =	sshll.u32 s4, $0x7;
	v50 =	vor.u32 v31, v50;
	v53 =	vld.idx.msk [tilespmem:v53+s21+$0x0], $0xffff;
	[tilespmem:s19+$0x70] =	vst v51;
	v51 =	vor.u32 v2, v54  }
0x5de: {  	v48 =	vor.u32 v24, v48;
	s30 =	sadd.s32 $0x2, s30;
	s4 =	sadd.s32 s9, s4;
	v50 =	vor.u32 v20, v50;
	[tilespmem:s16+$0x70] =	vst v52;
	v52 =	vld.idx.msk [tilespmem:v59+s21+$0x0], $0xffff  }
0x5df: {  	v47 =	vor.u32 v25, v47;
	p0 =	por !p0, !p0;
	v48 =	vor.u32 v2, v48;
	s5 =	sadd.s32 $0x80, s4;
	s13 =	sadd.s32 $0x180, s4;
	v54 =	vadd.s32 v17, v42;
	v49 =	vld.idx.msk [tilespmem:v49+s21+$0x0], $0xffff  }
0x5e0: {  	v47 =	vor.u32 v2, v47;
	v55 =	vadd.s32 v19, v42;
	v57 =	vadd.s32 v17, v43;
	s6 =	sor.u32 $0x400, s5;
	s22 =	sor.u32 $0x410, s5;
	s15 =	sor.u32 $0x400, s13;
	v38 =	vld.idx.msk [tilespmem:v38+s21+$0x0], $0xffff  }
0x5e1: {  	v45 =	vor.u32 v2, v45;
	s14 =	sor.u32 $0x420, s5;
	s4 =	sor.u32 $0x430, s5;
	v59 =	vadd.s32 v19, v37;
	v46 =	vld.idx.msk [tilespmem:v46+s21+$0x0], $0xffff;
	[tilespmem:s15+$0x15100] =	vst v56;
	s15 =	simm.s32 $0x1  }
0x5e2: {  	v61 =	vadd.s32 v1, v26;
	s5 =	sand.u32 $0x3, s30;
	v59 =	vor.u32 v60, v59;
	v56 =	vadd.s32 v19, v43;
	s15 =	simm.s32 @!p0 $0x0;
	v51 =	vld.idx.msk [tilespmem:v51+s21+$0x0], $0xffff  }
0x5e3: {  	s9 =	sadd.s32 $0x400, s9;
	s5 =	sshll.u32 s5, $0x8;
	v59 =	vor.u32 v18, v59;
	s15 =	sshll.u32 s15, $0x9;
	v50 =	vld.idx.msk [tilespmem:v50+s21+$0x0], $0xffff;
	[tilespmem:s6+$0x15100] =	vst v53;
	v53 =	vor.u32 v27, v61  }
0x5e4: {  	s10 =	sadd.s32 $0x200, s10;
	v55 =	vor.u32 v34, v55;
	s5 =	sadd.s32 s9, s5;
	s6 =	sand.u32 $0x7800, s9;
	v48 =	vld.idx.msk [tilespmem:v48+s21+$0x0], $0xffff;
	[tilespmem:s25+$0x15100] =	vst v52;
	v52 =	vor.u32 v22, v53  }
0x5e5: {  	s17 =	sand.u32 $0x380, s10;
	s16 =	sadd.s32 $0xFFFFFE80, s10;
	s6 =	sadd.s32 $0x15100, s6;
	v53 =	vor.u32 v18, v55;
	v55 =	vor.u32 v31, v56;
	[tilespmem:s23+$0x15100] =	vst v49;
	v47 =	vld.idx.msk [tilespmem:v47+s21+$0x0], $0xffff  }
0x5e6: {  	v40 =	vor.u32 v24, v40;
	v44 =	vor.u32 v41, v44;
	s19 =	sadd.s32 $0xFFFFFF00, s10;
	s23 =	sadd.s32 $0xFFFFFF80, s10;
	v49 =	vor.u32 v18, v55;
	s18 =	sadd.s32 s17, s6;
	v45 =	vld.idx.msk [tilespmem:v45+s21+$0x0], $0xffff  }
0x5e7: {  	v36 =	vor.u32 v25, v36;
	v40 =	vor.u32 v22, v40;
	v44 =	vor.u32 v18, v44;
	s16 =	sand.u32 $0x200, s16;
	s17 =	sand.u32 $0x280, s19;
	s19 =	sor.u32 $0x410, s13;
	[tilespmem:s18+$0x0] =	vst v46  }
0x5e8: {  	v36 =	vor.u32 v22, v36;
	s16 =	sor.u32 s16, s6;
	v55 =	vadd.s32 v17, v37;
	s17 =	sor.u32 s17, s6;
	s23 =	sand.u32 $0x300, s23;
	v46 =	vld.idx.msk [tilespmem:v59+s21+$0x0], $0xffff;
	[tilespmem:s19+$0x15100] =	vst v51  }
0x5e9: {  	s15 =	sadd.s32 s15, s9;
	s19 =	sadd.s32 s23, s6;
	s6 =	sadd.s32 $0x100, s5;
	[tilespmem:s17+$0x0] =	vst v38;
	v38 =	vor.u32 v60, v55;
	v51 =	vld.idx.msk [tilespmem:v52+s21+$0x0], $0xffff;
	v52 =	vadd.s32 v0, v26;
	v26 =	vmov v37  }
0x5ea: {  	s23 =	sor.u32 $0x400, s15;
	s25 =	sor.u32 $0x400, s6;
	s26 =	sor.u32 $0x410, s6;
	v37 =	vld.idx.msk [tilespmem:v53+s21+$0x0], $0xffff;
	[tilespmem:s19+$0x0] =	vst v50;
	v38 =	vor.u32 v16, v38;
	v50 =	vor.u32 v27, v52;
	v27 =	vmov v60  }
0x5eb: {  	s28 =	sor.u32 $0x410, s15;
	s5 =	sor.u32 $0x420, s15;
	s24 =	sor.u32 $0x420, s6;
	v52 =	vor.u32 v34, v54;
	[tilespmem:s16+$0x0] =	vst v58;
	v49 =	vld.idx.msk [tilespmem:v49+s21+$0x0], $0xffff;
	v50 =	vor.u32 v23, v50  }
0x5ec: {  	s15 =	sor.u32 $0x430, s15;
	s6 =	sor.u32 $0x430, s6;
	v53 =	vor.u32 v31, v57;
	v52 =	vor.u32 v16, v52;
	v44 =	vld.idx.msk [tilespmem:v44+s21+$0x0], $0xffff;
	[tilespmem:s22+$0x15100] =	vst v48  }
0x5ed: {  	v39 =	vor.u32 v41, v39;
	v48 =	vor.u32 v16, v53;
	v40 =	vld.idx.msk [tilespmem:v40+s21+$0x0], $0xffff;
	[tilespmem:s12+$0x15100] =	vst v47;
	s12 =	smov.u32 s26  }
0x5ee: {  	v33 =	vor.u32 v24, v33;
	v24 =	vmov v34;
	v39 =	vor.u32 v16, v39;
	s22 =	sor.u32 $0x420, s13;
	[tilespmem:s18+$0x10] =	vst v46;
	v36 =	vld.idx.msk [tilespmem:v36+s21+$0x0], $0xffff  }
0x5ef: {  	v32 =	vor.u32 v22, v32;
	v34 =	vld.idx.msk [tilespmem:v38+s21+$0x0], $0xffff;
	v38 =	vadd.s32 v14, v26;
	[tilespmem:s22+$0x15100] =	vst v51  }
0x5f0: {  	v33 =	vor.u32 v23, v33;
	[tilespmem:s17+$0x10] =	vst v37;
	v37 =	vor.u32 v27, v38;
	v38 =	vld.idx.msk [tilespmem:v50+s21+$0x0], $0xffff  }
0x5f1: {  	v47 =	vadd.s32 v14, v42;
	v46 =	vld.idx.msk [tilespmem:v52+s21+$0x0], $0xffff;
	[tilespmem:s19+$0x10] =	vst v49;
	v37 =	vor.u32 v12, v37  }
0x5f2: {  	[tilespmem:s16+$0x10] =	vst v44;
	v44 =	vor.u32 v24, v47;
	v47 =	vld.idx.msk [tilespmem:v48+s21+$0x0], $0xffff;
	v48 =	vadd.s32 v14, v43  }
0x5f3: {  	v39 =	vld.idx.msk [tilespmem:v39+s21+$0x0], $0xffff;
	v44 =	vor.u32 v12, v44;
	v48 =	vor.u32 v31, v48;
	[tilespmem:s11+$0x15100] =	vst v45;
	s11 =	smov.u32 s28  }
0x5f4: {  	v35 =	vor.u32 v41, v35;
	v45 =	vor.u32 v12, v48;
	v32 =	vld.idx.msk [tilespmem:v32+s21+$0x0], $0xffff;
	[tilespmem:s14+$0x15100] =	vst v40  }
0x5f5: {  	v30 =	vor.u32 v25, v30;
	v35 =	vor.u32 v12, v35;
	v25 =	vmov v31;
	s13 =	sor.u32 $0x430, s13;
	[tilespmem:s18+$0x20] =	vst v34;
	v33 =	vld.idx.msk [tilespmem:v33+s21+$0x0], $0xffff  }
0x5f6: {  	v30 =	vor.u32 v23, v30;
	v34 =	vadd.s32 v9, v26;
	v31 =	vld.idx.msk [tilespmem:v37+s21+$0x0], $0xffff;
	[tilespmem:s13+$0x15100] =	vst v38  }
0x5f7: {  	v29 =	vor.u32 v23, v29;
	v37 =	vadd.s32 v9, v28;
	v34 =	vor.u32 v27, v34;
	[tilespmem:s17+$0x20] =	vst v46  }
0x5f8: {  	v40 =	vadd.s32 v9, v42;
	v34 =	vor.u32 v6, v34;
	v38 =	vld.idx.msk [tilespmem:v44+s21+$0x0], $0xffff;
	[tilespmem:s19+$0x20] =	vst v47  }
0x5f9: {  	v44 =	vmov s1;
	[tilespmem:s16+$0x20] =	vst v39;
	v39 =	vor.u32 v24, v40;
	v40 =	vld.idx.msk [tilespmem:v45+s21+$0x0], $0xffff;
	v45 =	vadd.s32 v9, v43  }
0x5fa: {  	v46 =	vshll.u32 v44, $0x7;
	v35 =	vld.idx.msk [tilespmem:v35+s21+$0x0], $0xffff;
	v39 =	vor.u32 v6, v39;
	v45 =	vor.u32 v25, v45;
	[tilespmem:s8+$0x15100] =	vst v36;
	s8 =	smov.u32 s24  }
0x5fb: {  	s14 =	sadd.s32 $0x2, s1;
	s13 =	sadd.s32 $0x1, s1;
	v37 =	vor.u32 v41, v37;
	v36 =	vshll.u32 v44, $0x8;
	v44 =	vor.u32 v6, v45;
	[tilespmem:s7+$0x15100] =	vst v32;
	v30 =	vld.idx.msk [tilespmem:v30+s21+$0x0], $0xffff;
	s7 =	smov.u32 s5  }
0x5fc: {  	v37 =	vor.u32 v6, v37;
	v32 =	vmov s13;
	v45 =	vmov s14;
	[tilespmem:s18+$0x30] =	vst v31;
	v29 =	vld.idx.msk [tilespmem:v29+s21+$0x0], $0xffff  }
0x5fd: {  	v47 =	vadd.s32 v0, v28;
	v31 =	vand.u32 $0x200, v46;
	v46 =	vadd.s32 v15, v26;
	v34 =	vld.idx.msk [tilespmem:v34+s21+$0x0], $0xffff;
	[tilespmem:s4+$0x15100] =	vst v33  }
0x5fe: {  	v48 =	vadd.s32 v1, v28;
	v33 =	vadd.s32 v15, v28;
	[tilespmem:s17+$0x30] =	vst v38;
	v38 =	vor.u32 v27, v46  }
0x5ff: {  	v36 =	vand.u32 $0x7800, v36;
	v49 =	vld.idx.msk [tilespmem:v39+s21+$0x0], $0xffff;
	v39 =	vadd.s32 v15, v42;
	[tilespmem:s19+$0x30] =	vst v40;
	v38 =	vor.u32 v13, v38  }
0x600: {  	v54 =	vshll.u32 v32, $0x7;
	[tilespmem:s16+$0x30] =	vst v35;
	v35 =	vor.u32 v24, v39;
	v40 =	vld.idx.msk [tilespmem:v44+s21+$0x0], $0xffff;
	v39 =	vadd.s32 v15, v43  }
0x601: {  	v46 =	vshll.u32 v45, $0x7;
	v37 =	vld.idx.msk [tilespmem:v37+s21+$0x0], $0xffff;
	v50 =	vor.u32 v13, v35;
	v35 =	vor.u32 v25, v39;
	[tilespmem:s3+$0x15100] =	vst v30;
	s3 =	smov.u32 s6  }
0x602: {  	v51 =	vadd.s32 v3, v28;
	v30 =	vor.u32 v41, v33;
	v33 =	vor.u32 v13, v35;
	[tilespmem:s0+$0x15100] =	vst v29;
	s0 =	smov.u32 s15  }
0x603: {  	v55 =	vadd.s32 v8, v28;
	v52 =	vadd.s32 v10, v28;
	v29 =	vor.u32 v13, v30;
	[tilespmem:s18+$0x40] =	vst v34  }
0x604: {  	v28 =	vadd.s32 v11, v28;
	v35 =	vadd.s32 v14, v36;
	v30 =	vadd.s32 v11, v26;
	v34 =	vld.idx.msk [tilespmem:v38+s21+$0x0], $0xffff  }
0x605: {  	v44 =	vadd.s32 v19, v36;
	v39 =	vadd.s32 v17, v36;
	v30 =	vor.u32 v27, v30;
	[tilespmem:s17+$0x40] =	vst v49  }
0x606: {  	v38 =	vshll.u32 v32, $0x8;
	v32 =	vadd.s32 v11, v42;
	v49 =	vld.idx.msk [tilespmem:v50+s21+$0x0], $0xffff;
	[tilespmem:s19+$0x40] =	vst v40;
	v50 =	vor.u32 v7, v30  }
0x607: {  	v53 =	vshll.u32 v45, $0x8;
	v30 =	vor.u32 v24, v32;
	v32 =	vadd.s32 v11, v43;
	[tilespmem:s16+$0x40] =	vst v37;
	v56 =	vld.idx.msk [tilespmem:v33+s21+$0x0], $0xffff  }
0x608: {  	v57 =	vadd.s32 v21, v36;
	v59 =	vor.u32 v7, v30;
	v30 =	vor.u32 v25, v32;
	v58 =	vld.idx.msk [tilespmem:v29+s21+$0x0], $0xffff  }
0x609: {  	v32 =	vor.u32 v41, v28;
	v28 =	vmovc v36;
	v29 =	vor.u32 v41, v47;
	v47 =	vor.u32 v7, v30  }
0x60a: {  	v33 =	vadd.s32 v0, v42;
	v60 =	vor.u32 v7, v32;
	v30 =	vadd.s32 v0, v43;
	[tilespmem:s18+$0x50] =	vst v34  }
0x60b: {  	v40 =	vadd.s32 v1, v42;
	v37 =	vadd.s32 v10, v26;
	v32 =	vor.u32 v41, v48;
	v34 =	vld.idx.msk [tilespmem:v50+s21+$0x0], $0xffff  }
0x60c: {  	v45 =	vor.u32 v41, v51;
	v36 =	vadd.s32 v1, v43;
	v48 =	vor.u32 v27, v37;
	[tilespmem:s17+$0x50] =	vst v49  }
0x60d: {  	v37 =	vand.u32 $0x7800, v38;
	v50 =	vadd.s32 v10, v42;
	v49 =	vld.idx.msk [tilespmem:v59+s21+$0x0], $0xffff;
	[tilespmem:s19+$0x50] =	vst v56;
	v56 =	vor.u32 v5, v48  }
0x60e: {  	v38 =	vand.u32 $0x7800, v53;
	v48 =	vor.u32 v24, v50;
	[tilespmem:s16+$0x50] =	vst v58;
	v59 =	vld.idx.msk [tilespmem:v47+s21+$0x0], $0xffff;
	v47 =	vadd.s32 v10, v43  }
0x60f: {  	v51 =	vld.idx.msk [tilespmem:v60+s21+$0x0], $0xffff;
	v60 =	vor.u32 v5, v48;
	v48 =	vadd.s32 v3, v42;
	v47 =	vor.u32 v25, v47  }
.Ltmp6:
0x610: {  	v50 =	vor.u32 v41, v52;
	v52 =	vor.u32 v5, v47;
	v47 =	vadd.s32 v3, v43;
	(pc) =	sbr.rel @p1 .LBB2_14-.Ltmp6, $4  }
0x611: {  	v41 =	vor.u32 v41, v55;
	v53 =	vor.u32 v5, v50;
	v42 =	vadd.s32 v8, v42;
	[tilespmem:s18+$0x60] =	vst v34  }
0x612: {  	v58 =	vor.u32 v31, v57;
	v43 =	vadd.s32 v8, v43;
	v34 =	vadd.s32 v8, v26;
	v55 =	vld.idx.msk [tilespmem:v56+s21+$0x0], $0xffff  }
0x613: {  	v50 =	vadd.s32 v21, v38;
	v56 =	vadd.s32 v21, v37;
	v57 =	vor.u32 v27, v34;
	[tilespmem:s17+$0x60] =	vst v49  }
0x614: {  	s4 =	sadd.s32 $0x3, s1;
	s1 =	sadd.s32 $0x4, s1;
	v34 =	vand.u32 $0x280, v54;
	v49 =	vor.u32 v4, v41;
	v57 =	vor.u32 v4, v57;
	v54 =	vld.idx.msk [tilespmem:v60+s21+$0x0], $0xffff;
	[tilespmem:s19+$0x60] =	vst v59  }
0x615: {  	v59 =	vmov s4;
	v58 =	vor.u32 v20, v58;
	v56 =	vor.u32 v34, v56  }
0x616: {  	v63 =	vor.u32 v24, v42;
	v42 =	vand.u32 $0x300, v46;
	v41 =	vshll.u32 v59, $0x8  }
0x617: {  	v43 =	vor.u32 v25, v43;
	v59 =	vshll.u32 v59, $0x7;
	v41 =	vand.u32 $0x7800, v41  }
0x618: {  	v61 =	vadd.s32 v19, v37;
	v60 =	vadd.s32 v21, v41;
	v21 =	vand.u32 $0x380, v59  }
0x619: {  	[tilespmem:s16+$0x60] =	vst v51;
	v44 =	vor.u32 v31, v44;
	v56 =	vor.u32 v20, v56;
	v59 =	vor.u32 v21, v60  }
0x61a: {  	v52 =	vld.idx.msk [tilespmem:v52+s21+$0x0], $0xffff;
	v39 =	vor.u32 v31, v39;
	v48 =	vor.u32 v24, v48;
	v59 =	vor.u32 v20, v59  }
0x61b: {  	v46 =	vld.idx.msk [tilespmem:v53+s21+$0x0], $0xffff;
	v51 =	vor.u32 v4, v63;
	v50 =	vor.u32 v42, v50;
	[tilespmem:s18+$0x70] =	vst v55;
	s18 =	sadd.s32 $0x4, s2  }
0x61c: {  	s6 =	sadd.s32 $0x200, s10;
	v47 =	vor.u32 v25, v47;
	v40 =	vor.u32 v24, v40;
	v53 =	vld.idx.msk [tilespmem:v57+s21+$0x0], $0xffff;
	s1 =	sand.u32 $0x7, s18;
	v20 =	vor.u32 v20, v50  }
0x61d: {  	v43 =	vor.u32 v4, v43;
	v63 =	vor.u32 v34, v61;
	s22 =	sand.u32 $0x380, s6;
	s10 =	sadd.s32 $0xFFFFFF00, s6;
	s1 =	sshll.u32 s1, $0x7;
	v60 =	vadd.s32 v19, v41;
	v50 =	vld.idx.msk [tilespmem:v58+s21+$0x0], $0xffff  }
0x61e: {  	v61 =	vadd.s32 v17, v37;
	s13 =	sadd.s32 $0xFFFFFF80, s6;
	s2 =	sadd.s32 $0x400, s9;
	[tilespmem:s17+$0x70] =	vst v54;
	s1 =	sadd.s32 s9, s1;
	v55 =	vor.u32 v21, v60;
	v54 =	vld.idx.msk [tilespmem:v56+s21+$0x0], $0xffff  }
0x61f: {  	s6 =	sadd.s32 $0xFFFFFE80, s6;
	s5 =	sand.u32 $0x7800, s2;
	[tilespmem:s19+$0x70] =	vst v52;
	v60 =	vor.u32 v18, v63;
	v63 =	vor.u32 v18, v44;
	s17 =	sadd.s32 $0x180, s1;
	v62 =	vld.idx.msk [tilespmem:v59+s21+$0x0], $0xffff  }
0x620: {  	s6 =	sand.u32 $0x200, s6;
	s5 =	sadd.s32 $0x15100, s5;
	v55 =	vor.u32 v18, v55;
	v51 =	vld.idx.msk [tilespmem:v51+s21+$0x0], $0xffff;
	[tilespmem:s16+$0x70] =	vst v46;
	s19 =	sor.u32 $0x400, s17;
	v59 =	vadd.s32 v19, v38  }
0x621: {  	v47 =	vor.u32 v2, v47;
	s26 =	sand.u32 $0x280, s10;
	s31 =	sor.u32 s6, s5;
	[tilespmem:s19+$0x15100] =	vst v53;
	v20 =	vld.idx.msk [tilespmem:v20+s21+$0x0], $0xffff;
	v19 =	vor.u32 v42, v59  }
0x622: {  	s10 =	sor.u32 s26, s5;
	v43 =	vld.idx.msk [tilespmem:v43+s21+$0x0], $0xffff;
	v46 =	vor.u32 v34, v61;
	[tilespmem:s31+$0x0] =	vst v50;
	v19 =	vor.u32 v18, v19  }
0x623: {  	s24 =	sadd.s32 s22, s5;
	v52 =	vadd.s32 v14, v37;
	s1 =	sadd.s32 $0x80, s1;
	v61 =	vor.u32 v16, v46;
	v49 =	vld.idx.msk [tilespmem:v49+s21+$0x0], $0xffff;
	[tilespmem:s10+$0x0] =	vst v54  }
0x624: {  	s13 =	sand.u32 $0x300, s13;
	s28 =	sor.u32 $0x400, s1;
	v46 =	vor.u32 v34, v52;
	v18 =	vld.idx.msk [tilespmem:v63+s21+$0x0], $0xffff;
	[tilespmem:s24+$0x0] =	vst v62;
	v62 =	vadd.s32 v17, v41  }
0x625: {  	s29 =	sadd.s32 s13, s5;
	[tilespmem:s28+$0x15100] =	vst v51;
	v63 =	vor.u32 v16, v39;
	v56 =	vld.idx.msk [tilespmem:v55+s21+$0x0], $0xffff;
	v53 =	vor.u32 v21, v62  }
0x626: {  	v57 =	vld.idx.msk [tilespmem:v60+s21+$0x0], $0xffff;
	v60 =	vadd.s32 v17, v38;
	[tilespmem:s29+$0x0] =	vst v20;
	v58 =	vor.u32 v16, v53  }
0x627: {  	v52 =	vadd.s32 v15, v41;
	[tilespmem:s25+$0x15100] =	vst v43;
	v17 =	vor.u32 v42, v60;
	v19 =	vld.idx.msk [tilespmem:v19+s21+$0x0], $0xffff  }
0x628: {  	v50 =	vadd.s32 v14, v41;
	v59 =	vadd.s32 v3, v26;
	[tilespmem:s23+$0x15100] =	vst v49;
	v17 =	vor.u32 v16, v17  }
0x629: {  	v54 =	vor.u32 v12, v46;
	v62 =	vor.u32 v27, v59;
	v55 =	vor.u32 v2, v48;
	[tilespmem:s31+$0x10] =	vst v18  }
0x62a: {  	v43 =	vor.u32 v2, v62;
	v16 =	vld.idx.msk [tilespmem:v63+s21+$0x0], $0xffff;
	[tilespmem:s24+$0x10] =	vst v56;
	v56 =	vor.u32 v31, v35  }
0x62b: {  	v39 =	vor.u32 v21, v50;
	[tilespmem:s10+$0x10] =	vst v57;
	v44 =	vld.idx.msk [tilespmem:v58+s21+$0x0], $0xffff;
	v57 =	vor.u32 v12, v56  }
0x62c: {  	v39 =	vor.u32 v12, v39;
	v53 =	vadd.s32 v14, v38;
	v20 =	vld.idx.msk [tilespmem:v61+s21+$0x0], $0xffff;
	[tilespmem:s29+$0x10] =	vst v19  }
0x62d: {  	v49 =	vadd.s32 v10, v37;
	v60 =	vadd.s32 v9, v37;
	v14 =	vor.u32 v42, v53;
	v17 =	vld.idx.msk [tilespmem:v17+s21+$0x0], $0xffff  }
0x62e: {  	v62 =	vadd.s32 v1, v26;
	v61 =	vadd.s32 v9, v38;
	v14 =	vor.u32 v12, v14;
	v48 =	vld.idx.msk [tilespmem:v55+s21+$0x0], $0xffff  }
0x62f: {  	v63 =	vadd.s32 v9, v28;
	v55 =	vor.u32 v27, v62;
	v43 =	vld.idx.msk [tilespmem:v43+s21+$0x0], $0xffff;
	[tilespmem:s31+$0x20] =	vst v16  }
0x630: {  	v58 =	vadd.s32 v9, v41;
	v9 =	vor.u32 v31, v63;
	[tilespmem:s24+$0x20] =	vst v44;
	v12 =	vld.idx.msk [tilespmem:v57+s21+$0x0], $0xffff  }
0x631: {  	[tilespmem:s10+$0x20] =	vst v20;
	v18 =	vor.u32 v21, v58;
	v51 =	vor.u32 v6, v9;
	v59 =	vld.idx.msk [tilespmem:v39+s21+$0x0], $0xffff  }
0x632: {  	v20 =	vor.u32 v34, v60;
	v19 =	vld.idx.msk [tilespmem:v54+s21+$0x0], $0xffff;
	v18 =	vor.u32 v6, v18;
	[tilespmem:s29+$0x20] =	vst v17  }
0x633: {  	v56 =	vadd.s32 v15, v38;
	v20 =	vor.u32 v6, v20;
	v17 =	vor.u32 v42, v61;
	v14 =	vld.idx.msk [tilespmem:v14+s21+$0x0], $0xffff  }
0x634: {  	v9 =	vor.u32 v21, v52;
	v58 =	vld.idx.msk [tilespmem:v47+s21+$0x0], $0xffff;
	v60 =	vadd.s32 v11, v41;
	v50 =	vor.u32 v6, v17  }
0x635: {  	v47 =	vadd.s32 v10, v41;
	v52 =	vadd.s32 v10, v28;
	v57 =	vadd.s32 v15, v28;
	[tilespmem:s31+$0x30] =	vst v12  }
0x636: {  	v39 =	vor.u32 v2, v45;
	[tilespmem:s24+$0x30] =	vst v59;
	v59 =	vor.u32 v31, v57;
	v6 =	vld.idx.msk [tilespmem:v51+s21+$0x0], $0xffff  }
0x637: {  	v54 =	vadd.s32 v15, v37;
	[tilespmem:s10+$0x30] =	vst v19;
	v53 =	vld.idx.msk [tilespmem:v18+s21+$0x0], $0xffff;
	v12 =	vor.u32 v13, v59  }
0x638: {  	s6 =	sor.u32 $0x410, s17;
	v9 =	vor.u32 v13, v9;
	v20 =	vld.idx.msk [tilespmem:v20+s21+$0x0], $0xffff;
	v18 =	vor.u32 v34, v54;
	[tilespmem:s29+$0x30] =	vst v14  }
0x639: {  	[tilespmem:s6+$0x15100] =	vst v43;
	v14 =	vor.u32 v42, v56;
	v18 =	vor.u32 v13, v18;
	v16 =	vld.idx.msk [tilespmem:v50+s21+$0x0], $0xffff  }
0x63a: {  	v43 =	vadd.s32 v11, v28;
	v61 =	vadd.s32 v11, v37;
	[tilespmem:s12+$0x15100] =	vst v58;
	v14 =	vor.u32 v13, v14  }
0x63b: {  	v45 =	vor.u32 v22, v40;
	v19 =	vor.u32 v22, v55;
	v63 =	vld.idx.msk [tilespmem:v39+s21+$0x0], $0xffff;
	[tilespmem:s31+$0x40] =	vst v6  }
0x63c: {  	v39 =	vadd.s32 v11, v38;
	v11 =	vor.u32 v31, v43;
	[tilespmem:s24+$0x40] =	vst v53;
	v12 =	vld.idx.msk [tilespmem:v12+s21+$0x0], $0xffff  }
0x63d: {  	v46 =	vor.u32 v7, v11;
	[tilespmem:s10+$0x40] =	vst v20;
	v13 =	vor.u32 v21, v60;
	v9 =	vld.idx.msk [tilespmem:v9+s21+$0x0], $0xffff  }
0x63e: {  	v15 =	vor.u32 v34, v61;
	v13 =	vor.u32 v7, v13;
	v62 =	vld.idx.msk [tilespmem:v18+s21+$0x0], $0xffff;
	[tilespmem:s29+$0x40] =	vst v16  }
0x63f: {  	s13 =	sor.u32 $0x410, s1;
	v58 =	vadd.s32 v8, v41;
	v15 =	vor.u32 v7, v15;
	v16 =	vor.u32 v42, v39;
	v14 =	vld.idx.msk [tilespmem:v14+s21+$0x0], $0xffff  }
0x640: {  	[tilespmem:s13+$0x15100] =	vst v48;
	v61 =	vadd.s32 v8, v28;
	v17 =	vadd.s32 v3, v37;
	v44 =	vor.u32 v7, v16  }
0x641: {  	v51 =	vadd.s32 v10, v38;
	v10 =	vor.u32 v31, v52;
	v19 =	vld.idx.msk [tilespmem:v19+s21+$0x0], $0xffff;
	[tilespmem:s31+$0x50] =	vst v12  }
0x642: {  	v43 =	vor.u32 v24, v33;
	v11 =	vor.u32 v21, v47;
	[tilespmem:s24+$0x50] =	vst v9;
	v7 =	vld.idx.msk [tilespmem:v46+s21+$0x0], $0xffff  }
0x643: {  	v54 =	vadd.s32 v0, v26;
	v55 =	vor.u32 v5, v10;
	[tilespmem:s10+$0x50] =	vst v62;
	v9 =	vld.idx.msk [tilespmem:v13+s21+$0x0], $0xffff  }
0x644: {  	v11 =	vor.u32 v5, v11;
	v50 =	vor.u32 v34, v49;
	v48 =	vld.idx.msk [tilespmem:v15+s21+$0x0], $0xffff;
	[tilespmem:s29+$0x50] =	vst v14  }
0x645: {  	s14 =	sor.u32 $0x420, s17;
	[tilespmem:s11+$0x15100] =	vst v63;
	v14 =	vor.u32 v5, v50;
	v15 =	vor.u32 v42, v51;
	v6 =	vld.idx.msk [tilespmem:v44+s21+$0x0], $0xffff  }
0x646: {  	v59 =	vadd.s32 v8, v37;
	v47 =	vadd.s32 v1, v38;
	[tilespmem:s14+$0x15100] =	vst v19;
	v53 =	vor.u32 v5, v15  }
0x647: {  	v60 =	vadd.s32 v8, v38;
	v8 =	vor.u32 v31, v61;
	v16 =	vld.idx.msk [tilespmem:v45+s21+$0x0], $0xffff;
	[tilespmem:s31+$0x60] =	vst v7  }
0x648: {  	v20 =	vadd.s32 v3, v28;
	v44 =	vor.u32 v22, v32;
	[tilespmem:s24+$0x60] =	vst v9;
	v5 =	vld.idx.msk [tilespmem:v55+s21+$0x0], $0xffff  }
0x649: {  	v63 =	vor.u32 v4, v8;
	[tilespmem:s10+$0x60] =	vst v48;
	v57 =	vld.idx.msk [tilespmem:v11+s21+$0x0], $0xffff;
	v11 =	vor.u32 v21, v58  }
0x64a: {  	v13 =	vor.u32 v34, v59;
	v14 =	vld.idx.msk [tilespmem:v14+s21+$0x0], $0xffff;
	[tilespmem:s29+$0x60] =	vst v6;
	v11 =	vor.u32 v4, v11  }
0x64b: {  	s15 =	sor.u32 $0x420, s1;
	v18 =	vadd.s32 v3, v38;
	v62 =	vor.u32 v4, v13;
	v6 =	vor.u32 v42, v60;
	v12 =	vld.idx.msk [tilespmem:v53+s21+$0x0], $0xffff  }
0x64c: {  	[tilespmem:s15+$0x15100] =	vst v16;
	v16 =	vadd.s32 v3, v41;
	v15 =	vor.u32 v27, v54;
	v6 =	vor.u32 v4, v6  }
0x64d: {  	p0 =	por !p0, !p0;
	v56 =	vor.u32 v23, v15;
	v15 =	vor.u32 v25, v36;
	v50 =	vld.idx.msk [tilespmem:v44+s21+$0x0], $0xffff;
	[tilespmem:s31+$0x70] =	vst v5  }
0x64e: {  	s18 =	sadd.s32 $0x4, s18;
	s19 =	sadd.s32 $0x2, s30;
	s6 =	simm.s32 $0x1;
	v3 =	vor.u32 v31, v20;
	v8 =	vor.u32 v22, v15;
	[tilespmem:s24+$0x70] =	vst v57;
	v4 =	vld.idx.msk [tilespmem:v63+s21+$0x0], $0xffff  }
0x64f: {  	s4 =	sand.u32 $0x7, s18;
	s5 =	sand.u32 $0x3, s19;
	s6 =	simm.s32 @!p0 $0x0;
	v35 =	vor.u32 v2, v3;
	[tilespmem:s10+$0x70] =	vst v14;
	v10 =	vld.idx.msk [tilespmem:v11+s21+$0x0], $0xffff;
	v11 =	vor.u32 v21, v16  }
0x650: {  	s4 =	sshll.u32 s4, $0x7;
	s5 =	sshll.u32 s5, $0x8;
	s28 =	sshll.u32 s6, $0x9;
	v19 =	vor.u32 v34, v17;
	[tilespmem:s29+$0x70] =	vst v12;
	v7 =	vld.idx.msk [tilespmem:v62+s21+$0x0], $0xffff;
	v11 =	vor.u32 v2, v11  }
0x651: {  	s22 =	sadd.s32 s2, s4;
	v26 =	vor.u32 v42, v18;
	v45 =	vadd.s32 v1, v41;
	v5 =	vor.u32 v2, v19;
	s24 =	sadd.s32 s2, s5;
	s2 =	sadd.s32 s28, s2;
	v6 =	vld.idx.msk [tilespmem:v6+s21+$0x0], $0xffff  }
0x652: {  	s4 =	sadd.s32 $0x180, s22;
	v46 =	vadd.s32 v1, v37;
	v51 =	vor.u32 v25, v30;
	v27 =	vor.u32 v2, v26;
	v9 =	vld.idx.msk [tilespmem:v56+s21+$0x0], $0xffff;
	s10 =	sor.u32 $0x400, s2  }
0x653: {  	s26 =	sor.u32 $0x400, s4;
	s25 =	sadd.s32 $0x80, s22;
	v3 =	vor.u32 v42, v47;
	v48 =	vadd.s32 v1, v28;
	v36 =	vld.idx.msk [tilespmem:v8+s21+$0x0], $0xffff;
	[tilespmem:s10+$0x15100] =	vst v4  }
0x654: {  	s30 =	sor.u32 $0x400, s25;
	v55 =	vor.u32 v23, v29;
	v1 =	vor.u32 v31, v48;
	s29 =	sadd.s32 $0x100, s24;
	[tilespmem:s26+$0x15100] =	vst v10;
	v2 =	vld.idx.msk [tilespmem:v35+s21+$0x0], $0xffff  }
0x655: {  	v1 =	vor.u32 v22, v1;
	v8 =	vor.u32 v21, v45;
	s31 =	sor.u32 $0x400, s29;
	[tilespmem:s30+$0x15100] =	vst v7;
	v39 =	vld.idx.msk [tilespmem:v11+s21+$0x0], $0xffff  }
0x656: {  	s23 =	sor.u32 $0x430, s17;
	v8 =	vor.u32 v22, v8;
	v10 =	vor.u32 v34, v46;
	[tilespmem:s31+$0x15100] =	vst v6;
	v40 =	vld.idx.msk [tilespmem:v5+s21+$0x0], $0xffff  }
0x657: {  	v54 =	vadd.s32 v0, v41;
	[tilespmem:s23+$0x15100] =	vst v9;
	v49 =	vor.u32 v22, v10;
	v9 =	vld.idx.msk [tilespmem:v27+s21+$0x0], $0xffff  }
0x658: {  	v3 =	vor.u32 v22, v3;
	v58 =	vadd.s32 v0, v28;
	v53 =	vor.u32 v23, v51;
	[tilespmem:s7+$0x15100] =	vst v50;
	s14 =	sor.u32 $0x410, s2  }
0x659: {  	s11 =	sor.u32 $0x410, s4;
	v56 =	vadd.s32 v0, v37;
	v60 =	vld.idx.msk [tilespmem:v55+s21+$0x0], $0xffff;
	v5 =	vor.u32 v23, v43;
	[tilespmem:s14+$0x15100] =	vst v2  }
0x65a: {  	s12 =	sor.u32 $0x410, s25;
	v57 =	vadd.s32 v0, v38;
	v0 =	vor.u32 v31, v58;
	[tilespmem:s11+$0x15100] =	vst v39;
	v1 =	vld.idx.msk [tilespmem:v1+s21+$0x0], $0xffff  }
0x65b: {  	v0 =	vor.u32 v23, v0;
	s13 =	sor.u32 $0x410, s29;
	v7 =	vor.u32 v21, v54;
	[tilespmem:s12+$0x15100] =	vst v40;
	v8 =	vld.idx.msk [tilespmem:v8+s21+$0x0], $0xffff  }
0x65c: {  	v7 =	vor.u32 v23, v7;
	v10 =	vor.u32 v34, v56;
	[tilespmem:s13+$0x15100] =	vst v9;
	v6 =	vld.idx.msk [tilespmem:v49+s21+$0x0], $0xffff  }
0x65d: {  	[tilespmem:s8+$0x15100] =	vst v36;
	v11 =	vor.u32 v42, v57;
	v10 =	vor.u32 v23, v10;
	v3 =	vld.idx.msk [tilespmem:v3+s21+$0x0], $0xffff  }
0x65e: {  	s18 =	sor.u32 $0x420, s2;
	[tilespmem:s0+$0x15100] =	vst v60;
	v59 =	vor.u32 v23, v11;
	v52 =	vld.idx.msk [tilespmem:v5+s21+$0x0], $0xffff  }
0x65f: {  	s15 =	sor.u32 $0x420, s4;
	v5 =	vld.idx.msk [tilespmem:v53+s21+$0x0], $0xffff;
	[tilespmem:s18+$0x15100] =	vst v1  }
0x660: {  	s16 =	sor.u32 $0x420, s25;
	[tilespmem:s15+$0x15100] =	vst v8;
	v0 =	vld.idx.msk [tilespmem:v0+s21+$0x0], $0xffff  }
0x661: {  	s17 =	sor.u32 $0x420, s29;
	[tilespmem:s16+$0x15100] =	vst v6;
	v61 =	vld.idx.msk [tilespmem:v7+s21+$0x0], $0xffff  }
0x662: {  	s1 =	sor.u32 $0x430, s1;
	[tilespmem:s17+$0x15100] =	vst v3;
	v62 =	vld.idx.msk [tilespmem:v10+s21+$0x0], $0xffff  }
0x663: {  	[tilespmem:s1+$0x15100] =	vst v52;
	v63 =	vld.idx.msk [tilespmem:v59+s21+$0x0], $0xffff  }
0x664: {  	s24 =	sor.u32 $0x430, s2;
	[tilespmem:s3+$0x15100] =	vst v5  }
0x665: {  	s19 =	sor.u32 $0x430, s4;
	[tilespmem:s24+$0x15100] =	vst v0  }
0x666: {  	s22 =	sor.u32 $0x430, s25;
	[tilespmem:s19+$0x15100] =	vst v61  }
0x667: {  	s23 =	sor.u32 $0x430, s29;
	[tilespmem:s22+$0x15100] =	vst v62  }
0x668: {  	s25 =	simm.s32 $0x15100;
	[tilespmem:s23+$0x15100] =	vst v63  }
0x669: {  	s28 =	simm.s32 $0x3;
	s26 =	simm.s32 $0x0;
	s0 =	rddreg [dreg:$0xf]  }
0x66a: {  	[hbm4b:s0+s26] =	stream.linear.scatter [tilespmem:s25], [sflag:$0x4], $0x7000, $0x38;
	[tilespmem:$0x1C100] =	vst v63  }
0x66b: {  	_ =	swait.ge [sflag:s28], $0x7000  }
0x66c: {  	[sflag:s28] =	ssyncset.done $0x0  }
0x66d: {  	s29 =	simm.s32 $0x4;
	[sflag:s28] =	ssyncadd.s32 $0xFFFF9000  }
0x66e: {  	_ =	swait.ge [sflag:s29], $0x7000  }
0x66f: {  	s30 =	rddreg [dreg:$0x11]  }
0x670: {  	s31 =	rddreg [dreg:$0x10];
	s2 =	sadd.s32 $0x1, s30  }
0x671: {  	p0 =	sne.s32 s2, s31  }
.Ltmp7:
0x672: {  	_ = 	snop;
	(pc) =	sbr.rel @p0 .LBB2_1-.Ltmp7, $3  }
0x673: {  	_ =	sdelay $0x1  }
0x674: {  	[sflag:s29] =	ssyncset.done $0x0  }
0x675: {  	[sflag:s29] =	ssyncadd.s32 $0xFFFF9000  }
0x676: {  	_ =	sfence.sel $0x180000  }
0x677: {  	[bflag:$0x0] =	sbarrier.arrive $0xFFFF  }
0x678: {  	_ =	strace $0x90000047  }
0x679: {  	s0 =	stileid.u32;
	[bflag:$0x2] =	sbarrier.arrive $0xFFFF  }
0x67a: {  	p0 =	sne.s32 s0, $0x0;
	s0 =	rddreg [dreg:$0x3]  }
0x67b: {  	s0 =	sadd.s32 @!p0 $0x100000, s0  }
0x67c: {  	[sflag:s0] =	ssyncadd.tile.s32 @!p0 $0x1;
	_ =	shalt  }
.Lfunc_end2:
_tile_overlayer_lowered:
.L_overlay_start_2:
0x67d: {  	(tag) =	ssettag $0x2  }
0x67e: {  	s0 =	rddreg [dreg:$0x0];
	s2 =	stileid.u32  }
0x67f: {  	s1 =	rddreg [dreg:$0x1];
	p0 =	sne.s32 s2, $0x0  }
0x680: {  	s3 =	rddreg [dreg:$0x2];
	[bflag:$0x3] =	sbarrier.arrive $0xFFFF;
	s2 =	simm.s32 @!p0 $0x1C05  }
0x681: {  	[timem:s3], [sflag:s2] =	dma.local @!p0 [hbm:s0], s1  }
0x682: {  	s0 =	simm.s32 @!p0 $0x5  }
0x683: {  	_ =	swait.ge @!p0 [sflag:s0], s1  }
0x684: {  	s1 =	ssub.s32 @!p0 $0x0, s1;
	[sflag:s0] =	ssyncset.done @!p0 $0x0  }
0x685: {  	[sflag:s0] =	ssyncadd.s32 @!p0 s1  }
0x686: {  	[bflag:$0x3] =	sbarrier.arrive $0xFFFF  }
0x687: {  	_ =	shalt  }

</sc_bundles>
